<compile_context>
chip_gen: v7x
topology: tpu7x:2x2x1
jax: 0.10.2.dev20260603
libtpu: 0.0.44.dev20260713+nightly
codegen_flags: <defaults>
</compile_context>

<pallas_src>
import jax
import jax.numpy as jnp
from jax import lax
from jax.experimental import pallas as pl
from jax.experimental.pallas import tpu as pltpu
from jax.experimental.pallas import tpu_sc as plsc

N_VOCAB = 100000
D_MODEL = 1024
BATCH = 4
SEQ = 4096
B_FLAT = BATCH * SEQ
LANES = 16
NSEG = D_MODEL // LANES

NC = 2
NS = 16
NW = NC * NS
POS_PW = SEQ // NW
P_CH = 8
NCH = POS_PW // P_CH
NBUF = 3


def _embed_pe_kernel(idx_hbm, table_hbm, pe_hbm, out_hbm,
                     idx_all, pe0, pe1, pe2, rows0, rows1, rows2,
                     idx_sem, pe_sems, in_sems, out_sems):
    c_id = lax.axis_index("c")
    s_id = lax.axis_index("s")
    wid = s_id * NC + c_id
    pos_base = wid * POS_PW

    pe_b = (pe0, pe1, pe2)
    rows_b = (rows0, rows1, rows2)

    for b in range(BATCH):
        pltpu.async_copy(idx_hbm.at[b, pl.ds(pos_base, POS_PW)], idx_all.at[b], idx_sem)
    for b in range(BATCH):
        pltpu.make_async_copy(idx_hbm.at[b, pl.ds(pos_base, POS_PW)], idx_all.at[b], idx_sem).wait()

    def fetch(c, slot):
        pos0 = pos_base + c * P_CH
        pltpu.async_copy(pe_hbm.at[pl.ds(pos0, P_CH)], pe_b[slot], pe_sems.at[slot])
        for b in range(BATCH):
            pltpu.async_copy(
                table_hbm.at[idx_all.at[b, pl.ds(c * P_CH, P_CH)]],
                rows_b[slot].at[pl.ds(b * P_CH, P_CH)],
                in_sems.at[slot, b],
            )

    def wait_store(c, slot):
        pos0 = pos_base + c * P_CH
        for b in range(BATCH):
            pltpu.make_async_copy(
                rows_b[slot].at[pl.ds(b * P_CH, P_CH)],
                out_hbm.at[pl.ds(b * SEQ + pos0, P_CH)],
                out_sems.at[slot],
            ).wait()

    def step(c, slot):
        pos0 = pos_base + c * P_CH
        rows = rows_b[slot]
        pe_buf = pe_b[slot]

        pltpu.make_async_copy(pe_hbm.at[pl.ds(pos0, P_CH)], pe_buf, pe_sems.at[slot]).wait()
        for b in range(BATCH):
            pltpu.make_async_copy(
                table_hbm.at[idx_all.at[b, pl.ds(c * P_CH, P_CH)]],
                rows.at[pl.ds(b * P_CH, P_CH)],
                in_sems.at[slot, b],
            ).wait()

            def seg_body(j, carry, b=b):
                col = j * LANES
                for p in range(P_CH):
                    pv = pe_buf[p, pl.ds(col, LANES)]
                    r = b * P_CH + p
                    rows[r, pl.ds(col, LANES)] = rows[r, pl.ds(col, LANES)] + pv
                return carry

            lax.fori_loop(0, NSEG, seg_body, 0)
            pltpu.async_copy(
                rows.at[pl.ds(b * P_CH, P_CH)],
                out_hbm.at[pl.ds(b * SEQ + pos0, P_CH)],
                out_sems.at[slot],
            )

            if b == BATCH - 3:
                @pl.when(c + 2 < NCH)
                def _():
                    @pl.when(c >= 1)
                    def _():
                        wait_store(c - 1, (slot + 2) % NBUF)
                    fetch(c + 2, (slot + 2) % NBUF)

    fetch(0, 0)
    fetch(1, 1)

    def outer(i, carry):
        for b in range(NBUF):
            step(i * NBUF + b, b)
        return carry

    lax.fori_loop(0, (NCH - 1) // NBUF, outer, 0)
    step(NCH - 1, (NCH - 1) % NBUF)
    wait_store(NCH - 3, (NCH - 3) % NBUF)
    wait_store(NCH - 2, (NCH - 2) % NBUF)
    wait_store(NCH - 1, (NCH - 1) % NBUF)


@jax.jit
def _run(idx, table, pe):
    mesh = plsc.VectorSubcoreMesh(core_axis_name="c", subcore_axis_name="s")
    k = pl.kernel(
        _embed_pe_kernel,
        mesh=mesh,
        out_type=jax.ShapeDtypeStruct((B_FLAT, D_MODEL), jnp.float32),
        scratch_types=[
            pltpu.VMEM((BATCH, POS_PW), jnp.int32),
            pltpu.VMEM((P_CH, D_MODEL), jnp.float32),
            pltpu.VMEM((P_CH, D_MODEL), jnp.float32),
            pltpu.VMEM((P_CH, D_MODEL), jnp.float32),
            pltpu.VMEM((BATCH * P_CH, D_MODEL), jnp.float32),
            pltpu.VMEM((BATCH * P_CH, D_MODEL), jnp.float32),
            pltpu.VMEM((BATCH * P_CH, D_MODEL), jnp.float32),
            pltpu.SemaphoreType.DMA,
            pltpu.SemaphoreType.DMA((NBUF,)),
            pltpu.SemaphoreType.DMA((NBUF, BATCH)),
            pltpu.SemaphoreType.DMA((NBUF,)),
        ],
    )
    return k(idx, table, pe)


def kernel(input, embed_table, pe):
    out = _run(input.astype(jnp.int32), embed_table, pe)
    return out.reshape(BATCH, SEQ, D_MODEL)

# --- scband reference (transcript-rebuilt; emitter-appended) ---
"""Pipeline reference for scband-preprocess-59554016526357 (READ-ONLY COPY).

The authoritative reference and input builder live on the scoring server;
editing this copy changes nothing except your own understanding.
"""

import jax, jax.numpy as jnp
import numpy as np

N_VOCAB = 100000
D_MODEL = 1024
MAX_LEN = 8192


def _sinusoidal_pe(max_len: int, d_model: int) -> jnp.ndarray:
    pos = np.arange(max_len, dtype=np.float32)[:, None]
    div = np.exp(np.arange(0, d_model, 2, dtype=np.float32) * (-np.log(10000.0) / d_model))
    pe = np.zeros((max_len, d_model), dtype=np.float32)
    pe[:, 0::2] = np.sin(pos * div)
    pe[:, 1::2] = np.cos(pos * div)
    return jnp.asarray(pe)


def setup_inputs(seed: int = 0) -> dict:
    key = jax.random.key(seed)
    k_idx, k_emb = jax.random.split(key)
    input = jax.random.randint(k_idx, (4, 4096), 0, N_VOCAB, dtype=jnp.int64)
    embed_table = jax.random.normal(k_emb, (N_VOCAB, D_MODEL), dtype=jnp.float32) * 0.02
    pe = _sinusoidal_pe(MAX_LEN, D_MODEL)
    return {"input": input, "embed_table": embed_table, "pe": pe}


def reference(input, embed_table, pe):
    # nn.Embedding lookup -> gather rows of the table
    embed = jnp.take(embed_table, input, axis=0)            # [B, L, D]
    # positional encoding: pe rows for positions 0..L-1, broadcast over batch
    L = input.shape[1]
    pos = pe[:L][None, :, :]                                 # [1, L, D]
    # dropout in eval mode == identity
    return embed + pos

if __name__ == "__main__":
    import jax
    _d = setup_inputs()
    print(jax.jit(kernel)(*tuple(_d.values())))

</pallas_src>

<mosaic_0001>
#map = affine_map<(d0, d1) -> (0, 0)>
module attributes {stable_mosaic.version = 14 : i64} {
  func.func @_embed_pe_kernel(%arg0: i32, %arg1: i32, %arg2: memref<4x4096xi32, #tpu.memory_space<hbm>>, %arg3: memref<100000x1024xf32, #tpu.memory_space<hbm>>, %arg4: memref<8192x1024xf32, #tpu.memory_space<hbm>>, %arg5: memref<16384x1024xf32, #tpu.memory_space<hbm>>, %arg6: memref<4x128xi32, #tpu.memory_space<vmem>>, %arg7: memref<8x1024xf32, #tpu.memory_space<vmem>>, %arg8: memref<8x1024xf32, #tpu.memory_space<vmem>>, %arg9: memref<8x1024xf32, #tpu.memory_space<vmem>>, %arg10: memref<32x1024xf32, #tpu.memory_space<vmem>>, %arg11: memref<32x1024xf32, #tpu.memory_space<vmem>>, %arg12: memref<32x1024xf32, #tpu.memory_space<vmem>>, %arg13: memref<!tpu.dma_semaphore, #tpu.memory_space<semaphore_mem>>, %arg14: memref<3x!tpu.dma_semaphore, #tpu.memory_space<semaphore_mem>>, %arg15: memref<3x4x!tpu.dma_semaphore, #tpu.memory_space<semaphore_mem>>, %arg16: memref<3x!tpu.dma_semaphore, #tpu.memory_space<semaphore_mem>>) attributes {dimension_semantics = [#tpu.dimension_semantics<core_parallel>, #tpu.dimension_semantics<subcore_parallel>], iteration_bounds = array<i64: 2, 16>, scalar_prefetch = 0 : i64, scratch_operands = 11 : i64, tpu.core_type = #tpu.core_type<sc_vector_subcore>, window_params = [{transform_indices = #map}, {transform_indices = #map}, {transform_indices = #map}, {transform_indices = #map}]} {
    %mul3A = arith.constant 2 : i32
    %mul3A_0 = arith.muli %arg1, %mul3A : i32
    %add3A = arith.addi %mul3A_0, %arg0 : i32
    %mul3A_1 = arith.constant 128 : i32
    %mul3A_2 = arith.muli %add3A, %mul3A_1 : i32
    %dma_start3A = arith.constant 0 : i32
    %dma_start3A_3 = arith.constant 0 : i32
    %dma_start3A_4 = arith.constant 0 : i32
    %dma_start3A_5 = tpu.memref_slice %arg6[%dma_start3A_3, %dma_start3A_4] : memref<4x128xi32, #tpu.memory_space<vmem>> -> memref<1x128xi32, #tpu.memory_space<vmem>>
    %dma_start3A_6 = tpu.memref_squeeze %dma_start3A_5 : memref<1x128xi32, #tpu.memory_space<vmem>> -> memref<128xi32, #tpu.memory_space<vmem>>
    %dma_start3A_7 = tpu.memref_slice %arg2[%dma_start3A, %mul3A_2] : memref<4x4096xi32, #tpu.memory_space<hbm>> -> memref<1x128xi32, #tpu.memory_space<hbm>>
    %dma_start3A_8 = tpu.memref_squeeze %dma_start3A_7 : memref<1x128xi32, #tpu.memory_space<hbm>> -> memref<128xi32, #tpu.memory_space<hbm>>
    %dma_start3A_9 = arith.constant 0 : i32
    %dma_start3A_10 = tpu.memref_slice %arg6[%dma_start3A_3, %dma_start3A_9] : memref<4x128xi32, #tpu.memory_space<vmem>> -> memref<1x128xi32, #tpu.memory_space<vmem>>
    %dma_start3A_11 = tpu.memref_squeeze %dma_start3A_10 : memref<1x128xi32, #tpu.memory_space<vmem>> -> memref<128xi32, #tpu.memory_space<vmem>>
    %dma_start3A_12 = tpu.memref_slice %arg2[%dma_start3A, %mul3A_2] : memref<4x4096xi32, #tpu.memory_space<hbm>> -> memref<1x128xi32, #tpu.memory_space<hbm>>
    %dma_start3A_13 = tpu.memref_squeeze %dma_start3A_12 : memref<1x128xi32, #tpu.memory_space<hbm>> -> memref<128xi32, #tpu.memory_space<hbm>>
    tpu.enqueue_dma source(%dma_start3A_13 : memref<128xi32, #tpu.memory_space<hbm>>) target(%dma_start3A_11 : memref<128xi32, #tpu.memory_space<vmem>>) target_semaphore(%arg13 : memref<!tpu.dma_semaphore, #tpu.memory_space<semaphore_mem>>)
    %dma_start3A_14 = arith.constant 1 : i32
    %dma_start3A_15 = arith.constant 1 : i32
    %dma_start3A_16 = arith.constant 0 : i32
    %dma_start3A_17 = tpu.memref_slice %arg6[%dma_start3A_15, %dma_start3A_16] : memref<4x128xi32, #tpu.memory_space<vmem>> -> memref<1x128xi32, #tpu.memory_space<vmem>>
    %dma_start3A_18 = tpu.memref_squeeze %dma_start3A_17 : memref<1x128xi32, #tpu.memory_space<vmem>> -> memref<128xi32, #tpu.memory_space<vmem>>
    %dma_start3A_19 = tpu.memref_slice %arg2[%dma_start3A_14, %mul3A_2] : memref<4x4096xi32, #tpu.memory_space<hbm>> -> memref<1x128xi32, #tpu.memory_space<hbm>>
    %dma_start3A_20 = tpu.memref_squeeze %dma_start3A_19 : memref<1x128xi32, #tpu.memory_space<hbm>> -> memref<128xi32, #tpu.memory_space<hbm>>
    %dma_start3A_21 = arith.constant 0 : i32
    %dma_start3A_22 = tpu.memref_slice %arg6[%dma_start3A_15, %dma_start3A_21] : memref<4x128xi32, #tpu.memory_space<vmem>> -> memref<1x128xi32, #tpu.memory_space<vmem>>
    %dma_start3A_23 = tpu.memref_squeeze %dma_start3A_22 : memref<1x128xi32, #tpu.memory_space<vmem>> -> memref<128xi32, #tpu.memory_space<vmem>>
    %dma_start3A_24 = tpu.memref_slice %arg2[%dma_start3A_14, %mul3A_2] : memref<4x4096xi32, #tpu.memory_space<hbm>> -> memref<1x128xi32, #tpu.memory_space<hbm>>
    %dma_start3A_25 = tpu.memref_squeeze %dma_start3A_24 : memref<1x128xi32, #tpu.memory_space<hbm>> -> memref<128xi32, #tpu.memory_space<hbm>>
    tpu.enqueue_dma source(%dma_start3A_25 : memref<128xi32, #tpu.memory_space<hbm>>) target(%dma_start3A_23 : memref<128xi32, #tpu.memory_space<vmem>>) target_semaphore(%arg13 : memref<!tpu.dma_semaphore, #tpu.memory_space<semaphore_mem>>)
    %dma_start3A_26 = arith.constant 2 : i32
    %dma_start3A_27 = arith.constant 2 : i32
    %dma_start3A_28 = arith.constant 0 : i32
    %dma_start3A_29 = tpu.memref_slice %arg6[%dma_start3A_27, %dma_start3A_28] : memref<4x128xi32, #tpu.memory_space<vmem>> -> memref<1x128xi32, #tpu.memory_space<vmem>>
    %dma_start3A_30 = tpu.memref_squeeze %dma_start3A_29 : memref<1x128xi32, #tpu.memory_space<vmem>> -> memref<128xi32, #tpu.memory_space<vmem>>
    %dma_start3A_31 = tpu.memref_slice %arg2[%dma_start3A_26, %mul3A_2] : memref<4x4096xi32, #tpu.memory_space<hbm>> -> memref<1x128xi32, #tpu.memory_space<hbm>>
    %dma_start3A_32 = tpu.memref_squeeze %dma_start3A_31 : memref<1x128xi32, #tpu.memory_space<hbm>> -> memref<128xi32, #tpu.memory_space<hbm>>
    %dma_start3A_33 = arith.constant 0 : i32
    %dma_start3A_34 = tpu.memref_slice %arg6[%dma_start3A_27, %dma_start3A_33] : memref<4x128xi32, #tpu.memory_space<vmem>> -> memref<1x128xi32, #tpu.memory_space<vmem>>
    %dma_start3A_35 = tpu.memref_squeeze %dma_start3A_34 : memref<1x128xi32, #tpu.memory_space<vmem>> -> memref<128xi32, #tpu.memory_space<vmem>>
    %dma_start3A_36 = tpu.memref_slice %arg2[%dma_start3A_26, %mul3A_2] : memref<4x4096xi32, #tpu.memory_space<hbm>> -> memref<1x128xi32, #tpu.memory_space<hbm>>
    %dma_start3A_37 = tpu.memref_squeeze %dma_start3A_36 : memref<1x128xi32, #tpu.memory_space<hbm>> -> memref<128xi32, #tpu.memory_space<hbm>>
    tpu.enqueue_dma source(%dma_start3A_37 : memref<128xi32, #tpu.memory_space<hbm>>) target(%dma_start3A_35 : memref<128xi32, #tpu.memory_space<vmem>>) target_semaphore(%arg13 : memref<!tpu.dma_semaphore, #tpu.memory_space<semaphore_mem>>)
    %dma_start3A_38 = arith.constant 3 : i32
    %dma_start3A_39 = arith.constant 3 : i32
    %dma_start3A_40 = arith.constant 0 : i32
    %dma_start3A_41 = tpu.memref_slice %arg6[%dma_start3A_39, %dma_start3A_40] : memref<4x128xi32, #tpu.memory_space<vmem>> -> memref<1x128xi32, #tpu.memory_space<vmem>>
    %dma_start3A_42 = tpu.memref_squeeze %dma_start3A_41 : memref<1x128xi32, #tpu.memory_space<vmem>> -> memref<128xi32, #tpu.memory_space<vmem>>
    %dma_start3A_43 = tpu.memref_slice %arg2[%dma_start3A_38, %mul3A_2] : memref<4x4096xi32, #tpu.memory_space<hbm>> -> memref<1x128xi32, #tpu.memory_space<hbm>>
    %dma_start3A_44 = tpu.memref_squeeze %dma_start3A_43 : memref<1x128xi32, #tpu.memory_space<hbm>> -> memref<128xi32, #tpu.memory_space<hbm>>
    %dma_start3A_45 = arith.constant 0 : i32
    %dma_start3A_46 = tpu.memref_slice %arg6[%dma_start3A_39, %dma_start3A_45] : memref<4x128xi32, #tpu.memory_space<vmem>> -> memref<1x128xi32, #tpu.memory_space<vmem>>
    %dma_start3A_47 = tpu.memref_squeeze %dma_start3A_46 : memref<1x128xi32, #tpu.memory_space<vmem>> -> memref<128xi32, #tpu.memory_space<vmem>>
    %dma_start3A_48 = tpu.memref_slice %arg2[%dma_start3A_38, %mul3A_2] : memref<4x4096xi32, #tpu.memory_space<hbm>> -> memref<1x128xi32, #tpu.memory_space<hbm>>
    %dma_start3A_49 = tpu.memref_squeeze %dma_start3A_48 : memref<1x128xi32, #tpu.memory_space<hbm>> -> memref<128xi32, #tpu.memory_space<hbm>>
    tpu.enqueue_dma source(%dma_start3A_49 : memref<128xi32, #tpu.memory_space<hbm>>) target(%dma_start3A_47 : memref<128xi32, #tpu.memory_space<vmem>>) target_semaphore(%arg13 : memref<!tpu.dma_semaphore, #tpu.memory_space<semaphore_mem>>)
    %dma_wait3A = arith.constant 0 : i32
    %dma_wait3A_50 = arith.constant 0 : i32
    %dma_wait3A_51 = arith.constant 0 : i32
    %dma_wait3A_52 = tpu.memref_slice %arg6[%dma_wait3A_50, %dma_wait3A_51] : memref<4x128xi32, #tpu.memory_space<vmem>> -> memref<1x128xi32, #tpu.memory_space<vmem>>
    %dma_wait3A_53 = tpu.memref_squeeze %dma_wait3A_52 : memref<1x128xi32, #tpu.memory_space<vmem>> -> memref<128xi32, #tpu.memory_space<vmem>>
    %dma_wait3A_54 = tpu.memref_slice %arg2[%dma_wait3A, %mul3A_2] : memref<4x4096xi32, #tpu.memory_space<hbm>> -> memref<1x128xi32, #tpu.memory_space<hbm>>
    %dma_wait3A_55 = tpu.memref_squeeze %dma_wait3A_54 : memref<1x128xi32, #tpu.memory_space<hbm>> -> memref<128xi32, #tpu.memory_space<hbm>>
    %dma_wait3A_56 = arith.constant 0 : i32
    %dma_wait3A_57 = tpu.memref_slice %arg6[%dma_wait3A_50, %dma_wait3A_56] : memref<4x128xi32, #tpu.memory_space<vmem>> -> memref<1x128xi32, #tpu.memory_space<vmem>>
    %dma_wait3A_58 = tpu.memref_squeeze %dma_wait3A_57 : memref<1x128xi32, #tpu.memory_space<vmem>> -> memref<128xi32, #tpu.memory_space<vmem>>
    %dma_wait3A_59 = tpu.memref_slice %arg2[%dma_wait3A, %mul3A_2] : memref<4x4096xi32, #tpu.memory_space<hbm>> -> memref<1x128xi32, #tpu.memory_space<hbm>>
    %dma_wait3A_60 = tpu.memref_squeeze %dma_wait3A_59 : memref<1x128xi32, #tpu.memory_space<hbm>> -> memref<128xi32, #tpu.memory_space<hbm>>
    tpu.wait_dma2 semaphore(%arg13 : memref<!tpu.dma_semaphore, #tpu.memory_space<semaphore_mem>>) src(%dma_wait3A_60 : memref<128xi32, #tpu.memory_space<hbm>>) dst(%dma_wait3A_58 : memref<128xi32, #tpu.memory_space<vmem>>)
    %dma_wait3A_61 = arith.constant 1 : i32
    %dma_wait3A_62 = arith.constant 1 : i32
    %dma_wait3A_63 = arith.constant 0 : i32
    %dma_wait3A_64 = tpu.memref_slice %arg6[%dma_wait3A_62, %dma_wait3A_63] : memref<4x128xi32, #tpu.memory_space<vmem>> -> memref<1x128xi32, #tpu.memory_space<vmem>>
    %dma_wait3A_65 = tpu.memref_squeeze %dma_wait3A_64 : memref<1x128xi32, #tpu.memory_space<vmem>> -> memref<128xi32, #tpu.memory_space<vmem>>
    %dma_wait3A_66 = tpu.memref_slice %arg2[%dma_wait3A_61, %mul3A_2] : memref<4x4096xi32, #tpu.memory_space<hbm>> -> memref<1x128xi32, #tpu.memory_space<hbm>>
    %dma_wait3A_67 = tpu.memref_squeeze %dma_wait3A_66 : memref<1x128xi32, #tpu.memory_space<hbm>> -> memref<128xi32, #tpu.memory_space<hbm>>
    %dma_wait3A_68 = arith.constant 0 : i32
    %dma_wait3A_69 = tpu.memref_slice %arg6[%dma_wait3A_62, %dma_wait3A_68] : memref<4x128xi32, #tpu.memory_space<vmem>> -> memref<1x128xi32, #tpu.memory_space<vmem>>
    %dma_wait3A_70 = tpu.memref_squeeze %dma_wait3A_69 : memref<1x128xi32, #tpu.memory_space<vmem>> -> memref<128xi32, #tpu.memory_space<vmem>>
    %dma_wait3A_71 = tpu.memref_slice %arg2[%dma_wait3A_61, %mul3A_2] : memref<4x4096xi32, #tpu.memory_space<hbm>> -> memref<1x128xi32, #tpu.memory_space<hbm>>
    %dma_wait3A_72 = tpu.memref_squeeze %dma_wait3A_71 : memref<1x128xi32, #tpu.memory_space<hbm>> -> memref<128xi32, #tpu.memory_space<hbm>>
    tpu.wait_dma2 semaphore(%arg13 : memref<!tpu.dma_semaphore, #tpu.memory_space<semaphore_mem>>) src(%dma_wait3A_72 : memref<128xi32, #tpu.memory_space<hbm>>) dst(%dma_wait3A_70 : memref<128xi32, #tpu.memory_space<vmem>>)
    %dma_wait3A_73 = arith.constant 2 : i32
    %dma_wait3A_74 = arith.constant 2 : i32
    %dma_wait3A_75 = arith.constant 0 : i32
    %dma_wait3A_76 = tpu.memref_slice %arg6[%dma_wait3A_74, %dma_wait3A_75] : memref<4x128xi32, #tpu.memory_space<vmem>> -> memref<1x128xi32, #tpu.memory_space<vmem>>
    %dma_wait3A_77 = tpu.memref_squeeze %dma_wait3A_76 : memref<1x128xi32, #tpu.memory_space<vmem>> -> memref<128xi32, #tpu.memory_space<vmem>>
    %dma_wait3A_78 = tpu.memref_slice %arg2[%dma_wait3A_73, %mul3A_2] : memref<4x4096xi32, #tpu.memory_space<hbm>> -> memref<1x128xi32, #tpu.memory_space<hbm>>
    %dma_wait3A_79 = tpu.memref_squeeze %dma_wait3A_78 : memref<1x128xi32, #tpu.memory_space<hbm>> -> memref<128xi32, #tpu.memory_space<hbm>>
    %dma_wait3A_80 = arith.constant 0 : i32
    %dma_wait3A_81 = tpu.memref_slice %arg6[%dma_wait3A_74, %dma_wait3A_80] : memref<4x128xi32, #tpu.memory_space<vmem>> -> memref<1x128xi32, #tpu.memory_space<vmem>>
    %dma_wait3A_82 = tpu.memref_squeeze %dma_wait3A_81 : memref<1x128xi32, #tpu.memory_space<vmem>> -> memref<128xi32, #tpu.memory_space<vmem>>
    %dma_wait3A_83 = tpu.memref_slice %arg2[%dma_wait3A_73, %mul3A_2] : memref<4x4096xi32, #tpu.memory_space<hbm>> -> memref<1x128xi32, #tpu.memory_space<hbm>>
    %dma_wait3A_84 = tpu.memref_squeeze %dma_wait3A_83 : memref<1x128xi32, #tpu.memory_space<hbm>> -> memref<128xi32, #tpu.memory_space<hbm>>
    tpu.wait_dma2 semaphore(%arg13 : memref<!tpu.dma_semaphore, #tpu.memory_space<semaphore_mem>>) src(%dma_wait3A_84 : memref<128xi32, #tpu.memory_space<hbm>>) dst(%dma_wait3A_82 : memref<128xi32, #tpu.memory_space<vmem>>)
    %dma_wait3A_85 = arith.constant 3 : i32
    %dma_wait3A_86 = arith.constant 3 : i32
    %dma_wait3A_87 = arith.constant 0 : i32
    %dma_wait3A_88 = tpu.memref_slice %arg6[%dma_wait3A_86, %dma_wait3A_87] : memref<4x128xi32, #tpu.memory_space<vmem>> -> memref<1x128xi32, #tpu.memory_space<vmem>>
    %dma_wait3A_89 = tpu.memref_squeeze %dma_wait3A_88 : memref<1x128xi32, #tpu.memory_space<vmem>> -> memref<128xi32, #tpu.memory_space<vmem>>
    %dma_wait3A_90 = tpu.memref_slice %arg2[%dma_wait3A_85, %mul3A_2] : memref<4x4096xi32, #tpu.memory_space<hbm>> -> memref<1x128xi32, #tpu.memory_space<hbm>>
    %dma_wait3A_91 = tpu.memref_squeeze %dma_wait3A_90 : memref<1x128xi32, #tpu.memory_space<hbm>> -> memref<128xi32, #tpu.memory_space<hbm>>
    %dma_wait3A_92 = arith.constant 0 : i32
    %dma_wait3A_93 = tpu.memref_slice %arg6[%dma_wait3A_86, %dma_wait3A_92] : memref<4x128xi32, #tpu.memory_space<vmem>> -> memref<1x128xi32, #tpu.memory_space<vmem>>
    %dma_wait3A_94 = tpu.memref_squeeze %dma_wait3A_93 : memref<1x128xi32, #tpu.memory_space<vmem>> -> memref<128xi32, #tpu.memory_space<vmem>>
    %dma_wait3A_95 = tpu.memref_slice %arg2[%dma_wait3A_85, %mul3A_2] : memref<4x4096xi32, #tpu.memory_space<hbm>> -> memref<1x128xi32, #tpu.memory_space<hbm>>
    %dma_wait3A_96 = tpu.memref_squeeze %dma_wait3A_95 : memref<1x128xi32, #tpu.memory_space<hbm>> -> memref<128xi32, #tpu.memory_space<hbm>>
    tpu.wait_dma2 semaphore(%arg13 : memref<!tpu.dma_semaphore, #tpu.memory_space<semaphore_mem>>) src(%dma_wait3A_96 : memref<128xi32, #tpu.memory_space<hbm>>) dst(%dma_wait3A_94 : memref<128xi32, #tpu.memory_space<vmem>>)
    %add3A_97 = arith.constant 0 : i32
    %add3A_98 = arith.addi %mul3A_2, %add3A_97 : i32
    %dma_start3A_99 = arith.constant 0 : i32
    %dma_start3A_100 = arith.constant 0 : i32
    %dma_start3A_101 = tpu.memref_slice %arg4[%add3A_98, %dma_start3A_100] : memref<8192x1024xf32, #tpu.memory_space<hbm>> -> memref<8x1024xf32, #tpu.memory_space<hbm>>
    %dma_start3A_102 = tpu.memref_slice %arg14[%dma_start3A_99] : memref<3x!tpu.dma_semaphore, #tpu.memory_space<semaphore_mem>> -> memref<1x!tpu.dma_semaphore, #tpu.memory_space<semaphore_mem>>
    %dma_start3A_103 = tpu.memref_squeeze %dma_start3A_102 : memref<1x!tpu.dma_semaphore, #tpu.memory_space<semaphore_mem>> -> memref<!tpu.dma_semaphore, #tpu.memory_space<semaphore_mem>>
    %dma_start3A_104 = arith.constant 0 : i32
    %dma_start3A_105 = tpu.memref_slice %arg4[%add3A_98, %dma_start3A_104] : memref<8192x1024xf32, #tpu.memory_space<hbm>> -> memref<8x1024xf32, #tpu.memory_space<hbm>>
    tpu.enqueue_dma source(%dma_start3A_105 : memref<8x1024xf32, #tpu.memory_space<hbm>>) target(%arg7 : memref<8x1024xf32, #tpu.memory_space<vmem>>) target_semaphore(%dma_start3A_103 : memref<!tpu.dma_semaphore, #tpu.memory_space<semaphore_mem>>)
    %dma_start3A_106 = arith.constant 0 : i32
    %dma_start3A_107 = arith.constant 0 : i32
    %dma_start3A_108 = arith.constant 0 : i32
    %dma_start3A_109 = arith.constant 0 : i32
    %dma_start3A_110 = arith.constant 0 : i32
    %dma_start3A_111 = tpu.memref_slice %arg10[%dma_start3A_109, %dma_start3A_110] : memref<32x1024xf32, #tpu.memory_space<vmem>> -> memref<8x1024xf32, #tpu.memory_space<vmem>>
    %dma_start3A_112 = arith.constant 0 : i32
    %dma_start3A_113 = tpu.memref_slice %arg6[%dma_start3A_106, %dma_start3A_112] : memref<4x128xi32, #tpu.memory_space<vmem>> -> memref<1x8xi32, #tpu.memory_space<vmem>>
    %dma_start3A_114 = tpu.memref_squeeze %dma_start3A_113 : memref<1x8xi32, #tpu.memory_space<vmem>> -> memref<8xi32, #tpu.memory_space<vmem>>
    %dma_start3A_115 = arith.constant 0 : i32
    %dma_start3A_116 = arith.constant 0 : i32
    %dma_start3A_117 = tpu.memref_slice %arg3[%dma_start3A_115, %dma_start3A_116] : memref<100000x1024xf32, #tpu.memory_space<hbm>> -> memref<100000x1024xf32, #tpu.memory_space<hbm>>
    %dma_start3A_118 = tpu.memref_slice %arg15[%dma_start3A_107, %dma_start3A_108] : memref<3x4x!tpu.dma_semaphore, #tpu.memory_space<semaphore_mem>> -> memref<1x1x!tpu.dma_semaphore, #tpu.memory_space<semaphore_mem>>
    %dma_start3A_119 = tpu.memref_squeeze %dma_start3A_118 : memref<1x1x!tpu.dma_semaphore, #tpu.memory_space<semaphore_mem>> -> memref<!tpu.dma_semaphore, #tpu.memory_space<semaphore_mem>>
    tpu.enqueue_indirect_dma source(%dma_start3A_117 : memref<100000x1024xf32, #tpu.memory_space<hbm>>) target(%dma_start3A_111 : memref<8x1024xf32, #tpu.memory_space<vmem>>) offsets(%dma_start3A_114 : memref<8xi32, #tpu.memory_space<vmem>>) semaphore(%dma_start3A_119 : memref<!tpu.dma_semaphore, #tpu.memory_space<semaphore_mem>>)
    %dma_start3A_120 = arith.constant 1 : i32
    %dma_start3A_121 = arith.constant 0 : i32
    %dma_start3A_122 = arith.constant 1 : i32
    %dma_start3A_123 = arith.constant 8 : i32
    %dma_start3A_124 = arith.constant 0 : i32
    %dma_start3A_125 = tpu.memref_slice %arg10[%dma_start3A_123, %dma_start3A_124] : memref<32x1024xf32, #tpu.memory_space<vmem>> -> memref<8x1024xf32, #tpu.memory_space<vmem>>
    %dma_start3A_126 = arith.constant 0 : i32
    %dma_start3A_127 = tpu.memref_slice %arg6[%dma_start3A_120, %dma_start3A_126] : memref<4x128xi32, #tpu.memory_space<vmem>> -> memref<1x8xi32, #tpu.memory_space<vmem>>
    %dma_start3A_128 = tpu.memref_squeeze %dma_start3A_127 : memref<1x8xi32, #tpu.memory_space<vmem>> -> memref<8xi32, #tpu.memory_space<vmem>>
    %dma_start3A_129 = arith.constant 0 : i32
    %dma_start3A_130 = arith.constant 0 : i32
    %dma_start3A_131 = tpu.memref_slice %arg3[%dma_start3A_129, %dma_start3A_130] : memref<100000x1024xf32, #tpu.memory_space<hbm>> -> memref<100000x1024xf32, #tpu.memory_space<hbm>>
    %dma_start3A_132 = tpu.memref_slice %arg15[%dma_start3A_121, %dma_start3A_122] : memref<3x4x!tpu.dma_semaphore, #tpu.memory_space<semaphore_mem>> -> memref<1x1x!tpu.dma_semaphore, #tpu.memory_space<semaphore_mem>>
    %dma_start3A_133 = tpu.memref_squeeze %dma_start3A_132 : memref<1x1x!tpu.dma_semaphore, #tpu.memory_space<semaphore_mem>> -> memref<!tpu.dma_semaphore, #tpu.memory_space<semaphore_mem>>
    tpu.enqueue_indirect_dma source(%dma_start3A_131 : memref<100000x1024xf32, #tpu.memory_space<hbm>>) target(%dma_start3A_125 : memref<8x1024xf32, #tpu.memory_space<vmem>>) offsets(%dma_start3A_128 : memref<8xi32, #tpu.memory_space<vmem>>) semaphore(%dma_start3A_133 : memref<!tpu.dma_semaphore, #tpu.memory_space<semaphore_mem>>)
    %dma_start3A_134 = arith.constant 2 : i32
    %dma_start3A_135 = arith.constant 0 : i32
    %dma_start3A_136 = arith.constant 2 : i32
    %dma_start3A_137 = arith.constant 16 : i32
    %dma_start3A_138 = arith.constant 0 : i32
    %dma_start3A_139 = tpu.memref_slice %arg10[%dma_start3A_137, %dma_start3A_138] : memref<32x1024xf32, #tpu.memory_space<vmem>> -> memref<8x1024xf32, #tpu.memory_space<vmem>>
    %dma_start3A_140 = arith.constant 0 : i32
    %dma_start3A_141 = tpu.memref_slice %arg6[%dma_start3A_134, %dma_start3A_140] : memref<4x128xi32, #tpu.memory_space<vmem>> -> memref<1x8xi32, #tpu.memory_space<vmem>>
    %dma_start3A_142 = tpu.memref_squeeze %dma_start3A_141 : memref<1x8xi32, #tpu.memory_space<vmem>> -> memref<8xi32, #tpu.memory_space<vmem>>
    %dma_start3A_143 = arith.constant 0 : i32
    %dma_start3A_144 = arith.constant 0 : i32
    %dma_start3A_145 = tpu.memref_slice %arg3[%dma_start3A_143, %dma_start3A_144] : memref<100000x1024xf32, #tpu.memory_space<hbm>> -> memref<100000x1024xf32, #tpu.memory_space<hbm>>
    %dma_start3A_146 = tpu.memref_slice %arg15[%dma_start3A_135, %dma_start3A_136] : memref<3x4x!tpu.dma_semaphore, #tpu.memory_space<semaphore_mem>> -> memref<1x1x!tpu.dma_semaphore, #tpu.memory_space<semaphore_mem>>
    %dma_start3A_147 = tpu.memref_squeeze %dma_start3A_146 : memref<1x1x!tpu.dma_semaphore, #tpu.memory_space<semaphore_mem>> -> memref<!tpu.dma_semaphore, #tpu.memory_space<semaphore_mem>>
    tpu.enqueue_indirect_dma source(%dma_start3A_145 : memref<100000x1024xf32, #tpu.memory_space<hbm>>) target(%dma_start3A_139 : memref<8x1024xf32, #tpu.memory_space<vmem>>) offsets(%dma_start3A_142 : memref<8xi32, #tpu.memory_space<vmem>>) semaphore(%dma_start3A_147 : memref<!tpu.dma_semaphore, #tpu.memory_space<semaphore_mem>>)
    %dma_start3A_148 = arith.constant 3 : i32
    %dma_start3A_149 = arith.constant 0 : i32
    %dma_start3A_150 = arith.constant 3 : i32
    %dma_start3A_151 = arith.constant 24 : i32
    %dma_start3A_152 = arith.constant 0 : i32
    %dma_start3A_153 = tpu.memref_slice %arg10[%dma_start3A_151, %dma_start3A_152] : memref<32x1024xf32, #tpu.memory_space<vmem>> -> memref<8x1024xf32, #tpu.memory_space<vmem>>
    %dma_start3A_154 = arith.constant 0 : i32
    %dma_start3A_155 = tpu.memref_slice %arg6[%dma_start3A_148, %dma_start3A_154] : memref<4x128xi32, #tpu.memory_space<vmem>> -> memref<1x8xi32, #tpu.memory_space<vmem>>
    %dma_start3A_156 = tpu.memref_squeeze %dma_start3A_155 : memref<1x8xi32, #tpu.memory_space<vmem>> -> memref<8xi32, #tpu.memory_space<vmem>>
    %dma_start3A_157 = arith.constant 0 : i32
    %dma_start3A_158 = arith.constant 0 : i32
    %dma_start3A_159 = tpu.memref_slice %arg3[%dma_start3A_157, %dma_start3A_158] : memref<100000x1024xf32, #tpu.memory_space<hbm>> -> memref<100000x1024xf32, #tpu.memory_space<hbm>>
    %dma_start3A_160 = tpu.memref_slice %arg15[%dma_start3A_149, %dma_start3A_150] : memref<3x4x!tpu.dma_semaphore, #tpu.memory_space<semaphore_mem>> -> memref<1x1x!tpu.dma_semaphore, #tpu.memory_space<semaphore_mem>>
    %dma_start3A_161 = tpu.memref_squeeze %dma_start3A_160 : memref<1x1x!tpu.dma_semaphore, #tpu.memory_space<semaphore_mem>> -> memref<!tpu.dma_semaphore, #tpu.memory_space<semaphore_mem>>
    tpu.enqueue_indirect_dma source(%dma_start3A_159 : memref<100000x1024xf32, #tpu.memory_space<hbm>>) target(%dma_start3A_153 : memref<8x1024xf32, #tpu.memory_space<vmem>>) offsets(%dma_start3A_156 : memref<8xi32, #tpu.memory_space<vmem>>) semaphore(%dma_start3A_161 : memref<!tpu.dma_semaphore, #tpu.memory_space<semaphore_mem>>)
    %add3A_162 = arith.constant 8 : i32
    %add3A_163 = arith.addi %mul3A_2, %add3A_162 : i32
    %dma_start3A_164 = arith.constant 1 : i32
    %dma_start3A_165 = arith.constant 0 : i32
    %dma_start3A_166 = tpu.memref_slice %arg4[%add3A_163, %dma_start3A_165] : memref<8192x1024xf32, #tpu.memory_space<hbm>> -> memref<8x1024xf32, #tpu.memory_space<hbm>>
    %dma_start3A_167 = tpu.memref_slice %arg14[%dma_start3A_164] : memref<3x!tpu.dma_semaphore, #tpu.memory_space<semaphore_mem>> -> memref<1x!tpu.dma_semaphore, #tpu.memory_space<semaphore_mem>>
    %dma_start3A_168 = tpu.memref_squeeze %dma_start3A_167 : memref<1x!tpu.dma_semaphore, #tpu.memory_space<semaphore_mem>> -> memref<!tpu.dma_semaphore, #tpu.memory_space<semaphore_mem>>
    %dma_start3A_169 = arith.constant 0 : i32
    %dma_start3A_170 = tpu.memref_slice %arg4[%add3A_163, %dma_start3A_169] : memref<8192x1024xf32, #tpu.memory_space<hbm>> -> memref<8x1024xf32, #tpu.memory_space<hbm>>
    tpu.enqueue_dma source(%dma_start3A_170 : memref<8x1024xf32, #tpu.memory_space<hbm>>) target(%arg8 : memref<8x1024xf32, #tpu.memory_space<vmem>>) target_semaphore(%dma_start3A_168 : memref<!tpu.dma_semaphore, #tpu.memory_space<semaphore_mem>>)
    %dma_start3A_171 = arith.constant 0 : i32
    %dma_start3A_172 = arith.constant 1 : i32
    %dma_start3A_173 = arith.constant 0 : i32
    %dma_start3A_174 = arith.constant 0 : i32
    %dma_start3A_175 = arith.constant 0 : i32
    %dma_start3A_176 = tpu.memref_slice %arg11[%dma_start3A_174, %dma_start3A_175] : memref<32x1024xf32, #tpu.memory_space<vmem>> -> memref<8x1024xf32, #tpu.memory_space<vmem>>
    %dma_start3A_177 = arith.constant 8 : i32
    %dma_start3A_178 = tpu.memref_slice %arg6[%dma_start3A_171, %dma_start3A_177] : memref<4x128xi32, #tpu.memory_space<vmem>> -> memref<1x8xi32, #tpu.memory_space<vmem>>
    %dma_start3A_179 = tpu.memref_squeeze %dma_start3A_178 : memref<1x8xi32, #tpu.memory_space<vmem>> -> memref<8xi32, #tpu.memory_space<vmem>>
    %dma_start3A_180 = arith.constant 0 : i32
    %dma_start3A_181 = arith.constant 0 : i32
    %dma_start3A_182 = tpu.memref_slice %arg3[%dma_start3A_180, %dma_start3A_181] : memref<100000x1024xf32, #tpu.memory_space<hbm>> -> memref<100000x1024xf32, #tpu.memory_space<hbm>>
    %dma_start3A_183 = tpu.memref_slice %arg15[%dma_start3A_172, %dma_start3A_173] : memref<3x4x!tpu.dma_semaphore, #tpu.memory_space<semaphore_mem>> -> memref<1x1x!tpu.dma_semaphore, #tpu.memory_space<semaphore_mem>>
    %dma_start3A_184 = tpu.memref_squeeze %dma_start3A_183 : memref<1x1x!tpu.dma_semaphore, #tpu.memory_space<semaphore_mem>> -> memref<!tpu.dma_semaphore, #tpu.memory_space<semaphore_mem>>
    tpu.enqueue_indirect_dma source(%dma_start3A_182 : memref<100000x1024xf32, #tpu.memory_space<hbm>>) target(%dma_start3A_176 : memref<8x1024xf32, #tpu.memory_space<vmem>>) offsets(%dma_start3A_179 : memref<8xi32, #tpu.memory_space<vmem>>) semaphore(%dma_start3A_184 : memref<!tpu.dma_semaphore, #tpu.memory_space<semaphore_mem>>)
    %dma_start3A_185 = arith.constant 1 : i32
    %dma_start3A_186 = arith.constant 1 : i32
    %dma_start3A_187 = arith.constant 1 : i32
    %dma_start3A_188 = arith.constant 8 : i32
    %dma_start3A_189 = arith.constant 0 : i32
    %dma_start3A_190 = tpu.memref_slice %arg11[%dma_start3A_188, %dma_start3A_189] : memref<32x1024xf32, #tpu.memory_space<vmem>> -> memref<8x1024xf32, #tpu.memory_space<vmem>>
    %dma_start3A_191 = arith.constant 8 : i32
    %dma_start3A_192 = tpu.memref_slice %arg6[%dma_start3A_185, %dma_start3A_191] : memref<4x128xi32, #tpu.memory_space<vmem>> -> memref<1x8xi32, #tpu.memory_space<vmem>>
    %dma_start3A_193 = tpu.memref_squeeze %dma_start3A_192 : memref<1x8xi32, #tpu.memory_space<vmem>> -> memref<8xi32, #tpu.memory_space<vmem>>
    %dma_start3A_194 = arith.constant 0 : i32
    %dma_start3A_195 = arith.constant 0 : i32
    %dma_start3A_196 = tpu.memref_slice %arg3[%dma_start3A_194, %dma_start3A_195] : memref<100000x1024xf32, #tpu.memory_space<hbm>> -> memref<100000x1024xf32, #tpu.memory_space<hbm>>
    %dma_start3A_197 = tpu.memref_slice %arg15[%dma_start3A_186, %dma_start3A_187] : memref<3x4x!tpu.dma_semaphore, #tpu.memory_space<semaphore_mem>> -> memref<1x1x!tpu.dma_semaphore, #tpu.memory_space<semaphore_mem>>
    %dma_start3A_198 = tpu.memref_squeeze %dma_start3A_197 : memref<1x1x!tpu.dma_semaphore, #tpu.memory_space<semaphore_mem>> -> memref<!tpu.dma_semaphore, #tpu.memory_space<semaphore_mem>>
    tpu.enqueue_indirect_dma source(%dma_start3A_196 : memref<100000x1024xf32, #tpu.memory_space<hbm>>) target(%dma_start3A_190 : memref<8x1024xf32, #tpu.memory_space<vmem>>) offsets(%dma_start3A_193 : memref<8xi32, #tpu.memory_space<vmem>>) semaphore(%dma_start3A_198 : memref<!tpu.dma_semaphore, #tpu.memory_space<semaphore_mem>>)
    %dma_start3A_199 = arith.constant 2 : i32
    %dma_start3A_200 = arith.constant 1 : i32
    %dma_start3A_201 = arith.constant 2 : i32
    %dma_start3A_202 = arith.constant 16 : i32
    %dma_start3A_203 = arith.constant 0 : i32
    %dma_start3A_204 = tpu.memref_slice %arg11[%dma_start3A_202, %dma_start3A_203] : memref<32x1024xf32, #tpu.memory_space<vmem>> -> memref<8x1024xf32, #tpu.memory_space<vmem>>
    %dma_start3A_205 = arith.constant 8 : i32
    %dma_start3A_206 = tpu.memref_slice %arg6[%dma_start3A_199, %dma_start3A_205] : memref<4x128xi32, #tpu.memory_space<vmem>> -> memref<1x8xi32, #tpu.memory_space<vmem>>
    %dma_start3A_207 = tpu.memref_squeeze %dma_start3A_206 : memref<1x8xi32, #tpu.memory_space<vmem>> -> memref<8xi32, #tpu.memory_space<vmem>>
    %dma_start3A_208 = arith.constant 0 : i32
    %dma_start3A_209 = arith.constant 0 : i32
    %dma_start3A_210 = tpu.memref_slice %arg3[%dma_start3A_208, %dma_start3A_209] : memref<100000x1024xf32, #tpu.memory_space<hbm>> -> memref<100000x1024xf32, #tpu.memory_space<hbm>>
    %dma_start3A_211 = tpu.memref_slice %arg15[%dma_start3A_200, %dma_start3A_201] : memref<3x4x!tpu.dma_semaphore, #tpu.memory_space<semaphore_mem>> -> memref<1x1x!tpu.dma_semaphore, #tpu.memory_space<semaphore_mem>>
    %dma_start3A_212 = tpu.memref_squeeze %dma_start3A_211 : memref<1x1x!tpu.dma_semaphore, #tpu.memory_space<semaphore_mem>> -> memref<!tpu.dma_semaphore, #tpu.memory_space<semaphore_mem>>
    tpu.enqueue_indirect_dma source(%dma_start3A_210 : memref<100000x1024xf32, #tpu.memory_space<hbm>>) target(%dma_start3A_204 : memref<8x1024xf32, #tpu.memory_space<vmem>>) offsets(%dma_start3A_207 : memref<8xi32, #tpu.memory_space<vmem>>) semaphore(%dma_start3A_212 : memref<!tpu.dma_semaphore, #tpu.memory_space<semaphore_mem>>)
    %dma_start3A_213 = arith.constant 3 : i32
    %dma_start3A_214 = arith.constant 1 : i32
    %dma_start3A_215 = arith.constant 3 : i32
    %dma_start3A_216 = arith.constant 24 : i32
    %dma_start3A_217 = arith.constant 0 : i32
    %dma_start3A_218 = tpu.memref_slice %arg11[%dma_start3A_216, %dma_start3A_217] : memref<32x1024xf32, #tpu.memory_space<vmem>> -> memref<8x1024xf32, #tpu.memory_space<vmem>>
    %dma_start3A_219 = arith.constant 8 : i32
    %dma_start3A_220 = tpu.memref_slice %arg6[%dma_start3A_213, %dma_start3A_219] : memref<4x128xi32, #tpu.memory_space<vmem>> -> memref<1x8xi32, #tpu.memory_space<vmem>>
    %dma_start3A_221 = tpu.memref_squeeze %dma_start3A_220 : memref<1x8xi32, #tpu.memory_space<vmem>> -> memref<8xi32, #tpu.memory_space<vmem>>
    %dma_start3A_222 = arith.constant 0 : i32
    %dma_start3A_223 = arith.constant 0 : i32
    %dma_start3A_224 = tpu.memref_slice %arg3[%dma_start3A_222, %dma_start3A_223] : memref<100000x1024xf32, #tpu.memory_space<hbm>> -> memref<100000x1024xf32, #tpu.memory_space<hbm>>
    %dma_start3A_225 = tpu.memref_slice %arg15[%dma_start3A_214, %dma_start3A_215] : memref<3x4x!tpu.dma_semaphore, #tpu.memory_space<semaphore_mem>> -> memref<1x1x!tpu.dma_semaphore, #tpu.memory_space<semaphore_mem>>
    %dma_start3A_226 = tpu.memref_squeeze %dma_start3A_225 : memref<1x1x!tpu.dma_semaphore, #tpu.memory_space<semaphore_mem>> -> memref<!tpu.dma_semaphore, #tpu.memory_space<semaphore_mem>>
    tpu.enqueue_indirect_dma source(%dma_start3A_224 : memref<100000x1024xf32, #tpu.memory_space<hbm>>) target(%dma_start3A_218 : memref<8x1024xf32, #tpu.memory_space<vmem>>) offsets(%dma_start3A_221 : memref<8xi32, #tpu.memory_space<vmem>>) semaphore(%dma_start3A_226 : memref<!tpu.dma_semaphore, #tpu.memory_space<semaphore_mem>>)
    %scan3A = arith.constant 0 : i32
    %scan3A_227 = arith.constant 0 : i32
    %scan3A_228 = arith.constant 5 : i32
    %scan3A_229 = arith.addi %scan3A_227, %scan3A_228 : i32
    %scan3A_230 = arith.constant 1 : i32
    scf.for %scan3A_567 = %scan3A_227 to %scan3A_229 step %scan3A_230  : i32 {
      %mul3A_568 = arith.constant 3 : i32
      %mul3A_569 = arith.muli %scan3A_567, %mul3A_568 : i32
      %add3A_570 = arith.constant 0 : i32
      %add3A_571 = arith.addi %mul3A_569, %add3A_570 : i32
      %mul3A_572 = arith.constant 8 : i32
      %mul3A_573 = arith.muli %add3A_571, %mul3A_572 : i32
      %add3A_574 = arith.addi %mul3A_2, %mul3A_573 : i32
      %dma_wait3A_575 = arith.constant 0 : i32
      %dma_wait3A_576 = arith.constant 0 : i32
      %dma_wait3A_577 = tpu.memref_slice %arg4[%add3A_574, %dma_wait3A_576] : memref<8192x1024xf32, #tpu.memory_space<hbm>> -> memref<8x1024xf32, #tpu.memory_space<hbm>>
      %dma_wait3A_578 = tpu.memref_slice %arg14[%dma_wait3A_575] : memref<3x!tpu.dma_semaphore, #tpu.memory_space<semaphore_mem>> -> memref<1x!tpu.dma_semaphore, #tpu.memory_space<semaphore_mem>>
      %dma_wait3A_579 = tpu.memref_squeeze %dma_wait3A_578 : memref<1x!tpu.dma_semaphore, #tpu.memory_space<semaphore_mem>> -> memref<!tpu.dma_semaphore, #tpu.memory_space<semaphore_mem>>
      %dma_wait3A_580 = arith.constant 0 : i32
      %dma_wait3A_581 = tpu.memref_slice %arg4[%add3A_574, %dma_wait3A_580] : memref<8192x1024xf32, #tpu.memory_space<hbm>> -> memref<8x1024xf32, #tpu.memory_space<hbm>>
      tpu.wait_dma2 semaphore(%dma_wait3A_579 : memref<!tpu.dma_semaphore, #tpu.memory_space<semaphore_mem>>) src(%dma_wait3A_581 : memref<8x1024xf32, #tpu.memory_space<hbm>>) dst(%arg7 : memref<8x1024xf32, #tpu.memory_space<vmem>>)
      %mul3A_582 = arith.constant 8 : i32
      %mul3A_583 = arith.muli %add3A_571, %mul3A_582 : i32
      %dma_wait3A_584 = arith.constant 0 : i32
      %dma_wait3A_585 = arith.constant 0 : i32
      %dma_wait3A_586 = arith.constant 0 : i32
      %dma_wait3A_587 = arith.constant 0 : i32
      %dma_wait3A_588 = arith.constant 0 : i32
      %dma_wait3A_589 = tpu.memref_slice %arg10[%dma_wait3A_587, %dma_wait3A_588] : memref<32x1024xf32, #tpu.memory_space<vmem>> -> memref<8x1024xf32, #tpu.memory_space<vmem>>
      %dma_wait3A_590 = tpu.memref_slice %arg6[%dma_wait3A_584, %mul3A_583] : memref<4x128xi32, #tpu.memory_space<vmem>> -> memref<1x8xi32, #tpu.memory_space<vmem>>
      %dma_wait3A_591 = tpu.memref_squeeze %dma_wait3A_590 : memref<1x8xi32, #tpu.memory_space<vmem>> -> memref<8xi32, #tpu.memory_space<vmem>>
      %dma_wait3A_592 = arith.constant 0 : i32
      %dma_wait3A_593 = arith.constant 0 : i32
      %dma_wait3A_594 = tpu.memref_slice %arg3[%dma_wait3A_592, %dma_wait3A_593] : memref<100000x1024xf32, #tpu.memory_space<hbm>> -> memref<100000x1024xf32, #tpu.memory_space<hbm>>
      %dma_wait3A_595 = tpu.memref_slice %arg15[%dma_wait3A_585, %dma_wait3A_586] : memref<3x4x!tpu.dma_semaphore, #tpu.memory_space<semaphore_mem>> -> memref<1x1x!tpu.dma_semaphore, #tpu.memory_space<semaphore_mem>>
      %dma_wait3A_596 = tpu.memref_squeeze %dma_wait3A_595 : memref<1x1x!tpu.dma_semaphore, #tpu.memory_space<semaphore_mem>> -> memref<!tpu.dma_semaphore, #tpu.memory_space<semaphore_mem>>
      tpu.wait_indirect_dma semaphore(%dma_wait3A_596 : memref<!tpu.dma_semaphore, #tpu.memory_space<semaphore_mem>>) src(%dma_wait3A_594 : memref<100000x1024xf32, #tpu.memory_space<hbm>>) dst(%dma_wait3A_589 : memref<8x1024xf32, #tpu.memory_space<vmem>>)
      %scan3A_597 = arith.constant 0 : i32
      %scan3A_598 = arith.constant 0 : i32
      %scan3A_599 = arith.constant 64 : i32
      %scan3A_600 = arith.addi %scan3A_598, %scan3A_599 : i32
      %scan3A_601 = arith.constant 1 : i32
      scf.for %scan3A_1060 = %scan3A_598 to %scan3A_600 step %scan3A_601  : i32 {
        %mul3A_1061 = arith.constant 16 : i32
        %mul3A_1062 = arith.muli %scan3A_1060, %mul3A_1061 : i32
        %get3A = arith.constant 0 : i32
        %get3A_1063 = arith.index_cast %get3A : i32 to index
        %get3A_1064 = arith.index_cast %mul3A_1062 : i32 to index
        %get3A_1065 = tpu.vector_load %arg7[%get3A_1063, %get3A_1064] {strides = array<i32>} : memref<8x1024xf32, #tpu.memory_space<vmem>>, vector<1x16xf32>,
        %get3A_1066 = vector.shape_cast %get3A_1065 : vector<1x16xf32> to vector<16xf32>
        %get3A_1067 = arith.constant 0 : i32
        %get3A_1068 = arith.index_cast %get3A_1067 : i32 to index
        %get3A_1069 = arith.index_cast %mul3A_1062 : i32 to index
        %get3A_1070 = tpu.vector_load %arg10[%get3A_1068, %get3A_1069] {strides = array<i32>} : memref<32x1024xf32, #tpu.memory_space<vmem>>, vector<1x16xf32>,
        %get3A_1071 = vector.shape_cast %get3A_1070 : vector<1x16xf32> to vector<16xf32>
        %add3A_1072 = arith.addf %get3A_1071, %get3A_1066 : vector<16xf32>
        %swap3A = arith.constant 0 : i32
        %swap3A_1073 = arith.index_cast %swap3A : i32 to index
        %swap3A_1074 = arith.index_cast %mul3A_1062 : i32 to index
        %swap3A_1075 = tpu.vector_load %arg10[%swap3A_1073, %swap3A_1074] {strides = array<i32>} : memref<32x1024xf32, #tpu.memory_space<vmem>>, vector<1x16xf32>,
        %swap3A_1076 = vector.shape_cast %swap3A_1075 : vector<1x16xf32> to vector<16xf32>
        %swap3A_1077 = vector.shape_cast %add3A_1072 : vector<16xf32> to vector<1x16xf32>
        tpu.vector_store %arg10[%swap3A_1073, %swap3A_1074], %swap3A_1077 {strides = array<i32>} : memref<32x1024xf32, #tpu.memory_space<vmem>>, vector<1x16xf32>,
        %get3A_1078 = arith.constant 1 : i32
        %get3A_1079 = arith.index_cast %get3A_1078 : i32 to index
        %get3A_1080 = arith.index_cast %mul3A_1062 : i32 to index
        %get3A_1081 = tpu.vector_load %arg7[%get3A_1079, %get3A_1080] {strides = array<i32>} : memref<8x1024xf32, #tpu.memory_space<vmem>>, vector<1x16xf32>,
        %get3A_1082 = vector.shape_cast %get3A_1081 : vector<1x16xf32> to vector<16xf32>
        %get3A_1083 = arith.constant 1 : i32
        %get3A_1084 = arith.index_cast %get3A_1083 : i32 to index
        %get3A_1085 = arith.index_cast %mul3A_1062 : i32 to index
        %get3A_1086 = tpu.vector_load %arg10[%get3A_1084, %get3A_1085] {strides = array<i32>} : memref<32x1024xf32, #tpu.memory_space<vmem>>, vector<1x16xf32>,
        %get3A_1087 = vector.shape_cast %get3A_1086 : vector<1x16xf32> to vector<16xf32>
        %add3A_1088 = arith.addf %get3A_1087, %get3A_1082 : vector<16xf32>
        %swap3A_1089 = arith.constant 1 : i32
        %swap3A_1090 = arith.index_cast %swap3A_1089 : i32 to index
        %swap3A_1091 = arith.index_cast %mul3A_1062 : i32 to index
        %swap3A_1092 = tpu.vector_load %arg10[%swap3A_1090, %swap3A_1091] {strides = array<i32>} : memref<32x1024xf32, #tpu.memory_space<vmem>>, vector<1x16xf32>,
        %swap3A_1093 = vector.shape_cast %swap3A_1092 : vector<1x16xf32> to vector<16xf32>
        %swap3A_1094 = vector.shape_cast %add3A_1088 : vector<16xf32> to vector<1x16xf32>
        tpu.vector_store %arg10[%swap3A_1090, %swap3A_1091], %swap3A_1094 {strides = array<i32>} : memref<32x1024xf32, #tpu.memory_space<vmem>>, vector<1x16xf32>,
        %get3A_1095 = arith.constant 2 : i32
        %get3A_1096 = arith.index_cast %get3A_1095 : i32 to index
        %get3A_1097 = arith.index_cast %mul3A_1062 : i32 to index
        %get3A_1098 = tpu.vector_load %arg7[%get3A_1096, %get3A_1097] {strides = array<i32>} : memref<8x1024xf32, #tpu.memory_space<vmem>>, vector<1x16xf32>,
        %get3A_1099 = vector.shape_cast %get3A_1098 : vector<1x16xf32> to vector<16xf32>
        %get3A_1100 = arith.constant 2 : i32
        %get3A_1101 = arith.index_cast %get3A_1100 : i32 to index
        %get3A_1102 = arith.index_cast %mul3A_1062 : i32 to index
        %get3A_1103 = tpu.vector_load %arg10[%get3A_1101, %get3A_1102] {strides = array<i32>} : memref<32x1024xf32, #tpu.memory_space<vmem>>, vector<1x16xf32>,
        %get3A_1104 = vector.shape_cast %get3A_1103 : vector<1x16xf32> to vector<16xf32>
        %add3A_1105 = arith.addf %get3A_1104, %get3A_1099 : vector<16xf32>
        %swap3A_1106 = arith.constant 2 : i32
        %swap3A_1107 = arith.index_cast %swap3A_1106 : i32 to index
        %swap3A_1108 = arith.index_cast %mul3A_1062 : i32 to index
        %swap3A_1109 = tpu.vector_load %arg10[%swap3A_1107, %swap3A_1108] {strides = array<i32>} : memref<32x1024xf32, #tpu.memory_space<vmem>>, vector<1x16xf32>,
        %swap3A_1110 = vector.shape_cast %swap3A_1109 : vector<1x16xf32> to vector<16xf32>
        %swap3A_1111 = vector.shape_cast %add3A_1105 : vector<16xf32> to vector<1x16xf32>
        tpu.vector_store %arg10[%swap3A_1107, %swap3A_1108], %swap3A_1111 {strides = array<i32>} : memref<32x1024xf32, #tpu.memory_space<vmem>>, vector<1x16xf32>,
        %get3A_1112 = arith.constant 3 : i32
        %get3A_1113 = arith.index_cast %get3A_1112 : i32 to index
        %get3A_1114 = arith.index_cast %mul3A_1062 : i32 to index
        %get3A_1115 = tpu.vector_load %arg7[%get3A_1113, %get3A_1114] {strides = array<i32>} : memref<8x1024xf32, #tpu.memory_space<vmem>>, vector<1x16xf32>,
        %get3A_1116 = vector.shape_cast %get3A_1115 : vector<1x16xf32> to vector<16xf32>
        %get3A_1117 = arith.constant 3 : i32
        %get3A_1118 = arith.index_cast %get3A_1117 : i32 to index
        %get3A_1119 = arith.index_cast %mul3A_1062 : i32 to index
        %get3A_1120 = tpu.vector_load %arg10[%get3A_1118, %get3A_1119] {strides = array<i32>} : memref<32x1024xf32, #tpu.memory_space<vmem>>, vector<1x16xf32>,
        %get3A_1121 = vector.shape_cast %get3A_1120 : vector<1x16xf32> to vector<16xf32>
        %add3A_1122 = arith.addf %get3A_1121, %get3A_1116 : vector<16xf32>
        %swap3A_1123 = arith.constant 3 : i32
        %swap3A_1124 = arith.index_cast %swap3A_1123 : i32 to index
        %swap3A_1125 = arith.index_cast %mul3A_1062 : i32 to index
        %swap3A_1126 = tpu.vector_load %arg10[%swap3A_1124, %swap3A_1125] {strides = array<i32>} : memref<32x1024xf32, #tpu.memory_space<vmem>>, vector<1x16xf32>,
        %swap3A_1127 = vector.shape_cast %swap3A_1126 : vector<1x16xf32> to vector<16xf32>
        %swap3A_1128 = vector.shape_cast %add3A_1122 : vector<16xf32> to vector<1x16xf32>
        tpu.vector_store %arg10[%swap3A_1124, %swap3A_1125], %swap3A_1128 {strides = array<i32>} : memref<32x1024xf32, #tpu.memory_space<vmem>>, vector<1x16xf32>,
        %get3A_1129 = arith.constant 4 : i32
        %get3A_1130 = arith.index_cast %get3A_1129 : i32 to index
        %get3A_1131 = arith.index_cast %mul3A_1062 : i32 to index
        %get3A_1132 = tpu.vector_load %arg7[%get3A_1130, %get3A_1131] {strides = array<i32>} : memref<8x1024xf32, #tpu.memory_space<vmem>>, vector<1x16xf32>,
        %get3A_1133 = vector.shape_cast %get3A_1132 : vector<1x16xf32> to vector<16xf32>
        %get3A_1134 = arith.constant 4 : i32
        %get3A_1135 = arith.index_cast %get3A_1134 : i32 to index
        %get3A_1136 = arith.index_cast %mul3A_1062 : i32 to index
        %get3A_1137 = tpu.vector_load %arg10[%get3A_1135, %get3A_1136] {strides = array<i32>} : memref<32x1024xf32, #tpu.memory_space<vmem>>, vector<1x16xf32>,
        %get3A_1138 = vector.shape_cast %get3A_1137 : vector<1x16xf32> to vector<16xf32>
        %add3A_1139 = arith.addf %get3A_1138, %get3A_1133 : vector<16xf32>
        %swap3A_1140 = arith.constant 4 : i32
        %swap3A_1141 = arith.index_cast %swap3A_1140 : i32 to index
        %swap3A_1142 = arith.index_cast %mul3A_1062 : i32 to index
        %swap3A_1143 = tpu.vector_load %arg10[%swap3A_1141, %swap3A_1142] {strides = array<i32>} : memref<32x1024xf32, #tpu.memory_space<vmem>>, vector<1x16xf32>,
        %swap3A_1144 = vector.shape_cast %swap3A_1143 : vector<1x16xf32> to vector<16xf32>
        %swap3A_1145 = vector.shape_cast %add3A_1139 : vector<16xf32> to vector<1x16xf32>
        tpu.vector_store %arg10[%swap3A_1141, %swap3A_1142], %swap3A_1145 {strides = array<i32>} : memref<32x1024xf32, #tpu.memory_space<vmem>>, vector<1x16xf32>,
        %get3A_1146 = arith.constant 5 : i32
        %get3A_1147 = arith.index_cast %get3A_1146 : i32 to index
        %get3A_1148 = arith.index_cast %mul3A_1062 : i32 to index
        %get3A_1149 = tpu.vector_load %arg7[%get3A_1147, %get3A_1148] {strides = array<i32>} : memref<8x1024xf32, #tpu.memory_space<vmem>>, vector<1x16xf32>,
        %get3A_1150 = vector.shape_cast %get3A_1149 : vector<1x16xf32> to vector<16xf32>
        %get3A_1151 = arith.constant 5 : i32
        %get3A_1152 = arith.index_cast %get3A_1151 : i32 to index
        %get3A_1153 = arith.index_cast %mul3A_1062 : i32 to index
        %get3A_1154 = tpu.vector_load %arg10[%get3A_1152, %get3A_1153] {strides = array<i32>} : memref<32x1024xf32, #tpu.memory_space<vmem>>, vector<1x16xf32>,
        %get3A_1155 = vector.shape_cast %get3A_1154 : vector<1x16xf32> to vector<16xf32>
        %add3A_1156 = arith.addf %get3A_1155, %get3A_1150 : vector<16xf32>
        %swap3A_1157 = arith.constant 5 : i32
        %swap3A_1158 = arith.index_cast %swap3A_1157 : i32 to index
        %swap3A_1159 = arith.index_cast %mul3A_1062 : i32 to index
        %swap3A_1160 = tpu.vector_load %arg10[%swap3A_1158, %swap3A_1159] {strides = array<i32>} : memref<32x1024xf32, #tpu.memory_space<vmem>>, vector<1x16xf32>,
        %swap3A_1161 = vector.shape_cast %swap3A_1160 : vector<1x16xf32> to vector<16xf32>
        %swap3A_1162 = vector.shape_cast %add3A_1156 : vector<16xf32> to vector<1x16xf32>
        tpu.vector_store %arg10[%swap3A_1158, %swap3A_1159], %swap3A_1162 {strides = array<i32>} : memref<32x1024xf32, #tpu.memory_space<vmem>>, vector<1x16xf32>,
        %get3A_1163 = arith.constant 6 : i32
        %get3A_1164 = arith.index_cast %get3A_1163 : i32 to index
        %get3A_1165 = arith.index_cast %mul3A_1062 : i32 to index
        %get3A_1166 = tpu.vector_load %arg7[%get3A_1164, %get3A_1165] {strides = array<i32>} : memref<8x1024xf32, #tpu.memory_space<vmem>>, vector<1x16xf32>,
        %get3A_1167 = vector.shape_cast %get3A_1166 : vector<1x16xf32> to vector<16xf32>
        %get3A_1168 = arith.constant 6 : i32
        %get3A_1169 = arith.index_cast %get3A_1168 : i32 to index
        %get3A_1170 = arith.index_cast %mul3A_1062 : i32 to index
        %get3A_1171 = tpu.vector_load %arg10[%get3A_1169, %get3A_1170] {strides = array<i32>} : memref<32x1024xf32, #tpu.memory_space<vmem>>, vector<1x16xf32>,
        %get3A_1172 = vector.shape_cast %get3A_1171 : vector<1x16xf32> to vector<16xf32>
        %add3A_1173 = arith.addf %get3A_1172, %get3A_1167 : vector<16xf32>
        %swap3A_1174 = arith.constant 6 : i32
        %swap3A_1175 = arith.index_cast %swap3A_1174 : i32 to index
        %swap3A_1176 = arith.index_cast %mul3A_1062 : i32 to index
        %swap3A_1177 = tpu.vector_load %arg10[%swap3A_1175, %swap3A_1176] {strides = array<i32>} : memref<32x1024xf32, #tpu.memory_space<vmem>>, vector<1x16xf32>,
        %swap3A_1178 = vector.shape_cast %swap3A_1177 : vector<1x16xf32> to vector<16xf32>
        %swap3A_1179 = vector.shape_cast %add3A_1173 : vector<16xf32> to vector<1x16xf32>
        tpu.vector_store %arg10[%swap3A_1175, %swap3A_1176], %swap3A_1179 {strides = array<i32>} : memref<32x1024xf32, #tpu.memory_space<vmem>>, vector<1x16xf32>,
        %get3A_1180 = arith.constant 7 : i32
        %get3A_1181 = arith.index_cast %get3A_1180 : i32 to index
        %get3A_1182 = arith.index_cast %mul3A_1062 : i32 to index
        %get3A_1183 = tpu.vector_load %arg7[%get3A_1181, %get3A_1182] {strides = array<i32>} : memref<8x1024xf32, #tpu.memory_space<vmem>>, vector<1x16xf32>,
        %get3A_1184 = vector.shape_cast %get3A_1183 : vector<1x16xf32> to vector<16xf32>
        %get3A_1185 = arith.constant 7 : i32
        %get3A_1186 = arith.index_cast %get3A_1185 : i32 to index
        %get3A_1187 = arith.index_cast %mul3A_1062 : i32 to index
        %get3A_1188 = tpu.vector_load %arg10[%get3A_1186, %get3A_1187] {strides = array<i32>} : memref<32x1024xf32, #tpu.memory_space<vmem>>, vector<1x16xf32>,
        %get3A_1189 = vector.shape_cast %get3A_1188 : vector<1x16xf32> to vector<16xf32>
        %add3A_1190 = arith.addf %get3A_1189, %get3A_1184 : vector<16xf32>
        %swap3A_1191 = arith.constant 7 : i32
        %swap3A_1192 = arith.index_cast %swap3A_1191 : i32 to index
        %swap3A_1193 = arith.index_cast %mul3A_1062 : i32 to index
        %swap3A_1194 = tpu.vector_load %arg10[%swap3A_1192, %swap3A_1193] {strides = array<i32>} : memref<32x1024xf32, #tpu.memory_space<vmem>>, vector<1x16xf32>,
        %swap3A_1195 = vector.shape_cast %swap3A_1194 : vector<1x16xf32> to vector<16xf32>
        %swap3A_1196 = vector.shape_cast %add3A_1190 : vector<16xf32> to vector<1x16xf32>
        tpu.vector_store %arg10[%swap3A_1192, %swap3A_1193], %swap3A_1196 {strides = array<i32>} : memref<32x1024xf32, #tpu.memory_space<vmem>>, vector<1x16xf32>,
      }
      %scan3A_602 = arith.constant 64 : i32
      %add3A_603 = arith.constant 0 : i32
      %add3A_604 = arith.addi %add3A_603, %add3A_574 : i32
      %dma_start3A_605 = arith.constant 0 : i32
      %dma_start3A_606 = arith.constant 0 : i32
      %dma_start3A_607 = arith.constant 0 : i32
      %dma_start3A_608 = tpu.memref_slice %arg10[%dma_start3A_606, %dma_start3A_607] : memref<32x1024xf32, #tpu.memory_space<vmem>> -> memref<8x1024xf32, #tpu.memory_space<vmem>>
      %dma_start3A_609 = arith.constant 0 : i32
      %dma_start3A_610 = tpu.memref_slice %arg5[%add3A_604, %dma_start3A_609] : memref<16384x1024xf32, #tpu.memory_space<hbm>> -> memref<8x1024xf32, #tpu.memory_space<hbm>>
      %dma_start3A_611 = tpu.memref_slice %arg16[%dma_start3A_605] : memref<3x!tpu.dma_semaphore, #tpu.memory_space<semaphore_mem>> -> memref<1x!tpu.dma_semaphore, #tpu.memory_space<semaphore_mem>>
      %dma_start3A_612 = tpu.memref_squeeze %dma_start3A_611 : memref<1x!tpu.dma_semaphore, #tpu.memory_space<semaphore_mem>> -> memref<!tpu.dma_semaphore, #tpu.memory_space<semaphore_mem>>
      %dma_start3A_613 = arith.constant 0 : i32
      %dma_start3A_614 = tpu.memref_slice %arg5[%add3A_604, %dma_start3A_613] : memref<16384x1024xf32, #tpu.memory_space<hbm>> -> memref<8x1024xf32, #tpu.memory_space<hbm>>
      %dma_start3A_615 = arith.constant 0 : i32
      %dma_start3A_616 = arith.constant 0 : i32
      %dma_start3A_617 = tpu.memref_slice %arg10[%dma_start3A_615, %dma_start3A_616] : memref<32x1024xf32, #tpu.memory_space<vmem>> -> memref<8x1024xf32, #tpu.memory_space<vmem>>
      tpu.enqueue_dma source(%dma_start3A_617 : memref<8x1024xf32, #tpu.memory_space<vmem>>) target(%dma_start3A_614 : memref<8x1024xf32, #tpu.memory_space<hbm>>) target_semaphore(%dma_start3A_612 : memref<!tpu.dma_semaphore, #tpu.memory_space<semaphore_mem>>)
      %mul3A_618 = arith.constant 8 : i32
      %mul3A_619 = arith.muli %add3A_571, %mul3A_618 : i32
      %dma_wait3A_620 = arith.constant 1 : i32
      %dma_wait3A_621 = arith.constant 0 : i32
      %dma_wait3A_622 = arith.constant 1 : i32
      %dma_wait3A_623 = arith.constant 8 : i32
      %dma_wait3A_624 = arith.constant 0 : i32
      %dma_wait3A_625 = tpu.memref_slice %arg10[%dma_wait3A_623, %dma_wait3A_624] : memref<32x1024xf32, #tpu.memory_space<vmem>> -> memref<8x1024xf32, #tpu.memory_space<vmem>>
      %dma_wait3A_626 = tpu.memref_slice %arg6[%dma_wait3A_620, %mul3A_619] : memref<4x128xi32, #tpu.memory_space<vmem>> -> memref<1x8xi32, #tpu.memory_space<vmem>>
      %dma_wait3A_627 = tpu.memref_squeeze %dma_wait3A_626 : memref<1x8xi32, #tpu.memory_space<vmem>> -> memref<8xi32, #tpu.memory_space<vmem>>
      %dma_wait3A_628 = arith.constant 0 : i32
      %dma_wait3A_629 = arith.constant 0 : i32
      %dma_wait3A_630 = tpu.memref_slice %arg3[%dma_wait3A_628, %dma_wait3A_629] : memref<100000x1024xf32, #tpu.memory_space<hbm>> -> memref<100000x1024xf32, #tpu.memory_space<hbm>>
      %dma_wait3A_631 = tpu.memref_slice %arg15[%dma_wait3A_621, %dma_wait3A_622] : memref<3x4x!tpu.dma_semaphore, #tpu.memory_space<semaphore_mem>> -> memref<1x1x!tpu.dma_semaphore, #tpu.memory_space<semaphore_mem>>
      %dma_wait3A_632 = tpu.memref_squeeze %dma_wait3A_631 : memref<1x1x!tpu.dma_semaphore, #tpu.memory_space<semaphore_mem>> -> memref<!tpu.dma_semaphore, #tpu.memory_space<semaphore_mem>>
      tpu.wait_indirect_dma semaphore(%dma_wait3A_632 : memref<!tpu.dma_semaphore, #tpu.memory_space<semaphore_mem>>) src(%dma_wait3A_630 : memref<100000x1024xf32, #tpu.memory_space<hbm>>) dst(%dma_wait3A_625 : memref<8x1024xf32, #tpu.memory_space<vmem>>)
      %scan3A_633 = arith.constant 0 : i32
      %scan3A_634 = arith.constant 0 : i32
      %scan3A_635 = arith.constant 64 : i32
      %scan3A_636 = arith.addi %scan3A_634, %scan3A_635 : i32
      %scan3A_637 = arith.constant 1 : i32
      scf.for %scan3A_1060 = %scan3A_634 to %scan3A_636 step %scan3A_637  : i32 {
        %mul3A_1061 = arith.constant 16 : i32
        %mul3A_1062 = arith.muli %scan3A_1060, %mul3A_1061 : i32
        %get3A = arith.constant 0 : i32
        %get3A_1063 = arith.index_cast %get3A : i32 to index
        %get3A_1064 = arith.index_cast %mul3A_1062 : i32 to index
        %get3A_1065 = tpu.vector_load %arg7[%get3A_1063, %get3A_1064] {strides = array<i32>} : memref<8x1024xf32, #tpu.memory_space<vmem>>, vector<1x16xf32>,
        %get3A_1066 = vector.shape_cast %get3A_1065 : vector<1x16xf32> to vector<16xf32>
        %get3A_1067 = arith.constant 8 : i32
        %get3A_1068 = arith.index_cast %get3A_1067 : i32 to index
        %get3A_1069 = arith.index_cast %mul3A_1062 : i32 to index
        %get3A_1070 = tpu.vector_load %arg10[%get3A_1068, %get3A_1069] {strides = array<i32>} : memref<32x1024xf32, #tpu.memory_space<vmem>>, vector<1x16xf32>,
        %get3A_1071 = vector.shape_cast %get3A_1070 : vector<1x16xf32> to vector<16xf32>
        %add3A_1072 = arith.addf %get3A_1071, %get3A_1066 : vector<16xf32>
        %swap3A = arith.constant 8 : i32
        %swap3A_1073 = arith.index_cast %swap3A : i32 to index
        %swap3A_1074 = arith.index_cast %mul3A_1062 : i32 to index
        %swap3A_1075 = tpu.vector_load %arg10[%swap3A_1073, %swap3A_1074] {strides = array<i32>} : memref<32x1024xf32, #tpu.memory_space<vmem>>, vector<1x16xf32>,
        %swap3A_1076 = vector.shape_cast %swap3A_1075 : vector<1x16xf32> to vector<16xf32>
        %swap3A_1077 = vector.shape_cast %add3A_1072 : vector<16xf32> to vector<1x16xf32>
        tpu.vector_store %arg10[%swap3A_1073, %swap3A_1074], %swap3A_1077 {strides = array<i32>} : memref<32x1024xf32, #tpu.memory_space<vmem>>, vector<1x16xf32>,
        %get3A_1078 = arith.constant 1 : i32
        %get3A_1079 = arith.index_cast %get3A_1078 : i32 to index
        %get3A_1080 = arith.index_cast %mul3A_1062 : i32 to index
        %get3A_1081 = tpu.vector_load %arg7[%get3A_1079, %get3A_1080] {strides = array<i32>} : memref<8x1024xf32, #tpu.memory_space<vmem>>, vector<1x16xf32>,
        %get3A_1082 = vector.shape_cast %get3A_1081 : vector<1x16xf32> to vector<16xf32>
        %get3A_1083 = arith.constant 9 : i32
        %get3A_1084 = arith.index_cast %get3A_1083 : i32 to index
        %get3A_1085 = arith.index_cast %mul3A_1062 : i32 to index
        %get3A_1086 = tpu.vector_load %arg10[%get3A_1084, %get3A_1085] {strides = array<i32>} : memref<32x1024xf32, #tpu.memory_space<vmem>>, vector<1x16xf32>,
        %get3A_1087 = vector.shape_cast %get3A_1086 : vector<1x16xf32> to vector<16xf32>
        %add3A_1088 = arith.addf %get3A_1087, %get3A_1082 : vector<16xf32>
        %swap3A_1089 = arith.constant 9 : i32
        %swap3A_1090 = arith.index_cast %swap3A_1089 : i32 to index
        %swap3A_1091 = arith.index_cast %mul3A_1062 : i32 to index
        %swap3A_1092 = tpu.vector_load %arg10[%swap3A_1090, %swap3A_1091] {strides = array<i32>} : memref<32x1024xf32, #tpu.memory_space<vmem>>, vector<1x16xf32>,
        %swap3A_1093 = vector.shape_cast %swap3A_1092 : vector<1x16xf32> to vector<16xf32>
        %swap3A_1094 = vector.shape_cast %add3A_1088 : vector<16xf32> to vector<1x16xf32>
        tpu.vector_store %arg10[%swap3A_1090, %swap3A_1091], %swap3A_1094 {strides = array<i32>} : memref<32x1024xf32, #tpu.memory_space<vmem>>, vector<1x16xf32>,
        %get3A_1095 = arith.constant 2 : i32
        %get3A_1096 = arith.index_cast %get3A_1095 : i32 to index
        %get3A_1097 = arith.index_cast %mul3A_1062 : i32 to index
        %get3A_1098 = tpu.vector_load %arg7[%get3A_1096, %get3A_1097] {strides = array<i32>} : memref<8x1024xf32, #tpu.memory_space<vmem>>, vector<1x16xf32>,
        %get3A_1099 = vector.shape_cast %get3A_1098 : vector<1x16xf32> to vector<16xf32>
        %get3A_1100 = arith.constant 10 : i32
        %get3A_1101 = arith.index_cast %get3A_1100 : i32 to index
        %get3A_1102 = arith.index_cast %mul3A_1062 : i32 to index
        %get3A_1103 = tpu.vector_load %arg10[%get3A_1101, %get3A_1102] {strides = array<i32>} : memref<32x1024xf32, #tpu.memory_space<vmem>>, vector<1x16xf32>,
        %get3A_1104 = vector.shape_cast %get3A_1103 : vector<1x16xf32> to vector<16xf32>
        %add3A_1105 = arith.addf %get3A_1104, %get3A_1099 : vector<16xf32>
        %swap3A_1106 = arith.constant 10 : i32
        %swap3A_1107 = arith.index_cast %swap3A_1106 : i32 to index
        %swap3A_1108 = arith.index_cast %mul3A_1062 : i32 to index
        %swap3A_1109 = tpu.vector_load %arg10[%swap3A_1107, %swap3A_1108] {strides = array<i32>} : memref<32x1024xf32, #tpu.memory_space<vmem>>, vector<1x16xf32>,
        %swap3A_1110 = vector.shape_cast %swap3A_1109 : vector<1x16xf32> to vector<16xf32>
        %swap3A_1111 = vector.shape_cast %add3A_1105 : vector<16xf32> to vector<1x16xf32>
        tpu.vector_store %arg10[%swap3A_1107, %swap3A_1108], %swap3A_1111 {strides = array<i32>} : memref<32x1024xf32, #tpu.memory_space<vmem>>, vector<1x16xf32>,
        %get3A_1112 = arith.constant 3 : i32
        %get3A_1113 = arith.index_cast %get3A_1112 : i32 to index
        %get3A_1114 = arith.index_cast %mul3A_1062 : i32 to index
        %get3A_1115 = tpu.vector_load %arg7[%get3A_1113, %get3A_1114] {strides = array<i32>} : memref<8x1024xf32, #tpu.memory_space<vmem>>, vector<1x16xf32>,
        %get3A_1116 = vector.shape_cast %get3A_1115 : vector<1x16xf32> to vector<16xf32>
        %get3A_1117 = arith.constant 11 : i32
        %get3A_1118 = arith.index_cast %get3A_1117 : i32 to index
        %get3A_1119 = arith.index_cast %mul3A_1062 : i32 to index
        %get3A_1120 = tpu.vector_load %arg10[%get3A_1118, %get3A_1119] {strides = array<i32>} : memref<32x1024xf32, #tpu.memory_space<vmem>>, vector<1x16xf32>,
        %get3A_1121 = vector.shape_cast %get3A_1120 : vector<1x16xf32> to vector<16xf32>
        %add3A_1122 = arith.addf %get3A_1121, %get3A_1116 : vector<16xf32>
        %swap3A_1123 = arith.constant 11 : i32
        %swap3A_1124 = arith.index_cast %swap3A_1123 : i32 to index
        %swap3A_1125 = arith.index_cast %mul3A_1062 : i32 to index
        %swap3A_1126 = tpu.vector_load %arg10[%swap3A_1124, %swap3A_1125] {strides = array<i32>} : memref<32x1024xf32, #tpu.memory_space<vmem>>, vector<1x16xf32>,
        %swap3A_1127 = vector.shape_cast %swap3A_1126 : vector<1x16xf32> to vector<16xf32>
        %swap3A_1128 = vector.shape_cast %add3A_1122 : vector<16xf32> to vector<1x16xf32>
        tpu.vector_store %arg10[%swap3A_1124, %swap3A_1125], %swap3A_1128 {strides = array<i32>} : memref<32x1024xf32, #tpu.memory_space<vmem>>, vector<1x16xf32>,
        %get3A_1129 = arith.constant 4 : i32
        %get3A_1130 = arith.index_cast %get3A_1129 : i32 to index
        %get3A_1131 = arith.index_cast %mul3A_1062 : i32 to index
        %get3A_1132 = tpu.vector_load %arg7[%get3A_1130, %get3A_1131] {strides = array<i32>} : memref<8x1024xf32, #tpu.memory_space<vmem>>, vector<1x16xf32>,
        %get3A_1133 = vector.shape_cast %get3A_1132 : vector<1x16xf32> to vector<16xf32>
        %get3A_1134 = arith.constant 12 : i32
        %get3A_1135 = arith.index_cast %get3A_1134 : i32 to index
        %get3A_1136 = arith.index_cast %mul3A_1062 : i32 to index
        %get3A_1137 = tpu.vector_load %arg10[%get3A_1135, %get3A_1136] {strides = array<i32>} : memref<32x1024xf32, #tpu.memory_space<vmem>>, vector<1x16xf32>,
        %get3A_1138 = vector.shape_cast %get3A_1137 : vector<1x16xf32> to vector<16xf32>
        %add3A_1139 = arith.addf %get3A_1138, %get3A_1133 : vector<16xf32>
        %swap3A_1140 = arith.constant 12 : i32
        %swap3A_1141 = arith.index_cast %swap3A_1140 : i32 to index
        %swap3A_1142 = arith.index_cast %mul3A_1062 : i32 to index
        %swap3A_1143 = tpu.vector_load %arg10[%swap3A_1141, %swap3A_1142] {strides = array<i32>} : memref<32x1024xf32, #tpu.memory_space<vmem>>, vector<1x16xf32>,
        %swap3A_1144 = vector.shape_cast %swap3A_1143 : vector<1x16xf32> to vector<16xf32>
        %swap3A_1145 = vector.shape_cast %add3A_1139 : vector<16xf32> to vector<1x16xf32>
        tpu.vector_store %arg10[%swap3A_1141, %swap3A_1142], %swap3A_1145 {strides = array<i32>} : memref<32x1024xf32, #tpu.memory_space<vmem>>, vector<1x16xf32>,
        %get3A_1146 = arith.constant 5 : i32
        %get3A_1147 = arith.index_cast %get3A_1146 : i32 to index
        %get3A_1148 = arith.index_cast %mul3A_1062 : i32 to index
        %get3A_1149 = tpu.vector_load %arg7[%get3A_1147, %get3A_1148] {strides = array<i32>} : memref<8x1024xf32, #tpu.memory_space<vmem>>, vector<1x16xf32>,
        %get3A_1150 = vector.shape_cast %get3A_1149 : vector<1x16xf32> to vector<16xf32>
        %get3A_1151 = arith.constant 13 : i32
        %get3A_1152 = arith.index_cast %get3A_1151 : i32 to index
        %get3A_1153 = arith.index_cast %mul3A_1062 : i32 to index
        %get3A_1154 = tpu.vector_load %arg10[%get3A_1152, %get3A_1153] {strides = array<i32>} : memref<32x1024xf32, #tpu.memory_space<vmem>>, vector<1x16xf32>,
        %get3A_1155 = vector.shape_cast %get3A_1154 : vector<1x16xf32> to vector<16xf32>
        %add3A_1156 = arith.addf %get3A_1155, %get3A_1150 : vector<16xf32>
        %swap3A_1157 = arith.constant 13 : i32
        %swap3A_1158 = arith.index_cast %swap3A_1157 : i32 to index
        %swap3A_1159 = arith.index_cast %mul3A_1062 : i32 to index
        %swap3A_1160 = tpu.vector_load %arg10[%swap3A_1158, %swap3A_1159] {strides = array<i32>} : memref<32x1024xf32, #tpu.memory_space<vmem>>, vector<1x16xf32>,
        %swap3A_1161 = vector.shape_cast %swap3A_1160 : vector<1x16xf32> to vector<16xf32>
        %swap3A_1162 = vector.shape_cast %add3A_1156 : vector<16xf32> to vector<1x16xf32>
        tpu.vector_store %arg10[%swap3A_1158, %swap3A_1159], %swap3A_1162 {strides = array<i32>} : memref<32x1024xf32, #tpu.memory_space<vmem>>, vector<1x16xf32>,
        %get3A_1163 = arith.constant 6 : i32
        %get3A_1164 = arith.index_cast %get3A_1163 : i32 to index
        %get3A_1165 = arith.index_cast %mul3A_1062 : i32 to index
        %get3A_1166 = tpu.vector_load %arg7[%get3A_1164, %get3A_1165] {strides = array<i32>} : memref<8x1024xf32, #tpu.memory_space<vmem>>, vector<1x16xf32>,
        %get3A_1167 = vector.shape_cast %get3A_1166 : vector<1x16xf32> to vector<16xf32>
        %get3A_1168 = arith.constant 14 : i32
        %get3A_1169 = arith.index_cast %get3A_1168 : i32 to index
        %get3A_1170 = arith.index_cast %mul3A_1062 : i32 to index
        %get3A_1171 = tpu.vector_load %arg10[%get3A_1169, %get3A_1170] {strides = array<i32>} : memref<32x1024xf32, #tpu.memory_space<vmem>>, vector<1x16xf32>,
        %get3A_1172 = vector.shape_cast %get3A_1171 : vector<1x16xf32> to vector<16xf32>
        %add3A_1173 = arith.addf %get3A_1172, %get3A_1167 : vector<16xf32>
        %swap3A_1174 = arith.constant 14 : i32
        %swap3A_1175 = arith.index_cast %swap3A_1174 : i32 to index
        %swap3A_1176 = arith.index_cast %mul3A_1062 : i32 to index
        %swap3A_1177 = tpu.vector_load %arg10[%swap3A_1175, %swap3A_1176] {strides = array<i32>} : memref<32x1024xf32, #tpu.memory_space<vmem>>, vector<1x16xf32>,
        %swap3A_1178 = vector.shape_cast %swap3A_1177 : vector<1x16xf32> to vector<16xf32>
        %swap3A_1179 = vector.shape_cast %add3A_1173 : vector<16xf32> to vector<1x16xf32>
        tpu.vector_store %arg10[%swap3A_1175, %swap3A_1176], %swap3A_1179 {strides = array<i32>} : memref<32x1024xf32, #tpu.memory_space<vmem>>, vector<1x16xf32>,
        %get3A_1180 = arith.constant 7 : i32
        %get3A_1181 = arith.index_cast %get3A_1180 : i32 to index
        %get3A_1182 = arith.index_cast %mul3A_1062 : i32 to index
        %get3A_1183 = tpu.vector_load %arg7[%get3A_1181, %get3A_1182] {strides = array<i32>} : memref<8x1024xf32, #tpu.memory_space<vmem>>, vector<1x16xf32>,
        %get3A_1184 = vector.shape_cast %get3A_1183 : vector<1x16xf32> to vector<16xf32>
        %get3A_1185 = arith.constant 15 : i32
        %get3A_1186 = arith.index_cast %get3A_1185 : i32 to index
        %get3A_1187 = arith.index_cast %mul3A_1062 : i32 to index
        %get3A_1188 = tpu.vector_load %arg10[%get3A_1186, %get3A_1187] {strides = array<i32>} : memref<32x1024xf32, #tpu.memory_space<vmem>>, vector<1x16xf32>,
        %get3A_1189 = vector.shape_cast %get3A_1188 : vector<1x16xf32> to vector<16xf32>
        %add3A_1190 = arith.addf %get3A_1189, %get3A_1184 : vector<16xf32>
        %swap3A_1191 = arith.constant 15 : i32
        %swap3A_1192 = arith.index_cast %swap3A_1191 : i32 to index
        %swap3A_1193 = arith.index_cast %mul3A_1062 : i32 to index
        %swap3A_1194 = tpu.vector_load %arg10[%swap3A_1192, %swap3A_1193] {strides = array<i32>} : memref<32x1024xf32, #tpu.memory_space<vmem>>, vector<1x16xf32>,
        %swap3A_1195 = vector.shape_cast %swap3A_1194 : vector<1x16xf32> to vector<16xf32>
        %swap3A_1196 = vector.shape_cast %add3A_1190 : vector<16xf32> to vector<1x16xf32>
        tpu.vector_store %arg10[%swap3A_1192, %swap3A_1193], %swap3A_1196 {strides = array<i32>} : memref<32x1024xf32, #tpu.memory_space<vmem>>, vector<1x16xf32>,
      }
      %scan3A_638 = arith.constant 64 : i32
      %add3A_639 = arith.constant 4096 : i32
      %add3A_640 = arith.addi %add3A_639, %add3A_574 : i32
      %dma_start3A_641 = arith.constant 0 : i32
      %dma_start3A_642 = arith.constant 8 : i32
      %dma_start3A_643 = arith.constant 0 : i32
      %dma_start3A_644 = tpu.memref_slice %arg10[%dma_start3A_642, %dma_start3A_643] : memref<32x1024xf32, #tpu.memory_space<vmem>> -> memref<8x1024xf32, #tpu.memory_space<vmem>>
      %dma_start3A_645 = arith.constant 0 : i32
      %dma_start3A_646 = tpu.memref_slice %arg5[%add3A_640, %dma_start3A_645] : memref<16384x1024xf32, #tpu.memory_space<hbm>> -> memref<8x1024xf32, #tpu.memory_space<hbm>>
      %dma_start3A_647 = tpu.memref_slice %arg16[%dma_start3A_641] : memref<3x!tpu.dma_semaphore, #tpu.memory_space<semaphore_mem>> -> memref<1x!tpu.dma_semaphore, #tpu.memory_space<semaphore_mem>>
      %dma_start3A_648 = tpu.memref_squeeze %dma_start3A_647 : memref<1x!tpu.dma_semaphore, #tpu.memory_space<semaphore_mem>> -> memref<!tpu.dma_semaphore, #tpu.memory_space<semaphore_mem>>
      %dma_start3A_649 = arith.constant 0 : i32
      %dma_start3A_650 = tpu.memref_slice %arg5[%add3A_640, %dma_start3A_649] : memref<16384x1024xf32, #tpu.memory_space<hbm>> -> memref<8x1024xf32, #tpu.memory_space<hbm>>
      %dma_start3A_651 = arith.constant 8 : i32
      %dma_start3A_652 = arith.constant 0 : i32
      %dma_start3A_653 = tpu.memref_slice %arg10[%dma_start3A_651, %dma_start3A_652] : memref<32x1024xf32, #tpu.memory_space<vmem>> -> memref<8x1024xf32, #tpu.memory_space<vmem>>
      tpu.enqueue_dma source(%dma_start3A_653 : memref<8x1024xf32, #tpu.memory_space<vmem>>) target(%dma_start3A_650 : memref<8x1024xf32, #tpu.memory_space<hbm>>) target_semaphore(%dma_start3A_648 : memref<!tpu.dma_semaphore, #tpu.memory_space<semaphore_mem>>)
      %add3A_654 = arith.constant 2 : i32
      %add3A_655 = arith.addi %add3A_571, %add3A_654 : i32
      %lt3A = arith.constant 16 : i32
      %lt3A_656 = arith.cmpi slt, %add3A_655, %lt3A : i32
      %convert_element_type3A = arith.extui %lt3A_656 : i1 to i32
      %cond3A = arith.constant 0 : i32
      %cond3A_657 = arith.cmpi ne, %convert_element_type3A, %cond3A : i32
      scf.if %cond3A_657 {
        %ge3A = arith.constant 1 : i32
        %ge3A_1060 = arith.cmpi sge, %add3A_571, %ge3A : i32
        %convert_element_type3A_1061 = arith.extui %ge3A_1060 : i1 to i32
        %cond3A_1062 = arith.constant 0 : i32
        %cond3A_1063 = arith.cmpi ne, %convert_element_type3A_1061, %cond3A_1062 : i32
        scf.if %cond3A_1063 {
          %sub3A = arith.constant 1 : i32
          %sub3A_1136 = arith.subi %add3A_571, %sub3A : i32
          %mul3A_1137 = arith.constant 8 : i32
          %mul3A_1138 = arith.muli %sub3A_1136, %mul3A_1137 : i32
          %add3A_1139 = arith.addi %mul3A_2, %mul3A_1138 : i32
          %add3A_1140 = arith.constant 0 : i32
          %add3A_1141 = arith.addi %add3A_1140, %add3A_1139 : i32
          %dma_wait3A_1142 = arith.constant 2 : i32
          %dma_wait3A_1143 = arith.constant 0 : i32
          %dma_wait3A_1144 = arith.constant 0 : i32
          %dma_wait3A_1145 = tpu.memref_slice %arg12[%dma_wait3A_1143, %dma_wait3A_1144] : memref<32x1024xf32, #tpu.memory_space<vmem>> -> memref<8x1024xf32, #tpu.memory_space<vmem>>
          %dma_wait3A_1146 = arith.constant 0 : i32
          %dma_wait3A_1147 = tpu.memref_slice %arg5[%add3A_1141, %dma_wait3A_1146] : memref<16384x1024xf32, #tpu.memory_space<hbm>> -> memref<8x1024xf32, #tpu.memory_space<hbm>>
          %dma_wait3A_1148 = tpu.memref_slice %arg16[%dma_wait3A_1142] : memref<3x!tpu.dma_semaphore, #tpu.memory_space<semaphore_mem>> -> memref<1x!tpu.dma_semaphore, #tpu.memory_space<semaphore_mem>>
          %dma_wait3A_1149 = tpu.memref_squeeze %dma_wait3A_1148 : memref<1x!tpu.dma_semaphore, #tpu.memory_space<semaphore_mem>> -> memref<!tpu.dma_semaphore, #tpu.memory_space<semaphore_mem>>
          %dma_wait3A_1150 = arith.constant 0 : i32
          %dma_wait3A_1151 = tpu.memref_slice %arg5[%add3A_1141, %dma_wait3A_1150] : memref<16384x1024xf32, #tpu.memory_space<hbm>> -> memref<8x1024xf32, #tpu.memory_space<hbm>>
          %dma_wait3A_1152 = arith.constant 0 : i32
          %dma_wait3A_1153 = arith.constant 0 : i32
          %dma_wait3A_1154 = tpu.memref_slice %arg12[%dma_wait3A_1152, %dma_wait3A_1153] : memref<32x1024xf32, #tpu.memory_space<vmem>> -> memref<8x1024xf32, #tpu.memory_space<vmem>>
          tpu.wait_dma2 semaphore(%dma_wait3A_1149 : memref<!tpu.dma_semaphore, #tpu.memory_space<semaphore_mem>>) src(%dma_wait3A_1154 : memref<8x1024xf32, #tpu.memory_space<vmem>>) dst(%dma_wait3A_1151 : memref<8x1024xf32, #tpu.memory_space<hbm>>)
          %add3A_1155 = arith.constant 4096 : i32
          %add3A_1156 = arith.addi %add3A_1155, %add3A_1139 : i32
          %dma_wait3A_1157 = arith.constant 2 : i32
          %dma_wait3A_1158 = arith.constant 8 : i32
          %dma_wait3A_1159 = arith.constant 0 : i32
          %dma_wait3A_1160 = tpu.memref_slice %arg12[%dma_wait3A_1158, %dma_wait3A_1159] : memref<32x1024xf32, #tpu.memory_space<vmem>> -> memref<8x1024xf32, #tpu.memory_space<vmem>>
          %dma_wait3A_1161 = arith.constant 0 : i32
          %dma_wait3A_1162 = tpu.memref_slice %arg5[%add3A_1156, %dma_wait3A_1161] : memref<16384x1024xf32, #tpu.memory_space<hbm>> -> memref<8x1024xf32, #tpu.memory_space<hbm>>
          %dma_wait3A_1163 = tpu.memref_slice %arg16[%dma_wait3A_1157] : memref<3x!tpu.dma_semaphore, #tpu.memory_space<semaphore_mem>> -> memref<1x!tpu.dma_semaphore, #tpu.memory_space<semaphore_mem>>
          %dma_wait3A_1164 = tpu.memref_squeeze %dma_wait3A_1163 : memref<1x!tpu.dma_semaphore, #tpu.memory_space<semaphore_mem>> -> memref<!tpu.dma_semaphore, #tpu.memory_space<semaphore_mem>>
          %dma_wait3A_1165 = arith.constant 0 : i32
          %dma_wait3A_1166 = tpu.memref_slice %arg5[%add3A_1156, %dma_wait3A_1165] : memref<16384x1024xf32, #tpu.memory_space<hbm>> -> memref<8x1024xf32, #tpu.memory_space<hbm>>
          %dma_wait3A_1167 = arith.constant 8 : i32
          %dma_wait3A_1168 = arith.constant 0 : i32
          %dma_wait3A_1169 = tpu.memref_slice %arg12[%dma_wait3A_1167, %dma_wait3A_1168] : memref<32x1024xf32, #tpu.memory_space<vmem>> -> memref<8x1024xf32, #tpu.memory_space<vmem>>
          tpu.wait_dma2 semaphore(%dma_wait3A_1164 : memref<!tpu.dma_semaphore, #tpu.memory_space<semaphore_mem>>) src(%dma_wait3A_1169 : memref<8x1024xf32, #tpu.memory_space<vmem>>) dst(%dma_wait3A_1166 : memref<8x1024xf32, #tpu.memory_space<hbm>>)
          %add3A_1170 = arith.constant 8192 : i32
          %add3A_1171 = arith.addi %add3A_1170, %add3A_1139 : i32
          %dma_wait3A_1172 = arith.constant 2 : i32
          %dma_wait3A_1173 = arith.constant 16 : i32
          %dma_wait3A_1174 = arith.constant 0 : i32
          %dma_wait3A_1175 = tpu.memref_slice %arg12[%dma_wait3A_1173, %dma_wait3A_1174] : memref<32x1024xf32, #tpu.memory_space<vmem>> -> memref<8x1024xf32, #tpu.memory_space<vmem>>
          %dma_wait3A_1176 = arith.constant 0 : i32
          %dma_wait3A_1177 = tpu.memref_slice %arg5[%add3A_1171, %dma_wait3A_1176] : memref<16384x1024xf32, #tpu.memory_space<hbm>> -> memref<8x1024xf32, #tpu.memory_space<hbm>>
          %dma_wait3A_1178 = tpu.memref_slice %arg16[%dma_wait3A_1172] : memref<3x!tpu.dma_semaphore, #tpu.memory_space<semaphore_mem>> -> memref<1x!tpu.dma_semaphore, #tpu.memory_space<semaphore_mem>>
          %dma_wait3A_1179 = tpu.memref_squeeze %dma_wait3A_1178 : memref<1x!tpu.dma_semaphore, #tpu.memory_space<semaphore_mem>> -> memref<!tpu.dma_semaphore, #tpu.memory_space<semaphore_mem>>
          %dma_wait3A_1180 = arith.constant 0 : i32
          %dma_wait3A_1181 = tpu.memref_slice %arg5[%add3A_1171, %dma_wait3A_1180] : memref<16384x1024xf32, #tpu.memory_space<hbm>> -> memref<8x1024xf32, #tpu.memory_space<hbm>>
          %dma_wait3A_1182 = arith.constant 16 : i32
          %dma_wait3A_1183 = arith.constant 0 : i32
          %dma_wait3A_1184 = tpu.memref_slice %arg12[%dma_wait3A_1182, %dma_wait3A_1183] : memref<32x1024xf32, #tpu.memory_space<vmem>> -> memref<8x1024xf32, #tpu.memory_space<vmem>>
          tpu.wait_dma2 semaphore(%dma_wait3A_1179 : memref<!tpu.dma_semaphore, #tpu.memory_space<semaphore_mem>>) src(%dma_wait3A_1184 : memref<8x1024xf32, #tpu.memory_space<vmem>>) dst(%dma_wait3A_1181 : memref<8x1024xf32, #tpu.memory_space<hbm>>)
          %add3A_1185 = arith.constant 12288 : i32
          %add3A_1186 = arith.addi %add3A_1185, %add3A_1139 : i32
          %dma_wait3A_1187 = arith.constant 2 : i32
          %dma_wait3A_1188 = arith.constant 24 : i32
          %dma_wait3A_1189 = arith.constant 0 : i32
          %dma_wait3A_1190 = tpu.memref_slice %arg12[%dma_wait3A_1188, %dma_wait3A_1189] : memref<32x1024xf32, #tpu.memory_space<vmem>> -> memref<8x1024xf32, #tpu.memory_space<vmem>>
          %dma_wait3A_1191 = arith.constant 0 : i32
          %dma_wait3A_1192 = tpu.memref_slice %arg5[%add3A_1186, %dma_wait3A_1191] : memref<16384x1024xf32, #tpu.memory_space<hbm>> -> memref<8x1024xf32, #tpu.memory_space<hbm>>
          %dma_wait3A_1193 = tpu.memref_slice %arg16[%dma_wait3A_1187] : memref<3x!tpu.dma_semaphore, #tpu.memory_space<semaphore_mem>> -> memref<1x!tpu.dma_semaphore, #tpu.memory_space<semaphore_mem>>
          %dma_wait3A_1194 = tpu.memref_squeeze %dma_wait3A_1193 : memref<1x!tpu.dma_semaphore, #tpu.memory_space<semaphore_mem>> -> memref<!tpu.dma_semaphore, #tpu.memory_space<semaphore_mem>>
          %dma_wait3A_1195 = arith.constant 0 : i32
          %dma_wait3A_1196 = tpu.memref_slice %arg5[%add3A_1186, %dma_wait3A_1195] : memref<16384x1024xf32, #tpu.memory_space<hbm>> -> memref<8x1024xf32, #tpu.memory_space<hbm>>
          %dma_wait3A_1197 = arith.constant 24 : i32
          %dma_wait3A_1198 = arith.constant 0 : i32
          %dma_wait3A_1199 = tpu.memref_slice %arg12[%dma_wait3A_1197, %dma_wait3A_1198] : memref<32x1024xf32, #tpu.memory_space<vmem>> -> memref<8x1024xf32, #tpu.memory_space<vmem>>
          tpu.wait_dma2 semaphore(%dma_wait3A_1194 : memref<!tpu.dma_semaphore, #tpu.memory_space<semaphore_mem>>) src(%dma_wait3A_1199 : memref<8x1024xf32, #tpu.memory_space<vmem>>) dst(%dma_wait3A_1196 : memref<8x1024xf32, #tpu.memory_space<hbm>>)
        } else {
        }
        %add3A_1064 = arith.constant 2 : i32
        %add3A_1065 = arith.addi %add3A_571, %add3A_1064 : i32
        %mul3A_1066 = arith.constant 8 : i32
        %mul3A_1067 = arith.muli %add3A_1065, %mul3A_1066 : i32
        %add3A_1068 = arith.addi %mul3A_2, %mul3A_1067 : i32
        %dma_start3A_1069 = arith.constant 2 : i32
        %dma_start3A_1070 = arith.constant 0 : i32
        %dma_start3A_1071 = tpu.memref_slice %arg4[%add3A_1068, %dma_start3A_1070] : memref<8192x1024xf32, #tpu.memory_space<hbm>> -> memref<8x1024xf32, #tpu.memory_space<hbm>>
        %dma_start3A_1072 = tpu.memref_slice %arg14[%dma_start3A_1069] : memref<3x!tpu.dma_semaphore, #tpu.memory_space<semaphore_mem>> -> memref<1x!tpu.dma_semaphore, #tpu.memory_space<semaphore_mem>>
        %dma_start3A_1073 = tpu.memref_squeeze %dma_start3A_1072 : memref<1x!tpu.dma_semaphore, #tpu.memory_space<semaphore_mem>> -> memref<!tpu.dma_semaphore, #tpu.memory_space<semaphore_mem>>
        %dma_start3A_1074 = arith.constant 0 : i32
        %dma_start3A_1075 = tpu.memref_slice %arg4[%add3A_1068, %dma_start3A_1074] : memref<8192x1024xf32, #tpu.memory_space<hbm>> -> memref<8x1024xf32, #tpu.memory_space<hbm>>
        tpu.enqueue_dma source(%dma_start3A_1075 : memref<8x1024xf32, #tpu.memory_space<hbm>>) target(%arg9 : memref<8x1024xf32, #tpu.memory_space<vmem>>) target_semaphore(%dma_start3A_1073 : memref<!tpu.dma_semaphore, #tpu.memory_space<semaphore_mem>>)
        %mul3A_1076 = arith.constant 8 : i32
        %mul3A_1077 = arith.muli %add3A_1065, %mul3A_1076 : i32
        %dma_start3A_1078 = arith.constant 0 : i32
        %dma_start3A_1079 = arith.constant 2 : i32
        %dma_start3A_1080 = arith.constant 0 : i32
        %dma_start3A_1081 = arith.constant 0 : i32
        %dma_start3A_1082 = arith.constant 0 : i32
        %dma_start3A_1083 = tpu.memref_slice %arg12[%dma_start3A_1081, %dma_start3A_1082] : memref<32x1024xf32, #tpu.memory_space<vmem>> -> memref<8x1024xf32, #tpu.memory_space<vmem>>
        %dma_start3A_1084 = tpu.memref_slice %arg6[%dma_start3A_1078, %mul3A_1077] : memref<4x128xi32, #tpu.memory_space<vmem>> -> memref<1x8xi32, #tpu.memory_space<vmem>>
        %dma_start3A_1085 = tpu.memref_squeeze %dma_start3A_1084 : memref<1x8xi32, #tpu.memory_space<vmem>> -> memref<8xi32, #tpu.memory_space<vmem>>
        %dma_start3A_1086 = arith.constant 0 : i32
        %dma_start3A_1087 = arith.constant 0 : i32
        %dma_start3A_1088 = tpu.memref_slice %arg3[%dma_start3A_1086, %dma_start3A_1087] : memref<100000x1024xf32, #tpu.memory_space<hbm>> -> memref<100000x1024xf32, #tpu.memory_space<hbm>>
        %dma_start3A_1089 = tpu.memref_slice %arg15[%dma_start3A_1079, %dma_start3A_1080] : memref<3x4x!tpu.dma_semaphore, #tpu.memory_space<semaphore_mem>> -> memref<1x1x!tpu.dma_semaphore, #tpu.memory_space<semaphore_mem>>
        %dma_start3A_1090 = tpu.memref_squeeze %dma_start3A_1089 : memref<1x1x!tpu.dma_semaphore, #tpu.memory_space<semaphore_mem>> -> memref<!tpu.dma_semaphore, #tpu.memory_space<semaphore_mem>>
        tpu.enqueue_indirect_dma source(%dma_start3A_1088 : memref<100000x1024xf32, #tpu.memory_space<hbm>>) target(%dma_start3A_1083 : memref<8x1024xf32, #tpu.memory_space<vmem>>) offsets(%dma_start3A_1085 : memref<8xi32, #tpu.memory_space<vmem>>) semaphore(%dma_start3A_1090 : memref<!tpu.dma_semaphore, #tpu.memory_space<semaphore_mem>>)
        %mul3A_1091 = arith.constant 8 : i32
        %mul3A_1092 = arith.muli %add3A_1065, %mul3A_1091 : i32
        %dma_start3A_1093 = arith.constant 1 : i32
        %dma_start3A_1094 = arith.constant 2 : i32
        %dma_start3A_1095 = arith.constant 1 : i32
        %dma_start3A_1096 = arith.constant 8 : i32
        %dma_start3A_1097 = arith.constant 0 : i32
        %dma_start3A_1098 = tpu.memref_slice %arg12[%dma_start3A_1096, %dma_start3A_1097] : memref<32x1024xf32, #tpu.memory_space<vmem>> -> memref<8x1024xf32, #tpu.memory_space<vmem>>
        %dma_start3A_1099 = tpu.memref_slice %arg6[%dma_start3A_1093, %mul3A_1092] : memref<4x128xi32, #tpu.memory_space<vmem>> -> memref<1x8xi32, #tpu.memory_space<vmem>>
        %dma_start3A_1100 = tpu.memref_squeeze %dma_start3A_1099 : memref<1x8xi32, #tpu.memory_space<vmem>> -> memref<8xi32, #tpu.memory_space<vmem>>
        %dma_start3A_1101 = arith.constant 0 : i32
        %dma_start3A_1102 = arith.constant 0 : i32
        %dma_start3A_1103 = tpu.memref_slice %arg3[%dma_start3A_1101, %dma_start3A_1102] : memref<100000x1024xf32, #tpu.memory_space<hbm>> -> memref<100000x1024xf32, #tpu.memory_space<hbm>>
        %dma_start3A_1104 = tpu.memref_slice %arg15[%dma_start3A_1094, %dma_start3A_1095] : memref<3x4x!tpu.dma_semaphore, #tpu.memory_space<semaphore_mem>> -> memref<1x1x!tpu.dma_semaphore, #tpu.memory_space<semaphore_mem>>
        %dma_start3A_1105 = tpu.memref_squeeze %dma_start3A_1104 : memref<1x1x!tpu.dma_semaphore, #tpu.memory_space<semaphore_mem>> -> memref<!tpu.dma_semaphore, #tpu.memory_space<semaphore_mem>>
        tpu.enqueue_indirect_dma source(%dma_start3A_1103 : memref<100000x1024xf32, #tpu.memory_space<hbm>>) target(%dma_start3A_1098 : memref<8x1024xf32, #tpu.memory_space<vmem>>) offsets(%dma_start3A_1100 : memref<8xi32, #tpu.memory_space<vmem>>) semaphore(%dma_start3A_1105 : memref<!tpu.dma_semaphore, #tpu.memory_space<semaphore_mem>>)
        %mul3A_1106 = arith.constant 8 : i32
        %mul3A_1107 = arith.muli %add3A_1065, %mul3A_1106 : i32
        %dma_start3A_1108 = arith.constant 2 : i32
        %dma_start3A_1109 = arith.constant 2 : i32
        %dma_start3A_1110 = arith.constant 2 : i32
        %dma_start3A_1111 = arith.constant 16 : i32
        %dma_start3A_1112 = arith.constant 0 : i32
        %dma_start3A_1113 = tpu.memref_slice %arg12[%dma_start3A_1111, %dma_start3A_1112] : memref<32x1024xf32, #tpu.memory_space<vmem>> -> memref<8x1024xf32, #tpu.memory_space<vmem>>
        %dma_start3A_1114 = tpu.memref_slice %arg6[%dma_start3A_1108, %mul3A_1107] : memref<4x128xi32, #tpu.memory_space<vmem>> -> memref<1x8xi32, #tpu.memory_space<vmem>>
        %dma_start3A_1115 = tpu.memref_squeeze %dma_start3A_1114 : memref<1x8xi32, #tpu.memory_space<vmem>> -> memref<8xi32, #tpu.memory_space<vmem>>
        %dma_start3A_1116 = arith.constant 0 : i32
        %dma_start3A_1117 = arith.constant 0 : i32
        %dma_start3A_1118 = tpu.memref_slice %arg3[%dma_start3A_1116, %dma_start3A_1117] : memref<100000x1024xf32, #tpu.memory_space<hbm>> -> memref<100000x1024xf32, #tpu.memory_space<hbm>>
        %dma_start3A_1119 = tpu.memref_slice %arg15[%dma_start3A_1109, %dma_start3A_1110] : memref<3x4x!tpu.dma_semaphore, #tpu.memory_space<semaphore_mem>> -> memref<1x1x!tpu.dma_semaphore, #tpu.memory_space<semaphore_mem>>
        %dma_start3A_1120 = tpu.memref_squeeze %dma_start3A_1119 : memref<1x1x!tpu.dma_semaphore, #tpu.memory_space<semaphore_mem>> -> memref<!tpu.dma_semaphore, #tpu.memory_space<semaphore_mem>>
        tpu.enqueue_indirect_dma source(%dma_start3A_1118 : memref<100000x1024xf32, #tpu.memory_space<hbm>>) target(%dma_start3A_1113 : memref<8x1024xf32, #tpu.memory_space<vmem>>) offsets(%dma_start3A_1115 : memref<8xi32, #tpu.memory_space<vmem>>) semaphore(%dma_start3A_1120 : memref<!tpu.dma_semaphore, #tpu.memory_space<semaphore_mem>>)
        %mul3A_1121 = arith.constant 8 : i32
        %mul3A_1122 = arith.muli %add3A_1065, %mul3A_1121 : i32
        %dma_start3A_1123 = arith.constant 3 : i32
        %dma_start3A_1124 = arith.constant 2 : i32
        %dma_start3A_1125 = arith.constant 3 : i32
        %dma_start3A_1126 = arith.constant 24 : i32
        %dma_start3A_1127 = arith.constant 0 : i32
        %dma_start3A_1128 = tpu.memref_slice %arg12[%dma_start3A_1126, %dma_start3A_1127] : memref<32x1024xf32, #tpu.memory_space<vmem>> -> memref<8x1024xf32, #tpu.memory_space<vmem>>
        %dma_start3A_1129 = tpu.memref_slice %arg6[%dma_start3A_1123, %mul3A_1122] : memref<4x128xi32, #tpu.memory_space<vmem>> -> memref<1x8xi32, #tpu.memory_space<vmem>>
        %dma_start3A_1130 = tpu.memref_squeeze %dma_start3A_1129 : memref<1x8xi32, #tpu.memory_space<vmem>> -> memref<8xi32, #tpu.memory_space<vmem>>
        %dma_start3A_1131 = arith.constant 0 : i32
        %dma_start3A_1132 = arith.constant 0 : i32
        %dma_start3A_1133 = tpu.memref_slice %arg3[%dma_start3A_1131, %dma_start3A_1132] : memref<100000x1024xf32, #tpu.memory_space<hbm>> -> memref<100000x1024xf32, #tpu.memory_space<hbm>>
        %dma_start3A_1134 = tpu.memref_slice %arg15[%dma_start3A_1124, %dma_start3A_1125] : memref<3x4x!tpu.dma_semaphore, #tpu.memory_space<semaphore_mem>> -> memref<1x1x!tpu.dma_semaphore, #tpu.memory_space<semaphore_mem>>
        %dma_start3A_1135 = tpu.memref_squeeze %dma_start3A_1134 : memref<1x1x!tpu.dma_semaphore, #tpu.memory_space<semaphore_mem>> -> memref<!tpu.dma_semaphore, #tpu.memory_space<semaphore_mem>>
        tpu.enqueue_indirect_dma source(%dma_start3A_1133 : memref<100000x1024xf32, #tpu.memory_space<hbm>>) target(%dma_start3A_1128 : memref<8x1024xf32, #tpu.memory_space<vmem>>) offsets(%dma_start3A_1130 : memref<8xi32, #tpu.memory_space<vmem>>) semaphore(%dma_start3A_1135 : memref<!tpu.dma_semaphore, #tpu.memory_space<semaphore_mem>>)
      } else {
      }
      %mul3A_658 = arith.constant 8 : i32
      %mul3A_659 = arith.muli %add3A_571, %mul3A_658 : i32
      %dma_wait3A_660 = arith.constant 2 : i32
      %dma_wait3A_661 = arith.constant 0 : i32
      %dma_wait3A_662 = arith.constant 2 : i32
      %dma_wait3A_663 = arith.constant 16 : i32
      %dma_wait3A_664 = arith.constant 0 : i32
      %dma_wait3A_665 = tpu.memref_slice %arg10[%dma_wait3A_663, %dma_wait3A_664] : memref<32x1024xf32, #tpu.memory_space<vmem>> -> memref<8x1024xf32, #tpu.memory_space<vmem>>
      %dma_wait3A_666 = tpu.memref_slice %arg6[%dma_wait3A_660, %mul3A_659] : memref<4x128xi32, #tpu.memory_space<vmem>> -> memref<1x8xi32, #tpu.memory_space<vmem>>
      %dma_wait3A_667 = tpu.memref_squeeze %dma_wait3A_666 : memref<1x8xi32, #tpu.memory_space<vmem>> -> memref<8xi32, #tpu.memory_space<vmem>>
      %dma_wait3A_668 = arith.constant 0 : i32
      %dma_wait3A_669 = arith.constant 0 : i32
      %dma_wait3A_670 = tpu.memref_slice %arg3[%dma_wait3A_668, %dma_wait3A_669] : memref<100000x1024xf32, #tpu.memory_space<hbm>> -> memref<100000x1024xf32, #tpu.memory_space<hbm>>
      %dma_wait3A_671 = tpu.memref_slice %arg15[%dma_wait3A_661, %dma_wait3A_662] : memref<3x4x!tpu.dma_semaphore, #tpu.memory_space<semaphore_mem>> -> memref<1x1x!tpu.dma_semaphore, #tpu.memory_space<semaphore_mem>>
      %dma_wait3A_672 = tpu.memref_squeeze %dma_wait3A_671 : memref<1x1x!tpu.dma_semaphore, #tpu.memory_space<semaphore_mem>> -> memref<!tpu.dma_semaphore, #tpu.memory_space<semaphore_mem>>
      tpu.wait_indirect_dma semaphore(%dma_wait3A_672 : memref<!tpu.dma_semaphore, #tpu.memory_space<semaphore_mem>>) src(%dma_wait3A_670 : memref<100000x1024xf32, #tpu.memory_space<hbm>>) dst(%dma_wait3A_665 : memref<8x1024xf32, #tpu.memory_space<vmem>>)
      %scan3A_673 = arith.constant 0 : i32
      %scan3A_674 = arith.constant 0 : i32
      %scan3A_675 = arith.constant 64 : i32
      %scan3A_676 = arith.addi %scan3A_674, %scan3A_675 : i32
      %scan3A_677 = arith.constant 1 : i32
      scf.for %scan3A_1060 = %scan3A_674 to %scan3A_676 step %scan3A_677  : i32 {
        %mul3A_1061 = arith.constant 16 : i32
        %mul3A_1062 = arith.muli %scan3A_1060, %mul3A_1061 : i32
        %get3A = arith.constant 0 : i32
        %get3A_1063 = arith.index_cast %get3A : i32 to index
        %get3A_1064 = arith.index_cast %mul3A_1062 : i32 to index
        %get3A_1065 = tpu.vector_load %arg7[%get3A_1063, %get3A_1064] {strides = array<i32>} : memref<8x1024xf32, #tpu.memory_space<vmem>>, vector<1x16xf32>,
        %get3A_1066 = vector.shape_cast %get3A_1065 : vector<1x16xf32> to vector<16xf32>
        %get3A_1067 = arith.constant 16 : i32
        %get3A_1068 = arith.index_cast %get3A_1067 : i32 to index
        %get3A_1069 = arith.index_cast %mul3A_1062 : i32 to index
        %get3A_1070 = tpu.vector_load %arg10[%get3A_1068, %get3A_1069] {strides = array<i32>} : memref<32x1024xf32, #tpu.memory_space<vmem>>, vector<1x16xf32>,
        %get3A_1071 = vector.shape_cast %get3A_1070 : vector<1x16xf32> to vector<16xf32>
        %add3A_1072 = arith.addf %get3A_1071, %get3A_1066 : vector<16xf32>
        %swap3A = arith.constant 16 : i32
        %swap3A_1073 = arith.index_cast %swap3A : i32 to index
        %swap3A_1074 = arith.index_cast %mul3A_1062 : i32 to index
        %swap3A_1075 = tpu.vector_load %arg10[%swap3A_1073, %swap3A_1074] {strides = array<i32>} : memref<32x1024xf32, #tpu.memory_space<vmem>>, vector<1x16xf32>,
        %swap3A_1076 = vector.shape_cast %swap3A_1075 : vector<1x16xf32> to vector<16xf32>
        %swap3A_1077 = vector.shape_cast %add3A_1072 : vector<16xf32> to vector<1x16xf32>
        tpu.vector_store %arg10[%swap3A_1073, %swap3A_1074], %swap3A_1077 {strides = array<i32>} : memref<32x1024xf32, #tpu.memory_space<vmem>>, vector<1x16xf32>,
        %get3A_1078 = arith.constant 1 : i32
        %get3A_1079 = arith.index_cast %get3A_1078 : i32 to index
        %get3A_1080 = arith.index_cast %mul3A_1062 : i32 to index
        %get3A_1081 = tpu.vector_load %arg7[%get3A_1079, %get3A_1080] {strides = array<i32>} : memref<8x1024xf32, #tpu.memory_space<vmem>>, vector<1x16xf32>,
        %get3A_1082 = vector.shape_cast %get3A_1081 : vector<1x16xf32> to vector<16xf32>
        %get3A_1083 = arith.constant 17 : i32
        %get3A_1084 = arith.index_cast %get3A_1083 : i32 to index
        %get3A_1085 = arith.index_cast %mul3A_1062 : i32 to index
        %get3A_1086 = tpu.vector_load %arg10[%get3A_1084, %get3A_1085] {strides = array<i32>} : memref<32x1024xf32, #tpu.memory_space<vmem>>, vector<1x16xf32>,
        %get3A_1087 = vector.shape_cast %get3A_1086 : vector<1x16xf32> to vector<16xf32>
        %add3A_1088 = arith.addf %get3A_1087, %get3A_1082 : vector<16xf32>
        %swap3A_1089 = arith.constant 17 : i32
        %swap3A_1090 = arith.index_cast %swap3A_1089 : i32 to index
        %swap3A_1091 = arith.index_cast %mul3A_1062 : i32 to index
        %swap3A_1092 = tpu.vector_load %arg10[%swap3A_1090, %swap3A_1091] {strides = array<i32>} : memref<32x1024xf32, #tpu.memory_space<vmem>>, vector<1x16xf32>,
        %swap3A_1093 = vector.shape_cast %swap3A_1092 : vector<1x16xf32> to vector<16xf32>
        %swap3A_1094 = vector.shape_cast %add3A_1088 : vector<16xf32> to vector<1x16xf32>
        tpu.vector_store %arg10[%swap3A_1090, %swap3A_1091], %swap3A_1094 {strides = array<i32>} : memref<32x1024xf32, #tpu.memory_space<vmem>>, vector<1x16xf32>,
        %get3A_1095 = arith.constant 2 : i32
        %get3A_1096 = arith.index_cast %get3A_1095 : i32 to index
        %get3A_1097 = arith.index_cast %mul3A_1062 : i32 to index
        %get3A_1098 = tpu.vector_load %arg7[%get3A_1096, %get3A_1097] {strides = array<i32>} : memref<8x1024xf32, #tpu.memory_space<vmem>>, vector<1x16xf32>,
        %get3A_1099 = vector.shape_cast %get3A_1098 : vector<1x16xf32> to vector<16xf32>
        %get3A_1100 = arith.constant 18 : i32
        %get3A_1101 = arith.index_cast %get3A_1100 : i32 to index
        %get3A_1102 = arith.index_cast %mul3A_1062 : i32 to index
        %get3A_1103 = tpu.vector_load %arg10[%get3A_1101, %get3A_1102] {strides = array<i32>} : memref<32x1024xf32, #tpu.memory_space<vmem>>, vector<1x16xf32>,
        %get3A_1104 = vector.shape_cast %get3A_1103 : vector<1x16xf32> to vector<16xf32>
        %add3A_1105 = arith.addf %get3A_1104, %get3A_1099 : vector<16xf32>
        %swap3A_1106 = arith.constant 18 : i32
        %swap3A_1107 = arith.index_cast %swap3A_1106 : i32 to index
        %swap3A_1108 = arith.index_cast %mul3A_1062 : i32 to index
        %swap3A_1109 = tpu.vector_load %arg10[%swap3A_1107, %swap3A_1108] {strides = array<i32>} : memref<32x1024xf32, #tpu.memory_space<vmem>>, vector<1x16xf32>,
        %swap3A_1110 = vector.shape_cast %swap3A_1109 : vector<1x16xf32> to vector<16xf32>
        %swap3A_1111 = vector.shape_cast %add3A_1105 : vector<16xf32> to vector<1x16xf32>
        tpu.vector_store %arg10[%swap3A_1107, %swap3A_1108], %swap3A_1111 {strides = array<i32>} : memref<32x1024xf32, #tpu.memory_space<vmem>>, vector<1x16xf32>,
        %get3A_1112 = arith.constant 3 : i32
        %get3A_1113 = arith.index_cast %get3A_1112 : i32 to index
        %get3A_1114 = arith.index_cast %mul3A_1062 : i32 to index
        %get3A_1115 = tpu.vector_load %arg7[%get3A_1113, %get3A_1114] {strides = array<i32>} : memref<8x1024xf32, #tpu.memory_space<vmem>>, vector<1x16xf32>,
        %get3A_1116 = vector.shape_cast %get3A_1115 : vector<1x16xf32> to vector<16xf32>
        %get3A_1117 = arith.constant 19 : i32
        %get3A_1118 = arith.index_cast %get3A_1117 : i32 to index
        %get3A_1119 = arith.index_cast %mul3A_1062 : i32 to index
        %get3A_1120 = tpu.vector_load %arg10[%get3A_1118, %get3A_1119] {strides = array<i32>} : memref<32x1024xf32, #tpu.memory_space<vmem>>, vector<1x16xf32>,
        %get3A_1121 = vector.shape_cast %get3A_1120 : vector<1x16xf32> to vector<16xf32>
        %add3A_1122 = arith.addf %get3A_1121, %get3A_1116 : vector<16xf32>
        %swap3A_1123 = arith.constant 19 : i32
        %swap3A_1124 = arith.index_cast %swap3A_1123 : i32 to index
        %swap3A_1125 = arith.index_cast %mul3A_1062 : i32 to index
        %swap3A_1126 = tpu.vector_load %arg10[%swap3A_1124, %swap3A_1125] {strides = array<i32>} : memref<32x1024xf32, #tpu.memory_space<vmem>>, vector<1x16xf32>,
        %swap3A_1127 = vector.shape_cast %swap3A_1126 : vector<1x16xf32> to vector<16xf32>
        %swap3A_1128 = vector.shape_cast %add3A_1122 : vector<16xf32> to vector<1x16xf32>
        tpu.vector_store %arg10[%swap3A_1124, %swap3A_1125], %swap3A_1128 {strides = array<i32>} : memref<32x1024xf32, #tpu.memory_space<vmem>>, vector<1x16xf32>,
        %get3A_1129 = arith.constant 4 : i32
        %get3A_1130 = arith.index_cast %get3A_1129 : i32 to index
        %get3A_1131 = arith.index_cast %mul3A_1062 : i32 to index
        %get3A_1132 = tpu.vector_load %arg7[%get3A_1130, %get3A_1131] {strides = array<i32>} : memref<8x1024xf32, #tpu.memory_space<vmem>>, vector<1x16xf32>,
        %get3A_1133 = vector.shape_cast %get3A_1132 : vector<1x16xf32> to vector<16xf32>
        %get3A_1134 = arith.constant 20 : i32
        %get3A_1135 = arith.index_cast %get3A_1134 : i32 to index
        %get3A_1136 = arith.index_cast %mul3A_1062 : i32 to index
        %get3A_1137 = tpu.vector_load %arg10[%get3A_1135, %get3A_1136] {strides = array<i32>} : memref<32x1024xf32, #tpu.memory_space<vmem>>, vector<1x16xf32>,
        %get3A_1138 = vector.shape_cast %get3A_1137 : vector<1x16xf32> to vector<16xf32>
        %add3A_1139 = arith.addf %get3A_1138, %get3A_1133 : vector<16xf32>
        %swap3A_1140 = arith.constant 20 : i32
        %swap3A_1141 = arith.index_cast %swap3A_1140 : i32 to index
        %swap3A_1142 = arith.index_cast %mul3A_1062 : i32 to index
        %swap3A_1143 = tpu.vector_load %arg10[%swap3A_1141, %swap3A_1142] {strides = array<i32>} : memref<32x1024xf32, #tpu.memory_space<vmem>>, vector<1x16xf32>,
        %swap3A_1144 = vector.shape_cast %swap3A_1143 : vector<1x16xf32> to vector<16xf32>
        %swap3A_1145 = vector.shape_cast %add3A_1139 : vector<16xf32> to vector<1x16xf32>
        tpu.vector_store %arg10[%swap3A_1141, %swap3A_1142], %swap3A_1145 {strides = array<i32>} : memref<32x1024xf32, #tpu.memory_space<vmem>>, vector<1x16xf32>,
        %get3A_1146 = arith.constant 5 : i32
        %get3A_1147 = arith.index_cast %get3A_1146 : i32 to index
        %get3A_1148 = arith.index_cast %mul3A_1062 : i32 to index
        %get3A_1149 = tpu.vector_load %arg7[%get3A_1147, %get3A_1148] {strides = array<i32>} : memref<8x1024xf32, #tpu.memory_space<vmem>>, vector<1x16xf32>,
        %get3A_1150 = vector.shape_cast %get3A_1149 : vector<1x16xf32> to vector<16xf32>
        %get3A_1151 = arith.constant 21 : i32
        %get3A_1152 = arith.index_cast %get3A_1151 : i32 to index
        %get3A_1153 = arith.index_cast %mul3A_1062 : i32 to index
        %get3A_1154 = tpu.vector_load %arg10[%get3A_1152, %get3A_1153] {strides = array<i32>} : memref<32x1024xf32, #tpu.memory_space<vmem>>, vector<1x16xf32>,
        %get3A_1155 = vector.shape_cast %get3A_1154 : vector<1x16xf32> to vector<16xf32>
        %add3A_1156 = arith.addf %get3A_1155, %get3A_1150 : vector<16xf32>
        %swap3A_1157 = arith.constant 21 : i32
        %swap3A_1158 = arith.index_cast %swap3A_1157 : i32 to index
        %swap3A_1159 = arith.index_cast %mul3A_1062 : i32 to index
        %swap3A_1160 = tpu.vector_load %arg10[%swap3A_1158, %swap3A_1159] {strides = array<i32>} : memref<32x1024xf32, #tpu.memory_space<vmem>>, vector<1x16xf32>,
        %swap3A_1161 = vector.shape_cast %swap3A_1160 : vector<1x16xf32> to vector<16xf32>
        %swap3A_1162 = vector.shape_cast %add3A_1156 : vector<16xf32> to vector<1x16xf32>
        tpu.vector_store %arg10[%swap3A_1158, %swap3A_1159], %swap3A_1162 {strides = array<i32>} : memref<32x1024xf32, #tpu.memory_space<vmem>>, vector<1x16xf32>,
        %get3A_1163 = arith.constant 6 : i32
        %get3A_1164 = arith.index_cast %get3A_1163 : i32 to index
        %get3A_1165 = arith.index_cast %mul3A_1062 : i32 to index
        %get3A_1166 = tpu.vector_load %arg7[%get3A_1164, %get3A_1165] {strides = array<i32>} : memref<8x1024xf32, #tpu.memory_space<vmem>>, vector<1x16xf32>,
        %get3A_1167 = vector.shape_cast %get3A_1166 : vector<1x16xf32> to vector<16xf32>
        %get3A_1168 = arith.constant 22 : i32
        %get3A_1169 = arith.index_cast %get3A_1168 : i32 to index
        %get3A_1170 = arith.index_cast %mul3A_1062 : i32 to index
        %get3A_1171 = tpu.vector_load %arg10[%get3A_1169, %get3A_1170] {strides = array<i32>} : memref<32x1024xf32, #tpu.memory_space<vmem>>, vector<1x16xf32>,
        %get3A_1172 = vector.shape_cast %get3A_1171 : vector<1x16xf32> to vector<16xf32>
        %add3A_1173 = arith.addf %get3A_1172, %get3A_1167 : vector<16xf32>
        %swap3A_1174 = arith.constant 22 : i32
        %swap3A_1175 = arith.index_cast %swap3A_1174 : i32 to index
        %swap3A_1176 = arith.index_cast %mul3A_1062 : i32 to index
        %swap3A_1177 = tpu.vector_load %arg10[%swap3A_1175, %swap3A_1176] {strides = array<i32>} : memref<32x1024xf32, #tpu.memory_space<vmem>>, vector<1x16xf32>,
        %swap3A_1178 = vector.shape_cast %swap3A_1177 : vector<1x16xf32> to vector<16xf32>
        %swap3A_1179 = vector.shape_cast %add3A_1173 : vector<16xf32> to vector<1x16xf32>
        tpu.vector_store %arg10[%swap3A_1175, %swap3A_1176], %swap3A_1179 {strides = array<i32>} : memref<32x1024xf32, #tpu.memory_space<vmem>>, vector<1x16xf32>,
        %get3A_1180 = arith.constant 7 : i32
        %get3A_1181 = arith.index_cast %get3A_1180 : i32 to index
        %get3A_1182 = arith.index_cast %mul3A_1062 : i32 to index
        %get3A_1183 = tpu.vector_load %arg7[%get3A_1181, %get3A_1182] {strides = array<i32>} : memref<8x1024xf32, #tpu.memory_space<vmem>>, vector<1x16xf32>,
        %get3A_1184 = vector.shape_cast %get3A_1183 : vector<1x16xf32> to vector<16xf32>
        %get3A_1185 = arith.constant 23 : i32
        %get3A_1186 = arith.index_cast %get3A_1185 : i32 to index
        %get3A_1187 = arith.index_cast %mul3A_1062 : i32 to index
        %get3A_1188 = tpu.vector_load %arg10[%get3A_1186, %get3A_1187] {strides = array<i32>} : memref<32x1024xf32, #tpu.memory_space<vmem>>, vector<1x16xf32>,
        %get3A_1189 = vector.shape_cast %get3A_1188 : vector<1x16xf32> to vector<16xf32>
        %add3A_1190 = arith.addf %get3A_1189, %get3A_1184 : vector<16xf32>
        %swap3A_1191 = arith.constant 23 : i32
        %swap3A_1192 = arith.index_cast %swap3A_1191 : i32 to index
        %swap3A_1193 = arith.index_cast %mul3A_1062 : i32 to index
        %swap3A_1194 = tpu.vector_load %arg10[%swap3A_1192, %swap3A_1193] {strides = array<i32>} : memref<32x1024xf32, #tpu.memory_space<vmem>>, vector<1x16xf32>,
        %swap3A_1195 = vector.shape_cast %swap3A_1194 : vector<1x16xf32> to vector<16xf32>
        %swap3A_1196 = vector.shape_cast %add3A_1190 : vector<16xf32> to vector<1x16xf32>
        tpu.vector_store %arg10[%swap3A_1192, %swap3A_1193], %swap3A_1196 {strides = array<i32>} : memref<32x1024xf32, #tpu.memory_space<vmem>>, vector<1x16xf32>,
      }
      %scan3A_678 = arith.constant 64 : i32
      %add3A_679 = arith.constant 8192 : i32
      %add3A_680 = arith.addi %add3A_679, %add3A_574 : i32
      %dma_start3A_681 = arith.constant 0 : i32
      %dma_start3A_682 = arith.constant 16 : i32
      %dma_start3A_683 = arith.constant 0 : i32
      %dma_start3A_684 = tpu.memref_slice %arg10[%dma_start3A_682, %dma_start3A_683] : memref<32x1024xf32, #tpu.memory_space<vmem>> -> memref<8x1024xf32, #tpu.memory_space<vmem>>
      %dma_start3A_685 = arith.constant 0 : i32
      %dma_start3A_686 = tpu.memref_slice %arg5[%add3A_680, %dma_start3A_685] : memref<16384x1024xf32, #tpu.memory_space<hbm>> -> memref<8x1024xf32, #tpu.memory_space<hbm>>
      %dma_start3A_687 = tpu.memref_slice %arg16[%dma_start3A_681] : memref<3x!tpu.dma_semaphore, #tpu.memory_space<semaphore_mem>> -> memref<1x!tpu.dma_semaphore, #tpu.memory_space<semaphore_mem>>
      %dma_start3A_688 = tpu.memref_squeeze %dma_start3A_687 : memref<1x!tpu.dma_semaphore, #tpu.memory_space<semaphore_mem>> -> memref<!tpu.dma_semaphore, #tpu.memory_space<semaphore_mem>>
      %dma_start3A_689 = arith.constant 0 : i32
      %dma_start3A_690 = tpu.memref_slice %arg5[%add3A_680, %dma_start3A_689] : memref<16384x1024xf32, #tpu.memory_space<hbm>> -> memref<8x1024xf32, #tpu.memory_space<hbm>>
      %dma_start3A_691 = arith.constant 16 : i32
      %dma_start3A_692 = arith.constant 0 : i32
      %dma_start3A_693 = tpu.memref_slice %arg10[%dma_start3A_691, %dma_start3A_692] : memref<32x1024xf32, #tpu.memory_space<vmem>> -> memref<8x1024xf32, #tpu.memory_space<vmem>>
      tpu.enqueue_dma source(%dma_start3A_693 : memref<8x1024xf32, #tpu.memory_space<vmem>>) target(%dma_start3A_690 : memref<8x1024xf32, #tpu.memory_space<hbm>>) target_semaphore(%dma_start3A_688 : memref<!tpu.dma_semaphore, #tpu.memory_space<semaphore_mem>>)
      %mul3A_694 = arith.constant 8 : i32
      %mul3A_695 = arith.muli %add3A_571, %mul3A_694 : i32
      %dma_wait3A_696 = arith.constant 3 : i32
      %dma_wait3A_697 = arith.constant 0 : i32
      %dma_wait3A_698 = arith.constant 3 : i32
      %dma_wait3A_699 = arith.constant 24 : i32
      %dma_wait3A_700 = arith.constant 0 : i32
      %dma_wait3A_701 = tpu.memref_slice %arg10[%dma_wait3A_699, %dma_wait3A_700] : memref<32x1024xf32, #tpu.memory_space<vmem>> -> memref<8x1024xf32, #tpu.memory_space<vmem>>
      %dma_wait3A_702 = tpu.memref_slice %arg6[%dma_wait3A_696, %mul3A_695] : memref<4x128xi32, #tpu.memory_space<vmem>> -> memref<1x8xi32, #tpu.memory_space<vmem>>
      %dma_wait3A_703 = tpu.memref_squeeze %dma_wait3A_702 : memref<1x8xi32, #tpu.memory_space<vmem>> -> memref<8xi32, #tpu.memory_space<vmem>>
      %dma_wait3A_704 = arith.constant 0 : i32
      %dma_wait3A_705 = arith.constant 0 : i32
      %dma_wait3A_706 = tpu.memref_slice %arg3[%dma_wait3A_704, %dma_wait3A_705] : memref<100000x1024xf32, #tpu.memory_space<hbm>> -> memref<100000x1024xf32, #tpu.memory_space<hbm>>
      %dma_wait3A_707 = tpu.memref_slice %arg15[%dma_wait3A_697, %dma_wait3A_698] : memref<3x4x!tpu.dma_semaphore, #tpu.memory_space<semaphore_mem>> -> memref<1x1x!tpu.dma_semaphore, #tpu.memory_space<semaphore_mem>>
      %dma_wait3A_708 = tpu.memref_squeeze %dma_wait3A_707 : memref<1x1x!tpu.dma_semaphore, #tpu.memory_space<semaphore_mem>> -> memref<!tpu.dma_semaphore, #tpu.memory_space<semaphore_mem>>
      tpu.wait_indirect_dma semaphore(%dma_wait3A_708 : memref<!tpu.dma_semaphore, #tpu.memory_space<semaphore_mem>>) src(%dma_wait3A_706 : memref<100000x1024xf32, #tpu.memory_space<hbm>>) dst(%dma_wait3A_701 : memref<8x1024xf32, #tpu.memory_space<vmem>>)
      %scan3A_709 = arith.constant 0 : i32
      %scan3A_710 = arith.constant 0 : i32
      %scan3A_711 = arith.constant 64 : i32
      %scan3A_712 = arith.addi %scan3A_710, %scan3A_711 : i32
      %scan3A_713 = arith.constant 1 : i32
      scf.for %scan3A_1060 = %scan3A_710 to %scan3A_712 step %scan3A_713  : i32 {
        %mul3A_1061 = arith.constant 16 : i32
        %mul3A_1062 = arith.muli %scan3A_1060, %mul3A_1061 : i32
        %get3A = arith.constant 0 : i32
        %get3A_1063 = arith.index_cast %get3A : i32 to index
        %get3A_1064 = arith.index_cast %mul3A_1062 : i32 to index
        %get3A_1065 = tpu.vector_load %arg7[%get3A_1063, %get3A_1064] {strides = array<i32>} : memref<8x1024xf32, #tpu.memory_space<vmem>>, vector<1x16xf32>,
        %get3A_1066 = vector.shape_cast %get3A_1065 : vector<1x16xf32> to vector<16xf32>
        %get3A_1067 = arith.constant 24 : i32
        %get3A_1068 = arith.index_cast %get3A_1067 : i32 to index
        %get3A_1069 = arith.index_cast %mul3A_1062 : i32 to index
        %get3A_1070 = tpu.vector_load %arg10[%get3A_1068, %get3A_1069] {strides = array<i32>} : memref<32x1024xf32, #tpu.memory_space<vmem>>, vector<1x16xf32>,
        %get3A_1071 = vector.shape_cast %get3A_1070 : vector<1x16xf32> to vector<16xf32>
        %add3A_1072 = arith.addf %get3A_1071, %get3A_1066 : vector<16xf32>
        %swap3A = arith.constant 24 : i32
        %swap3A_1073 = arith.index_cast %swap3A : i32 to index
        %swap3A_1074 = arith.index_cast %mul3A_1062 : i32 to index
        %swap3A_1075 = tpu.vector_load %arg10[%swap3A_1073, %swap3A_1074] {strides = array<i32>} : memref<32x1024xf32, #tpu.memory_space<vmem>>, vector<1x16xf32>,
        %swap3A_1076 = vector.shape_cast %swap3A_1075 : vector<1x16xf32> to vector<16xf32>
        %swap3A_1077 = vector.shape_cast %add3A_1072 : vector<16xf32> to vector<1x16xf32>
        tpu.vector_store %arg10[%swap3A_1073, %swap3A_1074], %swap3A_1077 {strides = array<i32>} : memref<32x1024xf32, #tpu.memory_space<vmem>>, vector<1x16xf32>,
        %get3A_1078 = arith.constant 1 : i32
        %get3A_1079 = arith.index_cast %get3A_1078 : i32 to index
        %get3A_1080 = arith.index_cast %mul3A_1062 : i32 to index
        %get3A_1081 = tpu.vector_load %arg7[%get3A_1079, %get3A_1080] {strides = array<i32>} : memref<8x1024xf32, #tpu.memory_space<vmem>>, vector<1x16xf32>,
        %get3A_1082 = vector.shape_cast %get3A_1081 : vector<1x16xf32> to vector<16xf32>
        %get3A_1083 = arith.constant 25 : i32
        %get3A_1084 = arith.index_cast %get3A_1083 : i32 to index
        %get3A_1085 = arith.index_cast %mul3A_1062 : i32 to index
        %get3A_1086 = tpu.vector_load %arg10[%get3A_1084, %get3A_1085] {strides = array<i32>} : memref<32x1024xf32, #tpu.memory_space<vmem>>, vector<1x16xf32>,
        %get3A_1087 = vector.shape_cast %get3A_1086 : vector<1x16xf32> to vector<16xf32>
        %add3A_1088 = arith.addf %get3A_1087, %get3A_1082 : vector<16xf32>
        %swap3A_1089 = arith.constant 25 : i32
        %swap3A_1090 = arith.index_cast %swap3A_1089 : i32 to index
        %swap3A_1091 = arith.index_cast %mul3A_1062 : i32 to index
        %swap3A_1092 = tpu.vector_load %arg10[%swap3A_1090, %swap3A_1091] {strides = array<i32>} : memref<32x1024xf32, #tpu.memory_space<vmem>>, vector<1x16xf32>,
        %swap3A_1093 = vector.shape_cast %swap3A_1092 : vector<1x16xf32> to vector<16xf32>
        %swap3A_1094 = vector.shape_cast %add3A_1088 : vector<16xf32> to vector<1x16xf32>
        tpu.vector_store %arg10[%swap3A_1090, %swap3A_1091], %swap3A_1094 {strides = array<i32>} : memref<32x1024xf32, #tpu.memory_space<vmem>>, vector<1x16xf32>,
        %get3A_1095 = arith.constant 2 : i32
        %get3A_1096 = arith.index_cast %get3A_1095 : i32 to index
        %get3A_1097 = arith.index_cast %mul3A_1062 : i32 to index
        %get3A_1098 = tpu.vector_load %arg7[%get3A_1096, %get3A_1097] {strides = array<i32>} : memref<8x1024xf32, #tpu.memory_space<vmem>>, vector<1x16xf32>,
        %get3A_1099 = vector.shape_cast %get3A_1098 : vector<1x16xf32> to vector<16xf32>
        %get3A_1100 = arith.constant 26 : i32
        %get3A_1101 = arith.index_cast %get3A_1100 : i32 to index
        %get3A_1102 = arith.index_cast %mul3A_1062 : i32 to index
        %get3A_1103 = tpu.vector_load %arg10[%get3A_1101, %get3A_1102] {strides = array<i32>} : memref<32x1024xf32, #tpu.memory_space<vmem>>, vector<1x16xf32>,
        %get3A_1104 = vector.shape_cast %get3A_1103 : vector<1x16xf32> to vector<16xf32>
        %add3A_1105 = arith.addf %get3A_1104, %get3A_1099 : vector<16xf32>
        %swap3A_1106 = arith.constant 26 : i32
        %swap3A_1107 = arith.index_cast %swap3A_1106 : i32 to index
        %swap3A_1108 = arith.index_cast %mul3A_1062 : i32 to index
        %swap3A_1109 = tpu.vector_load %arg10[%swap3A_1107, %swap3A_1108] {strides = array<i32>} : memref<32x1024xf32, #tpu.memory_space<vmem>>, vector<1x16xf32>,
        %swap3A_1110 = vector.shape_cast %swap3A_1109 : vector<1x16xf32> to vector<16xf32>
        %swap3A_1111 = vector.shape_cast %add3A_1105 : vector<16xf32> to vector<1x16xf32>
        tpu.vector_store %arg10[%swap3A_1107, %swap3A_1108], %swap3A_1111 {strides = array<i32>} : memref<32x1024xf32, #tpu.memory_space<vmem>>, vector<1x16xf32>,
        %get3A_1112 = arith.constant 3 : i32
        %get3A_1113 = arith.index_cast %get3A_1112 : i32 to index
        %get3A_1114 = arith.index_cast %mul3A_1062 : i32 to index
        %get3A_1115 = tpu.vector_load %arg7[%get3A_1113, %get3A_1114] {strides = array<i32>} : memref<8x1024xf32, #tpu.memory_space<vmem>>, vector<1x16xf32>,
        %get3A_1116 = vector.shape_cast %get3A_1115 : vector<1x16xf32> to vector<16xf32>
        %get3A_1117 = arith.constant 27 : i32
        %get3A_1118 = arith.index_cast %get3A_1117 : i32 to index
        %get3A_1119 = arith.index_cast %mul3A_1062 : i32 to index
        %get3A_1120 = tpu.vector_load %arg10[%get3A_1118, %get3A_1119] {strides = array<i32>} : memref<32x1024xf32, #tpu.memory_space<vmem>>, vector<1x16xf32>,
        %get3A_1121 = vector.shape_cast %get3A_1120 : vector<1x16xf32> to vector<16xf32>
        %add3A_1122 = arith.addf %get3A_1121, %get3A_1116 : vector<16xf32>
        %swap3A_1123 = arith.constant 27 : i32
        %swap3A_1124 = arith.index_cast %swap3A_1123 : i32 to index
        %swap3A_1125 = arith.index_cast %mul3A_1062 : i32 to index
        %swap3A_1126 = tpu.vector_load %arg10[%swap3A_1124, %swap3A_1125] {strides = array<i32>} : memref<32x1024xf32, #tpu.memory_space<vmem>>, vector<1x16xf32>,
        %swap3A_1127 = vector.shape_cast %swap3A_1126 : vector<1x16xf32> to vector<16xf32>
        %swap3A_1128 = vector.shape_cast %add3A_1122 : vector<16xf32> to vector<1x16xf32>
        tpu.vector_store %arg10[%swap3A_1124, %swap3A_1125], %swap3A_1128 {strides = array<i32>} : memref<32x1024xf32, #tpu.memory_space<vmem>>, vector<1x16xf32>,
        %get3A_1129 = arith.constant 4 : i32
        %get3A_1130 = arith.index_cast %get3A_1129 : i32 to index
        %get3A_1131 = arith.index_cast %mul3A_1062 : i32 to index
        %get3A_1132 = tpu.vector_load %arg7[%get3A_1130, %get3A_1131] {strides = array<i32>} : memref<8x1024xf32, #tpu.memory_space<vmem>>, vector<1x16xf32>,
        %get3A_1133 = vector.shape_cast %get3A_1132 : vector<1x16xf32> to vector<16xf32>
        %get3A_1134 = arith.constant 28 : i32
        %get3A_1135 = arith.index_cast %get3A_1134 : i32 to index
        %get3A_1136 = arith.index_cast %mul3A_1062 : i32 to index
        %get3A_1137 = tpu.vector_load %arg10[%get3A_1135, %get3A_1136] {strides = array<i32>} : memref<32x1024xf32, #tpu.memory_space<vmem>>, vector<1x16xf32>,
        %get3A_1138 = vector.shape_cast %get3A_1137 : vector<1x16xf32> to vector<16xf32>
        %add3A_1139 = arith.addf %get3A_1138, %get3A_1133 : vector<16xf32>
        %swap3A_1140 = arith.constant 28 : i32
        %swap3A_1141 = arith.index_cast %swap3A_1140 : i32 to index
        %swap3A_1142 = arith.index_cast %mul3A_1062 : i32 to index
        %swap3A_1143 = tpu.vector_load %arg10[%swap3A_1141, %swap3A_1142] {strides = array<i32>} : memref<32x1024xf32, #tpu.memory_space<vmem>>, vector<1x16xf32>,
        %swap3A_1144 = vector.shape_cast %swap3A_1143 : vector<1x16xf32> to vector<16xf32>
        %swap3A_1145 = vector.shape_cast %add3A_1139 : vector<16xf32> to vector<1x16xf32>
        tpu.vector_store %arg10[%swap3A_1141, %swap3A_1142], %swap3A_1145 {strides = array<i32>} : memref<32x1024xf32, #tpu.memory_space<vmem>>, vector<1x16xf32>,
        %get3A_1146 = arith.constant 5 : i32
        %get3A_1147 = arith.index_cast %get3A_1146 : i32 to index
        %get3A_1148 = arith.index_cast %mul3A_1062 : i32 to index
        %get3A_1149 = tpu.vector_load %arg7[%get3A_1147, %get3A_1148] {strides = array<i32>} : memref<8x1024xf32, #tpu.memory_space<vmem>>, vector<1x16xf32>,
        %get3A_1150 = vector.shape_cast %get3A_1149 : vector<1x16xf32> to vector<16xf32>
        %get3A_1151 = arith.constant 29 : i32
        %get3A_1152 = arith.index_cast %get3A_1151 : i32 to index
        %get3A_1153 = arith.index_cast %mul3A_1062 : i32 to index
        %get3A_1154 = tpu.vector_load %arg10[%get3A_1152, %get3A_1153] {strides = array<i32>} : memref<32x1024xf32, #tpu.memory_space<vmem>>, vector<1x16xf32>,
        %get3A_1155 = vector.shape_cast %get3A_1154 : vector<1x16xf32> to vector<16xf32>
        %add3A_1156 = arith.addf %get3A_1155, %get3A_1150 : vector<16xf32>
        %swap3A_1157 = arith.constant 29 : i32
        %swap3A_1158 = arith.index_cast %swap3A_1157 : i32 to index
        %swap3A_1159 = arith.index_cast %mul3A_1062 : i32 to index
        %swap3A_1160 = tpu.vector_load %arg10[%swap3A_1158, %swap3A_1159] {strides = array<i32>} : memref<32x1024xf32, #tpu.memory_space<vmem>>, vector<1x16xf32>,
        %swap3A_1161 = vector.shape_cast %swap3A_1160 : vector<1x16xf32> to vector<16xf32>
        %swap3A_1162 = vector.shape_cast %add3A_1156 : vector<16xf32> to vector<1x16xf32>
        tpu.vector_store %arg10[%swap3A_1158, %swap3A_1159], %swap3A_1162 {strides = array<i32>} : memref<32x1024xf32, #tpu.memory_space<vmem>>, vector<1x16xf32>,
        %get3A_1163 = arith.constant 6 : i32
        %get3A_1164 = arith.index_cast %get3A_1163 : i32 to index
        %get3A_1165 = arith.index_cast %mul3A_1062 : i32 to index
        %get3A_1166 = tpu.vector_load %arg7[%get3A_1164, %get3A_1165] {strides = array<i32>} : memref<8x1024xf32, #tpu.memory_space<vmem>>, vector<1x16xf32>,
        %get3A_1167 = vector.shape_cast %get3A_1166 : vector<1x16xf32> to vector<16xf32>
        %get3A_1168 = arith.constant 30 : i32
        %get3A_1169 = arith.index_cast %get3A_1168 : i32 to index
        %get3A_1170 = arith.index_cast %mul3A_1062 : i32 to index
        %get3A_1171 = tpu.vector_load %arg10[%get3A_1169, %get3A_1170] {strides = array<i32>} : memref<32x1024xf32, #tpu.memory_space<vmem>>, vector<1x16xf32>,
        %get3A_1172 = vector.shape_cast %get3A_1171 : vector<1x16xf32> to vector<16xf32>
        %add3A_1173 = arith.addf %get3A_1172, %get3A_1167 : vector<16xf32>
        %swap3A_1174 = arith.constant 30 : i32
        %swap3A_1175 = arith.index_cast %swap3A_1174 : i32 to index
        %swap3A_1176 = arith.index_cast %mul3A_1062 : i32 to index
        %swap3A_1177 = tpu.vector_load %arg10[%swap3A_1175, %swap3A_1176] {strides = array<i32>} : memref<32x1024xf32, #tpu.memory_space<vmem>>, vector<1x16xf32>,
        %swap3A_1178 = vector.shape_cast %swap3A_1177 : vector<1x16xf32> to vector<16xf32>
        %swap3A_1179 = vector.shape_cast %add3A_1173 : vector<16xf32> to vector<1x16xf32>
        tpu.vector_store %arg10[%swap3A_1175, %swap3A_1176], %swap3A_1179 {strides = array<i32>} : memref<32x1024xf32, #tpu.memory_space<vmem>>, vector<1x16xf32>,
        %get3A_1180 = arith.constant 7 : i32
        %get3A_1181 = arith.index_cast %get3A_1180 : i32 to index
        %get3A_1182 = arith.index_cast %mul3A_1062 : i32 to index
        %get3A_1183 = tpu.vector_load %arg7[%get3A_1181, %get3A_1182] {strides = array<i32>} : memref<8x1024xf32, #tpu.memory_space<vmem>>, vector<1x16xf32>,
        %get3A_1184 = vector.shape_cast %get3A_1183 : vector<1x16xf32> to vector<16xf32>
        %get3A_1185 = arith.constant 31 : i32
        %get3A_1186 = arith.index_cast %get3A_1185 : i32 to index
        %get3A_1187 = arith.index_cast %mul3A_1062 : i32 to index
        %get3A_1188 = tpu.vector_load %arg10[%get3A_1186, %get3A_1187] {strides = array<i32>} : memref<32x1024xf32, #tpu.memory_space<vmem>>, vector<1x16xf32>,
        %get3A_1189 = vector.shape_cast %get3A_1188 : vector<1x16xf32> to vector<16xf32>
        %add3A_1190 = arith.addf %get3A_1189, %get3A_1184 : vector<16xf32>
        %swap3A_1191 = arith.constant 31 : i32
        %swap3A_1192 = arith.index_cast %swap3A_1191 : i32 to index
        %swap3A_1193 = arith.index_cast %mul3A_1062 : i32 to index
        %swap3A_1194 = tpu.vector_load %arg10[%swap3A_1192, %swap3A_1193] {strides = array<i32>} : memref<32x1024xf32, #tpu.memory_space<vmem>>, vector<1x16xf32>,
        %swap3A_1195 = vector.shape_cast %swap3A_1194 : vector<1x16xf32> to vector<16xf32>
        %swap3A_1196 = vector.shape_cast %add3A_1190 : vector<16xf32> to vector<1x16xf32>
        tpu.vector_store %arg10[%swap3A_1192, %swap3A_1193], %swap3A_1196 {strides = array<i32>} : memref<32x1024xf32, #tpu.memory_space<vmem>>, vector<1x16xf32>,
      }
      %scan3A_714 = arith.constant 64 : i32
      %add3A_715 = arith.constant 12288 : i32
      %add3A_716 = arith.addi %add3A_715, %add3A_574 : i32
      %dma_start3A_717 = arith.constant 0 : i32
      %dma_start3A_718 = arith.constant 24 : i32
      %dma_start3A_719 = arith.constant 0 : i32
      %dma_start3A_720 = tpu.memref_slice %arg10[%dma_start3A_718, %dma_start3A_719] : memref<32x1024xf32, #tpu.memory_space<vmem>> -> memref<8x1024xf32, #tpu.memory_space<vmem>>
      %dma_start3A_721 = arith.constant 0 : i32
      %dma_start3A_722 = tpu.memref_slice %arg5[%add3A_716, %dma_start3A_721] : memref<16384x1024xf32, #tpu.memory_space<hbm>> -> memref<8x1024xf32, #tpu.memory_space<hbm>>
      %dma_start3A_723 = tpu.memref_slice %arg16[%dma_start3A_717] : memref<3x!tpu.dma_semaphore, #tpu.memory_space<semaphore_mem>> -> memref<1x!tpu.dma_semaphore, #tpu.memory_space<semaphore_mem>>
      %dma_start3A_724 = tpu.memref_squeeze %dma_start3A_723 : memref<1x!tpu.dma_semaphore, #tpu.memory_space<semaphore_mem>> -> memref<!tpu.dma_semaphore, #tpu.memory_space<semaphore_mem>>
      %dma_start3A_725 = arith.constant 0 : i32
      %dma_start3A_726 = tpu.memref_slice %arg5[%add3A_716, %dma_start3A_725] : memref<16384x1024xf32, #tpu.memory_space<hbm>> -> memref<8x1024xf32, #tpu.memory_space<hbm>>
      %dma_start3A_727 = arith.constant 24 : i32
      %dma_start3A_728 = arith.constant 0 : i32
      %dma_start3A_729 = tpu.memref_slice %arg10[%dma_start3A_727, %dma_start3A_728] : memref<32x1024xf32, #tpu.memory_space<vmem>> -> memref<8x1024xf32, #tpu.memory_space<vmem>>
      tpu.enqueue_dma source(%dma_start3A_729 : memref<8x1024xf32, #tpu.memory_space<vmem>>) target(%dma_start3A_726 : memref<8x1024xf32, #tpu.memory_space<hbm>>) target_semaphore(%dma_start3A_724 : memref<!tpu.dma_semaphore, #tpu.memory_space<semaphore_mem>>)
      %mul3A_730 = arith.constant 3 : i32
      %mul3A_731 = arith.muli %scan3A_567, %mul3A_730 : i32
      %add3A_732 = arith.constant 1 : i32
      %add3A_733 = arith.addi %mul3A_731, %add3A_732 : i32
      %mul3A_734 = arith.constant 8 : i32
      %mul3A_735 = arith.muli %add3A_733, %mul3A_734 : i32
      %add3A_736 = arith.addi %mul3A_2, %mul3A_735 : i32
      %dma_wait3A_737 = arith.constant 1 : i32
      %dma_wait3A_738 = arith.constant 0 : i32
      %dma_wait3A_739 = tpu.memref_slice %arg4[%add3A_736, %dma_wait3A_738] : memref<8192x1024xf32, #tpu.memory_space<hbm>> -> memref<8x1024xf32, #tpu.memory_space<hbm>>
      %dma_wait3A_740 = tpu.memref_slice %arg14[%dma_wait3A_737] : memref<3x!tpu.dma_semaphore, #tpu.memory_space<semaphore_mem>> -> memref<1x!tpu.dma_semaphore, #tpu.memory_space<semaphore_mem>>
      %dma_wait3A_741 = tpu.memref_squeeze %dma_wait3A_740 : memref<1x!tpu.dma_semaphore, #tpu.memory_space<semaphore_mem>> -> memref<!tpu.dma_semaphore, #tpu.memory_space<semaphore_mem>>
      %dma_wait3A_742 = arith.constant 0 : i32
      %dma_wait3A_743 = tpu.memref_slice %arg4[%add3A_736, %dma_wait3A_742] : memref<8192x1024xf32, #tpu.memory_space<hbm>> -> memref<8x1024xf32, #tpu.memory_space<hbm>>
      tpu.wait_dma2 semaphore(%dma_wait3A_741 : memref<!tpu.dma_semaphore, #tpu.memory_space<semaphore_mem>>) src(%dma_wait3A_743 : memref<8x1024xf32, #tpu.memory_space<hbm>>) dst(%arg8 : memref<8x1024xf32, #tpu.memory_space<vmem>>)
      %mul3A_744 = arith.constant 8 : i32
      %mul3A_745 = arith.muli %add3A_733, %mul3A_744 : i32
      %dma_wait3A_746 = arith.constant 0 : i32
      %dma_wait3A_747 = arith.constant 1 : i32
      %dma_wait3A_748 = arith.constant 0 : i32
      %dma_wait3A_749 = arith.constant 0 : i32
      %dma_wait3A_750 = arith.constant 0 : i32
      %dma_wait3A_751 = tpu.memref_slice %arg11[%dma_wait3A_749, %dma_wait3A_750] : memref<32x1024xf32, #tpu.memory_space<vmem>> -> memref<8x1024xf32, #tpu.memory_space<vmem>>
      %dma_wait3A_752 = tpu.memref_slice %arg6[%dma_wait3A_746, %mul3A_745] : memref<4x128xi32, #tpu.memory_space<vmem>> -> memref<1x8xi32, #tpu.memory_space<vmem>>
      %dma_wait3A_753 = tpu.memref_squeeze %dma_wait3A_752 : memref<1x8xi32, #tpu.memory_space<vmem>> -> memref<8xi32, #tpu.memory_space<vmem>>
      %dma_wait3A_754 = arith.constant 0 : i32
      %dma_wait3A_755 = arith.constant 0 : i32
      %dma_wait3A_756 = tpu.memref_slice %arg3[%dma_wait3A_754, %dma_wait3A_755] : memref<100000x1024xf32, #tpu.memory_space<hbm>> -> memref<100000x1024xf32, #tpu.memory_space<hbm>>
      %dma_wait3A_757 = tpu.memref_slice %arg15[%dma_wait3A_747, %dma_wait3A_748] : memref<3x4x!tpu.dma_semaphore, #tpu.memory_space<semaphore_mem>> -> memref<1x1x!tpu.dma_semaphore, #tpu.memory_space<semaphore_mem>>
      %dma_wait3A_758 = tpu.memref_squeeze %dma_wait3A_757 : memref<1x1x!tpu.dma_semaphore, #tpu.memory_space<semaphore_mem>> -> memref<!tpu.dma_semaphore, #tpu.memory_space<semaphore_mem>>
      tpu.wait_indirect_dma semaphore(%dma_wait3A_758 : memref<!tpu.dma_semaphore, #tpu.memory_space<semaphore_mem>>) src(%dma_wait3A_756 : memref<100000x1024xf32, #tpu.memory_space<hbm>>) dst(%dma_wait3A_751 : memref<8x1024xf32, #tpu.memory_space<vmem>>)
      %scan3A_759 = arith.constant 0 : i32
      %scan3A_760 = arith.constant 0 : i32
      %scan3A_761 = arith.constant 64 : i32
      %scan3A_762 = arith.addi %scan3A_760, %scan3A_761 : i32
      %scan3A_763 = arith.constant 1 : i32
      scf.for %scan3A_1060 = %scan3A_760 to %scan3A_762 step %scan3A_763  : i32 {
        %mul3A_1061 = arith.constant 16 : i32
        %mul3A_1062 = arith.muli %scan3A_1060, %mul3A_1061 : i32
        %get3A = arith.constant 0 : i32
        %get3A_1063 = arith.index_cast %get3A : i32 to index
        %get3A_1064 = arith.index_cast %mul3A_1062 : i32 to index
        %get3A_1065 = tpu.vector_load %arg8[%get3A_1063, %get3A_1064] {strides = array<i32>} : memref<8x1024xf32, #tpu.memory_space<vmem>>, vector<1x16xf32>,
        %get3A_1066 = vector.shape_cast %get3A_1065 : vector<1x16xf32> to vector<16xf32>
        %get3A_1067 = arith.constant 0 : i32
        %get3A_1068 = arith.index_cast %get3A_1067 : i32 to index
        %get3A_1069 = arith.index_cast %mul3A_1062 : i32 to index
        %get3A_1070 = tpu.vector_load %arg11[%get3A_1068, %get3A_1069] {strides = array<i32>} : memref<32x1024xf32, #tpu.memory_space<vmem>>, vector<1x16xf32>,
        %get3A_1071 = vector.shape_cast %get3A_1070 : vector<1x16xf32> to vector<16xf32>
        %add3A_1072 = arith.addf %get3A_1071, %get3A_1066 : vector<16xf32>
        %swap3A = arith.constant 0 : i32
        %swap3A_1073 = arith.index_cast %swap3A : i32 to index
        %swap3A_1074 = arith.index_cast %mul3A_1062 : i32 to index
        %swap3A_1075 = tpu.vector_load %arg11[%swap3A_1073, %swap3A_1074] {strides = array<i32>} : memref<32x1024xf32, #tpu.memory_space<vmem>>, vector<1x16xf32>,
        %swap3A_1076 = vector.shape_cast %swap3A_1075 : vector<1x16xf32> to vector<16xf32>
        %swap3A_1077 = vector.shape_cast %add3A_1072 : vector<16xf32> to vector<1x16xf32>
        tpu.vector_store %arg11[%swap3A_1073, %swap3A_1074], %swap3A_1077 {strides = array<i32>} : memref<32x1024xf32, #tpu.memory_space<vmem>>, vector<1x16xf32>,
        %get3A_1078 = arith.constant 1 : i32
        %get3A_1079 = arith.index_cast %get3A_1078 : i32 to index
        %get3A_1080 = arith.index_cast %mul3A_1062 : i32 to index
        %get3A_1081 = tpu.vector_load %arg8[%get3A_1079, %get3A_1080] {strides = array<i32>} : memref<8x1024xf32, #tpu.memory_space<vmem>>, vector<1x16xf32>,
        %get3A_1082 = vector.shape_cast %get3A_1081 : vector<1x16xf32> to vector<16xf32>
        %get3A_1083 = arith.constant 1 : i32
        %get3A_1084 = arith.index_cast %get3A_1083 : i32 to index
        %get3A_1085 = arith.index_cast %mul3A_1062 : i32 to index
        %get3A_1086 = tpu.vector_load %arg11[%get3A_1084, %get3A_1085] {strides = array<i32>} : memref<32x1024xf32, #tpu.memory_space<vmem>>, vector<1x16xf32>,
        %get3A_1087 = vector.shape_cast %get3A_1086 : vector<1x16xf32> to vector<16xf32>
        %add3A_1088 = arith.addf %get3A_1087, %get3A_1082 : vector<16xf32>
        %swap3A_1089 = arith.constant 1 : i32
        %swap3A_1090 = arith.index_cast %swap3A_1089 : i32 to index
        %swap3A_1091 = arith.index_cast %mul3A_1062 : i32 to index
        %swap3A_1092 = tpu.vector_load %arg11[%swap3A_1090, %swap3A_1091] {strides = array<i32>} : memref<32x1024xf32, #tpu.memory_space<vmem>>, vector<1x16xf32>,
        %swap3A_1093 = vector.shape_cast %swap3A_1092 : vector<1x16xf32> to vector<16xf32>
        %swap3A_1094 = vector.shape_cast %add3A_1088 : vector<16xf32> to vector<1x16xf32>
        tpu.vector_store %arg11[%swap3A_1090, %swap3A_1091], %swap3A_1094 {strides = array<i32>} : memref<32x1024xf32, #tpu.memory_space<vmem>>, vector<1x16xf32>,
        %get3A_1095 = arith.constant 2 : i32
        %get3A_1096 = arith.index_cast %get3A_1095 : i32 to index
        %get3A_1097 = arith.index_cast %mul3A_1062 : i32 to index
        %get3A_1098 = tpu.vector_load %arg8[%get3A_1096, %get3A_1097] {strides = array<i32>} : memref<8x1024xf32, #tpu.memory_space<vmem>>, vector<1x16xf32>,
        %get3A_1099 = vector.shape_cast %get3A_1098 : vector<1x16xf32> to vector<16xf32>
        %get3A_1100 = arith.constant 2 : i32
        %get3A_1101 = arith.index_cast %get3A_1100 : i32 to index
        %get3A_1102 = arith.index_cast %mul3A_1062 : i32 to index
        %get3A_1103 = tpu.vector_load %arg11[%get3A_1101, %get3A_1102] {strides = array<i32>} : memref<32x1024xf32, #tpu.memory_space<vmem>>, vector<1x16xf32>,
        %get3A_1104 = vector.shape_cast %get3A_1103 : vector<1x16xf32> to vector<16xf32>
        %add3A_1105 = arith.addf %get3A_1104, %get3A_1099 : vector<16xf32>
        %swap3A_1106 = arith.constant 2 : i32
        %swap3A_1107 = arith.index_cast %swap3A_1106 : i32 to index
        %swap3A_1108 = arith.index_cast %mul3A_1062 : i32 to index
        %swap3A_1109 = tpu.vector_load %arg11[%swap3A_1107, %swap3A_1108] {strides = array<i32>} : memref<32x1024xf32, #tpu.memory_space<vmem>>, vector<1x16xf32>,
        %swap3A_1110 = vector.shape_cast %swap3A_1109 : vector<1x16xf32> to vector<16xf32>
        %swap3A_1111 = vector.shape_cast %add3A_1105 : vector<16xf32> to vector<1x16xf32>
        tpu.vector_store %arg11[%swap3A_1107, %swap3A_1108], %swap3A_1111 {strides = array<i32>} : memref<32x1024xf32, #tpu.memory_space<vmem>>, vector<1x16xf32>,
        %get3A_1112 = arith.constant 3 : i32
        %get3A_1113 = arith.index_cast %get3A_1112 : i32 to index
        %get3A_1114 = arith.index_cast %mul3A_1062 : i32 to index
        %get3A_1115 = tpu.vector_load %arg8[%get3A_1113, %get3A_1114] {strides = array<i32>} : memref<8x1024xf32, #tpu.memory_space<vmem>>, vector<1x16xf32>,
        %get3A_1116 = vector.shape_cast %get3A_1115 : vector<1x16xf32> to vector<16xf32>
        %get3A_1117 = arith.constant 3 : i32
        %get3A_1118 = arith.index_cast %get3A_1117 : i32 to index
        %get3A_1119 = arith.index_cast %mul3A_1062 : i32 to index
        %get3A_1120 = tpu.vector_load %arg11[%get3A_1118, %get3A_1119] {strides = array<i32>} : memref<32x1024xf32, #tpu.memory_space<vmem>>, vector<1x16xf32>,
        %get3A_1121 = vector.shape_cast %get3A_1120 : vector<1x16xf32> to vector<16xf32>
        %add3A_1122 = arith.addf %get3A_1121, %get3A_1116 : vector<16xf32>
        %swap3A_1123 = arith.constant 3 : i32
        %swap3A_1124 = arith.index_cast %swap3A_1123 : i32 to index
        %swap3A_1125 = arith.index_cast %mul3A_1062 : i32 to index
        %swap3A_1126 = tpu.vector_load %arg11[%swap3A_1124, %swap3A_1125] {strides = array<i32>} : memref<32x1024xf32, #tpu.memory_space<vmem>>, vector<1x16xf32>,
        %swap3A_1127 = vector.shape_cast %swap3A_1126 : vector<1x16xf32> to vector<16xf32>
        %swap3A_1128 = vector.shape_cast %add3A_1122 : vector<16xf32> to vector<1x16xf32>
        tpu.vector_store %arg11[%swap3A_1124, %swap3A_1125], %swap3A_1128 {strides = array<i32>} : memref<32x1024xf32, #tpu.memory_space<vmem>>, vector<1x16xf32>,
        %get3A_1129 = arith.constant 4 : i32
        %get3A_1130 = arith.index_cast %get3A_1129 : i32 to index
        %get3A_1131 = arith.index_cast %mul3A_1062 : i32 to index
        %get3A_1132 = tpu.vector_load %arg8[%get3A_1130, %get3A_1131] {strides = array<i32>} : memref<8x1024xf32, #tpu.memory_space<vmem>>, vector<1x16xf32>,
        %get3A_1133 = vector.shape_cast %get3A_1132 : vector<1x16xf32> to vector<16xf32>
        %get3A_1134 = arith.constant 4 : i32
        %get3A_1135 = arith.index_cast %get3A_1134 : i32 to index
        %get3A_1136 = arith.index_cast %mul3A_1062 : i32 to index
        %get3A_1137 = tpu.vector_load %arg11[%get3A_1135, %get3A_1136] {strides = array<i32>} : memref<32x1024xf32, #tpu.memory_space<vmem>>, vector<1x16xf32>,
        %get3A_1138 = vector.shape_cast %get3A_1137 : vector<1x16xf32> to vector<16xf32>
        %add3A_1139 = arith.addf %get3A_1138, %get3A_1133 : vector<16xf32>
        %swap3A_1140 = arith.constant 4 : i32
        %swap3A_1141 = arith.index_cast %swap3A_1140 : i32 to index
        %swap3A_1142 = arith.index_cast %mul3A_1062 : i32 to index
        %swap3A_1143 = tpu.vector_load %arg11[%swap3A_1141, %swap3A_1142] {strides = array<i32>} : memref<32x1024xf32, #tpu.memory_space<vmem>>, vector<1x16xf32>,
        %swap3A_1144 = vector.shape_cast %swap3A_1143 : vector<1x16xf32> to vector<16xf32>
        %swap3A_1145 = vector.shape_cast %add3A_1139 : vector<16xf32> to vector<1x16xf32>
        tpu.vector_store %arg11[%swap3A_1141, %swap3A_1142], %swap3A_1145 {strides = array<i32>} : memref<32x1024xf32, #tpu.memory_space<vmem>>, vector<1x16xf32>,
        %get3A_1146 = arith.constant 5 : i32
        %get3A_1147 = arith.index_cast %get3A_1146 : i32 to index
        %get3A_1148 = arith.index_cast %mul3A_1062 : i32 to index
        %get3A_1149 = tpu.vector_load %arg8[%get3A_1147, %get3A_1148] {strides = array<i32>} : memref<8x1024xf32, #tpu.memory_space<vmem>>, vector<1x16xf32>,
        %get3A_1150 = vector.shape_cast %get3A_1149 : vector<1x16xf32> to vector<16xf32>
        %get3A_1151 = arith.constant 5 : i32
        %get3A_1152 = arith.index_cast %get3A_1151 : i32 to index
        %get3A_1153 = arith.index_cast %mul3A_1062 : i32 to index
        %get3A_1154 = tpu.vector_load %arg11[%get3A_1152, %get3A_1153] {strides = array<i32>} : memref<32x1024xf32, #tpu.memory_space<vmem>>, vector<1x16xf32>,
        %get3A_1155 = vector.shape_cast %get3A_1154 : vector<1x16xf32> to vector<16xf32>
        %add3A_1156 = arith.addf %get3A_1155, %get3A_1150 : vector<16xf32>
        %swap3A_1157 = arith.constant 5 : i32
        %swap3A_1158 = arith.index_cast %swap3A_1157 : i32 to index
        %swap3A_1159 = arith.index_cast %mul3A_1062 : i32 to index
        %swap3A_1160 = tpu.vector_load %arg11[%swap3A_1158, %swap3A_1159] {strides = array<i32>} : memref<32x1024xf32, #tpu.memory_space<vmem>>, vector<1x16xf32>,
        %swap3A_1161 = vector.shape_cast %swap3A_1160 : vector<1x16xf32> to vector<16xf32>
        %swap3A_1162 = vector.shape_cast %add3A_1156 : vector<16xf32> to vector<1x16xf32>
        tpu.vector_store %arg11[%swap3A_1158, %swap3A_1159], %swap3A_1162 {strides = array<i32>} : memref<32x1024xf32, #tpu.memory_space<vmem>>, vector<1x16xf32>,
        %get3A_1163 = arith.constant 6 : i32
        %get3A_1164 = arith.index_cast %get3A_1163 : i32 to index
        %get3A_1165 = arith.index_cast %mul3A_1062 : i32 to index
        %get3A_1166 = tpu.vector_load %arg8[%get3A_1164, %get3A_1165] {strides = array<i32>} : memref<8x1024xf32, #tpu.memory_space<vmem>>, vector<1x16xf32>,
        %get3A_1167 = vector.shape_cast %get3A_1166 : vector<1x16xf32> to vector<16xf32>
        %get3A_1168 = arith.constant 6 : i32
        %get3A_1169 = arith.index_cast %get3A_1168 : i32 to index
        %get3A_1170 = arith.index_cast %mul3A_1062 : i32 to index
        %get3A_1171 = tpu.vector_load %arg11[%get3A_1169, %get3A_1170] {strides = array<i32>} : memref<32x1024xf32, #tpu.memory_space<vmem>>, vector<1x16xf32>,
        %get3A_1172 = vector.shape_cast %get3A_1171 : vector<1x16xf32> to vector<16xf32>
        %add3A_1173 = arith.addf %get3A_1172, %get3A_1167 : vector<16xf32>
        %swap3A_1174 = arith.constant 6 : i32
        %swap3A_1175 = arith.index_cast %swap3A_1174 : i32 to index
        %swap3A_1176 = arith.index_cast %mul3A_1062 : i32 to index
        %swap3A_1177 = tpu.vector_load %arg11[%swap3A_1175, %swap3A_1176] {strides = array<i32>} : memref<32x1024xf32, #tpu.memory_space<vmem>>, vector<1x16xf32>,
        %swap3A_1178 = vector.shape_cast %swap3A_1177 : vector<1x16xf32> to vector<16xf32>
        %swap3A_1179 = vector.shape_cast %add3A_1173 : vector<16xf32> to vector<1x16xf32>
        tpu.vector_store %arg11[%swap3A_1175, %swap3A_1176], %swap3A_1179 {strides = array<i32>} : memref<32x1024xf32, #tpu.memory_space<vmem>>, vector<1x16xf32>,
        %get3A_1180 = arith.constant 7 : i32
        %get3A_1181 = arith.index_cast %get3A_1180 : i32 to index
        %get3A_1182 = arith.index_cast %mul3A_1062 : i32 to index
        %get3A_1183 = tpu.vector_load %arg8[%get3A_1181, %get3A_1182] {strides = array<i32>} : memref<8x1024xf32, #tpu.memory_space<vmem>>, vector<1x16xf32>,
        %get3A_1184 = vector.shape_cast %get3A_1183 : vector<1x16xf32> to vector<16xf32>
        %get3A_1185 = arith.constant 7 : i32
        %get3A_1186 = arith.index_cast %get3A_1185 : i32 to index
        %get3A_1187 = arith.index_cast %mul3A_1062 : i32 to index
        %get3A_1188 = tpu.vector_load %arg11[%get3A_1186, %get3A_1187] {strides = array<i32>} : memref<32x1024xf32, #tpu.memory_space<vmem>>, vector<1x16xf32>,
        %get3A_1189 = vector.shape_cast %get3A_1188 : vector<1x16xf32> to vector<16xf32>
        %add3A_1190 = arith.addf %get3A_1189, %get3A_1184 : vector<16xf32>
        %swap3A_1191 = arith.constant 7 : i32
        %swap3A_1192 = arith.index_cast %swap3A_1191 : i32 to index
        %swap3A_1193 = arith.index_cast %mul3A_1062 : i32 to index
        %swap3A_1194 = tpu.vector_load %arg11[%swap3A_1192, %swap3A_1193] {strides = array<i32>} : memref<32x1024xf32, #tpu.memory_space<vmem>>, vector<1x16xf32>,
        %swap3A_1195 = vector.shape_cast %swap3A_1194 : vector<1x16xf32> to vector<16xf32>
        %swap3A_1196 = vector.shape_cast %add3A_1190 : vector<16xf32> to vector<1x16xf32>
        tpu.vector_store %arg11[%swap3A_1192, %swap3A_1193], %swap3A_1196 {strides = array<i32>} : memref<32x1024xf32, #tpu.memory_space<vmem>>, vector<1x16xf32>,
      }
      %scan3A_764 = arith.constant 64 : i32
      %add3A_765 = arith.constant 0 : i32
      %add3A_766 = arith.addi %add3A_765, %add3A_736 : i32
      %dma_start3A_767 = arith.constant 1 : i32
      %dma_start3A_768 = arith.constant 0 : i32
      %dma_start3A_769 = arith.constant 0 : i32
      %dma_start3A_770 = tpu.memref_slice %arg11[%dma_start3A_768, %dma_start3A_769] : memref<32x1024xf32, #tpu.memory_space<vmem>> -> memref<8x1024xf32, #tpu.memory_space<vmem>>
      %dma_start3A_771 = arith.constant 0 : i32
      %dma_start3A_772 = tpu.memref_slice %arg5[%add3A_766, %dma_start3A_771] : memref<16384x1024xf32, #tpu.memory_space<hbm>> -> memref<8x1024xf32, #tpu.memory_space<hbm>>
      %dma_start3A_773 = tpu.memref_slice %arg16[%dma_start3A_767] : memref<3x!tpu.dma_semaphore, #tpu.memory_space<semaphore_mem>> -> memref<1x!tpu.dma_semaphore, #tpu.memory_space<semaphore_mem>>
      %dma_start3A_774 = tpu.memref_squeeze %dma_start3A_773 : memref<1x!tpu.dma_semaphore, #tpu.memory_space<semaphore_mem>> -> memref<!tpu.dma_semaphore, #tpu.memory_space<semaphore_mem>>
      %dma_start3A_775 = arith.constant 0 : i32
      %dma_start3A_776 = tpu.memref_slice %arg5[%add3A_766, %dma_start3A_775] : memref<16384x1024xf32, #tpu.memory_space<hbm>> -> memref<8x1024xf32, #tpu.memory_space<hbm>>
      %dma_start3A_777 = arith.constant 0 : i32
      %dma_start3A_778 = arith.constant 0 : i32
      %dma_start3A_779 = tpu.memref_slice %arg11[%dma_start3A_777, %dma_start3A_778] : memref<32x1024xf32, #tpu.memory_space<vmem>> -> memref<8x1024xf32, #tpu.memory_space<vmem>>
      tpu.enqueue_dma source(%dma_start3A_779 : memref<8x1024xf32, #tpu.memory_space<vmem>>) target(%dma_start3A_776 : memref<8x1024xf32, #tpu.memory_space<hbm>>) target_semaphore(%dma_start3A_774 : memref<!tpu.dma_semaphore, #tpu.memory_space<semaphore_mem>>)
      %mul3A_780 = arith.constant 8 : i32
      %mul3A_781 = arith.muli %add3A_733, %mul3A_780 : i32
      %dma_wait3A_782 = arith.constant 1 : i32
      %dma_wait3A_783 = arith.constant 1 : i32
      %dma_wait3A_784 = arith.constant 1 : i32
      %dma_wait3A_785 = arith.constant 8 : i32
      %dma_wait3A_786 = arith.constant 0 : i32
      %dma_wait3A_787 = tpu.memref_slice %arg11[%dma_wait3A_785, %dma_wait3A_786] : memref<32x1024xf32, #tpu.memory_space<vmem>> -> memref<8x1024xf32, #tpu.memory_space<vmem>>
      %dma_wait3A_788 = tpu.memref_slice %arg6[%dma_wait3A_782, %mul3A_781] : memref<4x128xi32, #tpu.memory_space<vmem>> -> memref<1x8xi32, #tpu.memory_space<vmem>>
      %dma_wait3A_789 = tpu.memref_squeeze %dma_wait3A_788 : memref<1x8xi32, #tpu.memory_space<vmem>> -> memref<8xi32, #tpu.memory_space<vmem>>
      %dma_wait3A_790 = arith.constant 0 : i32
      %dma_wait3A_791 = arith.constant 0 : i32
      %dma_wait3A_792 = tpu.memref_slice %arg3[%dma_wait3A_790, %dma_wait3A_791] : memref<100000x1024xf32, #tpu.memory_space<hbm>> -> memref<100000x1024xf32, #tpu.memory_space<hbm>>
      %dma_wait3A_793 = tpu.memref_slice %arg15[%dma_wait3A_783, %dma_wait3A_784] : memref<3x4x!tpu.dma_semaphore, #tpu.memory_space<semaphore_mem>> -> memref<1x1x!tpu.dma_semaphore, #tpu.memory_space<semaphore_mem>>
      %dma_wait3A_794 = tpu.memref_squeeze %dma_wait3A_793 : memref<1x1x!tpu.dma_semaphore, #tpu.memory_space<semaphore_mem>> -> memref<!tpu.dma_semaphore, #tpu.memory_space<semaphore_mem>>
      tpu.wait_indirect_dma semaphore(%dma_wait3A_794 : memref<!tpu.dma_semaphore, #tpu.memory_space<semaphore_mem>>) src(%dma_wait3A_792 : memref<100000x1024xf32, #tpu.memory_space<hbm>>) dst(%dma_wait3A_787 : memref<8x1024xf32, #tpu.memory_space<vmem>>)
      %scan3A_795 = arith.constant 0 : i32
      %scan3A_796 = arith.constant 0 : i32
      %scan3A_797 = arith.constant 64 : i32
      %scan3A_798 = arith.addi %scan3A_796, %scan3A_797 : i32
      %scan3A_799 = arith.constant 1 : i32
      scf.for %scan3A_1060 = %scan3A_796 to %scan3A_798 step %scan3A_799  : i32 {
        %mul3A_1061 = arith.constant 16 : i32
        %mul3A_1062 = arith.muli %scan3A_1060, %mul3A_1061 : i32
        %get3A = arith.constant 0 : i32
        %get3A_1063 = arith.index_cast %get3A : i32 to index
        %get3A_1064 = arith.index_cast %mul3A_1062 : i32 to index
        %get3A_1065 = tpu.vector_load %arg8[%get3A_1063, %get3A_1064] {strides = array<i32>} : memref<8x1024xf32, #tpu.memory_space<vmem>>, vector<1x16xf32>,
        %get3A_1066 = vector.shape_cast %get3A_1065 : vector<1x16xf32> to vector<16xf32>
        %get3A_1067 = arith.constant 8 : i32
        %get3A_1068 = arith.index_cast %get3A_1067 : i32 to index
        %get3A_1069 = arith.index_cast %mul3A_1062 : i32 to index
        %get3A_1070 = tpu.vector_load %arg11[%get3A_1068, %get3A_1069] {strides = array<i32>} : memref<32x1024xf32, #tpu.memory_space<vmem>>, vector<1x16xf32>,
        %get3A_1071 = vector.shape_cast %get3A_1070 : vector<1x16xf32> to vector<16xf32>
        %add3A_1072 = arith.addf %get3A_1071, %get3A_1066 : vector<16xf32>
        %swap3A = arith.constant 8 : i32
        %swap3A_1073 = arith.index_cast %swap3A : i32 to index
        %swap3A_1074 = arith.index_cast %mul3A_1062 : i32 to index
        %swap3A_1075 = tpu.vector_load %arg11[%swap3A_1073, %swap3A_1074] {strides = array<i32>} : memref<32x1024xf32, #tpu.memory_space<vmem>>, vector<1x16xf32>,
        %swap3A_1076 = vector.shape_cast %swap3A_1075 : vector<1x16xf32> to vector<16xf32>
        %swap3A_1077 = vector.shape_cast %add3A_1072 : vector<16xf32> to vector<1x16xf32>
        tpu.vector_store %arg11[%swap3A_1073, %swap3A_1074], %swap3A_1077 {strides = array<i32>} : memref<32x1024xf32, #tpu.memory_space<vmem>>, vector<1x16xf32>,
        %get3A_1078 = arith.constant 1 : i32
        %get3A_1079 = arith.index_cast %get3A_1078 : i32 to index
        %get3A_1080 = arith.index_cast %mul3A_1062 : i32 to index
        %get3A_1081 = tpu.vector_load %arg8[%get3A_1079, %get3A_1080] {strides = array<i32>} : memref<8x1024xf32, #tpu.memory_space<vmem>>, vector<1x16xf32>,
        %get3A_1082 = vector.shape_cast %get3A_1081 : vector<1x16xf32> to vector<16xf32>
        %get3A_1083 = arith.constant 9 : i32
        %get3A_1084 = arith.index_cast %get3A_1083 : i32 to index
        %get3A_1085 = arith.index_cast %mul3A_1062 : i32 to index
        %get3A_1086 = tpu.vector_load %arg11[%get3A_1084, %get3A_1085] {strides = array<i32>} : memref<32x1024xf32, #tpu.memory_space<vmem>>, vector<1x16xf32>,
        %get3A_1087 = vector.shape_cast %get3A_1086 : vector<1x16xf32> to vector<16xf32>
        %add3A_1088 = arith.addf %get3A_1087, %get3A_1082 : vector<16xf32>
        %swap3A_1089 = arith.constant 9 : i32
        %swap3A_1090 = arith.index_cast %swap3A_1089 : i32 to index
        %swap3A_1091 = arith.index_cast %mul3A_1062 : i32 to index
        %swap3A_1092 = tpu.vector_load %arg11[%swap3A_1090, %swap3A_1091] {strides = array<i32>} : memref<32x1024xf32, #tpu.memory_space<vmem>>, vector<1x16xf32>,
        %swap3A_1093 = vector.shape_cast %swap3A_1092 : vector<1x16xf32> to vector<16xf32>
        %swap3A_1094 = vector.shape_cast %add3A_1088 : vector<16xf32> to vector<1x16xf32>
        tpu.vector_store %arg11[%swap3A_1090, %swap3A_1091], %swap3A_1094 {strides = array<i32>} : memref<32x1024xf32, #tpu.memory_space<vmem>>, vector<1x16xf32>,
        %get3A_1095 = arith.constant 2 : i32
        %get3A_1096 = arith.index_cast %get3A_1095 : i32 to index
        %get3A_1097 = arith.index_cast %mul3A_1062 : i32 to index
        %get3A_1098 = tpu.vector_load %arg8[%get3A_1096, %get3A_1097] {strides = array<i32>} : memref<8x1024xf32, #tpu.memory_space<vmem>>, vector<1x16xf32>,
        %get3A_1099 = vector.shape_cast %get3A_1098 : vector<1x16xf32> to vector<16xf32>
        %get3A_1100 = arith.constant 10 : i32
        %get3A_1101 = arith.index_cast %get3A_1100 : i32 to index
        %get3A_1102 = arith.index_cast %mul3A_1062 : i32 to index
        %get3A_1103 = tpu.vector_load %arg11[%get3A_1101, %get3A_1102] {strides = array<i32>} : memref<32x1024xf32, #tpu.memory_space<vmem>>, vector<1x16xf32>,
        %get3A_1104 = vector.shape_cast %get3A_1103 : vector<1x16xf32> to vector<16xf32>
        %add3A_1105 = arith.addf %get3A_1104, %get3A_1099 : vector<16xf32>
        %swap3A_1106 = arith.constant 10 : i32
        %swap3A_1107 = arith.index_cast %swap3A_1106 : i32 to index
        %swap3A_1108 = arith.index_cast %mul3A_1062 : i32 to index
        %swap3A_1109 = tpu.vector_load %arg11[%swap3A_1107, %swap3A_1108] {strides = array<i32>} : memref<32x1024xf32, #tpu.memory_space<vmem>>, vector<1x16xf32>,
        %swap3A_1110 = vector.shape_cast %swap3A_1109 : vector<1x16xf32> to vector<16xf32>
        %swap3A_1111 = vector.shape_cast %add3A_1105 : vector<16xf32> to vector<1x16xf32>
        tpu.vector_store %arg11[%swap3A_1107, %swap3A_1108], %swap3A_1111 {strides = array<i32>} : memref<32x1024xf32, #tpu.memory_space<vmem>>, vector<1x16xf32>,
        %get3A_1112 = arith.constant 3 : i32
        %get3A_1113 = arith.index_cast %get3A_1112 : i32 to index
        %get3A_1114 = arith.index_cast %mul3A_1062 : i32 to index
        %get3A_1115 = tpu.vector_load %arg8[%get3A_1113, %get3A_1114] {strides = array<i32>} : memref<8x1024xf32, #tpu.memory_space<vmem>>, vector<1x16xf32>,
        %get3A_1116 = vector.shape_cast %get3A_1115 : vector<1x16xf32> to vector<16xf32>
        %get3A_1117 = arith.constant 11 : i32
        %get3A_1118 = arith.index_cast %get3A_1117 : i32 to index
        %get3A_1119 = arith.index_cast %mul3A_1062 : i32 to index
        %get3A_1120 = tpu.vector_load %arg11[%get3A_1118, %get3A_1119] {strides = array<i32>} : memref<32x1024xf32, #tpu.memory_space<vmem>>, vector<1x16xf32>,
        %get3A_1121 = vector.shape_cast %get3A_1120 : vector<1x16xf32> to vector<16xf32>
        %add3A_1122 = arith.addf %get3A_1121, %get3A_1116 : vector<16xf32>
        %swap3A_1123 = arith.constant 11 : i32
        %swap3A_1124 = arith.index_cast %swap3A_1123 : i32 to index
        %swap3A_1125 = arith.index_cast %mul3A_1062 : i32 to index
        %swap3A_1126 = tpu.vector_load %arg11[%swap3A_1124, %swap3A_1125] {strides = array<i32>} : memref<32x1024xf32, #tpu.memory_space<vmem>>, vector<1x16xf32>,
        %swap3A_1127 = vector.shape_cast %swap3A_1126 : vector<1x16xf32> to vector<16xf32>
        %swap3A_1128 = vector.shape_cast %add3A_1122 : vector<16xf32> to vector<1x16xf32>
        tpu.vector_store %arg11[%swap3A_1124, %swap3A_1125], %swap3A_1128 {strides = array<i32>} : memref<32x1024xf32, #tpu.memory_space<vmem>>, vector<1x16xf32>,
        %get3A_1129 = arith.constant 4 : i32
        %get3A_1130 = arith.index_cast %get3A_1129 : i32 to index
        %get3A_1131 = arith.index_cast %mul3A_1062 : i32 to index
        %get3A_1132 = tpu.vector_load %arg8[%get3A_1130, %get3A_1131] {strides = array<i32>} : memref<8x1024xf32, #tpu.memory_space<vmem>>, vector<1x16xf32>,
        %get3A_1133 = vector.shape_cast %get3A_1132 : vector<1x16xf32> to vector<16xf32>
        %get3A_1134 = arith.constant 12 : i32
        %get3A_1135 = arith.index_cast %get3A_1134 : i32 to index
        %get3A_1136 = arith.index_cast %mul3A_1062 : i32 to index
        %get3A_1137 = tpu.vector_load %arg11[%get3A_1135, %get3A_1136] {strides = array<i32>} : memref<32x1024xf32, #tpu.memory_space<vmem>>, vector<1x16xf32>,
        %get3A_1138 = vector.shape_cast %get3A_1137 : vector<1x16xf32> to vector<16xf32>
        %add3A_1139 = arith.addf %get3A_1138, %get3A_1133 : vector<16xf32>
        %swap3A_1140 = arith.constant 12 : i32
        %swap3A_1141 = arith.index_cast %swap3A_1140 : i32 to index
        %swap3A_1142 = arith.index_cast %mul3A_1062 : i32 to index
        %swap3A_1143 = tpu.vector_load %arg11[%swap3A_1141, %swap3A_1142] {strides = array<i32>} : memref<32x1024xf32, #tpu.memory_space<vmem>>, vector<1x16xf32>,
        %swap3A_1144 = vector.shape_cast %swap3A_1143 : vector<1x16xf32> to vector<16xf32>
        %swap3A_1145 = vector.shape_cast %add3A_1139 : vector<16xf32> to vector<1x16xf32>
        tpu.vector_store %arg11[%swap3A_1141, %swap3A_1142], %swap3A_1145 {strides = array<i32>} : memref<32x1024xf32, #tpu.memory_space<vmem>>, vector<1x16xf32>,
        %get3A_1146 = arith.constant 5 : i32
        %get3A_1147 = arith.index_cast %get3A_1146 : i32 to index
        %get3A_1148 = arith.index_cast %mul3A_1062 : i32 to index
        %get3A_1149 = tpu.vector_load %arg8[%get3A_1147, %get3A_1148] {strides = array<i32>} : memref<8x1024xf32, #tpu.memory_space<vmem>>, vector<1x16xf32>,
        %get3A_1150 = vector.shape_cast %get3A_1149 : vector<1x16xf32> to vector<16xf32>
        %get3A_1151 = arith.constant 13 : i32
        %get3A_1152 = arith.index_cast %get3A_1151 : i32 to index
        %get3A_1153 = arith.index_cast %mul3A_1062 : i32 to index
        %get3A_1154 = tpu.vector_load %arg11[%get3A_1152, %get3A_1153] {strides = array<i32>} : memref<32x1024xf32, #tpu.memory_space<vmem>>, vector<1x16xf32>,
        %get3A_1155 = vector.shape_cast %get3A_1154 : vector<1x16xf32> to vector<16xf32>
        %add3A_1156 = arith.addf %get3A_1155, %get3A_1150 : vector<16xf32>
        %swap3A_1157 = arith.constant 13 : i32
        %swap3A_1158 = arith.index_cast %swap3A_1157 : i32 to index
        %swap3A_1159 = arith.index_cast %mul3A_1062 : i32 to index
        %swap3A_1160 = tpu.vector_load %arg11[%swap3A_1158, %swap3A_1159] {strides = array<i32>} : memref<32x1024xf32, #tpu.memory_space<vmem>>, vector<1x16xf32>,
        %swap3A_1161 = vector.shape_cast %swap3A_1160 : vector<1x16xf32> to vector<16xf32>
        %swap3A_1162 = vector.shape_cast %add3A_1156 : vector<16xf32> to vector<1x16xf32>
        tpu.vector_store %arg11[%swap3A_1158, %swap3A_1159], %swap3A_1162 {strides = array<i32>} : memref<32x1024xf32, #tpu.memory_space<vmem>>, vector<1x16xf32>,
        %get3A_1163 = arith.constant 6 : i32
        %get3A_1164 = arith.index_cast %get3A_1163 : i32 to index
        %get3A_1165 = arith.index_cast %mul3A_1062 : i32 to index
        %get3A_1166 = tpu.vector_load %arg8[%get3A_1164, %get3A_1165] {strides = array<i32>} : memref<8x1024xf32, #tpu.memory_space<vmem>>, vector<1x16xf32>,
        %get3A_1167 = vector.shape_cast %get3A_1166 : vector<1x16xf32> to vector<16xf32>
        %get3A_1168 = arith.constant 14 : i32
        %get3A_1169 = arith.index_cast %get3A_1168 : i32 to index
        %get3A_1170 = arith.index_cast %mul3A_1062 : i32 to index
        %get3A_1171 = tpu.vector_load %arg11[%get3A_1169, %get3A_1170] {strides = array<i32>} : memref<32x1024xf32, #tpu.memory_space<vmem>>, vector<1x16xf32>,
        %get3A_1172 = vector.shape_cast %get3A_1171 : vector<1x16xf32> to vector<16xf32>
        %add3A_1173 = arith.addf %get3A_1172, %get3A_1167 : vector<16xf32>
        %swap3A_1174 = arith.constant 14 : i32
        %swap3A_1175 = arith.index_cast %swap3A_1174 : i32 to index
        %swap3A_1176 = arith.index_cast %mul3A_1062 : i32 to index
        %swap3A_1177 = tpu.vector_load %arg11[%swap3A_1175, %swap3A_1176] {strides = array<i32>} : memref<32x1024xf32, #tpu.memory_space<vmem>>, vector<1x16xf32>,
        %swap3A_1178 = vector.shape_cast %swap3A_1177 : vector<1x16xf32> to vector<16xf32>
        %swap3A_1179 = vector.shape_cast %add3A_1173 : vector<16xf32> to vector<1x16xf32>
        tpu.vector_store %arg11[%swap3A_1175, %swap3A_1176], %swap3A_1179 {strides = array<i32>} : memref<32x1024xf32, #tpu.memory_space<vmem>>, vector<1x16xf32>,
        %get3A_1180 = arith.constant 7 : i32
        %get3A_1181 = arith.index_cast %get3A_1180 : i32 to index
        %get3A_1182 = arith.index_cast %mul3A_1062 : i32 to index
        %get3A_1183 = tpu.vector_load %arg8[%get3A_1181, %get3A_1182] {strides = array<i32>} : memref<8x1024xf32, #tpu.memory_space<vmem>>, vector<1x16xf32>,
        %get3A_1184 = vector.shape_cast %get3A_1183 : vector<1x16xf32> to vector<16xf32>
        %get3A_1185 = arith.constant 15 : i32
        %get3A_1186 = arith.index_cast %get3A_1185 : i32 to index
        %get3A_1187 = arith.index_cast %mul3A_1062 : i32 to index
        %get3A_1188 = tpu.vector_load %arg11[%get3A_1186, %get3A_1187] {strides = array<i32>} : memref<32x1024xf32, #tpu.memory_space<vmem>>, vector<1x16xf32>,
        %get3A_1189 = vector.shape_cast %get3A_1188 : vector<1x16xf32> to vector<16xf32>
        %add3A_1190 = arith.addf %get3A_1189, %get3A_1184 : vector<16xf32>
        %swap3A_1191 = arith.constant 15 : i32
        %swap3A_1192 = arith.index_cast %swap3A_1191 : i32 to index
        %swap3A_1193 = arith.index_cast %mul3A_1062 : i32 to index
        %swap3A_1194 = tpu.vector_load %arg11[%swap3A_1192, %swap3A_1193] {strides = array<i32>} : memref<32x1024xf32, #tpu.memory_space<vmem>>, vector<1x16xf32>,
        %swap3A_1195 = vector.shape_cast %swap3A_1194 : vector<1x16xf32> to vector<16xf32>
        %swap3A_1196 = vector.shape_cast %add3A_1190 : vector<16xf32> to vector<1x16xf32>
        tpu.vector_store %arg11[%swap3A_1192, %swap3A_1193], %swap3A_1196 {strides = array<i32>} : memref<32x1024xf32, #tpu.memory_space<vmem>>, vector<1x16xf32>,
      }
      %scan3A_800 = arith.constant 64 : i32
      %add3A_801 = arith.constant 4096 : i32
      %add3A_802 = arith.addi %add3A_801, %add3A_736 : i32
      %dma_start3A_803 = arith.constant 1 : i32
      %dma_start3A_804 = arith.constant 8 : i32
      %dma_start3A_805 = arith.constant 0 : i32
      %dma_start3A_806 = tpu.memref_slice %arg11[%dma_start3A_804, %dma_start3A_805] : memref<32x1024xf32, #tpu.memory_space<vmem>> -> memref<8x1024xf32, #tpu.memory_space<vmem>>
      %dma_start3A_807 = arith.constant 0 : i32
      %dma_start3A_808 = tpu.memref_slice %arg5[%add3A_802, %dma_start3A_807] : memref<16384x1024xf32, #tpu.memory_space<hbm>> -> memref<8x1024xf32, #tpu.memory_space<hbm>>
      %dma_start3A_809 = tpu.memref_slice %arg16[%dma_start3A_803] : memref<3x!tpu.dma_semaphore, #tpu.memory_space<semaphore_mem>> -> memref<1x!tpu.dma_semaphore, #tpu.memory_space<semaphore_mem>>
      %dma_start3A_810 = tpu.memref_squeeze %dma_start3A_809 : memref<1x!tpu.dma_semaphore, #tpu.memory_space<semaphore_mem>> -> memref<!tpu.dma_semaphore, #tpu.memory_space<semaphore_mem>>
      %dma_start3A_811 = arith.constant 0 : i32
      %dma_start3A_812 = tpu.memref_slice %arg5[%add3A_802, %dma_start3A_811] : memref<16384x1024xf32, #tpu.memory_space<hbm>> -> memref<8x1024xf32, #tpu.memory_space<hbm>>
      %dma_start3A_813 = arith.constant 8 : i32
      %dma_start3A_814 = arith.constant 0 : i32
      %dma_start3A_815 = tpu.memref_slice %arg11[%dma_start3A_813, %dma_start3A_814] : memref<32x1024xf32, #tpu.memory_space<vmem>> -> memref<8x1024xf32, #tpu.memory_space<vmem>>
      tpu.enqueue_dma source(%dma_start3A_815 : memref<8x1024xf32, #tpu.memory_space<vmem>>) target(%dma_start3A_812 : memref<8x1024xf32, #tpu.memory_space<hbm>>) target_semaphore(%dma_start3A_810 : memref<!tpu.dma_semaphore, #tpu.memory_space<semaphore_mem>>)
      %add3A_816 = arith.constant 2 : i32
      %add3A_817 = arith.addi %add3A_733, %add3A_816 : i32
      %lt3A_818 = arith.constant 16 : i32
      %lt3A_819 = arith.cmpi slt, %add3A_817, %lt3A_818 : i32
      %convert_element_type3A_820 = arith.extui %lt3A_819 : i1 to i32
      %cond3A_821 = arith.constant 0 : i32
      %cond3A_822 = arith.cmpi ne, %convert_element_type3A_820, %cond3A_821 : i32
      scf.if %cond3A_822 {
        %ge3A = arith.constant 1 : i32
        %ge3A_1060 = arith.cmpi sge, %add3A_733, %ge3A : i32
        %convert_element_type3A_1061 = arith.extui %ge3A_1060 : i1 to i32
        %cond3A_1062 = arith.constant 0 : i32
        %cond3A_1063 = arith.cmpi ne, %convert_element_type3A_1061, %cond3A_1062 : i32
        scf.if %cond3A_1063 {
          %sub3A = arith.constant 1 : i32
          %sub3A_1136 = arith.subi %add3A_733, %sub3A : i32
          %mul3A_1137 = arith.constant 8 : i32
          %mul3A_1138 = arith.muli %sub3A_1136, %mul3A_1137 : i32
          %add3A_1139 = arith.addi %mul3A_2, %mul3A_1138 : i32
          %add3A_1140 = arith.constant 0 : i32
          %add3A_1141 = arith.addi %add3A_1140, %add3A_1139 : i32
          %dma_wait3A_1142 = arith.constant 0 : i32
          %dma_wait3A_1143 = arith.constant 0 : i32
          %dma_wait3A_1144 = arith.constant 0 : i32
          %dma_wait3A_1145 = tpu.memref_slice %arg10[%dma_wait3A_1143, %dma_wait3A_1144] : memref<32x1024xf32, #tpu.memory_space<vmem>> -> memref<8x1024xf32, #tpu.memory_space<vmem>>
          %dma_wait3A_1146 = arith.constant 0 : i32
          %dma_wait3A_1147 = tpu.memref_slice %arg5[%add3A_1141, %dma_wait3A_1146] : memref<16384x1024xf32, #tpu.memory_space<hbm>> -> memref<8x1024xf32, #tpu.memory_space<hbm>>
          %dma_wait3A_1148 = tpu.memref_slice %arg16[%dma_wait3A_1142] : memref<3x!tpu.dma_semaphore, #tpu.memory_space<semaphore_mem>> -> memref<1x!tpu.dma_semaphore, #tpu.memory_space<semaphore_mem>>
          %dma_wait3A_1149 = tpu.memref_squeeze %dma_wait3A_1148 : memref<1x!tpu.dma_semaphore, #tpu.memory_space<semaphore_mem>> -> memref<!tpu.dma_semaphore, #tpu.memory_space<semaphore_mem>>
          %dma_wait3A_1150 = arith.constant 0 : i32
          %dma_wait3A_1151 = tpu.memref_slice %arg5[%add3A_1141, %dma_wait3A_1150] : memref<16384x1024xf32, #tpu.memory_space<hbm>> -> memref<8x1024xf32, #tpu.memory_space<hbm>>
          %dma_wait3A_1152 = arith.constant 0 : i32
          %dma_wait3A_1153 = arith.constant 0 : i32
          %dma_wait3A_1154 = tpu.memref_slice %arg10[%dma_wait3A_1152, %dma_wait3A_1153] : memref<32x1024xf32, #tpu.memory_space<vmem>> -> memref<8x1024xf32, #tpu.memory_space<vmem>>
          tpu.wait_dma2 semaphore(%dma_wait3A_1149 : memref<!tpu.dma_semaphore, #tpu.memory_space<semaphore_mem>>) src(%dma_wait3A_1154 : memref<8x1024xf32, #tpu.memory_space<vmem>>) dst(%dma_wait3A_1151 : memref<8x1024xf32, #tpu.memory_space<hbm>>)
          %add3A_1155 = arith.constant 4096 : i32
          %add3A_1156 = arith.addi %add3A_1155, %add3A_1139 : i32
          %dma_wait3A_1157 = arith.constant 0 : i32
          %dma_wait3A_1158 = arith.constant 8 : i32
          %dma_wait3A_1159 = arith.constant 0 : i32
          %dma_wait3A_1160 = tpu.memref_slice %arg10[%dma_wait3A_1158, %dma_wait3A_1159] : memref<32x1024xf32, #tpu.memory_space<vmem>> -> memref<8x1024xf32, #tpu.memory_space<vmem>>
          %dma_wait3A_1161 = arith.constant 0 : i32
          %dma_wait3A_1162 = tpu.memref_slice %arg5[%add3A_1156, %dma_wait3A_1161] : memref<16384x1024xf32, #tpu.memory_space<hbm>> -> memref<8x1024xf32, #tpu.memory_space<hbm>>
          %dma_wait3A_1163 = tpu.memref_slice %arg16[%dma_wait3A_1157] : memref<3x!tpu.dma_semaphore, #tpu.memory_space<semaphore_mem>> -> memref<1x!tpu.dma_semaphore, #tpu.memory_space<semaphore_mem>>
          %dma_wait3A_1164 = tpu.memref_squeeze %dma_wait3A_1163 : memref<1x!tpu.dma_semaphore, #tpu.memory_space<semaphore_mem>> -> memref<!tpu.dma_semaphore, #tpu.memory_space<semaphore_mem>>
          %dma_wait3A_1165 = arith.constant 0 : i32
          %dma_wait3A_1166 = tpu.memref_slice %arg5[%add3A_1156, %dma_wait3A_1165] : memref<16384x1024xf32, #tpu.memory_space<hbm>> -> memref<8x1024xf32, #tpu.memory_space<hbm>>
          %dma_wait3A_1167 = arith.constant 8 : i32
          %dma_wait3A_1168 = arith.constant 0 : i32
          %dma_wait3A_1169 = tpu.memref_slice %arg10[%dma_wait3A_1167, %dma_wait3A_1168] : memref<32x1024xf32, #tpu.memory_space<vmem>> -> memref<8x1024xf32, #tpu.memory_space<vmem>>
          tpu.wait_dma2 semaphore(%dma_wait3A_1164 : memref<!tpu.dma_semaphore, #tpu.memory_space<semaphore_mem>>) src(%dma_wait3A_1169 : memref<8x1024xf32, #tpu.memory_space<vmem>>) dst(%dma_wait3A_1166 : memref<8x1024xf32, #tpu.memory_space<hbm>>)
          %add3A_1170 = arith.constant 8192 : i32
          %add3A_1171 = arith.addi %add3A_1170, %add3A_1139 : i32
          %dma_wait3A_1172 = arith.constant 0 : i32
          %dma_wait3A_1173 = arith.constant 16 : i32
          %dma_wait3A_1174 = arith.constant 0 : i32
          %dma_wait3A_1175 = tpu.memref_slice %arg10[%dma_wait3A_1173, %dma_wait3A_1174] : memref<32x1024xf32, #tpu.memory_space<vmem>> -> memref<8x1024xf32, #tpu.memory_space<vmem>>
          %dma_wait3A_1176 = arith.constant 0 : i32
          %dma_wait3A_1177 = tpu.memref_slice %arg5[%add3A_1171, %dma_wait3A_1176] : memref<16384x1024xf32, #tpu.memory_space<hbm>> -> memref<8x1024xf32, #tpu.memory_space<hbm>>
          %dma_wait3A_1178 = tpu.memref_slice %arg16[%dma_wait3A_1172] : memref<3x!tpu.dma_semaphore, #tpu.memory_space<semaphore_mem>> -> memref<1x!tpu.dma_semaphore, #tpu.memory_space<semaphore_mem>>
          %dma_wait3A_1179 = tpu.memref_squeeze %dma_wait3A_1178 : memref<1x!tpu.dma_semaphore, #tpu.memory_space<semaphore_mem>> -> memref<!tpu.dma_semaphore, #tpu.memory_space<semaphore_mem>>
          %dma_wait3A_1180 = arith.constant 0 : i32
          %dma_wait3A_1181 = tpu.memref_slice %arg5[%add3A_1171, %dma_wait3A_1180] : memref<16384x1024xf32, #tpu.memory_space<hbm>> -> memref<8x1024xf32, #tpu.memory_space<hbm>>
          %dma_wait3A_1182 = arith.constant 16 : i32
          %dma_wait3A_1183 = arith.constant 0 : i32
          %dma_wait3A_1184 = tpu.memref_slice %arg10[%dma_wait3A_1182, %dma_wait3A_1183] : memref<32x1024xf32, #tpu.memory_space<vmem>> -> memref<8x1024xf32, #tpu.memory_space<vmem>>
          tpu.wait_dma2 semaphore(%dma_wait3A_1179 : memref<!tpu.dma_semaphore, #tpu.memory_space<semaphore_mem>>) src(%dma_wait3A_1184 : memref<8x1024xf32, #tpu.memory_space<vmem>>) dst(%dma_wait3A_1181 : memref<8x1024xf32, #tpu.memory_space<hbm>>)
          %add3A_1185 = arith.constant 12288 : i32
          %add3A_1186 = arith.addi %add3A_1185, %add3A_1139 : i32
          %dma_wait3A_1187 = arith.constant 0 : i32
          %dma_wait3A_1188 = arith.constant 24 : i32
          %dma_wait3A_1189 = arith.constant 0 : i32
          %dma_wait3A_1190 = tpu.memref_slice %arg10[%dma_wait3A_1188, %dma_wait3A_1189] : memref<32x1024xf32, #tpu.memory_space<vmem>> -> memref<8x1024xf32, #tpu.memory_space<vmem>>
          %dma_wait3A_1191 = arith.constant 0 : i32
          %dma_wait3A_1192 = tpu.memref_slice %arg5[%add3A_1186, %dma_wait3A_1191] : memref<16384x1024xf32, #tpu.memory_space<hbm>> -> memref<8x1024xf32, #tpu.memory_space<hbm>>
          %dma_wait3A_1193 = tpu.memref_slice %arg16[%dma_wait3A_1187] : memref<3x!tpu.dma_semaphore, #tpu.memory_space<semaphore_mem>> -> memref<1x!tpu.dma_semaphore, #tpu.memory_space<semaphore_mem>>
          %dma_wait3A_1194 = tpu.memref_squeeze %dma_wait3A_1193 : memref<1x!tpu.dma_semaphore, #tpu.memory_space<semaphore_mem>> -> memref<!tpu.dma_semaphore, #tpu.memory_space<semaphore_mem>>
          %dma_wait3A_1195 = arith.constant 0 : i32
          %dma_wait3A_1196 = tpu.memref_slice %arg5[%add3A_1186, %dma_wait3A_1195] : memref<16384x1024xf32, #tpu.memory_space<hbm>> -> memref<8x1024xf32, #tpu.memory_space<hbm>>
          %dma_wait3A_1197 = arith.constant 24 : i32
          %dma_wait3A_1198 = arith.constant 0 : i32
          %dma_wait3A_1199 = tpu.memref_slice %arg10[%dma_wait3A_1197, %dma_wait3A_1198] : memref<32x1024xf32, #tpu.memory_space<vmem>> -> memref<8x1024xf32, #tpu.memory_space<vmem>>
          tpu.wait_dma2 semaphore(%dma_wait3A_1194 : memref<!tpu.dma_semaphore, #tpu.memory_space<semaphore_mem>>) src(%dma_wait3A_1199 : memref<8x1024xf32, #tpu.memory_space<vmem>>) dst(%dma_wait3A_1196 : memref<8x1024xf32, #tpu.memory_space<hbm>>)
        } else {
        }
        %add3A_1064 = arith.constant 2 : i32
        %add3A_1065 = arith.addi %add3A_733, %add3A_1064 : i32
        %mul3A_1066 = arith.constant 8 : i32
        %mul3A_1067 = arith.muli %add3A_1065, %mul3A_1066 : i32
        %add3A_1068 = arith.addi %mul3A_2, %mul3A_1067 : i32
        %dma_start3A_1069 = arith.constant 0 : i32
        %dma_start3A_1070 = arith.constant 0 : i32
        %dma_start3A_1071 = tpu.memref_slice %arg4[%add3A_1068, %dma_start3A_1070] : memref<8192x1024xf32, #tpu.memory_space<hbm>> -> memref<8x1024xf32, #tpu.memory_space<hbm>>
        %dma_start3A_1072 = tpu.memref_slice %arg14[%dma_start3A_1069] : memref<3x!tpu.dma_semaphore, #tpu.memory_space<semaphore_mem>> -> memref<1x!tpu.dma_semaphore, #tpu.memory_space<semaphore_mem>>
        %dma_start3A_1073 = tpu.memref_squeeze %dma_start3A_1072 : memref<1x!tpu.dma_semaphore, #tpu.memory_space<semaphore_mem>> -> memref<!tpu.dma_semaphore, #tpu.memory_space<semaphore_mem>>
        %dma_start3A_1074 = arith.constant 0 : i32
        %dma_start3A_1075 = tpu.memref_slice %arg4[%add3A_1068, %dma_start3A_1074] : memref<8192x1024xf32, #tpu.memory_space<hbm>> -> memref<8x1024xf32, #tpu.memory_space<hbm>>
        tpu.enqueue_dma source(%dma_start3A_1075 : memref<8x1024xf32, #tpu.memory_space<hbm>>) target(%arg7 : memref<8x1024xf32, #tpu.memory_space<vmem>>) target_semaphore(%dma_start3A_1073 : memref<!tpu.dma_semaphore, #tpu.memory_space<semaphore_mem>>)
        %mul3A_1076 = arith.constant 8 : i32
        %mul3A_1077 = arith.muli %add3A_1065, %mul3A_1076 : i32
        %dma_start3A_1078 = arith.constant 0 : i32
        %dma_start3A_1079 = arith.constant 0 : i32
        %dma_start3A_1080 = arith.constant 0 : i32
        %dma_start3A_1081 = arith.constant 0 : i32
        %dma_start3A_1082 = arith.constant 0 : i32
        %dma_start3A_1083 = tpu.memref_slice %arg10[%dma_start3A_1081, %dma_start3A_1082] : memref<32x1024xf32, #tpu.memory_space<vmem>> -> memref<8x1024xf32, #tpu.memory_space<vmem>>
        %dma_start3A_1084 = tpu.memref_slice %arg6[%dma_start3A_1078, %mul3A_1077] : memref<4x128xi32, #tpu.memory_space<vmem>> -> memref<1x8xi32, #tpu.memory_space<vmem>>
        %dma_start3A_1085 = tpu.memref_squeeze %dma_start3A_1084 : memref<1x8xi32, #tpu.memory_space<vmem>> -> memref<8xi32, #tpu.memory_space<vmem>>
        %dma_start3A_1086 = arith.constant 0 : i32
        %dma_start3A_1087 = arith.constant 0 : i32
        %dma_start3A_1088 = tpu.memref_slice %arg3[%dma_start3A_1086, %dma_start3A_1087] : memref<100000x1024xf32, #tpu.memory_space<hbm>> -> memref<100000x1024xf32, #tpu.memory_space<hbm>>
        %dma_start3A_1089 = tpu.memref_slice %arg15[%dma_start3A_1079, %dma_start3A_1080] : memref<3x4x!tpu.dma_semaphore, #tpu.memory_space<semaphore_mem>> -> memref<1x1x!tpu.dma_semaphore, #tpu.memory_space<semaphore_mem>>
        %dma_start3A_1090 = tpu.memref_squeeze %dma_start3A_1089 : memref<1x1x!tpu.dma_semaphore, #tpu.memory_space<semaphore_mem>> -> memref<!tpu.dma_semaphore, #tpu.memory_space<semaphore_mem>>
        tpu.enqueue_indirect_dma source(%dma_start3A_1088 : memref<100000x1024xf32, #tpu.memory_space<hbm>>) target(%dma_start3A_1083 : memref<8x1024xf32, #tpu.memory_space<vmem>>) offsets(%dma_start3A_1085 : memref<8xi32, #tpu.memory_space<vmem>>) semaphore(%dma_start3A_1090 : memref<!tpu.dma_semaphore, #tpu.memory_space<semaphore_mem>>)
        %mul3A_1091 = arith.constant 8 : i32
        %mul3A_1092 = arith.muli %add3A_1065, %mul3A_1091 : i32
        %dma_start3A_1093 = arith.constant 1 : i32
        %dma_start3A_1094 = arith.constant 0 : i32
        %dma_start3A_1095 = arith.constant 1 : i32
        %dma_start3A_1096 = arith.constant 8 : i32
        %dma_start3A_1097 = arith.constant 0 : i32
        %dma_start3A_1098 = tpu.memref_slice %arg10[%dma_start3A_1096, %dma_start3A_1097] : memref<32x1024xf32, #tpu.memory_space<vmem>> -> memref<8x1024xf32, #tpu.memory_space<vmem>>
        %dma_start3A_1099 = tpu.memref_slice %arg6[%dma_start3A_1093, %mul3A_1092] : memref<4x128xi32, #tpu.memory_space<vmem>> -> memref<1x8xi32, #tpu.memory_space<vmem>>
        %dma_start3A_1100 = tpu.memref_squeeze %dma_start3A_1099 : memref<1x8xi32, #tpu.memory_space<vmem>> -> memref<8xi32, #tpu.memory_space<vmem>>
        %dma_start3A_1101 = arith.constant 0 : i32
        %dma_start3A_1102 = arith.constant 0 : i32
        %dma_start3A_1103 = tpu.memref_slice %arg3[%dma_start3A_1101, %dma_start3A_1102] : memref<100000x1024xf32, #tpu.memory_space<hbm>> -> memref<100000x1024xf32, #tpu.memory_space<hbm>>
        %dma_start3A_1104 = tpu.memref_slice %arg15[%dma_start3A_1094, %dma_start3A_1095] : memref<3x4x!tpu.dma_semaphore, #tpu.memory_space<semaphore_mem>> -> memref<1x1x!tpu.dma_semaphore, #tpu.memory_space<semaphore_mem>>
        %dma_start3A_1105 = tpu.memref_squeeze %dma_start3A_1104 : memref<1x1x!tpu.dma_semaphore, #tpu.memory_space<semaphore_mem>> -> memref<!tpu.dma_semaphore, #tpu.memory_space<semaphore_mem>>
        tpu.enqueue_indirect_dma source(%dma_start3A_1103 : memref<100000x1024xf32, #tpu.memory_space<hbm>>) target(%dma_start3A_1098 : memref<8x1024xf32, #tpu.memory_space<vmem>>) offsets(%dma_start3A_1100 : memref<8xi32, #tpu.memory_space<vmem>>) semaphore(%dma_start3A_1105 : memref<!tpu.dma_semaphore, #tpu.memory_space<semaphore_mem>>)
        %mul3A_1106 = arith.constant 8 : i32
        %mul3A_1107 = arith.muli %add3A_1065, %mul3A_1106 : i32
        %dma_start3A_1108 = arith.constant 2 : i32
        %dma_start3A_1109 = arith.constant 0 : i32
        %dma_start3A_1110 = arith.constant 2 : i32
        %dma_start3A_1111 = arith.constant 16 : i32
        %dma_start3A_1112 = arith.constant 0 : i32
        %dma_start3A_1113 = tpu.memref_slice %arg10[%dma_start3A_1111, %dma_start3A_1112] : memref<32x1024xf32, #tpu.memory_space<vmem>> -> memref<8x1024xf32, #tpu.memory_space<vmem>>
        %dma_start3A_1114 = tpu.memref_slice %arg6[%dma_start3A_1108, %mul3A_1107] : memref<4x128xi32, #tpu.memory_space<vmem>> -> memref<1x8xi32, #tpu.memory_space<vmem>>
        %dma_start3A_1115 = tpu.memref_squeeze %dma_start3A_1114 : memref<1x8xi32, #tpu.memory_space<vmem>> -> memref<8xi32, #tpu.memory_space<vmem>>
        %dma_start3A_1116 = arith.constant 0 : i32
        %dma_start3A_1117 = arith.constant 0 : i32
        %dma_start3A_1118 = tpu.memref_slice %arg3[%dma_start3A_1116, %dma_start3A_1117] : memref<100000x1024xf32, #tpu.memory_space<hbm>> -> memref<100000x1024xf32, #tpu.memory_space<hbm>>
        %dma_start3A_1119 = tpu.memref_slice %arg15[%dma_start3A_1109, %dma_start3A_1110] : memref<3x4x!tpu.dma_semaphore, #tpu.memory_space<semaphore_mem>> -> memref<1x1x!tpu.dma_semaphore, #tpu.memory_space<semaphore_mem>>
        %dma_start3A_1120 = tpu.memref_squeeze %dma_start3A_1119 : memref<1x1x!tpu.dma_semaphore, #tpu.memory_space<semaphore_mem>> -> memref<!tpu.dma_semaphore, #tpu.memory_space<semaphore_mem>>
        tpu.enqueue_indirect_dma source(%dma_start3A_1118 : memref<100000x1024xf32, #tpu.memory_space<hbm>>) target(%dma_start3A_1113 : memref<8x1024xf32, #tpu.memory_space<vmem>>) offsets(%dma_start3A_1115 : memref<8xi32, #tpu.memory_space<vmem>>) semaphore(%dma_start3A_1120 : memref<!tpu.dma_semaphore, #tpu.memory_space<semaphore_mem>>)
        %mul3A_1121 = arith.constant 8 : i32
        %mul3A_1122 = arith.muli %add3A_1065, %mul3A_1121 : i32
        %dma_start3A_1123 = arith.constant 3 : i32
        %dma_start3A_1124 = arith.constant 0 : i32
        %dma_start3A_1125 = arith.constant 3 : i32
        %dma_start3A_1126 = arith.constant 24 : i32
        %dma_start3A_1127 = arith.constant 0 : i32
        %dma_start3A_1128 = tpu.memref_slice %arg10[%dma_start3A_1126, %dma_start3A_1127] : memref<32x1024xf32, #tpu.memory_space<vmem>> -> memref<8x1024xf32, #tpu.memory_space<vmem>>
        %dma_start3A_1129 = tpu.memref_slice %arg6[%dma_start3A_1123, %mul3A_1122] : memref<4x128xi32, #tpu.memory_space<vmem>> -> memref<1x8xi32, #tpu.memory_space<vmem>>
        %dma_start3A_1130 = tpu.memref_squeeze %dma_start3A_1129 : memref<1x8xi32, #tpu.memory_space<vmem>> -> memref<8xi32, #tpu.memory_space<vmem>>
        %dma_start3A_1131 = arith.constant 0 : i32
        %dma_start3A_1132 = arith.constant 0 : i32
        %dma_start3A_1133 = tpu.memref_slice %arg3[%dma_start3A_1131, %dma_start3A_1132] : memref<100000x1024xf32, #tpu.memory_space<hbm>> -> memref<100000x1024xf32, #tpu.memory_space<hbm>>
        %dma_start3A_1134 = tpu.memref_slice %arg15[%dma_start3A_1124, %dma_start3A_1125] : memref<3x4x!tpu.dma_semaphore, #tpu.memory_space<semaphore_mem>> -> memref<1x1x!tpu.dma_semaphore, #tpu.memory_space<semaphore_mem>>
        %dma_start3A_1135 = tpu.memref_squeeze %dma_start3A_1134 : memref<1x1x!tpu.dma_semaphore, #tpu.memory_space<semaphore_mem>> -> memref<!tpu.dma_semaphore, #tpu.memory_space<semaphore_mem>>
        tpu.enqueue_indirect_dma source(%dma_start3A_1133 : memref<100000x1024xf32, #tpu.memory_space<hbm>>) target(%dma_start3A_1128 : memref<8x1024xf32, #tpu.memory_space<vmem>>) offsets(%dma_start3A_1130 : memref<8xi32, #tpu.memory_space<vmem>>) semaphore(%dma_start3A_1135 : memref<!tpu.dma_semaphore, #tpu.memory_space<semaphore_mem>>)
      } else {
      }
      %mul3A_823 = arith.constant 8 : i32
      %mul3A_824 = arith.muli %add3A_733, %mul3A_823 : i32
      %dma_wait3A_825 = arith.constant 2 : i32
      %dma_wait3A_826 = arith.constant 1 : i32
      %dma_wait3A_827 = arith.constant 2 : i32
      %dma_wait3A_828 = arith.constant 16 : i32
      %dma_wait3A_829 = arith.constant 0 : i32
      %dma_wait3A_830 = tpu.memref_slice %arg11[%dma_wait3A_828, %dma_wait3A_829] : memref<32x1024xf32, #tpu.memory_space<vmem>> -> memref<8x1024xf32, #tpu.memory_space<vmem>>
      %dma_wait3A_831 = tpu.memref_slice %arg6[%dma_wait3A_825, %mul3A_824] : memref<4x128xi32, #tpu.memory_space<vmem>> -> memref<1x8xi32, #tpu.memory_space<vmem>>
      %dma_wait3A_832 = tpu.memref_squeeze %dma_wait3A_831 : memref<1x8xi32, #tpu.memory_space<vmem>> -> memref<8xi32, #tpu.memory_space<vmem>>
      %dma_wait3A_833 = arith.constant 0 : i32
      %dma_wait3A_834 = arith.constant 0 : i32
      %dma_wait3A_835 = tpu.memref_slice %arg3[%dma_wait3A_833, %dma_wait3A_834] : memref<100000x1024xf32, #tpu.memory_space<hbm>> -> memref<100000x1024xf32, #tpu.memory_space<hbm>>
      %dma_wait3A_836 = tpu.memref_slice %arg15[%dma_wait3A_826, %dma_wait3A_827] : memref<3x4x!tpu.dma_semaphore, #tpu.memory_space<semaphore_mem>> -> memref<1x1x!tpu.dma_semaphore, #tpu.memory_space<semaphore_mem>>
      %dma_wait3A_837 = tpu.memref_squeeze %dma_wait3A_836 : memref<1x1x!tpu.dma_semaphore, #tpu.memory_space<semaphore_mem>> -> memref<!tpu.dma_semaphore, #tpu.memory_space<semaphore_mem>>
      tpu.wait_indirect_dma semaphore(%dma_wait3A_837 : memref<!tpu.dma_semaphore, #tpu.memory_space<semaphore_mem>>) src(%dma_wait3A_835 : memref<100000x1024xf32, #tpu.memory_space<hbm>>) dst(%dma_wait3A_830 : memref<8x1024xf32, #tpu.memory_space<vmem>>)
      %scan3A_838 = arith.constant 0 : i32
      %scan3A_839 = arith.constant 0 : i32
      %scan3A_840 = arith.constant 64 : i32
      %scan3A_841 = arith.addi %scan3A_839, %scan3A_840 : i32
      %scan3A_842 = arith.constant 1 : i32
      scf.for %scan3A_1060 = %scan3A_839 to %scan3A_841 step %scan3A_842  : i32 {
        %mul3A_1061 = arith.constant 16 : i32
        %mul3A_1062 = arith.muli %scan3A_1060, %mul3A_1061 : i32
        %get3A = arith.constant 0 : i32
        %get3A_1063 = arith.index_cast %get3A : i32 to index
        %get3A_1064 = arith.index_cast %mul3A_1062 : i32 to index
        %get3A_1065 = tpu.vector_load %arg8[%get3A_1063, %get3A_1064] {strides = array<i32>} : memref<8x1024xf32, #tpu.memory_space<vmem>>, vector<1x16xf32>,
        %get3A_1066 = vector.shape_cast %get3A_1065 : vector<1x16xf32> to vector<16xf32>
        %get3A_1067 = arith.constant 16 : i32
        %get3A_1068 = arith.index_cast %get3A_1067 : i32 to index
        %get3A_1069 = arith.index_cast %mul3A_1062 : i32 to index
        %get3A_1070 = tpu.vector_load %arg11[%get3A_1068, %get3A_1069] {strides = array<i32>} : memref<32x1024xf32, #tpu.memory_space<vmem>>, vector<1x16xf32>,
        %get3A_1071 = vector.shape_cast %get3A_1070 : vector<1x16xf32> to vector<16xf32>
        %add3A_1072 = arith.addf %get3A_1071, %get3A_1066 : vector<16xf32>
        %swap3A = arith.constant 16 : i32
        %swap3A_1073 = arith.index_cast %swap3A : i32 to index
        %swap3A_1074 = arith.index_cast %mul3A_1062 : i32 to index
        %swap3A_1075 = tpu.vector_load %arg11[%swap3A_1073, %swap3A_1074] {strides = array<i32>} : memref<32x1024xf32, #tpu.memory_space<vmem>>, vector<1x16xf32>,
        %swap3A_1076 = vector.shape_cast %swap3A_1075 : vector<1x16xf32> to vector<16xf32>
        %swap3A_1077 = vector.shape_cast %add3A_1072 : vector<16xf32> to vector<1x16xf32>
        tpu.vector_store %arg11[%swap3A_1073, %swap3A_1074], %swap3A_1077 {strides = array<i32>} : memref<32x1024xf32, #tpu.memory_space<vmem>>, vector<1x16xf32>,
        %get3A_1078 = arith.constant 1 : i32
        %get3A_1079 = arith.index_cast %get3A_1078 : i32 to index
        %get3A_1080 = arith.index_cast %mul3A_1062 : i32 to index
        %get3A_1081 = tpu.vector_load %arg8[%get3A_1079, %get3A_1080] {strides = array<i32>} : memref<8x1024xf32, #tpu.memory_space<vmem>>, vector<1x16xf32>,
        %get3A_1082 = vector.shape_cast %get3A_1081 : vector<1x16xf32> to vector<16xf32>
        %get3A_1083 = arith.constant 17 : i32
        %get3A_1084 = arith.index_cast %get3A_1083 : i32 to index
        %get3A_1085 = arith.index_cast %mul3A_1062 : i32 to index
        %get3A_1086 = tpu.vector_load %arg11[%get3A_1084, %get3A_1085] {strides = array<i32>} : memref<32x1024xf32, #tpu.memory_space<vmem>>, vector<1x16xf32>,
        %get3A_1087 = vector.shape_cast %get3A_1086 : vector<1x16xf32> to vector<16xf32>
        %add3A_1088 = arith.addf %get3A_1087, %get3A_1082 : vector<16xf32>
        %swap3A_1089 = arith.constant 17 : i32
        %swap3A_1090 = arith.index_cast %swap3A_1089 : i32 to index
        %swap3A_1091 = arith.index_cast %mul3A_1062 : i32 to index
        %swap3A_1092 = tpu.vector_load %arg11[%swap3A_1090, %swap3A_1091] {strides = array<i32>} : memref<32x1024xf32, #tpu.memory_space<vmem>>, vector<1x16xf32>,
        %swap3A_1093 = vector.shape_cast %swap3A_1092 : vector<1x16xf32> to vector<16xf32>
        %swap3A_1094 = vector.shape_cast %add3A_1088 : vector<16xf32> to vector<1x16xf32>
        tpu.vector_store %arg11[%swap3A_1090, %swap3A_1091], %swap3A_1094 {strides = array<i32>} : memref<32x1024xf32, #tpu.memory_space<vmem>>, vector<1x16xf32>,
        %get3A_1095 = arith.constant 2 : i32
        %get3A_1096 = arith.index_cast %get3A_1095 : i32 to index
        %get3A_1097 = arith.index_cast %mul3A_1062 : i32 to index
        %get3A_1098 = tpu.vector_load %arg8[%get3A_1096, %get3A_1097] {strides = array<i32>} : memref<8x1024xf32, #tpu.memory_space<vmem>>, vector<1x16xf32>,
        %get3A_1099 = vector.shape_cast %get3A_1098 : vector<1x16xf32> to vector<16xf32>
        %get3A_1100 = arith.constant 18 : i32
        %get3A_1101 = arith.index_cast %get3A_1100 : i32 to index
        %get3A_1102 = arith.index_cast %mul3A_1062 : i32 to index
        %get3A_1103 = tpu.vector_load %arg11[%get3A_1101, %get3A_1102] {strides = array<i32>} : memref<32x1024xf32, #tpu.memory_space<vmem>>, vector<1x16xf32>,
        %get3A_1104 = vector.shape_cast %get3A_1103 : vector<1x16xf32> to vector<16xf32>
        %add3A_1105 = arith.addf %get3A_1104, %get3A_1099 : vector<16xf32>
        %swap3A_1106 = arith.constant 18 : i32
        %swap3A_1107 = arith.index_cast %swap3A_1106 : i32 to index
        %swap3A_1108 = arith.index_cast %mul3A_1062 : i32 to index
        %swap3A_1109 = tpu.vector_load %arg11[%swap3A_1107, %swap3A_1108] {strides = array<i32>} : memref<32x1024xf32, #tpu.memory_space<vmem>>, vector<1x16xf32>,
        %swap3A_1110 = vector.shape_cast %swap3A_1109 : vector<1x16xf32> to vector<16xf32>
        %swap3A_1111 = vector.shape_cast %add3A_1105 : vector<16xf32> to vector<1x16xf32>
        tpu.vector_store %arg11[%swap3A_1107, %swap3A_1108], %swap3A_1111 {strides = array<i32>} : memref<32x1024xf32, #tpu.memory_space<vmem>>, vector<1x16xf32>,
        %get3A_1112 = arith.constant 3 : i32
        %get3A_1113 = arith.index_cast %get3A_1112 : i32 to index
        %get3A_1114 = arith.index_cast %mul3A_1062 : i32 to index
        %get3A_1115 = tpu.vector_load %arg8[%get3A_1113, %get3A_1114] {strides = array<i32>} : memref<8x1024xf32, #tpu.memory_space<vmem>>, vector<1x16xf32>,
        %get3A_1116 = vector.shape_cast %get3A_1115 : vector<1x16xf32> to vector<16xf32>
        %get3A_1117 = arith.constant 19 : i32
        %get3A_1118 = arith.index_cast %get3A_1117 : i32 to index
        %get3A_1119 = arith.index_cast %mul3A_1062 : i32 to index
        %get3A_1120 = tpu.vector_load %arg11[%get3A_1118, %get3A_1119] {strides = array<i32>} : memref<32x1024xf32, #tpu.memory_space<vmem>>, vector<1x16xf32>,
        %get3A_1121 = vector.shape_cast %get3A_1120 : vector<1x16xf32> to vector<16xf32>
        %add3A_1122 = arith.addf %get3A_1121, %get3A_1116 : vector<16xf32>
        %swap3A_1123 = arith.constant 19 : i32
        %swap3A_1124 = arith.index_cast %swap3A_1123 : i32 to index
        %swap3A_1125 = arith.index_cast %mul3A_1062 : i32 to index
        %swap3A_1126 = tpu.vector_load %arg11[%swap3A_1124, %swap3A_1125] {strides = array<i32>} : memref<32x1024xf32, #tpu.memory_space<vmem>>, vector<1x16xf32>,
        %swap3A_1127 = vector.shape_cast %swap3A_1126 : vector<1x16xf32> to vector<16xf32>
        %swap3A_1128 = vector.shape_cast %add3A_1122 : vector<16xf32> to vector<1x16xf32>
        tpu.vector_store %arg11[%swap3A_1124, %swap3A_1125], %swap3A_1128 {strides = array<i32>} : memref<32x1024xf32, #tpu.memory_space<vmem>>, vector<1x16xf32>,
        %get3A_1129 = arith.constant 4 : i32
        %get3A_1130 = arith.index_cast %get3A_1129 : i32 to index
        %get3A_1131 = arith.index_cast %mul3A_1062 : i32 to index
        %get3A_1132 = tpu.vector_load %arg8[%get3A_1130, %get3A_1131] {strides = array<i32>} : memref<8x1024xf32, #tpu.memory_space<vmem>>, vector<1x16xf32>,
        %get3A_1133 = vector.shape_cast %get3A_1132 : vector<1x16xf32> to vector<16xf32>
        %get3A_1134 = arith.constant 20 : i32
        %get3A_1135 = arith.index_cast %get3A_1134 : i32 to index
        %get3A_1136 = arith.index_cast %mul3A_1062 : i32 to index
        %get3A_1137 = tpu.vector_load %arg11[%get3A_1135, %get3A_1136] {strides = array<i32>} : memref<32x1024xf32, #tpu.memory_space<vmem>>, vector<1x16xf32>,
        %get3A_1138 = vector.shape_cast %get3A_1137 : vector<1x16xf32> to vector<16xf32>
        %add3A_1139 = arith.addf %get3A_1138, %get3A_1133 : vector<16xf32>
        %swap3A_1140 = arith.constant 20 : i32
        %swap3A_1141 = arith.index_cast %swap3A_1140 : i32 to index
        %swap3A_1142 = arith.index_cast %mul3A_1062 : i32 to index
        %swap3A_1143 = tpu.vector_load %arg11[%swap3A_1141, %swap3A_1142] {strides = array<i32>} : memref<32x1024xf32, #tpu.memory_space<vmem>>, vector<1x16xf32>,
        %swap3A_1144 = vector.shape_cast %swap3A_1143 : vector<1x16xf32> to vector<16xf32>
        %swap3A_1145 = vector.shape_cast %add3A_1139 : vector<16xf32> to vector<1x16xf32>
        tpu.vector_store %arg11[%swap3A_1141, %swap3A_1142], %swap3A_1145 {strides = array<i32>} : memref<32x1024xf32, #tpu.memory_space<vmem>>, vector<1x16xf32>,
        %get3A_1146 = arith.constant 5 : i32
        %get3A_1147 = arith.index_cast %get3A_1146 : i32 to index
        %get3A_1148 = arith.index_cast %mul3A_1062 : i32 to index
        %get3A_1149 = tpu.vector_load %arg8[%get3A_1147, %get3A_1148] {strides = array<i32>} : memref<8x1024xf32, #tpu.memory_space<vmem>>, vector<1x16xf32>,
        %get3A_1150 = vector.shape_cast %get3A_1149 : vector<1x16xf32> to vector<16xf32>
        %get3A_1151 = arith.constant 21 : i32
        %get3A_1152 = arith.index_cast %get3A_1151 : i32 to index
        %get3A_1153 = arith.index_cast %mul3A_1062 : i32 to index
        %get3A_1154 = tpu.vector_load %arg11[%get3A_1152, %get3A_1153] {strides = array<i32>} : memref<32x1024xf32, #tpu.memory_space<vmem>>, vector<1x16xf32>,
        %get3A_1155 = vector.shape_cast %get3A_1154 : vector<1x16xf32> to vector<16xf32>
        %add3A_1156 = arith.addf %get3A_1155, %get3A_1150 : vector<16xf32>
        %swap3A_1157 = arith.constant 21 : i32
        %swap3A_1158 = arith.index_cast %swap3A_1157 : i32 to index
        %swap3A_1159 = arith.index_cast %mul3A_1062 : i32 to index
        %swap3A_1160 = tpu.vector_load %arg11[%swap3A_1158, %swap3A_1159] {strides = array<i32>} : memref<32x1024xf32, #tpu.memory_space<vmem>>, vector<1x16xf32>,
        %swap3A_1161 = vector.shape_cast %swap3A_1160 : vector<1x16xf32> to vector<16xf32>
        %swap3A_1162 = vector.shape_cast %add3A_1156 : vector<16xf32> to vector<1x16xf32>
        tpu.vector_store %arg11[%swap3A_1158, %swap3A_1159], %swap3A_1162 {strides = array<i32>} : memref<32x1024xf32, #tpu.memory_space<vmem>>, vector<1x16xf32>,
        %get3A_1163 = arith.constant 6 : i32
        %get3A_1164 = arith.index_cast %get3A_1163 : i32 to index
        %get3A_1165 = arith.index_cast %mul3A_1062 : i32 to index
        %get3A_1166 = tpu.vector_load %arg8[%get3A_1164, %get3A_1165] {strides = array<i32>} : memref<8x1024xf32, #tpu.memory_space<vmem>>, vector<1x16xf32>,
        %get3A_1167 = vector.shape_cast %get3A_1166 : vector<1x16xf32> to vector<16xf32>
        %get3A_1168 = arith.constant 22 : i32
        %get3A_1169 = arith.index_cast %get3A_1168 : i32 to index
        %get3A_1170 = arith.index_cast %mul3A_1062 : i32 to index
        %get3A_1171 = tpu.vector_load %arg11[%get3A_1169, %get3A_1170] {strides = array<i32>} : memref<32x1024xf32, #tpu.memory_space<vmem>>, vector<1x16xf32>,
        %get3A_1172 = vector.shape_cast %get3A_1171 : vector<1x16xf32> to vector<16xf32>
        %add3A_1173 = arith.addf %get3A_1172, %get3A_1167 : vector<16xf32>
        %swap3A_1174 = arith.constant 22 : i32
        %swap3A_1175 = arith.index_cast %swap3A_1174 : i32 to index
        %swap3A_1176 = arith.index_cast %mul3A_1062 : i32 to index
        %swap3A_1177 = tpu.vector_load %arg11[%swap3A_1175, %swap3A_1176] {strides = array<i32>} : memref<32x1024xf32, #tpu.memory_space<vmem>>, vector<1x16xf32>,
        %swap3A_1178 = vector.shape_cast %swap3A_1177 : vector<1x16xf32> to vector<16xf32>
        %swap3A_1179 = vector.shape_cast %add3A_1173 : vector<16xf32> to vector<1x16xf32>
        tpu.vector_store %arg11[%swap3A_1175, %swap3A_1176], %swap3A_1179 {strides = array<i32>} : memref<32x1024xf32, #tpu.memory_space<vmem>>, vector<1x16xf32>,
        %get3A_1180 = arith.constant 7 : i32
        %get3A_1181 = arith.index_cast %get3A_1180 : i32 to index
        %get3A_1182 = arith.index_cast %mul3A_1062 : i32 to index
        %get3A_1183 = tpu.vector_load %arg8[%get3A_1181, %get3A_1182] {strides = array<i32>} : memref<8x1024xf32, #tpu.memory_space<vmem>>, vector<1x16xf32>,
        %get3A_1184 = vector.shape_cast %get3A_1183 : vector<1x16xf32> to vector<16xf32>
        %get3A_1185 = arith.constant 23 : i32
        %get3A_1186 = arith.index_cast %get3A_1185 : i32 to index
        %get3A_1187 = arith.index_cast %mul3A_1062 : i32 to index
        %get3A_1188 = tpu.vector_load %arg11[%get3A_1186, %get3A_1187] {strides = array<i32>} : memref<32x1024xf32, #tpu.memory_space<vmem>>, vector<1x16xf32>,
        %get3A_1189 = vector.shape_cast %get3A_1188 : vector<1x16xf32> to vector<16xf32>
        %add3A_1190 = arith.addf %get3A_1189, %get3A_1184 : vector<16xf32>
        %swap3A_1191 = arith.constant 23 : i32
        %swap3A_1192 = arith.index_cast %swap3A_1191 : i32 to index
        %swap3A_1193 = arith.index_cast %mul3A_1062 : i32 to index
        %swap3A_1194 = tpu.vector_load %arg11[%swap3A_1192, %swap3A_1193] {strides = array<i32>} : memref<32x1024xf32, #tpu.memory_space<vmem>>, vector<1x16xf32>,
        %swap3A_1195 = vector.shape_cast %swap3A_1194 : vector<1x16xf32> to vector<16xf32>
        %swap3A_1196 = vector.shape_cast %add3A_1190 : vector<16xf32> to vector<1x16xf32>
        tpu.vector_store %arg11[%swap3A_1192, %swap3A_1193], %swap3A_1196 {strides = array<i32>} : memref<32x1024xf32, #tpu.memory_space<vmem>>, vector<1x16xf32>,
      }
      %scan3A_843 = arith.constant 64 : i32
      %add3A_844 = arith.constant 8192 : i32
      %add3A_845 = arith.addi %add3A_844, %add3A_736 : i32
      %dma_start3A_846 = arith.constant 1 : i32
      %dma_start3A_847 = arith.constant 16 : i32
      %dma_start3A_848 = arith.constant 0 : i32
      %dma_start3A_849 = tpu.memref_slice %arg11[%dma_start3A_847, %dma_start3A_848] : memref<32x1024xf32, #tpu.memory_space<vmem>> -> memref<8x1024xf32, #tpu.memory_space<vmem>>
      %dma_start3A_850 = arith.constant 0 : i32
      %dma_start3A_851 = tpu.memref_slice %arg5[%add3A_845, %dma_start3A_850] : memref<16384x1024xf32, #tpu.memory_space<hbm>> -> memref<8x1024xf32, #tpu.memory_space<hbm>>
      %dma_start3A_852 = tpu.memref_slice %arg16[%dma_start3A_846] : memref<3x!tpu.dma_semaphore, #tpu.memory_space<semaphore_mem>> -> memref<1x!tpu.dma_semaphore, #tpu.memory_space<semaphore_mem>>
      %dma_start3A_853 = tpu.memref_squeeze %dma_start3A_852 : memref<1x!tpu.dma_semaphore, #tpu.memory_space<semaphore_mem>> -> memref<!tpu.dma_semaphore, #tpu.memory_space<semaphore_mem>>
      %dma_start3A_854 = arith.constant 0 : i32
      %dma_start3A_855 = tpu.memref_slice %arg5[%add3A_845, %dma_start3A_854] : memref<16384x1024xf32, #tpu.memory_space<hbm>> -> memref<8x1024xf32, #tpu.memory_space<hbm>>
      %dma_start3A_856 = arith.constant 16 : i32
      %dma_start3A_857 = arith.constant 0 : i32
      %dma_start3A_858 = tpu.memref_slice %arg11[%dma_start3A_856, %dma_start3A_857] : memref<32x1024xf32, #tpu.memory_space<vmem>> -> memref<8x1024xf32, #tpu.memory_space<vmem>>
      tpu.enqueue_dma source(%dma_start3A_858 : memref<8x1024xf32, #tpu.memory_space<vmem>>) target(%dma_start3A_855 : memref<8x1024xf32, #tpu.memory_space<hbm>>) target_semaphore(%dma_start3A_853 : memref<!tpu.dma_semaphore, #tpu.memory_space<semaphore_mem>>)
      %mul3A_859 = arith.constant 8 : i32
      %mul3A_860 = arith.muli %add3A_733, %mul3A_859 : i32
      %dma_wait3A_861 = arith.constant 3 : i32
      %dma_wait3A_862 = arith.constant 1 : i32
      %dma_wait3A_863 = arith.constant 3 : i32
      %dma_wait3A_864 = arith.constant 24 : i32
      %dma_wait3A_865 = arith.constant 0 : i32
      %dma_wait3A_866 = tpu.memref_slice %arg11[%dma_wait3A_864, %dma_wait3A_865] : memref<32x1024xf32, #tpu.memory_space<vmem>> -> memref<8x1024xf32, #tpu.memory_space<vmem>>
      %dma_wait3A_867 = tpu.memref_slice %arg6[%dma_wait3A_861, %mul3A_860] : memref<4x128xi32, #tpu.memory_space<vmem>> -> memref<1x8xi32, #tpu.memory_space<vmem>>
      %dma_wait3A_868 = tpu.memref_squeeze %dma_wait3A_867 : memref<1x8xi32, #tpu.memory_space<vmem>> -> memref<8xi32, #tpu.memory_space<vmem>>
      %dma_wait3A_869 = arith.constant 0 : i32
      %dma_wait3A_870 = arith.constant 0 : i32
      %dma_wait3A_871 = tpu.memref_slice %arg3[%dma_wait3A_869, %dma_wait3A_870] : memref<100000x1024xf32, #tpu.memory_space<hbm>> -> memref<100000x1024xf32, #tpu.memory_space<hbm>>
      %dma_wait3A_872 = tpu.memref_slice %arg15[%dma_wait3A_862, %dma_wait3A_863] : memref<3x4x!tpu.dma_semaphore, #tpu.memory_space<semaphore_mem>> -> memref<1x1x!tpu.dma_semaphore, #tpu.memory_space<semaphore_mem>>
      %dma_wait3A_873 = tpu.memref_squeeze %dma_wait3A_872 : memref<1x1x!tpu.dma_semaphore, #tpu.memory_space<semaphore_mem>> -> memref<!tpu.dma_semaphore, #tpu.memory_space<semaphore_mem>>
      tpu.wait_indirect_dma semaphore(%dma_wait3A_873 : memref<!tpu.dma_semaphore, #tpu.memory_space<semaphore_mem>>) src(%dma_wait3A_871 : memref<100000x1024xf32, #tpu.memory_space<hbm>>) dst(%dma_wait3A_866 : memref<8x1024xf32, #tpu.memory_space<vmem>>)
      %scan3A_874 = arith.constant 0 : i32
      %scan3A_875 = arith.constant 0 : i32
      %scan3A_876 = arith.constant 64 : i32
      %scan3A_877 = arith.addi %scan3A_875, %scan3A_876 : i32
      %scan3A_878 = arith.constant 1 : i32
      scf.for %scan3A_1060 = %scan3A_875 to %scan3A_877 step %scan3A_878  : i32 {
        %mul3A_1061 = arith.constant 16 : i32
        %mul3A_1062 = arith.muli %scan3A_1060, %mul3A_1061 : i32
        %get3A = arith.constant 0 : i32
        %get3A_1063 = arith.index_cast %get3A : i32 to index
        %get3A_1064 = arith.index_cast %mul3A_1062 : i32 to index
        %get3A_1065 = tpu.vector_load %arg8[%get3A_1063, %get3A_1064] {strides = array<i32>} : memref<8x1024xf32, #tpu.memory_space<vmem>>, vector<1x16xf32>,
        %get3A_1066 = vector.shape_cast %get3A_1065 : vector<1x16xf32> to vector<16xf32>
        %get3A_1067 = arith.constant 24 : i32
        %get3A_1068 = arith.index_cast %get3A_1067 : i32 to index
        %get3A_1069 = arith.index_cast %mul3A_1062 : i32 to index
        %get3A_1070 = tpu.vector_load %arg11[%get3A_1068, %get3A_1069] {strides = array<i32>} : memref<32x1024xf32, #tpu.memory_space<vmem>>, vector<1x16xf32>,
        %get3A_1071 = vector.shape_cast %get3A_1070 : vector<1x16xf32> to vector<16xf32>
        %add3A_1072 = arith.addf %get3A_1071, %get3A_1066 : vector<16xf32>
        %swap3A = arith.constant 24 : i32
        %swap3A_1073 = arith.index_cast %swap3A : i32 to index
        %swap3A_1074 = arith.index_cast %mul3A_1062 : i32 to index
        %swap3A_1075 = tpu.vector_load %arg11[%swap3A_1073, %swap3A_1074] {strides = array<i32>} : memref<32x1024xf32, #tpu.memory_space<vmem>>, vector<1x16xf32>,
        %swap3A_1076 = vector.shape_cast %swap3A_1075 : vector<1x16xf32> to vector<16xf32>
        %swap3A_1077 = vector.shape_cast %add3A_1072 : vector<16xf32> to vector<1x16xf32>
        tpu.vector_store %arg11[%swap3A_1073, %swap3A_1074], %swap3A_1077 {strides = array<i32>} : memref<32x1024xf32, #tpu.memory_space<vmem>>, vector<1x16xf32>,
        %get3A_1078 = arith.constant 1 : i32
        %get3A_1079 = arith.index_cast %get3A_1078 : i32 to index
        %get3A_1080 = arith.index_cast %mul3A_1062 : i32 to index
        %get3A_1081 = tpu.vector_load %arg8[%get3A_1079, %get3A_1080] {strides = array<i32>} : memref<8x1024xf32, #tpu.memory_space<vmem>>, vector<1x16xf32>,
        %get3A_1082 = vector.shape_cast %get3A_1081 : vector<1x16xf32> to vector<16xf32>
        %get3A_1083 = arith.constant 25 : i32
        %get3A_1084 = arith.index_cast %get3A_1083 : i32 to index
        %get3A_1085 = arith.index_cast %mul3A_1062 : i32 to index
        %get3A_1086 = tpu.vector_load %arg11[%get3A_1084, %get3A_1085] {strides = array<i32>} : memref<32x1024xf32, #tpu.memory_space<vmem>>, vector<1x16xf32>,
        %get3A_1087 = vector.shape_cast %get3A_1086 : vector<1x16xf32> to vector<16xf32>
        %add3A_1088 = arith.addf %get3A_1087, %get3A_1082 : vector<16xf32>
        %swap3A_1089 = arith.constant 25 : i32
        %swap3A_1090 = arith.index_cast %swap3A_1089 : i32 to index
        %swap3A_1091 = arith.index_cast %mul3A_1062 : i32 to index
        %swap3A_1092 = tpu.vector_load %arg11[%swap3A_1090, %swap3A_1091] {strides = array<i32>} : memref<32x1024xf32, #tpu.memory_space<vmem>>, vector<1x16xf32>,
        %swap3A_1093 = vector.shape_cast %swap3A_1092 : vector<1x16xf32> to vector<16xf32>
        %swap3A_1094 = vector.shape_cast %add3A_1088 : vector<16xf32> to vector<1x16xf32>
        tpu.vector_store %arg11[%swap3A_1090, %swap3A_1091], %swap3A_1094 {strides = array<i32>} : memref<32x1024xf32, #tpu.memory_space<vmem>>, vector<1x16xf32>,
        %get3A_1095 = arith.constant 2 : i32
        %get3A_1096 = arith.index_cast %get3A_1095 : i32 to index
        %get3A_1097 = arith.index_cast %mul3A_1062 : i32 to index
        %get3A_1098 = tpu.vector_load %arg8[%get3A_1096, %get3A_1097] {strides = array<i32>} : memref<8x1024xf32, #tpu.memory_space<vmem>>, vector<1x16xf32>,
        %get3A_1099 = vector.shape_cast %get3A_1098 : vector<1x16xf32> to vector<16xf32>
        %get3A_1100 = arith.constant 26 : i32
        %get3A_1101 = arith.index_cast %get3A_1100 : i32 to index
        %get3A_1102 = arith.index_cast %mul3A_1062 : i32 to index
        %get3A_1103 = tpu.vector_load %arg11[%get3A_1101, %get3A_1102] {strides = array<i32>} : memref<32x1024xf32, #tpu.memory_space<vmem>>, vector<1x16xf32>,
        %get3A_1104 = vector.shape_cast %get3A_1103 : vector<1x16xf32> to vector<16xf32>
        %add3A_1105 = arith.addf %get3A_1104, %get3A_1099 : vector<16xf32>
        %swap3A_1106 = arith.constant 26 : i32
        %swap3A_1107 = arith.index_cast %swap3A_1106 : i32 to index
        %swap3A_1108 = arith.index_cast %mul3A_1062 : i32 to index
        %swap3A_1109 = tpu.vector_load %arg11[%swap3A_1107, %swap3A_1108] {strides = array<i32>} : memref<32x1024xf32, #tpu.memory_space<vmem>>, vector<1x16xf32>,
        %swap3A_1110 = vector.shape_cast %swap3A_1109 : vector<1x16xf32> to vector<16xf32>
        %swap3A_1111 = vector.shape_cast %add3A_1105 : vector<16xf32> to vector<1x16xf32>
        tpu.vector_store %arg11[%swap3A_1107, %swap3A_1108], %swap3A_1111 {strides = array<i32>} : memref<32x1024xf32, #tpu.memory_space<vmem>>, vector<1x16xf32>,
        %get3A_1112 = arith.constant 3 : i32
        %get3A_1113 = arith.index_cast %get3A_1112 : i32 to index
        %get3A_1114 = arith.index_cast %mul3A_1062 : i32 to index
        %get3A_1115 = tpu.vector_load %arg8[%get3A_1113, %get3A_1114] {strides = array<i32>} : memref<8x1024xf32, #tpu.memory_space<vmem>>, vector<1x16xf32>,
        %get3A_1116 = vector.shape_cast %get3A_1115 : vector<1x16xf32> to vector<16xf32>
        %get3A_1117 = arith.constant 27 : i32
        %get3A_1118 = arith.index_cast %get3A_1117 : i32 to index
        %get3A_1119 = arith.index_cast %mul3A_1062 : i32 to index
        %get3A_1120 = tpu.vector_load %arg11[%get3A_1118, %get3A_1119] {strides = array<i32>} : memref<32x1024xf32, #tpu.memory_space<vmem>>, vector<1x16xf32>,
        %get3A_1121 = vector.shape_cast %get3A_1120 : vector<1x16xf32> to vector<16xf32>
        %add3A_1122 = arith.addf %get3A_1121, %get3A_1116 : vector<16xf32>
        %swap3A_1123 = arith.constant 27 : i32
        %swap3A_1124 = arith.index_cast %swap3A_1123 : i32 to index
        %swap3A_1125 = arith.index_cast %mul3A_1062 : i32 to index
        %swap3A_1126 = tpu.vector_load %arg11[%swap3A_1124, %swap3A_1125] {strides = array<i32>} : memref<32x1024xf32, #tpu.memory_space<vmem>>, vector<1x16xf32>,
        %swap3A_1127 = vector.shape_cast %swap3A_1126 : vector<1x16xf32> to vector<16xf32>
        %swap3A_1128 = vector.shape_cast %add3A_1122 : vector<16xf32> to vector<1x16xf32>
        tpu.vector_store %arg11[%swap3A_1124, %swap3A_1125], %swap3A_1128 {strides = array<i32>} : memref<32x1024xf32, #tpu.memory_space<vmem>>, vector<1x16xf32>,
        %get3A_1129 = arith.constant 4 : i32
        %get3A_1130 = arith.index_cast %get3A_1129 : i32 to index
        %get3A_1131 = arith.index_cast %mul3A_1062 : i32 to index
        %get3A_1132 = tpu.vector_load %arg8[%get3A_1130, %get3A_1131] {strides = array<i32>} : memref<8x1024xf32, #tpu.memory_space<vmem>>, vector<1x16xf32>,
        %get3A_1133 = vector.shape_cast %get3A_1132 : vector<1x16xf32> to vector<16xf32>
        %get3A_1134 = arith.constant 28 : i32
        %get3A_1135 = arith.index_cast %get3A_1134 : i32 to index
        %get3A_1136 = arith.index_cast %mul3A_1062 : i32 to index
        %get3A_1137 = tpu.vector_load %arg11[%get3A_1135, %get3A_1136] {strides = array<i32>} : memref<32x1024xf32, #tpu.memory_space<vmem>>, vector<1x16xf32>,
        %get3A_1138 = vector.shape_cast %get3A_1137 : vector<1x16xf32> to vector<16xf32>
        %add3A_1139 = arith.addf %get3A_1138, %get3A_1133 : vector<16xf32>
        %swap3A_1140 = arith.constant 28 : i32
        %swap3A_1141 = arith.index_cast %swap3A_1140 : i32 to index
        %swap3A_1142 = arith.index_cast %mul3A_1062 : i32 to index
        %swap3A_1143 = tpu.vector_load %arg11[%swap3A_1141, %swap3A_1142] {strides = array<i32>} : memref<32x1024xf32, #tpu.memory_space<vmem>>, vector<1x16xf32>,
        %swap3A_1144 = vector.shape_cast %swap3A_1143 : vector<1x16xf32> to vector<16xf32>
        %swap3A_1145 = vector.shape_cast %add3A_1139 : vector<16xf32> to vector<1x16xf32>
        tpu.vector_store %arg11[%swap3A_1141, %swap3A_1142], %swap3A_1145 {strides = array<i32>} : memref<32x1024xf32, #tpu.memory_space<vmem>>, vector<1x16xf32>,
        %get3A_1146 = arith.constant 5 : i32
        %get3A_1147 = arith.index_cast %get3A_1146 : i32 to index
        %get3A_1148 = arith.index_cast %mul3A_1062 : i32 to index
        %get3A_1149 = tpu.vector_load %arg8[%get3A_1147, %get3A_1148] {strides = array<i32>} : memref<8x1024xf32, #tpu.memory_space<vmem>>, vector<1x16xf32>,
        %get3A_1150 = vector.shape_cast %get3A_1149 : vector<1x16xf32> to vector<16xf32>
        %get3A_1151 = arith.constant 29 : i32
        %get3A_1152 = arith.index_cast %get3A_1151 : i32 to index
        %get3A_1153 = arith.index_cast %mul3A_1062 : i32 to index
        %get3A_1154 = tpu.vector_load %arg11[%get3A_1152, %get3A_1153] {strides = array<i32>} : memref<32x1024xf32, #tpu.memory_space<vmem>>, vector<1x16xf32>,
        %get3A_1155 = vector.shape_cast %get3A_1154 : vector<1x16xf32> to vector<16xf32>
        %add3A_1156 = arith.addf %get3A_1155, %get3A_1150 : vector<16xf32>
        %swap3A_1157 = arith.constant 29 : i32
        %swap3A_1158 = arith.index_cast %swap3A_1157 : i32 to index
        %swap3A_1159 = arith.index_cast %mul3A_1062 : i32 to index
        %swap3A_1160 = tpu.vector_load %arg11[%swap3A_1158, %swap3A_1159] {strides = array<i32>} : memref<32x1024xf32, #tpu.memory_space<vmem>>, vector<1x16xf32>,
        %swap3A_1161 = vector.shape_cast %swap3A_1160 : vector<1x16xf32> to vector<16xf32>
        %swap3A_1162 = vector.shape_cast %add3A_1156 : vector<16xf32> to vector<1x16xf32>
        tpu.vector_store %arg11[%swap3A_1158, %swap3A_1159], %swap3A_1162 {strides = array<i32>} : memref<32x1024xf32, #tpu.memory_space<vmem>>, vector<1x16xf32>,
        %get3A_1163 = arith.constant 6 : i32
        %get3A_1164 = arith.index_cast %get3A_1163 : i32 to index
        %get3A_1165 = arith.index_cast %mul3A_1062 : i32 to index
        %get3A_1166 = tpu.vector_load %arg8[%get3A_1164, %get3A_1165] {strides = array<i32>} : memref<8x1024xf32, #tpu.memory_space<vmem>>, vector<1x16xf32>,
        %get3A_1167 = vector.shape_cast %get3A_1166 : vector<1x16xf32> to vector<16xf32>
        %get3A_1168 = arith.constant 30 : i32
        %get3A_1169 = arith.index_cast %get3A_1168 : i32 to index
        %get3A_1170 = arith.index_cast %mul3A_1062 : i32 to index
        %get3A_1171 = tpu.vector_load %arg11[%get3A_1169, %get3A_1170] {strides = array<i32>} : memref<32x1024xf32, #tpu.memory_space<vmem>>, vector<1x16xf32>,
        %get3A_1172 = vector.shape_cast %get3A_1171 : vector<1x16xf32> to vector<16xf32>
        %add3A_1173 = arith.addf %get3A_1172, %get3A_1167 : vector<16xf32>
        %swap3A_1174 = arith.constant 30 : i32
        %swap3A_1175 = arith.index_cast %swap3A_1174 : i32 to index
        %swap3A_1176 = arith.index_cast %mul3A_1062 : i32 to index
        %swap3A_1177 = tpu.vector_load %arg11[%swap3A_1175, %swap3A_1176] {strides = array<i32>} : memref<32x1024xf32, #tpu.memory_space<vmem>>, vector<1x16xf32>,
        %swap3A_1178 = vector.shape_cast %swap3A_1177 : vector<1x16xf32> to vector<16xf32>
        %swap3A_1179 = vector.shape_cast %add3A_1173 : vector<16xf32> to vector<1x16xf32>
        tpu.vector_store %arg11[%swap3A_1175, %swap3A_1176], %swap3A_1179 {strides = array<i32>} : memref<32x1024xf32, #tpu.memory_space<vmem>>, vector<1x16xf32>,
        %get3A_1180 = arith.constant 7 : i32
        %get3A_1181 = arith.index_cast %get3A_1180 : i32 to index
        %get3A_1182 = arith.index_cast %mul3A_1062 : i32 to index
        %get3A_1183 = tpu.vector_load %arg8[%get3A_1181, %get3A_1182] {strides = array<i32>} : memref<8x1024xf32, #tpu.memory_space<vmem>>, vector<1x16xf32>,
        %get3A_1184 = vector.shape_cast %get3A_1183 : vector<1x16xf32> to vector<16xf32>
        %get3A_1185 = arith.constant 31 : i32
        %get3A_1186 = arith.index_cast %get3A_1185 : i32 to index
        %get3A_1187 = arith.index_cast %mul3A_1062 : i32 to index
        %get3A_1188 = tpu.vector_load %arg11[%get3A_1186, %get3A_1187] {strides = array<i32>} : memref<32x1024xf32, #tpu.memory_space<vmem>>, vector<1x16xf32>,
        %get3A_1189 = vector.shape_cast %get3A_1188 : vector<1x16xf32> to vector<16xf32>
        %add3A_1190 = arith.addf %get3A_1189, %get3A_1184 : vector<16xf32>
        %swap3A_1191 = arith.constant 31 : i32
        %swap3A_1192 = arith.index_cast %swap3A_1191 : i32 to index
        %swap3A_1193 = arith.index_cast %mul3A_1062 : i32 to index
        %swap3A_1194 = tpu.vector_load %arg11[%swap3A_1192, %swap3A_1193] {strides = array<i32>} : memref<32x1024xf32, #tpu.memory_space<vmem>>, vector<1x16xf32>,
        %swap3A_1195 = vector.shape_cast %swap3A_1194 : vector<1x16xf32> to vector<16xf32>
        %swap3A_1196 = vector.shape_cast %add3A_1190 : vector<16xf32> to vector<1x16xf32>
        tpu.vector_store %arg11[%swap3A_1192, %swap3A_1193], %swap3A_1196 {strides = array<i32>} : memref<32x1024xf32, #tpu.memory_space<vmem>>, vector<1x16xf32>,
      }
      %scan3A_879 = arith.constant 64 : i32
      %add3A_880 = arith.constant 12288 : i32
      %add3A_881 = arith.addi %add3A_880, %add3A_736 : i32
      %dma_start3A_882 = arith.constant 1 : i32
      %dma_start3A_883 = arith.constant 24 : i32
      %dma_start3A_884 = arith.constant 0 : i32
      %dma_start3A_885 = tpu.memref_slice %arg11[%dma_start3A_883, %dma_start3A_884] : memref<32x1024xf32, #tpu.memory_space<vmem>> -> memref<8x1024xf32, #tpu.memory_space<vmem>>
      %dma_start3A_886 = arith.constant 0 : i32
      %dma_start3A_887 = tpu.memref_slice %arg5[%add3A_881, %dma_start3A_886] : memref<16384x1024xf32, #tpu.memory_space<hbm>> -> memref<8x1024xf32, #tpu.memory_space<hbm>>
      %dma_start3A_888 = tpu.memref_slice %arg16[%dma_start3A_882] : memref<3x!tpu.dma_semaphore, #tpu.memory_space<semaphore_mem>> -> memref<1x!tpu.dma_semaphore, #tpu.memory_space<semaphore_mem>>
      %dma_start3A_889 = tpu.memref_squeeze %dma_start3A_888 : memref<1x!tpu.dma_semaphore, #tpu.memory_space<semaphore_mem>> -> memref<!tpu.dma_semaphore, #tpu.memory_space<semaphore_mem>>
      %dma_start3A_890 = arith.constant 0 : i32
      %dma_start3A_891 = tpu.memref_slice %arg5[%add3A_881, %dma_start3A_890] : memref<16384x1024xf32, #tpu.memory_space<hbm>> -> memref<8x1024xf32, #tpu.memory_space<hbm>>
      %dma_start3A_892 = arith.constant 24 : i32
      %dma_start3A_893 = arith.constant 0 : i32
      %dma_start3A_894 = tpu.memref_slice %arg11[%dma_start3A_892, %dma_start3A_893] : memref<32x1024xf32, #tpu.memory_space<vmem>> -> memref<8x1024xf32, #tpu.memory_space<vmem>>
      tpu.enqueue_dma source(%dma_start3A_894 : memref<8x1024xf32, #tpu.memory_space<vmem>>) target(%dma_start3A_891 : memref<8x1024xf32, #tpu.memory_space<hbm>>) target_semaphore(%dma_start3A_889 : memref<!tpu.dma_semaphore, #tpu.memory_space<semaphore_mem>>)
      %mul3A_895 = arith.constant 3 : i32
      %mul3A_896 = arith.muli %scan3A_567, %mul3A_895 : i32
      %add3A_897 = arith.constant 2 : i32
      %add3A_898 = arith.addi %mul3A_896, %add3A_897 : i32
      %mul3A_899 = arith.constant 8 : i32
      %mul3A_900 = arith.muli %add3A_898, %mul3A_899 : i32
      %add3A_901 = arith.addi %mul3A_2, %mul3A_900 : i32
      %dma_wait3A_902 = arith.constant 2 : i32
      %dma_wait3A_903 = arith.constant 0 : i32
      %dma_wait3A_904 = tpu.memref_slice %arg4[%add3A_901, %dma_wait3A_903] : memref<8192x1024xf32, #tpu.memory_space<hbm>> -> memref<8x1024xf32, #tpu.memory_space<hbm>>
      %dma_wait3A_905 = tpu.memref_slice %arg14[%dma_wait3A_902] : memref<3x!tpu.dma_semaphore, #tpu.memory_space<semaphore_mem>> -> memref<1x!tpu.dma_semaphore, #tpu.memory_space<semaphore_mem>>
      %dma_wait3A_906 = tpu.memref_squeeze %dma_wait3A_905 : memref<1x!tpu.dma_semaphore, #tpu.memory_space<semaphore_mem>> -> memref<!tpu.dma_semaphore, #tpu.memory_space<semaphore_mem>>
      %dma_wait3A_907 = arith.constant 0 : i32
      %dma_wait3A_908 = tpu.memref_slice %arg4[%add3A_901, %dma_wait3A_907] : memref<8192x1024xf32, #tpu.memory_space<hbm>> -> memref<8x1024xf32, #tpu.memory_space<hbm>>
      tpu.wait_dma2 semaphore(%dma_wait3A_906 : memref<!tpu.dma_semaphore, #tpu.memory_space<semaphore_mem>>) src(%dma_wait3A_908 : memref<8x1024xf32, #tpu.memory_space<hbm>>) dst(%arg9 : memref<8x1024xf32, #tpu.memory_space<vmem>>)
      %mul3A_909 = arith.constant 8 : i32
      %mul3A_910 = arith.muli %add3A_898, %mul3A_909 : i32
      %dma_wait3A_911 = arith.constant 0 : i32
      %dma_wait3A_912 = arith.constant 2 : i32
      %dma_wait3A_913 = arith.constant 0 : i32
      %dma_wait3A_914 = arith.constant 0 : i32
      %dma_wait3A_915 = arith.constant 0 : i32
      %dma_wait3A_916 = tpu.memref_slice %arg12[%dma_wait3A_914, %dma_wait3A_915] : memref<32x1024xf32, #tpu.memory_space<vmem>> -> memref<8x1024xf32, #tpu.memory_space<vmem>>
      %dma_wait3A_917 = tpu.memref_slice %arg6[%dma_wait3A_911, %mul3A_910] : memref<4x128xi32, #tpu.memory_space<vmem>> -> memref<1x8xi32, #tpu.memory_space<vmem>>
      %dma_wait3A_918 = tpu.memref_squeeze %dma_wait3A_917 : memref<1x8xi32, #tpu.memory_space<vmem>> -> memref<8xi32, #tpu.memory_space<vmem>>
      %dma_wait3A_919 = arith.constant 0 : i32
      %dma_wait3A_920 = arith.constant 0 : i32
      %dma_wait3A_921 = tpu.memref_slice %arg3[%dma_wait3A_919, %dma_wait3A_920] : memref<100000x1024xf32, #tpu.memory_space<hbm>> -> memref<100000x1024xf32, #tpu.memory_space<hbm>>
      %dma_wait3A_922 = tpu.memref_slice %arg15[%dma_wait3A_912, %dma_wait3A_913] : memref<3x4x!tpu.dma_semaphore, #tpu.memory_space<semaphore_mem>> -> memref<1x1x!tpu.dma_semaphore, #tpu.memory_space<semaphore_mem>>
      %dma_wait3A_923 = tpu.memref_squeeze %dma_wait3A_922 : memref<1x1x!tpu.dma_semaphore, #tpu.memory_space<semaphore_mem>> -> memref<!tpu.dma_semaphore, #tpu.memory_space<semaphore_mem>>
      tpu.wait_indirect_dma semaphore(%dma_wait3A_923 : memref<!tpu.dma_semaphore, #tpu.memory_space<semaphore_mem>>) src(%dma_wait3A_921 : memref<100000x1024xf32, #tpu.memory_space<hbm>>) dst(%dma_wait3A_916 : memref<8x1024xf32, #tpu.memory_space<vmem>>)
      %scan3A_924 = arith.constant 0 : i32
      %scan3A_925 = arith.constant 0 : i32
      %scan3A_926 = arith.constant 64 : i32
      %scan3A_927 = arith.addi %scan3A_925, %scan3A_926 : i32
      %scan3A_928 = arith.constant 1 : i32
      scf.for %scan3A_1060 = %scan3A_925 to %scan3A_927 step %scan3A_928  : i32 {
        %mul3A_1061 = arith.constant 16 : i32
        %mul3A_1062 = arith.muli %scan3A_1060, %mul3A_1061 : i32
        %get3A = arith.constant 0 : i32
        %get3A_1063 = arith.index_cast %get3A : i32 to index
        %get3A_1064 = arith.index_cast %mul3A_1062 : i32 to index
        %get3A_1065 = tpu.vector_load %arg9[%get3A_1063, %get3A_1064] {strides = array<i32>} : memref<8x1024xf32, #tpu.memory_space<vmem>>, vector<1x16xf32>,
        %get3A_1066 = vector.shape_cast %get3A_1065 : vector<1x16xf32> to vector<16xf32>
        %get3A_1067 = arith.constant 0 : i32
        %get3A_1068 = arith.index_cast %get3A_1067 : i32 to index
        %get3A_1069 = arith.index_cast %mul3A_1062 : i32 to index
        %get3A_1070 = tpu.vector_load %arg12[%get3A_1068, %get3A_1069] {strides = array<i32>} : memref<32x1024xf32, #tpu.memory_space<vmem>>, vector<1x16xf32>,
        %get3A_1071 = vector.shape_cast %get3A_1070 : vector<1x16xf32> to vector<16xf32>
        %add3A_1072 = arith.addf %get3A_1071, %get3A_1066 : vector<16xf32>
        %swap3A = arith.constant 0 : i32
        %swap3A_1073 = arith.index_cast %swap3A : i32 to index
        %swap3A_1074 = arith.index_cast %mul3A_1062 : i32 to index
        %swap3A_1075 = tpu.vector_load %arg12[%swap3A_1073, %swap3A_1074] {strides = array<i32>} : memref<32x1024xf32, #tpu.memory_space<vmem>>, vector<1x16xf32>,
        %swap3A_1076 = vector.shape_cast %swap3A_1075 : vector<1x16xf32> to vector<16xf32>
        %swap3A_1077 = vector.shape_cast %add3A_1072 : vector<16xf32> to vector<1x16xf32>
        tpu.vector_store %arg12[%swap3A_1073, %swap3A_1074], %swap3A_1077 {strides = array<i32>} : memref<32x1024xf32, #tpu.memory_space<vmem>>, vector<1x16xf32>,
        %get3A_1078 = arith.constant 1 : i32
        %get3A_1079 = arith.index_cast %get3A_1078 : i32 to index
        %get3A_1080 = arith.index_cast %mul3A_1062 : i32 to index
        %get3A_1081 = tpu.vector_load %arg9[%get3A_1079, %get3A_1080] {strides = array<i32>} : memref<8x1024xf32, #tpu.memory_space<vmem>>, vector<1x16xf32>,
        %get3A_1082 = vector.shape_cast %get3A_1081 : vector<1x16xf32> to vector<16xf32>
        %get3A_1083 = arith.constant 1 : i32
        %get3A_1084 = arith.index_cast %get3A_1083 : i32 to index
        %get3A_1085 = arith.index_cast %mul3A_1062 : i32 to index
        %get3A_1086 = tpu.vector_load %arg12[%get3A_1084, %get3A_1085] {strides = array<i32>} : memref<32x1024xf32, #tpu.memory_space<vmem>>, vector<1x16xf32>,
        %get3A_1087 = vector.shape_cast %get3A_1086 : vector<1x16xf32> to vector<16xf32>
        %add3A_1088 = arith.addf %get3A_1087, %get3A_1082 : vector<16xf32>
        %swap3A_1089 = arith.constant 1 : i32
        %swap3A_1090 = arith.index_cast %swap3A_1089 : i32 to index
        %swap3A_1091 = arith.index_cast %mul3A_1062 : i32 to index
        %swap3A_1092 = tpu.vector_load %arg12[%swap3A_1090, %swap3A_1091] {strides = array<i32>} : memref<32x1024xf32, #tpu.memory_space<vmem>>, vector<1x16xf32>,
        %swap3A_1093 = vector.shape_cast %swap3A_1092 : vector<1x16xf32> to vector<16xf32>
        %swap3A_1094 = vector.shape_cast %add3A_1088 : vector<16xf32> to vector<1x16xf32>
        tpu.vector_store %arg12[%swap3A_1090, %swap3A_1091], %swap3A_1094 {strides = array<i32>} : memref<32x1024xf32, #tpu.memory_space<vmem>>, vector<1x16xf32>,
        %get3A_1095 = arith.constant 2 : i32
        %get3A_1096 = arith.index_cast %get3A_1095 : i32 to index
        %get3A_1097 = arith.index_cast %mul3A_1062 : i32 to index
        %get3A_1098 = tpu.vector_load %arg9[%get3A_1096, %get3A_1097] {strides = array<i32>} : memref<8x1024xf32, #tpu.memory_space<vmem>>, vector<1x16xf32>,
        %get3A_1099 = vector.shape_cast %get3A_1098 : vector<1x16xf32> to vector<16xf32>
        %get3A_1100 = arith.constant 2 : i32
        %get3A_1101 = arith.index_cast %get3A_1100 : i32 to index
        %get3A_1102 = arith.index_cast %mul3A_1062 : i32 to index
        %get3A_1103 = tpu.vector_load %arg12[%get3A_1101, %get3A_1102] {strides = array<i32>} : memref<32x1024xf32, #tpu.memory_space<vmem>>, vector<1x16xf32>,
        %get3A_1104 = vector.shape_cast %get3A_1103 : vector<1x16xf32> to vector<16xf32>
        %add3A_1105 = arith.addf %get3A_1104, %get3A_1099 : vector<16xf32>
        %swap3A_1106 = arith.constant 2 : i32
        %swap3A_1107 = arith.index_cast %swap3A_1106 : i32 to index
        %swap3A_1108 = arith.index_cast %mul3A_1062 : i32 to index
        %swap3A_1109 = tpu.vector_load %arg12[%swap3A_1107, %swap3A_1108] {strides = array<i32>} : memref<32x1024xf32, #tpu.memory_space<vmem>>, vector<1x16xf32>,
        %swap3A_1110 = vector.shape_cast %swap3A_1109 : vector<1x16xf32> to vector<16xf32>
        %swap3A_1111 = vector.shape_cast %add3A_1105 : vector<16xf32> to vector<1x16xf32>
        tpu.vector_store %arg12[%swap3A_1107, %swap3A_1108], %swap3A_1111 {strides = array<i32>} : memref<32x1024xf32, #tpu.memory_space<vmem>>, vector<1x16xf32>,
        %get3A_1112 = arith.constant 3 : i32
        %get3A_1113 = arith.index_cast %get3A_1112 : i32 to index
        %get3A_1114 = arith.index_cast %mul3A_1062 : i32 to index
        %get3A_1115 = tpu.vector_load %arg9[%get3A_1113, %get3A_1114] {strides = array<i32>} : memref<8x1024xf32, #tpu.memory_space<vmem>>, vector<1x16xf32>,
        %get3A_1116 = vector.shape_cast %get3A_1115 : vector<1x16xf32> to vector<16xf32>
        %get3A_1117 = arith.constant 3 : i32
        %get3A_1118 = arith.index_cast %get3A_1117 : i32 to index
        %get3A_1119 = arith.index_cast %mul3A_1062 : i32 to index
        %get3A_1120 = tpu.vector_load %arg12[%get3A_1118, %get3A_1119] {strides = array<i32>} : memref<32x1024xf32, #tpu.memory_space<vmem>>, vector<1x16xf32>,
        %get3A_1121 = vector.shape_cast %get3A_1120 : vector<1x16xf32> to vector<16xf32>
        %add3A_1122 = arith.addf %get3A_1121, %get3A_1116 : vector<16xf32>
        %swap3A_1123 = arith.constant 3 : i32
        %swap3A_1124 = arith.index_cast %swap3A_1123 : i32 to index
        %swap3A_1125 = arith.index_cast %mul3A_1062 : i32 to index
        %swap3A_1126 = tpu.vector_load %arg12[%swap3A_1124, %swap3A_1125] {strides = array<i32>} : memref<32x1024xf32, #tpu.memory_space<vmem>>, vector<1x16xf32>,
        %swap3A_1127 = vector.shape_cast %swap3A_1126 : vector<1x16xf32> to vector<16xf32>
        %swap3A_1128 = vector.shape_cast %add3A_1122 : vector<16xf32> to vector<1x16xf32>
        tpu.vector_store %arg12[%swap3A_1124, %swap3A_1125], %swap3A_1128 {strides = array<i32>} : memref<32x1024xf32, #tpu.memory_space<vmem>>, vector<1x16xf32>,
        %get3A_1129 = arith.constant 4 : i32
        %get3A_1130 = arith.index_cast %get3A_1129 : i32 to index
        %get3A_1131 = arith.index_cast %mul3A_1062 : i32 to index
        %get3A_1132 = tpu.vector_load %arg9[%get3A_1130, %get3A_1131] {strides = array<i32>} : memref<8x1024xf32, #tpu.memory_space<vmem>>, vector<1x16xf32>,
        %get3A_1133 = vector.shape_cast %get3A_1132 : vector<1x16xf32> to vector<16xf32>
        %get3A_1134 = arith.constant 4 : i32
        %get3A_1135 = arith.index_cast %get3A_1134 : i32 to index
        %get3A_1136 = arith.index_cast %mul3A_1062 : i32 to index
        %get3A_1137 = tpu.vector_load %arg12[%get3A_1135, %get3A_1136] {strides = array<i32>} : memref<32x1024xf32, #tpu.memory_space<vmem>>, vector<1x16xf32>,
        %get3A_1138 = vector.shape_cast %get3A_1137 : vector<1x16xf32> to vector<16xf32>
        %add3A_1139 = arith.addf %get3A_1138, %get3A_1133 : vector<16xf32>
        %swap3A_1140 = arith.constant 4 : i32
        %swap3A_1141 = arith.index_cast %swap3A_1140 : i32 to index
        %swap3A_1142 = arith.index_cast %mul3A_1062 : i32 to index
        %swap3A_1143 = tpu.vector_load %arg12[%swap3A_1141, %swap3A_1142] {strides = array<i32>} : memref<32x1024xf32, #tpu.memory_space<vmem>>, vector<1x16xf32>,
        %swap3A_1144 = vector.shape_cast %swap3A_1143 : vector<1x16xf32> to vector<16xf32>
        %swap3A_1145 = vector.shape_cast %add3A_1139 : vector<16xf32> to vector<1x16xf32>
        tpu.vector_store %arg12[%swap3A_1141, %swap3A_1142], %swap3A_1145 {strides = array<i32>} : memref<32x1024xf32, #tpu.memory_space<vmem>>, vector<1x16xf32>,
        %get3A_1146 = arith.constant 5 : i32
        %get3A_1147 = arith.index_cast %get3A_1146 : i32 to index
        %get3A_1148 = arith.index_cast %mul3A_1062 : i32 to index
        %get3A_1149 = tpu.vector_load %arg9[%get3A_1147, %get3A_1148] {strides = array<i32>} : memref<8x1024xf32, #tpu.memory_space<vmem>>, vector<1x16xf32>,
        %get3A_1150 = vector.shape_cast %get3A_1149 : vector<1x16xf32> to vector<16xf32>
        %get3A_1151 = arith.constant 5 : i32
        %get3A_1152 = arith.index_cast %get3A_1151 : i32 to index
        %get3A_1153 = arith.index_cast %mul3A_1062 : i32 to index
        %get3A_1154 = tpu.vector_load %arg12[%get3A_1152, %get3A_1153] {strides = array<i32>} : memref<32x1024xf32, #tpu.memory_space<vmem>>, vector<1x16xf32>,
        %get3A_1155 = vector.shape_cast %get3A_1154 : vector<1x16xf32> to vector<16xf32>
        %add3A_1156 = arith.addf %get3A_1155, %get3A_1150 : vector<16xf32>
        %swap3A_1157 = arith.constant 5 : i32
        %swap3A_1158 = arith.index_cast %swap3A_1157 : i32 to index
        %swap3A_1159 = arith.index_cast %mul3A_1062 : i32 to index
        %swap3A_1160 = tpu.vector_load %arg12[%swap3A_1158, %swap3A_1159] {strides = array<i32>} : memref<32x1024xf32, #tpu.memory_space<vmem>>, vector<1x16xf32>,
        %swap3A_1161 = vector.shape_cast %swap3A_1160 : vector<1x16xf32> to vector<16xf32>
        %swap3A_1162 = vector.shape_cast %add3A_1156 : vector<16xf32> to vector<1x16xf32>
        tpu.vector_store %arg12[%swap3A_1158, %swap3A_1159], %swap3A_1162 {strides = array<i32>} : memref<32x1024xf32, #tpu.memory_space<vmem>>, vector<1x16xf32>,
        %get3A_1163 = arith.constant 6 : i32
        %get3A_1164 = arith.index_cast %get3A_1163 : i32 to index
        %get3A_1165 = arith.index_cast %mul3A_1062 : i32 to index
        %get3A_1166 = tpu.vector_load %arg9[%get3A_1164, %get3A_1165] {strides = array<i32>} : memref<8x1024xf32, #tpu.memory_space<vmem>>, vector<1x16xf32>,
        %get3A_1167 = vector.shape_cast %get3A_1166 : vector<1x16xf32> to vector<16xf32>
        %get3A_1168 = arith.constant 6 : i32
        %get3A_1169 = arith.index_cast %get3A_1168 : i32 to index
        %get3A_1170 = arith.index_cast %mul3A_1062 : i32 to index
        %get3A_1171 = tpu.vector_load %arg12[%get3A_1169, %get3A_1170] {strides = array<i32>} : memref<32x1024xf32, #tpu.memory_space<vmem>>, vector<1x16xf32>,
        %get3A_1172 = vector.shape_cast %get3A_1171 : vector<1x16xf32> to vector<16xf32>
        %add3A_1173 = arith.addf %get3A_1172, %get3A_1167 : vector<16xf32>
        %swap3A_1174 = arith.constant 6 : i32
        %swap3A_1175 = arith.index_cast %swap3A_1174 : i32 to index
        %swap3A_1176 = arith.index_cast %mul3A_1062 : i32 to index
        %swap3A_1177 = tpu.vector_load %arg12[%swap3A_1175, %swap3A_1176] {strides = array<i32>} : memref<32x1024xf32, #tpu.memory_space<vmem>>, vector<1x16xf32>,
        %swap3A_1178 = vector.shape_cast %swap3A_1177 : vector<1x16xf32> to vector<16xf32>
        %swap3A_1179 = vector.shape_cast %add3A_1173 : vector<16xf32> to vector<1x16xf32>
        tpu.vector_store %arg12[%swap3A_1175, %swap3A_1176], %swap3A_1179 {strides = array<i32>} : memref<32x1024xf32, #tpu.memory_space<vmem>>, vector<1x16xf32>,
        %get3A_1180 = arith.constant 7 : i32
        %get3A_1181 = arith.index_cast %get3A_1180 : i32 to index
        %get3A_1182 = arith.index_cast %mul3A_1062 : i32 to index
        %get3A_1183 = tpu.vector_load %arg9[%get3A_1181, %get3A_1182] {strides = array<i32>} : memref<8x1024xf32, #tpu.memory_space<vmem>>, vector<1x16xf32>,
        %get3A_1184 = vector.shape_cast %get3A_1183 : vector<1x16xf32> to vector<16xf32>
        %get3A_1185 = arith.constant 7 : i32
        %get3A_1186 = arith.index_cast %get3A_1185 : i32 to index
        %get3A_1187 = arith.index_cast %mul3A_1062 : i32 to index
        %get3A_1188 = tpu.vector_load %arg12[%get3A_1186, %get3A_1187] {strides = array<i32>} : memref<32x1024xf32, #tpu.memory_space<vmem>>, vector<1x16xf32>,
        %get3A_1189 = vector.shape_cast %get3A_1188 : vector<1x16xf32> to vector<16xf32>
        %add3A_1190 = arith.addf %get3A_1189, %get3A_1184 : vector<16xf32>
        %swap3A_1191 = arith.constant 7 : i32
        %swap3A_1192 = arith.index_cast %swap3A_1191 : i32 to index
        %swap3A_1193 = arith.index_cast %mul3A_1062 : i32 to index
        %swap3A_1194 = tpu.vector_load %arg12[%swap3A_1192, %swap3A_1193] {strides = array<i32>} : memref<32x1024xf32, #tpu.memory_space<vmem>>, vector<1x16xf32>,
        %swap3A_1195 = vector.shape_cast %swap3A_1194 : vector<1x16xf32> to vector<16xf32>
        %swap3A_1196 = vector.shape_cast %add3A_1190 : vector<16xf32> to vector<1x16xf32>
        tpu.vector_store %arg12[%swap3A_1192, %swap3A_1193], %swap3A_1196 {strides = array<i32>} : memref<32x1024xf32, #tpu.memory_space<vmem>>, vector<1x16xf32>,
      }
      %scan3A_929 = arith.constant 64 : i32
      %add3A_930 = arith.constant 0 : i32
      %add3A_931 = arith.addi %add3A_930, %add3A_901 : i32
      %dma_start3A_932 = arith.constant 2 : i32
      %dma_start3A_933 = arith.constant 0 : i32
      %dma_start3A_934 = arith.constant 0 : i32
      %dma_start3A_935 = tpu.memref_slice %arg12[%dma_start3A_933, %dma_start3A_934] : memref<32x1024xf32, #tpu.memory_space<vmem>> -> memref<8x1024xf32, #tpu.memory_space<vmem>>
      %dma_start3A_936 = arith.constant 0 : i32
      %dma_start3A_937 = tpu.memref_slice %arg5[%add3A_931, %dma_start3A_936] : memref<16384x1024xf32, #tpu.memory_space<hbm>> -> memref<8x1024xf32, #tpu.memory_space<hbm>>
      %dma_start3A_938 = tpu.memref_slice %arg16[%dma_start3A_932] : memref<3x!tpu.dma_semaphore, #tpu.memory_space<semaphore_mem>> -> memref<1x!tpu.dma_semaphore, #tpu.memory_space<semaphore_mem>>
      %dma_start3A_939 = tpu.memref_squeeze %dma_start3A_938 : memref<1x!tpu.dma_semaphore, #tpu.memory_space<semaphore_mem>> -> memref<!tpu.dma_semaphore, #tpu.memory_space<semaphore_mem>>
      %dma_start3A_940 = arith.constant 0 : i32
      %dma_start3A_941 = tpu.memref_slice %arg5[%add3A_931, %dma_start3A_940] : memref<16384x1024xf32, #tpu.memory_space<hbm>> -> memref<8x1024xf32, #tpu.memory_space<hbm>>
      %dma_start3A_942 = arith.constant 0 : i32
      %dma_start3A_943 = arith.constant 0 : i32
      %dma_start3A_944 = tpu.memref_slice %arg12[%dma_start3A_942, %dma_start3A_943] : memref<32x1024xf32, #tpu.memory_space<vmem>> -> memref<8x1024xf32, #tpu.memory_space<vmem>>
      tpu.enqueue_dma source(%dma_start3A_944 : memref<8x1024xf32, #tpu.memory_space<vmem>>) target(%dma_start3A_941 : memref<8x1024xf32, #tpu.memory_space<hbm>>) target_semaphore(%dma_start3A_939 : memref<!tpu.dma_semaphore, #tpu.memory_space<semaphore_mem>>)
      %mul3A_945 = arith.constant 8 : i32
      %mul3A_946 = arith.muli %add3A_898, %mul3A_945 : i32
      %dma_wait3A_947 = arith.constant 1 : i32
      %dma_wait3A_948 = arith.constant 2 : i32
      %dma_wait3A_949 = arith.constant 1 : i32
      %dma_wait3A_950 = arith.constant 8 : i32
      %dma_wait3A_951 = arith.constant 0 : i32
      %dma_wait3A_952 = tpu.memref_slice %arg12[%dma_wait3A_950, %dma_wait3A_951] : memref<32x1024xf32, #tpu.memory_space<vmem>> -> memref<8x1024xf32, #tpu.memory_space<vmem>>
      %dma_wait3A_953 = tpu.memref_slice %arg6[%dma_wait3A_947, %mul3A_946] : memref<4x128xi32, #tpu.memory_space<vmem>> -> memref<1x8xi32, #tpu.memory_space<vmem>>
      %dma_wait3A_954 = tpu.memref_squeeze %dma_wait3A_953 : memref<1x8xi32, #tpu.memory_space<vmem>> -> memref<8xi32, #tpu.memory_space<vmem>>
      %dma_wait3A_955 = arith.constant 0 : i32
      %dma_wait3A_956 = arith.constant 0 : i32
      %dma_wait3A_957 = tpu.memref_slice %arg3[%dma_wait3A_955, %dma_wait3A_956] : memref<100000x1024xf32, #tpu.memory_space<hbm>> -> memref<100000x1024xf32, #tpu.memory_space<hbm>>
      %dma_wait3A_958 = tpu.memref_slice %arg15[%dma_wait3A_948, %dma_wait3A_949] : memref<3x4x!tpu.dma_semaphore, #tpu.memory_space<semaphore_mem>> -> memref<1x1x!tpu.dma_semaphore, #tpu.memory_space<semaphore_mem>>
      %dma_wait3A_959 = tpu.memref_squeeze %dma_wait3A_958 : memref<1x1x!tpu.dma_semaphore, #tpu.memory_space<semaphore_mem>> -> memref<!tpu.dma_semaphore, #tpu.memory_space<semaphore_mem>>
      tpu.wait_indirect_dma semaphore(%dma_wait3A_959 : memref<!tpu.dma_semaphore, #tpu.memory_space<semaphore_mem>>) src(%dma_wait3A_957 : memref<100000x1024xf32, #tpu.memory_space<hbm>>) dst(%dma_wait3A_952 : memref<8x1024xf32, #tpu.memory_space<vmem>>)
      %scan3A_960 = arith.constant 0 : i32
      %scan3A_961 = arith.constant 0 : i32
      %scan3A_962 = arith.constant 64 : i32
      %scan3A_963 = arith.addi %scan3A_961, %scan3A_962 : i32
      %scan3A_964 = arith.constant 1 : i32
      scf.for %scan3A_1060 = %scan3A_961 to %scan3A_963 step %scan3A_964  : i32 {
        %mul3A_1061 = arith.constant 16 : i32
        %mul3A_1062 = arith.muli %scan3A_1060, %mul3A_1061 : i32
        %get3A = arith.constant 0 : i32
        %get3A_1063 = arith.index_cast %get3A : i32 to index
        %get3A_1064 = arith.index_cast %mul3A_1062 : i32 to index
        %get3A_1065 = tpu.vector_load %arg9[%get3A_1063, %get3A_1064] {strides = array<i32>} : memref<8x1024xf32, #tpu.memory_space<vmem>>, vector<1x16xf32>,
        %get3A_1066 = vector.shape_cast %get3A_1065 : vector<1x16xf32> to vector<16xf32>
        %get3A_1067 = arith.constant 8 : i32
        %get3A_1068 = arith.index_cast %get3A_1067 : i32 to index
        %get3A_1069 = arith.index_cast %mul3A_1062 : i32 to index
        %get3A_1070 = tpu.vector_load %arg12[%get3A_1068, %get3A_1069] {strides = array<i32>} : memref<32x1024xf32, #tpu.memory_space<vmem>>, vector<1x16xf32>,
        %get3A_1071 = vector.shape_cast %get3A_1070 : vector<1x16xf32> to vector<16xf32>
        %add3A_1072 = arith.addf %get3A_1071, %get3A_1066 : vector<16xf32>
        %swap3A = arith.constant 8 : i32
        %swap3A_1073 = arith.index_cast %swap3A : i32 to index
        %swap3A_1074 = arith.index_cast %mul3A_1062 : i32 to index
        %swap3A_1075 = tpu.vector_load %arg12[%swap3A_1073, %swap3A_1074] {strides = array<i32>} : memref<32x1024xf32, #tpu.memory_space<vmem>>, vector<1x16xf32>,
        %swap3A_1076 = vector.shape_cast %swap3A_1075 : vector<1x16xf32> to vector<16xf32>
        %swap3A_1077 = vector.shape_cast %add3A_1072 : vector<16xf32> to vector<1x16xf32>
        tpu.vector_store %arg12[%swap3A_1073, %swap3A_1074], %swap3A_1077 {strides = array<i32>} : memref<32x1024xf32, #tpu.memory_space<vmem>>, vector<1x16xf32>,
        %get3A_1078 = arith.constant 1 : i32
        %get3A_1079 = arith.index_cast %get3A_1078 : i32 to index
        %get3A_1080 = arith.index_cast %mul3A_1062 : i32 to index
        %get3A_1081 = tpu.vector_load %arg9[%get3A_1079, %get3A_1080] {strides = array<i32>} : memref<8x1024xf32, #tpu.memory_space<vmem>>, vector<1x16xf32>,
        %get3A_1082 = vector.shape_cast %get3A_1081 : vector<1x16xf32> to vector<16xf32>
        %get3A_1083 = arith.constant 9 : i32
        %get3A_1084 = arith.index_cast %get3A_1083 : i32 to index
        %get3A_1085 = arith.index_cast %mul3A_1062 : i32 to index
        %get3A_1086 = tpu.vector_load %arg12[%get3A_1084, %get3A_1085] {strides = array<i32>} : memref<32x1024xf32, #tpu.memory_space<vmem>>, vector<1x16xf32>,
        %get3A_1087 = vector.shape_cast %get3A_1086 : vector<1x16xf32> to vector<16xf32>
        %add3A_1088 = arith.addf %get3A_1087, %get3A_1082 : vector<16xf32>
        %swap3A_1089 = arith.constant 9 : i32
        %swap3A_1090 = arith.index_cast %swap3A_1089 : i32 to index
        %swap3A_1091 = arith.index_cast %mul3A_1062 : i32 to index
        %swap3A_1092 = tpu.vector_load %arg12[%swap3A_1090, %swap3A_1091] {strides = array<i32>} : memref<32x1024xf32, #tpu.memory_space<vmem>>, vector<1x16xf32>,
        %swap3A_1093 = vector.shape_cast %swap3A_1092 : vector<1x16xf32> to vector<16xf32>
        %swap3A_1094 = vector.shape_cast %add3A_1088 : vector<16xf32> to vector<1x16xf32>
        tpu.vector_store %arg12[%swap3A_1090, %swap3A_1091], %swap3A_1094 {strides = array<i32>} : memref<32x1024xf32, #tpu.memory_space<vmem>>, vector<1x16xf32>,
        %get3A_1095 = arith.constant 2 : i32
        %get3A_1096 = arith.index_cast %get3A_1095 : i32 to index
        %get3A_1097 = arith.index_cast %mul3A_1062 : i32 to index
        %get3A_1098 = tpu.vector_load %arg9[%get3A_1096, %get3A_1097] {strides = array<i32>} : memref<8x1024xf32, #tpu.memory_space<vmem>>, vector<1x16xf32>,
        %get3A_1099 = vector.shape_cast %get3A_1098 : vector<1x16xf32> to vector<16xf32>
        %get3A_1100 = arith.constant 10 : i32
        %get3A_1101 = arith.index_cast %get3A_1100 : i32 to index
        %get3A_1102 = arith.index_cast %mul3A_1062 : i32 to index
        %get3A_1103 = tpu.vector_load %arg12[%get3A_1101, %get3A_1102] {strides = array<i32>} : memref<32x1024xf32, #tpu.memory_space<vmem>>, vector<1x16xf32>,
        %get3A_1104 = vector.shape_cast %get3A_1103 : vector<1x16xf32> to vector<16xf32>
        %add3A_1105 = arith.addf %get3A_1104, %get3A_1099 : vector<16xf32>
        %swap3A_1106 = arith.constant 10 : i32
        %swap3A_1107 = arith.index_cast %swap3A_1106 : i32 to index
        %swap3A_1108 = arith.index_cast %mul3A_1062 : i32 to index
        %swap3A_1109 = tpu.vector_load %arg12[%swap3A_1107, %swap3A_1108] {strides = array<i32>} : memref<32x1024xf32, #tpu.memory_space<vmem>>, vector<1x16xf32>,
        %swap3A_1110 = vector.shape_cast %swap3A_1109 : vector<1x16xf32> to vector<16xf32>
        %swap3A_1111 = vector.shape_cast %add3A_1105 : vector<16xf32> to vector<1x16xf32>
        tpu.vector_store %arg12[%swap3A_1107, %swap3A_1108], %swap3A_1111 {strides = array<i32>} : memref<32x1024xf32, #tpu.memory_space<vmem>>, vector<1x16xf32>,
        %get3A_1112 = arith.constant 3 : i32
        %get3A_1113 = arith.index_cast %get3A_1112 : i32 to index
        %get3A_1114 = arith.index_cast %mul3A_1062 : i32 to index
        %get3A_1115 = tpu.vector_load %arg9[%get3A_1113, %get3A_1114] {strides = array<i32>} : memref<8x1024xf32, #tpu.memory_space<vmem>>, vector<1x16xf32>,
        %get3A_1116 = vector.shape_cast %get3A_1115 : vector<1x16xf32> to vector<16xf32>
        %get3A_1117 = arith.constant 11 : i32
        %get3A_1118 = arith.index_cast %get3A_1117 : i32 to index
        %get3A_1119 = arith.index_cast %mul3A_1062 : i32 to index
        %get3A_1120 = tpu.vector_load %arg12[%get3A_1118, %get3A_1119] {strides = array<i32>} : memref<32x1024xf32, #tpu.memory_space<vmem>>, vector<1x16xf32>,
        %get3A_1121 = vector.shape_cast %get3A_1120 : vector<1x16xf32> to vector<16xf32>
        %add3A_1122 = arith.addf %get3A_1121, %get3A_1116 : vector<16xf32>
        %swap3A_1123 = arith.constant 11 : i32
        %swap3A_1124 = arith.index_cast %swap3A_1123 : i32 to index
        %swap3A_1125 = arith.index_cast %mul3A_1062 : i32 to index
        %swap3A_1126 = tpu.vector_load %arg12[%swap3A_1124, %swap3A_1125] {strides = array<i32>} : memref<32x1024xf32, #tpu.memory_space<vmem>>, vector<1x16xf32>,
        %swap3A_1127 = vector.shape_cast %swap3A_1126 : vector<1x16xf32> to vector<16xf32>
        %swap3A_1128 = vector.shape_cast %add3A_1122 : vector<16xf32> to vector<1x16xf32>
        tpu.vector_store %arg12[%swap3A_1124, %swap3A_1125], %swap3A_1128 {strides = array<i32>} : memref<32x1024xf32, #tpu.memory_space<vmem>>, vector<1x16xf32>,
        %get3A_1129 = arith.constant 4 : i32
        %get3A_1130 = arith.index_cast %get3A_1129 : i32 to index
        %get3A_1131 = arith.index_cast %mul3A_1062 : i32 to index
        %get3A_1132 = tpu.vector_load %arg9[%get3A_1130, %get3A_1131] {strides = array<i32>} : memref<8x1024xf32, #tpu.memory_space<vmem>>, vector<1x16xf32>,
        %get3A_1133 = vector.shape_cast %get3A_1132 : vector<1x16xf32> to vector<16xf32>
        %get3A_1134 = arith.constant 12 : i32
        %get3A_1135 = arith.index_cast %get3A_1134 : i32 to index
        %get3A_1136 = arith.index_cast %mul3A_1062 : i32 to index
        %get3A_1137 = tpu.vector_load %arg12[%get3A_1135, %get3A_1136] {strides = array<i32>} : memref<32x1024xf32, #tpu.memory_space<vmem>>, vector<1x16xf32>,
        %get3A_1138 = vector.shape_cast %get3A_1137 : vector<1x16xf32> to vector<16xf32>
        %add3A_1139 = arith.addf %get3A_1138, %get3A_1133 : vector<16xf32>
        %swap3A_1140 = arith.constant 12 : i32
        %swap3A_1141 = arith.index_cast %swap3A_1140 : i32 to index
        %swap3A_1142 = arith.index_cast %mul3A_1062 : i32 to index
        %swap3A_1143 = tpu.vector_load %arg12[%swap3A_1141, %swap3A_1142] {strides = array<i32>} : memref<32x1024xf32, #tpu.memory_space<vmem>>, vector<1x16xf32>,
        %swap3A_1144 = vector.shape_cast %swap3A_1143 : vector<1x16xf32> to vector<16xf32>
        %swap3A_1145 = vector.shape_cast %add3A_1139 : vector<16xf32> to vector<1x16xf32>
        tpu.vector_store %arg12[%swap3A_1141, %swap3A_1142], %swap3A_1145 {strides = array<i32>} : memref<32x1024xf32, #tpu.memory_space<vmem>>, vector<1x16xf32>,
        %get3A_1146 = arith.constant 5 : i32
        %get3A_1147 = arith.index_cast %get3A_1146 : i32 to index
        %get3A_1148 = arith.index_cast %mul3A_1062 : i32 to index
        %get3A_1149 = tpu.vector_load %arg9[%get3A_1147, %get3A_1148] {strides = array<i32>} : memref<8x1024xf32, #tpu.memory_space<vmem>>, vector<1x16xf32>,
        %get3A_1150 = vector.shape_cast %get3A_1149 : vector<1x16xf32> to vector<16xf32>
        %get3A_1151 = arith.constant 13 : i32
        %get3A_1152 = arith.index_cast %get3A_1151 : i32 to index
        %get3A_1153 = arith.index_cast %mul3A_1062 : i32 to index
        %get3A_1154 = tpu.vector_load %arg12[%get3A_1152, %get3A_1153] {strides = array<i32>} : memref<32x1024xf32, #tpu.memory_space<vmem>>, vector<1x16xf32>,
        %get3A_1155 = vector.shape_cast %get3A_1154 : vector<1x16xf32> to vector<16xf32>
        %add3A_1156 = arith.addf %get3A_1155, %get3A_1150 : vector<16xf32>
        %swap3A_1157 = arith.constant 13 : i32
        %swap3A_1158 = arith.index_cast %swap3A_1157 : i32 to index
        %swap3A_1159 = arith.index_cast %mul3A_1062 : i32 to index
        %swap3A_1160 = tpu.vector_load %arg12[%swap3A_1158, %swap3A_1159] {strides = array<i32>} : memref<32x1024xf32, #tpu.memory_space<vmem>>, vector<1x16xf32>,
        %swap3A_1161 = vector.shape_cast %swap3A_1160 : vector<1x16xf32> to vector<16xf32>
        %swap3A_1162 = vector.shape_cast %add3A_1156 : vector<16xf32> to vector<1x16xf32>
        tpu.vector_store %arg12[%swap3A_1158, %swap3A_1159], %swap3A_1162 {strides = array<i32>} : memref<32x1024xf32, #tpu.memory_space<vmem>>, vector<1x16xf32>,
        %get3A_1163 = arith.constant 6 : i32
        %get3A_1164 = arith.index_cast %get3A_1163 : i32 to index
        %get3A_1165 = arith.index_cast %mul3A_1062 : i32 to index
        %get3A_1166 = tpu.vector_load %arg9[%get3A_1164, %get3A_1165] {strides = array<i32>} : memref<8x1024xf32, #tpu.memory_space<vmem>>, vector<1x16xf32>,
        %get3A_1167 = vector.shape_cast %get3A_1166 : vector<1x16xf32> to vector<16xf32>
        %get3A_1168 = arith.constant 14 : i32
        %get3A_1169 = arith.index_cast %get3A_1168 : i32 to index
        %get3A_1170 = arith.index_cast %mul3A_1062 : i32 to index
        %get3A_1171 = tpu.vector_load %arg12[%get3A_1169, %get3A_1170] {strides = array<i32>} : memref<32x1024xf32, #tpu.memory_space<vmem>>, vector<1x16xf32>,
        %get3A_1172 = vector.shape_cast %get3A_1171 : vector<1x16xf32> to vector<16xf32>
        %add3A_1173 = arith.addf %get3A_1172, %get3A_1167 : vector<16xf32>
        %swap3A_1174 = arith.constant 14 : i32
        %swap3A_1175 = arith.index_cast %swap3A_1174 : i32 to index
        %swap3A_1176 = arith.index_cast %mul3A_1062 : i32 to index
        %swap3A_1177 = tpu.vector_load %arg12[%swap3A_1175, %swap3A_1176] {strides = array<i32>} : memref<32x1024xf32, #tpu.memory_space<vmem>>, vector<1x16xf32>,
        %swap3A_1178 = vector.shape_cast %swap3A_1177 : vector<1x16xf32> to vector<16xf32>
        %swap3A_1179 = vector.shape_cast %add3A_1173 : vector<16xf32> to vector<1x16xf32>
        tpu.vector_store %arg12[%swap3A_1175, %swap3A_1176], %swap3A_1179 {strides = array<i32>} : memref<32x1024xf32, #tpu.memory_space<vmem>>, vector<1x16xf32>,
        %get3A_1180 = arith.constant 7 : i32
        %get3A_1181 = arith.index_cast %get3A_1180 : i32 to index
        %get3A_1182 = arith.index_cast %mul3A_1062 : i32 to index
        %get3A_1183 = tpu.vector_load %arg9[%get3A_1181, %get3A_1182] {strides = array<i32>} : memref<8x1024xf32, #tpu.memory_space<vmem>>, vector<1x16xf32>,
        %get3A_1184 = vector.shape_cast %get3A_1183 : vector<1x16xf32> to vector<16xf32>
        %get3A_1185 = arith.constant 15 : i32
        %get3A_1186 = arith.index_cast %get3A_1185 : i32 to index
        %get3A_1187 = arith.index_cast %mul3A_1062 : i32 to index
        %get3A_1188 = tpu.vector_load %arg12[%get3A_1186, %get3A_1187] {strides = array<i32>} : memref<32x1024xf32, #tpu.memory_space<vmem>>, vector<1x16xf32>,
        %get3A_1189 = vector.shape_cast %get3A_1188 : vector<1x16xf32> to vector<16xf32>
        %add3A_1190 = arith.addf %get3A_1189, %get3A_1184 : vector<16xf32>
        %swap3A_1191 = arith.constant 15 : i32
        %swap3A_1192 = arith.index_cast %swap3A_1191 : i32 to index
        %swap3A_1193 = arith.index_cast %mul3A_1062 : i32 to index
        %swap3A_1194 = tpu.vector_load %arg12[%swap3A_1192, %swap3A_1193] {strides = array<i32>} : memref<32x1024xf32, #tpu.memory_space<vmem>>, vector<1x16xf32>,
        %swap3A_1195 = vector.shape_cast %swap3A_1194 : vector<1x16xf32> to vector<16xf32>
        %swap3A_1196 = vector.shape_cast %add3A_1190 : vector<16xf32> to vector<1x16xf32>
        tpu.vector_store %arg12[%swap3A_1192, %swap3A_1193], %swap3A_1196 {strides = array<i32>} : memref<32x1024xf32, #tpu.memory_space<vmem>>, vector<1x16xf32>,
      }
      %scan3A_965 = arith.constant 64 : i32
      %add3A_966 = arith.constant 4096 : i32
      %add3A_967 = arith.addi %add3A_966, %add3A_901 : i32
      %dma_start3A_968 = arith.constant 2 : i32
      %dma_start3A_969 = arith.constant 8 : i32
      %dma_start3A_970 = arith.constant 0 : i32
      %dma_start3A_971 = tpu.memref_slice %arg12[%dma_start3A_969, %dma_start3A_970] : memref<32x1024xf32, #tpu.memory_space<vmem>> -> memref<8x1024xf32, #tpu.memory_space<vmem>>
      %dma_start3A_972 = arith.constant 0 : i32
      %dma_start3A_973 = tpu.memref_slice %arg5[%add3A_967, %dma_start3A_972] : memref<16384x1024xf32, #tpu.memory_space<hbm>> -> memref<8x1024xf32, #tpu.memory_space<hbm>>
      %dma_start3A_974 = tpu.memref_slice %arg16[%dma_start3A_968] : memref<3x!tpu.dma_semaphore, #tpu.memory_space<semaphore_mem>> -> memref<1x!tpu.dma_semaphore, #tpu.memory_space<semaphore_mem>>
      %dma_start3A_975 = tpu.memref_squeeze %dma_start3A_974 : memref<1x!tpu.dma_semaphore, #tpu.memory_space<semaphore_mem>> -> memref<!tpu.dma_semaphore, #tpu.memory_space<semaphore_mem>>
      %dma_start3A_976 = arith.constant 0 : i32
      %dma_start3A_977 = tpu.memref_slice %arg5[%add3A_967, %dma_start3A_976] : memref<16384x1024xf32, #tpu.memory_space<hbm>> -> memref<8x1024xf32, #tpu.memory_space<hbm>>
      %dma_start3A_978 = arith.constant 8 : i32
      %dma_start3A_979 = arith.constant 0 : i32
      %dma_start3A_980 = tpu.memref_slice %arg12[%dma_start3A_978, %dma_start3A_979] : memref<32x1024xf32, #tpu.memory_space<vmem>> -> memref<8x1024xf32, #tpu.memory_space<vmem>>
      tpu.enqueue_dma source(%dma_start3A_980 : memref<8x1024xf32, #tpu.memory_space<vmem>>) target(%dma_start3A_977 : memref<8x1024xf32, #tpu.memory_space<hbm>>) target_semaphore(%dma_start3A_975 : memref<!tpu.dma_semaphore, #tpu.memory_space<semaphore_mem>>)
      %add3A_981 = arith.constant 2 : i32
      %add3A_982 = arith.addi %add3A_898, %add3A_981 : i32
      %lt3A_983 = arith.constant 16 : i32
      %lt3A_984 = arith.cmpi slt, %add3A_982, %lt3A_983 : i32
      %convert_element_type3A_985 = arith.extui %lt3A_984 : i1 to i32
      %cond3A_986 = arith.constant 0 : i32
      %cond3A_987 = arith.cmpi ne, %convert_element_type3A_985, %cond3A_986 : i32
      scf.if %cond3A_987 {
        %ge3A = arith.constant 1 : i32
        %ge3A_1060 = arith.cmpi sge, %add3A_898, %ge3A : i32
        %convert_element_type3A_1061 = arith.extui %ge3A_1060 : i1 to i32
        %cond3A_1062 = arith.constant 0 : i32
        %cond3A_1063 = arith.cmpi ne, %convert_element_type3A_1061, %cond3A_1062 : i32
        scf.if %cond3A_1063 {
          %sub3A = arith.constant 1 : i32
          %sub3A_1136 = arith.subi %add3A_898, %sub3A : i32
          %mul3A_1137 = arith.constant 8 : i32
          %mul3A_1138 = arith.muli %sub3A_1136, %mul3A_1137 : i32
          %add3A_1139 = arith.addi %mul3A_2, %mul3A_1138 : i32
          %add3A_1140 = arith.constant 0 : i32
          %add3A_1141 = arith.addi %add3A_1140, %add3A_1139 : i32
          %dma_wait3A_1142 = arith.constant 1 : i32
          %dma_wait3A_1143 = arith.constant 0 : i32
          %dma_wait3A_1144 = arith.constant 0 : i32
          %dma_wait3A_1145 = tpu.memref_slice %arg11[%dma_wait3A_1143, %dma_wait3A_1144] : memref<32x1024xf32, #tpu.memory_space<vmem>> -> memref<8x1024xf32, #tpu.memory_space<vmem>>
          %dma_wait3A_1146 = arith.constant 0 : i32
          %dma_wait3A_1147 = tpu.memref_slice %arg5[%add3A_1141, %dma_wait3A_1146] : memref<16384x1024xf32, #tpu.memory_space<hbm>> -> memref<8x1024xf32, #tpu.memory_space<hbm>>
          %dma_wait3A_1148 = tpu.memref_slice %arg16[%dma_wait3A_1142] : memref<3x!tpu.dma_semaphore, #tpu.memory_space<semaphore_mem>> -> memref<1x!tpu.dma_semaphore, #tpu.memory_space<semaphore_mem>>
          %dma_wait3A_1149 = tpu.memref_squeeze %dma_wait3A_1148 : memref<1x!tpu.dma_semaphore, #tpu.memory_space<semaphore_mem>> -> memref<!tpu.dma_semaphore, #tpu.memory_space<semaphore_mem>>
          %dma_wait3A_1150 = arith.constant 0 : i32
          %dma_wait3A_1151 = tpu.memref_slice %arg5[%add3A_1141, %dma_wait3A_1150] : memref<16384x1024xf32, #tpu.memory_space<hbm>> -> memref<8x1024xf32, #tpu.memory_space<hbm>>
          %dma_wait3A_1152 = arith.constant 0 : i32
          %dma_wait3A_1153 = arith.constant 0 : i32
          %dma_wait3A_1154 = tpu.memref_slice %arg11[%dma_wait3A_1152, %dma_wait3A_1153] : memref<32x1024xf32, #tpu.memory_space<vmem>> -> memref<8x1024xf32, #tpu.memory_space<vmem>>
          tpu.wait_dma2 semaphore(%dma_wait3A_1149 : memref<!tpu.dma_semaphore, #tpu.memory_space<semaphore_mem>>) src(%dma_wait3A_1154 : memref<8x1024xf32, #tpu.memory_space<vmem>>) dst(%dma_wait3A_1151 : memref<8x1024xf32, #tpu.memory_space<hbm>>)
          %add3A_1155 = arith.constant 4096 : i32
          %add3A_1156 = arith.addi %add3A_1155, %add3A_1139 : i32
          %dma_wait3A_1157 = arith.constant 1 : i32
          %dma_wait3A_1158 = arith.constant 8 : i32
          %dma_wait3A_1159 = arith.constant 0 : i32
          %dma_wait3A_1160 = tpu.memref_slice %arg11[%dma_wait3A_1158, %dma_wait3A_1159] : memref<32x1024xf32, #tpu.memory_space<vmem>> -> memref<8x1024xf32, #tpu.memory_space<vmem>>
          %dma_wait3A_1161 = arith.constant 0 : i32
          %dma_wait3A_1162 = tpu.memref_slice %arg5[%add3A_1156, %dma_wait3A_1161] : memref<16384x1024xf32, #tpu.memory_space<hbm>> -> memref<8x1024xf32, #tpu.memory_space<hbm>>
          %dma_wait3A_1163 = tpu.memref_slice %arg16[%dma_wait3A_1157] : memref<3x!tpu.dma_semaphore, #tpu.memory_space<semaphore_mem>> -> memref<1x!tpu.dma_semaphore, #tpu.memory_space<semaphore_mem>>
          %dma_wait3A_1164 = tpu.memref_squeeze %dma_wait3A_1163 : memref<1x!tpu.dma_semaphore, #tpu.memory_space<semaphore_mem>> -> memref<!tpu.dma_semaphore, #tpu.memory_space<semaphore_mem>>
          %dma_wait3A_1165 = arith.constant 0 : i32
          %dma_wait3A_1166 = tpu.memref_slice %arg5[%add3A_1156, %dma_wait3A_1165] : memref<16384x1024xf32, #tpu.memory_space<hbm>> -> memref<8x1024xf32, #tpu.memory_space<hbm>>
          %dma_wait3A_1167 = arith.constant 8 : i32
          %dma_wait3A_1168 = arith.constant 0 : i32
          %dma_wait3A_1169 = tpu.memref_slice %arg11[%dma_wait3A_1167, %dma_wait3A_1168] : memref<32x1024xf32, #tpu.memory_space<vmem>> -> memref<8x1024xf32, #tpu.memory_space<vmem>>
          tpu.wait_dma2 semaphore(%dma_wait3A_1164 : memref<!tpu.dma_semaphore, #tpu.memory_space<semaphore_mem>>) src(%dma_wait3A_1169 : memref<8x1024xf32, #tpu.memory_space<vmem>>) dst(%dma_wait3A_1166 : memref<8x1024xf32, #tpu.memory_space<hbm>>)
          %add3A_1170 = arith.constant 8192 : i32
          %add3A_1171 = arith.addi %add3A_1170, %add3A_1139 : i32
          %dma_wait3A_1172 = arith.constant 1 : i32
          %dma_wait3A_1173 = arith.constant 16 : i32
          %dma_wait3A_1174 = arith.constant 0 : i32
          %dma_wait3A_1175 = tpu.memref_slice %arg11[%dma_wait3A_1173, %dma_wait3A_1174] : memref<32x1024xf32, #tpu.memory_space<vmem>> -> memref<8x1024xf32, #tpu.memory_space<vmem>>
          %dma_wait3A_1176 = arith.constant 0 : i32
          %dma_wait3A_1177 = tpu.memref_slice %arg5[%add3A_1171, %dma_wait3A_1176] : memref<16384x1024xf32, #tpu.memory_space<hbm>> -> memref<8x1024xf32, #tpu.memory_space<hbm>>
          %dma_wait3A_1178 = tpu.memref_slice %arg16[%dma_wait3A_1172] : memref<3x!tpu.dma_semaphore, #tpu.memory_space<semaphore_mem>> -> memref<1x!tpu.dma_semaphore, #tpu.memory_space<semaphore_mem>>
          %dma_wait3A_1179 = tpu.memref_squeeze %dma_wait3A_1178 : memref<1x!tpu.dma_semaphore, #tpu.memory_space<semaphore_mem>> -> memref<!tpu.dma_semaphore, #tpu.memory_space<semaphore_mem>>
          %dma_wait3A_1180 = arith.constant 0 : i32
          %dma_wait3A_1181 = tpu.memref_slice %arg5[%add3A_1171, %dma_wait3A_1180] : memref<16384x1024xf32, #tpu.memory_space<hbm>> -> memref<8x1024xf32, #tpu.memory_space<hbm>>
          %dma_wait3A_1182 = arith.constant 16 : i32
          %dma_wait3A_1183 = arith.constant 0 : i32
          %dma_wait3A_1184 = tpu.memref_slice %arg11[%dma_wait3A_1182, %dma_wait3A_1183] : memref<32x1024xf32, #tpu.memory_space<vmem>> -> memref<8x1024xf32, #tpu.memory_space<vmem>>
          tpu.wait_dma2 semaphore(%dma_wait3A_1179 : memref<!tpu.dma_semaphore, #tpu.memory_space<semaphore_mem>>) src(%dma_wait3A_1184 : memref<8x1024xf32, #tpu.memory_space<vmem>>) dst(%dma_wait3A_1181 : memref<8x1024xf32, #tpu.memory_space<hbm>>)
          %add3A_1185 = arith.constant 12288 : i32
          %add3A_1186 = arith.addi %add3A_1185, %add3A_1139 : i32
          %dma_wait3A_1187 = arith.constant 1 : i32
          %dma_wait3A_1188 = arith.constant 24 : i32
          %dma_wait3A_1189 = arith.constant 0 : i32
          %dma_wait3A_1190 = tpu.memref_slice %arg11[%dma_wait3A_1188, %dma_wait3A_1189] : memref<32x1024xf32, #tpu.memory_space<vmem>> -> memref<8x1024xf32, #tpu.memory_space<vmem>>
          %dma_wait3A_1191 = arith.constant 0 : i32
          %dma_wait3A_1192 = tpu.memref_slice %arg5[%add3A_1186, %dma_wait3A_1191] : memref<16384x1024xf32, #tpu.memory_space<hbm>> -> memref<8x1024xf32, #tpu.memory_space<hbm>>
          %dma_wait3A_1193 = tpu.memref_slice %arg16[%dma_wait3A_1187] : memref<3x!tpu.dma_semaphore, #tpu.memory_space<semaphore_mem>> -> memref<1x!tpu.dma_semaphore, #tpu.memory_space<semaphore_mem>>
          %dma_wait3A_1194 = tpu.memref_squeeze %dma_wait3A_1193 : memref<1x!tpu.dma_semaphore, #tpu.memory_space<semaphore_mem>> -> memref<!tpu.dma_semaphore, #tpu.memory_space<semaphore_mem>>
          %dma_wait3A_1195 = arith.constant 0 : i32
          %dma_wait3A_1196 = tpu.memref_slice %arg5[%add3A_1186, %dma_wait3A_1195] : memref<16384x1024xf32, #tpu.memory_space<hbm>> -> memref<8x1024xf32, #tpu.memory_space<hbm>>
          %dma_wait3A_1197 = arith.constant 24 : i32
          %dma_wait3A_1198 = arith.constant 0 : i32
          %dma_wait3A_1199 = tpu.memref_slice %arg11[%dma_wait3A_1197, %dma_wait3A_1198] : memref<32x1024xf32, #tpu.memory_space<vmem>> -> memref<8x1024xf32, #tpu.memory_space<vmem>>
          tpu.wait_dma2 semaphore(%dma_wait3A_1194 : memref<!tpu.dma_semaphore, #tpu.memory_space<semaphore_mem>>) src(%dma_wait3A_1199 : memref<8x1024xf32, #tpu.memory_space<vmem>>) dst(%dma_wait3A_1196 : memref<8x1024xf32, #tpu.memory_space<hbm>>)
        } else {
        }
        %add3A_1064 = arith.constant 2 : i32
        %add3A_1065 = arith.addi %add3A_898, %add3A_1064 : i32
        %mul3A_1066 = arith.constant 8 : i32
        %mul3A_1067 = arith.muli %add3A_1065, %mul3A_1066 : i32
        %add3A_1068 = arith.addi %mul3A_2, %mul3A_1067 : i32
        %dma_start3A_1069 = arith.constant 1 : i32
        %dma_start3A_1070 = arith.constant 0 : i32
        %dma_start3A_1071 = tpu.memref_slice %arg4[%add3A_1068, %dma_start3A_1070] : memref<8192x1024xf32, #tpu.memory_space<hbm>> -> memref<8x1024xf32, #tpu.memory_space<hbm>>
        %dma_start3A_1072 = tpu.memref_slice %arg14[%dma_start3A_1069] : memref<3x!tpu.dma_semaphore, #tpu.memory_space<semaphore_mem>> -> memref<1x!tpu.dma_semaphore, #tpu.memory_space<semaphore_mem>>
        %dma_start3A_1073 = tpu.memref_squeeze %dma_start3A_1072 : memref<1x!tpu.dma_semaphore, #tpu.memory_space<semaphore_mem>> -> memref<!tpu.dma_semaphore, #tpu.memory_space<semaphore_mem>>
        %dma_start3A_1074 = arith.constant 0 : i32
        %dma_start3A_1075 = tpu.memref_slice %arg4[%add3A_1068, %dma_start3A_1074] : memref<8192x1024xf32, #tpu.memory_space<hbm>> -> memref<8x1024xf32, #tpu.memory_space<hbm>>
        tpu.enqueue_dma source(%dma_start3A_1075 : memref<8x1024xf32, #tpu.memory_space<hbm>>) target(%arg8 : memref<8x1024xf32, #tpu.memory_space<vmem>>) target_semaphore(%dma_start3A_1073 : memref<!tpu.dma_semaphore, #tpu.memory_space<semaphore_mem>>)
        %mul3A_1076 = arith.constant 8 : i32
        %mul3A_1077 = arith.muli %add3A_1065, %mul3A_1076 : i32
        %dma_start3A_1078 = arith.constant 0 : i32
        %dma_start3A_1079 = arith.constant 1 : i32
        %dma_start3A_1080 = arith.constant 0 : i32
        %dma_start3A_1081 = arith.constant 0 : i32
        %dma_start3A_1082 = arith.constant 0 : i32
        %dma_start3A_1083 = tpu.memref_slice %arg11[%dma_start3A_1081, %dma_start3A_1082] : memref<32x1024xf32, #tpu.memory_space<vmem>> -> memref<8x1024xf32, #tpu.memory_space<vmem>>
        %dma_start3A_1084 = tpu.memref_slice %arg6[%dma_start3A_1078, %mul3A_1077] : memref<4x128xi32, #tpu.memory_space<vmem>> -> memref<1x8xi32, #tpu.memory_space<vmem>>
        %dma_start3A_1085 = tpu.memref_squeeze %dma_start3A_1084 : memref<1x8xi32, #tpu.memory_space<vmem>> -> memref<8xi32, #tpu.memory_space<vmem>>
        %dma_start3A_1086 = arith.constant 0 : i32
        %dma_start3A_1087 = arith.constant 0 : i32
        %dma_start3A_1088 = tpu.memref_slice %arg3[%dma_start3A_1086, %dma_start3A_1087] : memref<100000x1024xf32, #tpu.memory_space<hbm>> -> memref<100000x1024xf32, #tpu.memory_space<hbm>>
        %dma_start3A_1089 = tpu.memref_slice %arg15[%dma_start3A_1079, %dma_start3A_1080] : memref<3x4x!tpu.dma_semaphore, #tpu.memory_space<semaphore_mem>> -> memref<1x1x!tpu.dma_semaphore, #tpu.memory_space<semaphore_mem>>
        %dma_start3A_1090 = tpu.memref_squeeze %dma_start3A_1089 : memref<1x1x!tpu.dma_semaphore, #tpu.memory_space<semaphore_mem>> -> memref<!tpu.dma_semaphore, #tpu.memory_space<semaphore_mem>>
        tpu.enqueue_indirect_dma source(%dma_start3A_1088 : memref<100000x1024xf32, #tpu.memory_space<hbm>>) target(%dma_start3A_1083 : memref<8x1024xf32, #tpu.memory_space<vmem>>) offsets(%dma_start3A_1085 : memref<8xi32, #tpu.memory_space<vmem>>) semaphore(%dma_start3A_1090 : memref<!tpu.dma_semaphore, #tpu.memory_space<semaphore_mem>>)
        %mul3A_1091 = arith.constant 8 : i32
        %mul3A_1092 = arith.muli %add3A_1065, %mul3A_1091 : i32
        %dma_start3A_1093 = arith.constant 1 : i32
        %dma_start3A_1094 = arith.constant 1 : i32
        %dma_start3A_1095 = arith.constant 1 : i32
        %dma_start3A_1096 = arith.constant 8 : i32
        %dma_start3A_1097 = arith.constant 0 : i32
        %dma_start3A_1098 = tpu.memref_slice %arg11[%dma_start3A_1096, %dma_start3A_1097] : memref<32x1024xf32, #tpu.memory_space<vmem>> -> memref<8x1024xf32, #tpu.memory_space<vmem>>
        %dma_start3A_1099 = tpu.memref_slice %arg6[%dma_start3A_1093, %mul3A_1092] : memref<4x128xi32, #tpu.memory_space<vmem>> -> memref<1x8xi32, #tpu.memory_space<vmem>>
        %dma_start3A_1100 = tpu.memref_squeeze %dma_start3A_1099 : memref<1x8xi32, #tpu.memory_space<vmem>> -> memref<8xi32, #tpu.memory_space<vmem>>
        %dma_start3A_1101 = arith.constant 0 : i32
        %dma_start3A_1102 = arith.constant 0 : i32
        %dma_start3A_1103 = tpu.memref_slice %arg3[%dma_start3A_1101, %dma_start3A_1102] : memref<100000x1024xf32, #tpu.memory_space<hbm>> -> memref<100000x1024xf32, #tpu.memory_space<hbm>>
        %dma_start3A_1104 = tpu.memref_slice %arg15[%dma_start3A_1094, %dma_start3A_1095] : memref<3x4x!tpu.dma_semaphore, #tpu.memory_space<semaphore_mem>> -> memref<1x1x!tpu.dma_semaphore, #tpu.memory_space<semaphore_mem>>
        %dma_start3A_1105 = tpu.memref_squeeze %dma_start3A_1104 : memref<1x1x!tpu.dma_semaphore, #tpu.memory_space<semaphore_mem>> -> memref<!tpu.dma_semaphore, #tpu.memory_space<semaphore_mem>>
        tpu.enqueue_indirect_dma source(%dma_start3A_1103 : memref<100000x1024xf32, #tpu.memory_space<hbm>>) target(%dma_start3A_1098 : memref<8x1024xf32, #tpu.memory_space<vmem>>) offsets(%dma_start3A_1100 : memref<8xi32, #tpu.memory_space<vmem>>) semaphore(%dma_start3A_1105 : memref<!tpu.dma_semaphore, #tpu.memory_space<semaphore_mem>>)
        %mul3A_1106 = arith.constant 8 : i32
        %mul3A_1107 = arith.muli %add3A_1065, %mul3A_1106 : i32
        %dma_start3A_1108 = arith.constant 2 : i32
        %dma_start3A_1109 = arith.constant 1 : i32
        %dma_start3A_1110 = arith.constant 2 : i32
        %dma_start3A_1111 = arith.constant 16 : i32
        %dma_start3A_1112 = arith.constant 0 : i32
        %dma_start3A_1113 = tpu.memref_slice %arg11[%dma_start3A_1111, %dma_start3A_1112] : memref<32x1024xf32, #tpu.memory_space<vmem>> -> memref<8x1024xf32, #tpu.memory_space<vmem>>
        %dma_start3A_1114 = tpu.memref_slice %arg6[%dma_start3A_1108, %mul3A_1107] : memref<4x128xi32, #tpu.memory_space<vmem>> -> memref<1x8xi32, #tpu.memory_space<vmem>>
        %dma_start3A_1115 = tpu.memref_squeeze %dma_start3A_1114 : memref<1x8xi32, #tpu.memory_space<vmem>> -> memref<8xi32, #tpu.memory_space<vmem>>
        %dma_start3A_1116 = arith.constant 0 : i32
        %dma_start3A_1117 = arith.constant 0 : i32
        %dma_start3A_1118 = tpu.memref_slice %arg3[%dma_start3A_1116, %dma_start3A_1117] : memref<100000x1024xf32, #tpu.memory_space<hbm>> -> memref<100000x1024xf32, #tpu.memory_space<hbm>>
        %dma_start3A_1119 = tpu.memref_slice %arg15[%dma_start3A_1109, %dma_start3A_1110] : memref<3x4x!tpu.dma_semaphore, #tpu.memory_space<semaphore_mem>> -> memref<1x1x!tpu.dma_semaphore, #tpu.memory_space<semaphore_mem>>
        %dma_start3A_1120 = tpu.memref_squeeze %dma_start3A_1119 : memref<1x1x!tpu.dma_semaphore, #tpu.memory_space<semaphore_mem>> -> memref<!tpu.dma_semaphore, #tpu.memory_space<semaphore_mem>>
        tpu.enqueue_indirect_dma source(%dma_start3A_1118 : memref<100000x1024xf32, #tpu.memory_space<hbm>>) target(%dma_start3A_1113 : memref<8x1024xf32, #tpu.memory_space<vmem>>) offsets(%dma_start3A_1115 : memref<8xi32, #tpu.memory_space<vmem>>) semaphore(%dma_start3A_1120 : memref<!tpu.dma_semaphore, #tpu.memory_space<semaphore_mem>>)
        %mul3A_1121 = arith.constant 8 : i32
        %mul3A_1122 = arith.muli %add3A_1065, %mul3A_1121 : i32
        %dma_start3A_1123 = arith.constant 3 : i32
        %dma_start3A_1124 = arith.constant 1 : i32
        %dma_start3A_1125 = arith.constant 3 : i32
        %dma_start3A_1126 = arith.constant 24 : i32
        %dma_start3A_1127 = arith.constant 0 : i32
        %dma_start3A_1128 = tpu.memref_slice %arg11[%dma_start3A_1126, %dma_start3A_1127] : memref<32x1024xf32, #tpu.memory_space<vmem>> -> memref<8x1024xf32, #tpu.memory_space<vmem>>
        %dma_start3A_1129 = tpu.memref_slice %arg6[%dma_start3A_1123, %mul3A_1122] : memref<4x128xi32, #tpu.memory_space<vmem>> -> memref<1x8xi32, #tpu.memory_space<vmem>>
        %dma_start3A_1130 = tpu.memref_squeeze %dma_start3A_1129 : memref<1x8xi32, #tpu.memory_space<vmem>> -> memref<8xi32, #tpu.memory_space<vmem>>
        %dma_start3A_1131 = arith.constant 0 : i32
        %dma_start3A_1132 = arith.constant 0 : i32
        %dma_start3A_1133 = tpu.memref_slice %arg3[%dma_start3A_1131, %dma_start3A_1132] : memref<100000x1024xf32, #tpu.memory_space<hbm>> -> memref<100000x1024xf32, #tpu.memory_space<hbm>>
        %dma_start3A_1134 = tpu.memref_slice %arg15[%dma_start3A_1124, %dma_start3A_1125] : memref<3x4x!tpu.dma_semaphore, #tpu.memory_space<semaphore_mem>> -> memref<1x1x!tpu.dma_semaphore, #tpu.memory_space<semaphore_mem>>
        %dma_start3A_1135 = tpu.memref_squeeze %dma_start3A_1134 : memref<1x1x!tpu.dma_semaphore, #tpu.memory_space<semaphore_mem>> -> memref<!tpu.dma_semaphore, #tpu.memory_space<semaphore_mem>>
        tpu.enqueue_indirect_dma source(%dma_start3A_1133 : memref<100000x1024xf32, #tpu.memory_space<hbm>>) target(%dma_start3A_1128 : memref<8x1024xf32, #tpu.memory_space<vmem>>) offsets(%dma_start3A_1130 : memref<8xi32, #tpu.memory_space<vmem>>) semaphore(%dma_start3A_1135 : memref<!tpu.dma_semaphore, #tpu.memory_space<semaphore_mem>>)
      } else {
      }
      %mul3A_988 = arith.constant 8 : i32
      %mul3A_989 = arith.muli %add3A_898, %mul3A_988 : i32
      %dma_wait3A_990 = arith.constant 2 : i32
      %dma_wait3A_991 = arith.constant 2 : i32
      %dma_wait3A_992 = arith.constant 2 : i32
      %dma_wait3A_993 = arith.constant 16 : i32
      %dma_wait3A_994 = arith.constant 0 : i32
      %dma_wait3A_995 = tpu.memref_slice %arg12[%dma_wait3A_993, %dma_wait3A_994] : memref<32x1024xf32, #tpu.memory_space<vmem>> -> memref<8x1024xf32, #tpu.memory_space<vmem>>
      %dma_wait3A_996 = tpu.memref_slice %arg6[%dma_wait3A_990, %mul3A_989] : memref<4x128xi32, #tpu.memory_space<vmem>> -> memref<1x8xi32, #tpu.memory_space<vmem>>
      %dma_wait3A_997 = tpu.memref_squeeze %dma_wait3A_996 : memref<1x8xi32, #tpu.memory_space<vmem>> -> memref<8xi32, #tpu.memory_space<vmem>>
      %dma_wait3A_998 = arith.constant 0 : i32
      %dma_wait3A_999 = arith.constant 0 : i32
      %dma_wait3A_1000 = tpu.memref_slice %arg3[%dma_wait3A_998, %dma_wait3A_999] : memref<100000x1024xf32, #tpu.memory_space<hbm>> -> memref<100000x1024xf32, #tpu.memory_space<hbm>>
      %dma_wait3A_1001 = tpu.memref_slice %arg15[%dma_wait3A_991, %dma_wait3A_992] : memref<3x4x!tpu.dma_semaphore, #tpu.memory_space<semaphore_mem>> -> memref<1x1x!tpu.dma_semaphore, #tpu.memory_space<semaphore_mem>>
      %dma_wait3A_1002 = tpu.memref_squeeze %dma_wait3A_1001 : memref<1x1x!tpu.dma_semaphore, #tpu.memory_space<semaphore_mem>> -> memref<!tpu.dma_semaphore, #tpu.memory_space<semaphore_mem>>
      tpu.wait_indirect_dma semaphore(%dma_wait3A_1002 : memref<!tpu.dma_semaphore, #tpu.memory_space<semaphore_mem>>) src(%dma_wait3A_1000 : memref<100000x1024xf32, #tpu.memory_space<hbm>>) dst(%dma_wait3A_995 : memref<8x1024xf32, #tpu.memory_space<vmem>>)
      %scan3A_1003 = arith.constant 0 : i32
      %scan3A_1004 = arith.constant 0 : i32
      %scan3A_1005 = arith.constant 64 : i32
      %scan3A_1006 = arith.addi %scan3A_1004, %scan3A_1005 : i32
      %scan3A_1007 = arith.constant 1 : i32
      scf.for %scan3A_1060 = %scan3A_1004 to %scan3A_1006 step %scan3A_1007  : i32 {
        %mul3A_1061 = arith.constant 16 : i32
        %mul3A_1062 = arith.muli %scan3A_1060, %mul3A_1061 : i32
        %get3A = arith.constant 0 : i32
        %get3A_1063 = arith.index_cast %get3A : i32 to index
        %get3A_1064 = arith.index_cast %mul3A_1062 : i32 to index
        %get3A_1065 = tpu.vector_load %arg9[%get3A_1063, %get3A_1064] {strides = array<i32>} : memref<8x1024xf32, #tpu.memory_space<vmem>>, vector<1x16xf32>,
        %get3A_1066 = vector.shape_cast %get3A_1065 : vector<1x16xf32> to vector<16xf32>
        %get3A_1067 = arith.constant 16 : i32
        %get3A_1068 = arith.index_cast %get3A_1067 : i32 to index
        %get3A_1069 = arith.index_cast %mul3A_1062 : i32 to index
        %get3A_1070 = tpu.vector_load %arg12[%get3A_1068, %get3A_1069] {strides = array<i32>} : memref<32x1024xf32, #tpu.memory_space<vmem>>, vector<1x16xf32>,
        %get3A_1071 = vector.shape_cast %get3A_1070 : vector<1x16xf32> to vector<16xf32>
        %add3A_1072 = arith.addf %get3A_1071, %get3A_1066 : vector<16xf32>
        %swap3A = arith.constant 16 : i32
        %swap3A_1073 = arith.index_cast %swap3A : i32 to index
        %swap3A_1074 = arith.index_cast %mul3A_1062 : i32 to index
        %swap3A_1075 = tpu.vector_load %arg12[%swap3A_1073, %swap3A_1074] {strides = array<i32>} : memref<32x1024xf32, #tpu.memory_space<vmem>>, vector<1x16xf32>,
        %swap3A_1076 = vector.shape_cast %swap3A_1075 : vector<1x16xf32> to vector<16xf32>
        %swap3A_1077 = vector.shape_cast %add3A_1072 : vector<16xf32> to vector<1x16xf32>
        tpu.vector_store %arg12[%swap3A_1073, %swap3A_1074], %swap3A_1077 {strides = array<i32>} : memref<32x1024xf32, #tpu.memory_space<vmem>>, vector<1x16xf32>,
        %get3A_1078 = arith.constant 1 : i32
        %get3A_1079 = arith.index_cast %get3A_1078 : i32 to index
        %get3A_1080 = arith.index_cast %mul3A_1062 : i32 to index
        %get3A_1081 = tpu.vector_load %arg9[%get3A_1079, %get3A_1080] {strides = array<i32>} : memref<8x1024xf32, #tpu.memory_space<vmem>>, vector<1x16xf32>,
        %get3A_1082 = vector.shape_cast %get3A_1081 : vector<1x16xf32> to vector<16xf32>
        %get3A_1083 = arith.constant 17 : i32
        %get3A_1084 = arith.index_cast %get3A_1083 : i32 to index
        %get3A_1085 = arith.index_cast %mul3A_1062 : i32 to index
        %get3A_1086 = tpu.vector_load %arg12[%get3A_1084, %get3A_1085] {strides = array<i32>} : memref<32x1024xf32, #tpu.memory_space<vmem>>, vector<1x16xf32>,
        %get3A_1087 = vector.shape_cast %get3A_1086 : vector<1x16xf32> to vector<16xf32>
        %add3A_1088 = arith.addf %get3A_1087, %get3A_1082 : vector<16xf32>
        %swap3A_1089 = arith.constant 17 : i32
        %swap3A_1090 = arith.index_cast %swap3A_1089 : i32 to index
        %swap3A_1091 = arith.index_cast %mul3A_1062 : i32 to index
        %swap3A_1092 = tpu.vector_load %arg12[%swap3A_1090, %swap3A_1091] {strides = array<i32>} : memref<32x1024xf32, #tpu.memory_space<vmem>>, vector<1x16xf32>,
        %swap3A_1093 = vector.shape_cast %swap3A_1092 : vector<1x16xf32> to vector<16xf32>
        %swap3A_1094 = vector.shape_cast %add3A_1088 : vector<16xf32> to vector<1x16xf32>
        tpu.vector_store %arg12[%swap3A_1090, %swap3A_1091], %swap3A_1094 {strides = array<i32>} : memref<32x1024xf32, #tpu.memory_space<vmem>>, vector<1x16xf32>,
        %get3A_1095 = arith.constant 2 : i32
        %get3A_1096 = arith.index_cast %get3A_1095 : i32 to index
        %get3A_1097 = arith.index_cast %mul3A_1062 : i32 to index
        %get3A_1098 = tpu.vector_load %arg9[%get3A_1096, %get3A_1097] {strides = array<i32>} : memref<8x1024xf32, #tpu.memory_space<vmem>>, vector<1x16xf32>,
        %get3A_1099 = vector.shape_cast %get3A_1098 : vector<1x16xf32> to vector<16xf32>
        %get3A_1100 = arith.constant 18 : i32
        %get3A_1101 = arith.index_cast %get3A_1100 : i32 to index
        %get3A_1102 = arith.index_cast %mul3A_1062 : i32 to index
        %get3A_1103 = tpu.vector_load %arg12[%get3A_1101, %get3A_1102] {strides = array<i32>} : memref<32x1024xf32, #tpu.memory_space<vmem>>, vector<1x16xf32>,
        %get3A_1104 = vector.shape_cast %get3A_1103 : vector<1x16xf32> to vector<16xf32>
        %add3A_1105 = arith.addf %get3A_1104, %get3A_1099 : vector<16xf32>
        %swap3A_1106 = arith.constant 18 : i32
        %swap3A_1107 = arith.index_cast %swap3A_1106 : i32 to index
        %swap3A_1108 = arith.index_cast %mul3A_1062 : i32 to index
        %swap3A_1109 = tpu.vector_load %arg12[%swap3A_1107, %swap3A_1108] {strides = array<i32>} : memref<32x1024xf32, #tpu.memory_space<vmem>>, vector<1x16xf32>,
        %swap3A_1110 = vector.shape_cast %swap3A_1109 : vector<1x16xf32> to vector<16xf32>
        %swap3A_1111 = vector.shape_cast %add3A_1105 : vector<16xf32> to vector<1x16xf32>
        tpu.vector_store %arg12[%swap3A_1107, %swap3A_1108], %swap3A_1111 {strides = array<i32>} : memref<32x1024xf32, #tpu.memory_space<vmem>>, vector<1x16xf32>,
        %get3A_1112 = arith.constant 3 : i32
        %get3A_1113 = arith.index_cast %get3A_1112 : i32 to index
        %get3A_1114 = arith.index_cast %mul3A_1062 : i32 to index
        %get3A_1115 = tpu.vector_load %arg9[%get3A_1113, %get3A_1114] {strides = array<i32>} : memref<8x1024xf32, #tpu.memory_space<vmem>>, vector<1x16xf32>,
        %get3A_1116 = vector.shape_cast %get3A_1115 : vector<1x16xf32> to vector<16xf32>
        %get3A_1117 = arith.constant 19 : i32
        %get3A_1118 = arith.index_cast %get3A_1117 : i32 to index
        %get3A_1119 = arith.index_cast %mul3A_1062 : i32 to index
        %get3A_1120 = tpu.vector_load %arg12[%get3A_1118, %get3A_1119] {strides = array<i32>} : memref<32x1024xf32, #tpu.memory_space<vmem>>, vector<1x16xf32>,
        %get3A_1121 = vector.shape_cast %get3A_1120 : vector<1x16xf32> to vector<16xf32>
        %add3A_1122 = arith.addf %get3A_1121, %get3A_1116 : vector<16xf32>
        %swap3A_1123 = arith.constant 19 : i32
        %swap3A_1124 = arith.index_cast %swap3A_1123 : i32 to index
        %swap3A_1125 = arith.index_cast %mul3A_1062 : i32 to index
        %swap3A_1126 = tpu.vector_load %arg12[%swap3A_1124, %swap3A_1125] {strides = array<i32>} : memref<32x1024xf32, #tpu.memory_space<vmem>>, vector<1x16xf32>,
        %swap3A_1127 = vector.shape_cast %swap3A_1126 : vector<1x16xf32> to vector<16xf32>
        %swap3A_1128 = vector.shape_cast %add3A_1122 : vector<16xf32> to vector<1x16xf32>
        tpu.vector_store %arg12[%swap3A_1124, %swap3A_1125], %swap3A_1128 {strides = array<i32>} : memref<32x1024xf32, #tpu.memory_space<vmem>>, vector<1x16xf32>,
        %get3A_1129 = arith.constant 4 : i32
        %get3A_1130 = arith.index_cast %get3A_1129 : i32 to index
        %get3A_1131 = arith.index_cast %mul3A_1062 : i32 to index
        %get3A_1132 = tpu.vector_load %arg9[%get3A_1130, %get3A_1131] {strides = array<i32>} : memref<8x1024xf32, #tpu.memory_space<vmem>>, vector<1x16xf32>,
        %get3A_1133 = vector.shape_cast %get3A_1132 : vector<1x16xf32> to vector<16xf32>
        %get3A_1134 = arith.constant 20 : i32
        %get3A_1135 = arith.index_cast %get3A_1134 : i32 to index
        %get3A_1136 = arith.index_cast %mul3A_1062 : i32 to index
        %get3A_1137 = tpu.vector_load %arg12[%get3A_1135, %get3A_1136] {strides = array<i32>} : memref<32x1024xf32, #tpu.memory_space<vmem>>, vector<1x16xf32>,
        %get3A_1138 = vector.shape_cast %get3A_1137 : vector<1x16xf32> to vector<16xf32>
        %add3A_1139 = arith.addf %get3A_1138, %get3A_1133 : vector<16xf32>
        %swap3A_1140 = arith.constant 20 : i32
        %swap3A_1141 = arith.index_cast %swap3A_1140 : i32 to index
        %swap3A_1142 = arith.index_cast %mul3A_1062 : i32 to index
        %swap3A_1143 = tpu.vector_load %arg12[%swap3A_1141, %swap3A_1142] {strides = array<i32>} : memref<32x1024xf32, #tpu.memory_space<vmem>>, vector<1x16xf32>,
        %swap3A_1144 = vector.shape_cast %swap3A_1143 : vector<1x16xf32> to vector<16xf32>
        %swap3A_1145 = vector.shape_cast %add3A_1139 : vector<16xf32> to vector<1x16xf32>
        tpu.vector_store %arg12[%swap3A_1141, %swap3A_1142], %swap3A_1145 {strides = array<i32>} : memref<32x1024xf32, #tpu.memory_space<vmem>>, vector<1x16xf32>,
        %get3A_1146 = arith.constant 5 : i32
        %get3A_1147 = arith.index_cast %get3A_1146 : i32 to index
        %get3A_1148 = arith.index_cast %mul3A_1062 : i32 to index
        %get3A_1149 = tpu.vector_load %arg9[%get3A_1147, %get3A_1148] {strides = array<i32>} : memref<8x1024xf32, #tpu.memory_space<vmem>>, vector<1x16xf32>,
        %get3A_1150 = vector.shape_cast %get3A_1149 : vector<1x16xf32> to vector<16xf32>
        %get3A_1151 = arith.constant 21 : i32
        %get3A_1152 = arith.index_cast %get3A_1151 : i32 to index
        %get3A_1153 = arith.index_cast %mul3A_1062 : i32 to index
        %get3A_1154 = tpu.vector_load %arg12[%get3A_1152, %get3A_1153] {strides = array<i32>} : memref<32x1024xf32, #tpu.memory_space<vmem>>, vector<1x16xf32>,
        %get3A_1155 = vector.shape_cast %get3A_1154 : vector<1x16xf32> to vector<16xf32>
        %add3A_1156 = arith.addf %get3A_1155, %get3A_1150 : vector<16xf32>
        %swap3A_1157 = arith.constant 21 : i32
        %swap3A_1158 = arith.index_cast %swap3A_1157 : i32 to index
        %swap3A_1159 = arith.index_cast %mul3A_1062 : i32 to index
        %swap3A_1160 = tpu.vector_load %arg12[%swap3A_1158, %swap3A_1159] {strides = array<i32>} : memref<32x1024xf32, #tpu.memory_space<vmem>>, vector<1x16xf32>,
        %swap3A_1161 = vector.shape_cast %swap3A_1160 : vector<1x16xf32> to vector<16xf32>
        %swap3A_1162 = vector.shape_cast %add3A_1156 : vector<16xf32> to vector<1x16xf32>
        tpu.vector_store %arg12[%swap3A_1158, %swap3A_1159], %swap3A_1162 {strides = array<i32>} : memref<32x1024xf32, #tpu.memory_space<vmem>>, vector<1x16xf32>,
        %get3A_1163 = arith.constant 6 : i32
        %get3A_1164 = arith.index_cast %get3A_1163 : i32 to index
        %get3A_1165 = arith.index_cast %mul3A_1062 : i32 to index
        %get3A_1166 = tpu.vector_load %arg9[%get3A_1164, %get3A_1165] {strides = array<i32>} : memref<8x1024xf32, #tpu.memory_space<vmem>>, vector<1x16xf32>,
        %get3A_1167 = vector.shape_cast %get3A_1166 : vector<1x16xf32> to vector<16xf32>
        %get3A_1168 = arith.constant 22 : i32
        %get3A_1169 = arith.index_cast %get3A_1168 : i32 to index
        %get3A_1170 = arith.index_cast %mul3A_1062 : i32 to index
        %get3A_1171 = tpu.vector_load %arg12[%get3A_1169, %get3A_1170] {strides = array<i32>} : memref<32x1024xf32, #tpu.memory_space<vmem>>, vector<1x16xf32>,
        %get3A_1172 = vector.shape_cast %get3A_1171 : vector<1x16xf32> to vector<16xf32>
        %add3A_1173 = arith.addf %get3A_1172, %get3A_1167 : vector<16xf32>
        %swap3A_1174 = arith.constant 22 : i32
        %swap3A_1175 = arith.index_cast %swap3A_1174 : i32 to index
        %swap3A_1176 = arith.index_cast %mul3A_1062 : i32 to index
        %swap3A_1177 = tpu.vector_load %arg12[%swap3A_1175, %swap3A_1176] {strides = array<i32>} : memref<32x1024xf32, #tpu.memory_space<vmem>>, vector<1x16xf32>,
        %swap3A_1178 = vector.shape_cast %swap3A_1177 : vector<1x16xf32> to vector<16xf32>
        %swap3A_1179 = vector.shape_cast %add3A_1173 : vector<16xf32> to vector<1x16xf32>
        tpu.vector_store %arg12[%swap3A_1175, %swap3A_1176], %swap3A_1179 {strides = array<i32>} : memref<32x1024xf32, #tpu.memory_space<vmem>>, vector<1x16xf32>,
        %get3A_1180 = arith.constant 7 : i32
        %get3A_1181 = arith.index_cast %get3A_1180 : i32 to index
        %get3A_1182 = arith.index_cast %mul3A_1062 : i32 to index
        %get3A_1183 = tpu.vector_load %arg9[%get3A_1181, %get3A_1182] {strides = array<i32>} : memref<8x1024xf32, #tpu.memory_space<vmem>>, vector<1x16xf32>,
        %get3A_1184 = vector.shape_cast %get3A_1183 : vector<1x16xf32> to vector<16xf32>
        %get3A_1185 = arith.constant 23 : i32
        %get3A_1186 = arith.index_cast %get3A_1185 : i32 to index
        %get3A_1187 = arith.index_cast %mul3A_1062 : i32 to index
        %get3A_1188 = tpu.vector_load %arg12[%get3A_1186, %get3A_1187] {strides = array<i32>} : memref<32x1024xf32, #tpu.memory_space<vmem>>, vector<1x16xf32>,
        %get3A_1189 = vector.shape_cast %get3A_1188 : vector<1x16xf32> to vector<16xf32>
        %add3A_1190 = arith.addf %get3A_1189, %get3A_1184 : vector<16xf32>
        %swap3A_1191 = arith.constant 23 : i32
        %swap3A_1192 = arith.index_cast %swap3A_1191 : i32 to index
        %swap3A_1193 = arith.index_cast %mul3A_1062 : i32 to index
        %swap3A_1194 = tpu.vector_load %arg12[%swap3A_1192, %swap3A_1193] {strides = array<i32>} : memref<32x1024xf32, #tpu.memory_space<vmem>>, vector<1x16xf32>,
        %swap3A_1195 = vector.shape_cast %swap3A_1194 : vector<1x16xf32> to vector<16xf32>
        %swap3A_1196 = vector.shape_cast %add3A_1190 : vector<16xf32> to vector<1x16xf32>
        tpu.vector_store %arg12[%swap3A_1192, %swap3A_1193], %swap3A_1196 {strides = array<i32>} : memref<32x1024xf32, #tpu.memory_space<vmem>>, vector<1x16xf32>,
      }
      %scan3A_1008 = arith.constant 64 : i32
      %add3A_1009 = arith.constant 8192 : i32
      %add3A_1010 = arith.addi %add3A_1009, %add3A_901 : i32
      %dma_start3A_1011 = arith.constant 2 : i32
      %dma_start3A_1012 = arith.constant 16 : i32
      %dma_start3A_1013 = arith.constant 0 : i32
      %dma_start3A_1014 = tpu.memref_slice %arg12[%dma_start3A_1012, %dma_start3A_1013] : memref<32x1024xf32, #tpu.memory_space<vmem>> -> memref<8x1024xf32, #tpu.memory_space<vmem>>
      %dma_start3A_1015 = arith.constant 0 : i32
      %dma_start3A_1016 = tpu.memref_slice %arg5[%add3A_1010, %dma_start3A_1015] : memref<16384x1024xf32, #tpu.memory_space<hbm>> -> memref<8x1024xf32, #tpu.memory_space<hbm>>
      %dma_start3A_1017 = tpu.memref_slice %arg16[%dma_start3A_1011] : memref<3x!tpu.dma_semaphore, #tpu.memory_space<semaphore_mem>> -> memref<1x!tpu.dma_semaphore, #tpu.memory_space<semaphore_mem>>
      %dma_start3A_1018 = tpu.memref_squeeze %dma_start3A_1017 : memref<1x!tpu.dma_semaphore, #tpu.memory_space<semaphore_mem>> -> memref<!tpu.dma_semaphore, #tpu.memory_space<semaphore_mem>>
      %dma_start3A_1019 = arith.constant 0 : i32
      %dma_start3A_1020 = tpu.memref_slice %arg5[%add3A_1010, %dma_start3A_1019] : memref<16384x1024xf32, #tpu.memory_space<hbm>> -> memref<8x1024xf32, #tpu.memory_space<hbm>>
      %dma_start3A_1021 = arith.constant 16 : i32
      %dma_start3A_1022 = arith.constant 0 : i32
      %dma_start3A_1023 = tpu.memref_slice %arg12[%dma_start3A_1021, %dma_start3A_1022] : memref<32x1024xf32, #tpu.memory_space<vmem>> -> memref<8x1024xf32, #tpu.memory_space<vmem>>
      tpu.enqueue_dma source(%dma_start3A_1023 : memref<8x1024xf32, #tpu.memory_space<vmem>>) target(%dma_start3A_1020 : memref<8x1024xf32, #tpu.memory_space<hbm>>) target_semaphore(%dma_start3A_1018 : memref<!tpu.dma_semaphore, #tpu.memory_space<semaphore_mem>>)
      %mul3A_1024 = arith.constant 8 : i32
      %mul3A_1025 = arith.muli %add3A_898, %mul3A_1024 : i32
      %dma_wait3A_1026 = arith.constant 3 : i32
      %dma_wait3A_1027 = arith.constant 2 : i32
      %dma_wait3A_1028 = arith.constant 3 : i32
      %dma_wait3A_1029 = arith.constant 24 : i32
      %dma_wait3A_1030 = arith.constant 0 : i32
      %dma_wait3A_1031 = tpu.memref_slice %arg12[%dma_wait3A_1029, %dma_wait3A_1030] : memref<32x1024xf32, #tpu.memory_space<vmem>> -> memref<8x1024xf32, #tpu.memory_space<vmem>>
      %dma_wait3A_1032 = tpu.memref_slice %arg6[%dma_wait3A_1026, %mul3A_1025] : memref<4x128xi32, #tpu.memory_space<vmem>> -> memref<1x8xi32, #tpu.memory_space<vmem>>
      %dma_wait3A_1033 = tpu.memref_squeeze %dma_wait3A_1032 : memref<1x8xi32, #tpu.memory_space<vmem>> -> memref<8xi32, #tpu.memory_space<vmem>>
      %dma_wait3A_1034 = arith.constant 0 : i32
      %dma_wait3A_1035 = arith.constant 0 : i32
      %dma_wait3A_1036 = tpu.memref_slice %arg3[%dma_wait3A_1034, %dma_wait3A_1035] : memref<100000x1024xf32, #tpu.memory_space<hbm>> -> memref<100000x1024xf32, #tpu.memory_space<hbm>>
      %dma_wait3A_1037 = tpu.memref_slice %arg15[%dma_wait3A_1027, %dma_wait3A_1028] : memref<3x4x!tpu.dma_semaphore, #tpu.memory_space<semaphore_mem>> -> memref<1x1x!tpu.dma_semaphore, #tpu.memory_space<semaphore_mem>>
      %dma_wait3A_1038 = tpu.memref_squeeze %dma_wait3A_1037 : memref<1x1x!tpu.dma_semaphore, #tpu.memory_space<semaphore_mem>> -> memref<!tpu.dma_semaphore, #tpu.memory_space<semaphore_mem>>
      tpu.wait_indirect_dma semaphore(%dma_wait3A_1038 : memref<!tpu.dma_semaphore, #tpu.memory_space<semaphore_mem>>) src(%dma_wait3A_1036 : memref<100000x1024xf32, #tpu.memory_space<hbm>>) dst(%dma_wait3A_1031 : memref<8x1024xf32, #tpu.memory_space<vmem>>)
      %scan3A_1039 = arith.constant 0 : i32
      %scan3A_1040 = arith.constant 0 : i32
      %scan3A_1041 = arith.constant 64 : i32
      %scan3A_1042 = arith.addi %scan3A_1040, %scan3A_1041 : i32
      %scan3A_1043 = arith.constant 1 : i32
      scf.for %scan3A_1060 = %scan3A_1040 to %scan3A_1042 step %scan3A_1043  : i32 {
        %mul3A_1061 = arith.constant 16 : i32
        %mul3A_1062 = arith.muli %scan3A_1060, %mul3A_1061 : i32
        %get3A = arith.constant 0 : i32
        %get3A_1063 = arith.index_cast %get3A : i32 to index
        %get3A_1064 = arith.index_cast %mul3A_1062 : i32 to index
        %get3A_1065 = tpu.vector_load %arg9[%get3A_1063, %get3A_1064] {strides = array<i32>} : memref<8x1024xf32, #tpu.memory_space<vmem>>, vector<1x16xf32>,
        %get3A_1066 = vector.shape_cast %get3A_1065 : vector<1x16xf32> to vector<16xf32>
        %get3A_1067 = arith.constant 24 : i32
        %get3A_1068 = arith.index_cast %get3A_1067 : i32 to index
        %get3A_1069 = arith.index_cast %mul3A_1062 : i32 to index
        %get3A_1070 = tpu.vector_load %arg12[%get3A_1068, %get3A_1069] {strides = array<i32>} : memref<32x1024xf32, #tpu.memory_space<vmem>>, vector<1x16xf32>,
        %get3A_1071 = vector.shape_cast %get3A_1070 : vector<1x16xf32> to vector<16xf32>
        %add3A_1072 = arith.addf %get3A_1071, %get3A_1066 : vector<16xf32>
        %swap3A = arith.constant 24 : i32
        %swap3A_1073 = arith.index_cast %swap3A : i32 to index
        %swap3A_1074 = arith.index_cast %mul3A_1062 : i32 to index
        %swap3A_1075 = tpu.vector_load %arg12[%swap3A_1073, %swap3A_1074] {strides = array<i32>} : memref<32x1024xf32, #tpu.memory_space<vmem>>, vector<1x16xf32>,
        %swap3A_1076 = vector.shape_cast %swap3A_1075 : vector<1x16xf32> to vector<16xf32>
        %swap3A_1077 = vector.shape_cast %add3A_1072 : vector<16xf32> to vector<1x16xf32>
        tpu.vector_store %arg12[%swap3A_1073, %swap3A_1074], %swap3A_1077 {strides = array<i32>} : memref<32x1024xf32, #tpu.memory_space<vmem>>, vector<1x16xf32>,
        %get3A_1078 = arith.constant 1 : i32
        %get3A_1079 = arith.index_cast %get3A_1078 : i32 to index
        %get3A_1080 = arith.index_cast %mul3A_1062 : i32 to index
        %get3A_1081 = tpu.vector_load %arg9[%get3A_1079, %get3A_1080] {strides = array<i32>} : memref<8x1024xf32, #tpu.memory_space<vmem>>, vector<1x16xf32>,
        %get3A_1082 = vector.shape_cast %get3A_1081 : vector<1x16xf32> to vector<16xf32>
        %get3A_1083 = arith.constant 25 : i32
        %get3A_1084 = arith.index_cast %get3A_1083 : i32 to index
        %get3A_1085 = arith.index_cast %mul3A_1062 : i32 to index
        %get3A_1086 = tpu.vector_load %arg12[%get3A_1084, %get3A_1085] {strides = array<i32>} : memref<32x1024xf32, #tpu.memory_space<vmem>>, vector<1x16xf32>,
        %get3A_1087 = vector.shape_cast %get3A_1086 : vector<1x16xf32> to vector<16xf32>
        %add3A_1088 = arith.addf %get3A_1087, %get3A_1082 : vector<16xf32>
        %swap3A_1089 = arith.constant 25 : i32
        %swap3A_1090 = arith.index_cast %swap3A_1089 : i32 to index
        %swap3A_1091 = arith.index_cast %mul3A_1062 : i32 to index
        %swap3A_1092 = tpu.vector_load %arg12[%swap3A_1090, %swap3A_1091] {strides = array<i32>} : memref<32x1024xf32, #tpu.memory_space<vmem>>, vector<1x16xf32>,
        %swap3A_1093 = vector.shape_cast %swap3A_1092 : vector<1x16xf32> to vector<16xf32>
        %swap3A_1094 = vector.shape_cast %add3A_1088 : vector<16xf32> to vector<1x16xf32>
        tpu.vector_store %arg12[%swap3A_1090, %swap3A_1091], %swap3A_1094 {strides = array<i32>} : memref<32x1024xf32, #tpu.memory_space<vmem>>, vector<1x16xf32>,
        %get3A_1095 = arith.constant 2 : i32
        %get3A_1096 = arith.index_cast %get3A_1095 : i32 to index
        %get3A_1097 = arith.index_cast %mul3A_1062 : i32 to index
        %get3A_1098 = tpu.vector_load %arg9[%get3A_1096, %get3A_1097] {strides = array<i32>} : memref<8x1024xf32, #tpu.memory_space<vmem>>, vector<1x16xf32>,
        %get3A_1099 = vector.shape_cast %get3A_1098 : vector<1x16xf32> to vector<16xf32>
        %get3A_1100 = arith.constant 26 : i32
        %get3A_1101 = arith.index_cast %get3A_1100 : i32 to index
        %get3A_1102 = arith.index_cast %mul3A_1062 : i32 to index
        %get3A_1103 = tpu.vector_load %arg12[%get3A_1101, %get3A_1102] {strides = array<i32>} : memref<32x1024xf32, #tpu.memory_space<vmem>>, vector<1x16xf32>,
        %get3A_1104 = vector.shape_cast %get3A_1103 : vector<1x16xf32> to vector<16xf32>
        %add3A_1105 = arith.addf %get3A_1104, %get3A_1099 : vector<16xf32>
        %swap3A_1106 = arith.constant 26 : i32
        %swap3A_1107 = arith.index_cast %swap3A_1106 : i32 to index
        %swap3A_1108 = arith.index_cast %mul3A_1062 : i32 to index
        %swap3A_1109 = tpu.vector_load %arg12[%swap3A_1107, %swap3A_1108] {strides = array<i32>} : memref<32x1024xf32, #tpu.memory_space<vmem>>, vector<1x16xf32>,
        %swap3A_1110 = vector.shape_cast %swap3A_1109 : vector<1x16xf32> to vector<16xf32>
        %swap3A_1111 = vector.shape_cast %add3A_1105 : vector<16xf32> to vector<1x16xf32>
        tpu.vector_store %arg12[%swap3A_1107, %swap3A_1108], %swap3A_1111 {strides = array<i32>} : memref<32x1024xf32, #tpu.memory_space<vmem>>, vector<1x16xf32>,
        %get3A_1112 = arith.constant 3 : i32
        %get3A_1113 = arith.index_cast %get3A_1112 : i32 to index
        %get3A_1114 = arith.index_cast %mul3A_1062 : i32 to index
        %get3A_1115 = tpu.vector_load %arg9[%get3A_1113, %get3A_1114] {strides = array<i32>} : memref<8x1024xf32, #tpu.memory_space<vmem>>, vector<1x16xf32>,
        %get3A_1116 = vector.shape_cast %get3A_1115 : vector<1x16xf32> to vector<16xf32>
        %get3A_1117 = arith.constant 27 : i32
        %get3A_1118 = arith.index_cast %get3A_1117 : i32 to index
        %get3A_1119 = arith.index_cast %mul3A_1062 : i32 to index
        %get3A_1120 = tpu.vector_load %arg12[%get3A_1118, %get3A_1119] {strides = array<i32>} : memref<32x1024xf32, #tpu.memory_space<vmem>>, vector<1x16xf32>,
        %get3A_1121 = vector.shape_cast %get3A_1120 : vector<1x16xf32> to vector<16xf32>
        %add3A_1122 = arith.addf %get3A_1121, %get3A_1116 : vector<16xf32>
        %swap3A_1123 = arith.constant 27 : i32
        %swap3A_1124 = arith.index_cast %swap3A_1123 : i32 to index
        %swap3A_1125 = arith.index_cast %mul3A_1062 : i32 to index
        %swap3A_1126 = tpu.vector_load %arg12[%swap3A_1124, %swap3A_1125] {strides = array<i32>} : memref<32x1024xf32, #tpu.memory_space<vmem>>, vector<1x16xf32>,
        %swap3A_1127 = vector.shape_cast %swap3A_1126 : vector<1x16xf32> to vector<16xf32>
        %swap3A_1128 = vector.shape_cast %add3A_1122 : vector<16xf32> to vector<1x16xf32>
        tpu.vector_store %arg12[%swap3A_1124, %swap3A_1125], %swap3A_1128 {strides = array<i32>} : memref<32x1024xf32, #tpu.memory_space<vmem>>, vector<1x16xf32>,
        %get3A_1129 = arith.constant 4 : i32
        %get3A_1130 = arith.index_cast %get3A_1129 : i32 to index
        %get3A_1131 = arith.index_cast %mul3A_1062 : i32 to index
        %get3A_1132 = tpu.vector_load %arg9[%get3A_1130, %get3A_1131] {strides = array<i32>} : memref<8x1024xf32, #tpu.memory_space<vmem>>, vector<1x16xf32>,
        %get3A_1133 = vector.shape_cast %get3A_1132 : vector<1x16xf32> to vector<16xf32>
        %get3A_1134 = arith.constant 28 : i32
        %get3A_1135 = arith.index_cast %get3A_1134 : i32 to index
        %get3A_1136 = arith.index_cast %mul3A_1062 : i32 to index
        %get3A_1137 = tpu.vector_load %arg12[%get3A_1135, %get3A_1136] {strides = array<i32>} : memref<32x1024xf32, #tpu.memory_space<vmem>>, vector<1x16xf32>,
        %get3A_1138 = vector.shape_cast %get3A_1137 : vector<1x16xf32> to vector<16xf32>
        %add3A_1139 = arith.addf %get3A_1138, %get3A_1133 : vector<16xf32>
        %swap3A_1140 = arith.constant 28 : i32
        %swap3A_1141 = arith.index_cast %swap3A_1140 : i32 to index
        %swap3A_1142 = arith.index_cast %mul3A_1062 : i32 to index
        %swap3A_1143 = tpu.vector_load %arg12[%swap3A_1141, %swap3A_1142] {strides = array<i32>} : memref<32x1024xf32, #tpu.memory_space<vmem>>, vector<1x16xf32>,
        %swap3A_1144 = vector.shape_cast %swap3A_1143 : vector<1x16xf32> to vector<16xf32>
        %swap3A_1145 = vector.shape_cast %add3A_1139 : vector<16xf32> to vector<1x16xf32>
        tpu.vector_store %arg12[%swap3A_1141, %swap3A_1142], %swap3A_1145 {strides = array<i32>} : memref<32x1024xf32, #tpu.memory_space<vmem>>, vector<1x16xf32>,
        %get3A_1146 = arith.constant 5 : i32
        %get3A_1147 = arith.index_cast %get3A_1146 : i32 to index
        %get3A_1148 = arith.index_cast %mul3A_1062 : i32 to index
        %get3A_1149 = tpu.vector_load %arg9[%get3A_1147, %get3A_1148] {strides = array<i32>} : memref<8x1024xf32, #tpu.memory_space<vmem>>, vector<1x16xf32>,
        %get3A_1150 = vector.shape_cast %get3A_1149 : vector<1x16xf32> to vector<16xf32>
        %get3A_1151 = arith.constant 29 : i32
        %get3A_1152 = arith.index_cast %get3A_1151 : i32 to index
        %get3A_1153 = arith.index_cast %mul3A_1062 : i32 to index
        %get3A_1154 = tpu.vector_load %arg12[%get3A_1152, %get3A_1153] {strides = array<i32>} : memref<32x1024xf32, #tpu.memory_space<vmem>>, vector<1x16xf32>,
        %get3A_1155 = vector.shape_cast %get3A_1154 : vector<1x16xf32> to vector<16xf32>
        %add3A_1156 = arith.addf %get3A_1155, %get3A_1150 : vector<16xf32>
        %swap3A_1157 = arith.constant 29 : i32
        %swap3A_1158 = arith.index_cast %swap3A_1157 : i32 to index
        %swap3A_1159 = arith.index_cast %mul3A_1062 : i32 to index
        %swap3A_1160 = tpu.vector_load %arg12[%swap3A_1158, %swap3A_1159] {strides = array<i32>} : memref<32x1024xf32, #tpu.memory_space<vmem>>, vector<1x16xf32>,
        %swap3A_1161 = vector.shape_cast %swap3A_1160 : vector<1x16xf32> to vector<16xf32>
        %swap3A_1162 = vector.shape_cast %add3A_1156 : vector<16xf32> to vector<1x16xf32>
        tpu.vector_store %arg12[%swap3A_1158, %swap3A_1159], %swap3A_1162 {strides = array<i32>} : memref<32x1024xf32, #tpu.memory_space<vmem>>, vector<1x16xf32>,
        %get3A_1163 = arith.constant 6 : i32
        %get3A_1164 = arith.index_cast %get3A_1163 : i32 to index
        %get3A_1165 = arith.index_cast %mul3A_1062 : i32 to index
        %get3A_1166 = tpu.vector_load %arg9[%get3A_1164, %get3A_1165] {strides = array<i32>} : memref<8x1024xf32, #tpu.memory_space<vmem>>, vector<1x16xf32>,
        %get3A_1167 = vector.shape_cast %get3A_1166 : vector<1x16xf32> to vector<16xf32>
        %get3A_1168 = arith.constant 30 : i32
        %get3A_1169 = arith.index_cast %get3A_1168 : i32 to index
        %get3A_1170 = arith.index_cast %mul3A_1062 : i32 to index
        %get3A_1171 = tpu.vector_load %arg12[%get3A_1169, %get3A_1170] {strides = array<i32>} : memref<32x1024xf32, #tpu.memory_space<vmem>>, vector<1x16xf32>,
        %get3A_1172 = vector.shape_cast %get3A_1171 : vector<1x16xf32> to vector<16xf32>
        %add3A_1173 = arith.addf %get3A_1172, %get3A_1167 : vector<16xf32>
        %swap3A_1174 = arith.constant 30 : i32
        %swap3A_1175 = arith.index_cast %swap3A_1174 : i32 to index
        %swap3A_1176 = arith.index_cast %mul3A_1062 : i32 to index
        %swap3A_1177 = tpu.vector_load %arg12[%swap3A_1175, %swap3A_1176] {strides = array<i32>} : memref<32x1024xf32, #tpu.memory_space<vmem>>, vector<1x16xf32>,
        %swap3A_1178 = vector.shape_cast %swap3A_1177 : vector<1x16xf32> to vector<16xf32>
        %swap3A_1179 = vector.shape_cast %add3A_1173 : vector<16xf32> to vector<1x16xf32>
        tpu.vector_store %arg12[%swap3A_1175, %swap3A_1176], %swap3A_1179 {strides = array<i32>} : memref<32x1024xf32, #tpu.memory_space<vmem>>, vector<1x16xf32>,
        %get3A_1180 = arith.constant 7 : i32
        %get3A_1181 = arith.index_cast %get3A_1180 : i32 to index
        %get3A_1182 = arith.index_cast %mul3A_1062 : i32 to index
        %get3A_1183 = tpu.vector_load %arg9[%get3A_1181, %get3A_1182] {strides = array<i32>} : memref<8x1024xf32, #tpu.memory_space<vmem>>, vector<1x16xf32>,
        %get3A_1184 = vector.shape_cast %get3A_1183 : vector<1x16xf32> to vector<16xf32>
        %get3A_1185 = arith.constant 31 : i32
        %get3A_1186 = arith.index_cast %get3A_1185 : i32 to index
        %get3A_1187 = arith.index_cast %mul3A_1062 : i32 to index
        %get3A_1188 = tpu.vector_load %arg12[%get3A_1186, %get3A_1187] {strides = array<i32>} : memref<32x1024xf32, #tpu.memory_space<vmem>>, vector<1x16xf32>,
        %get3A_1189 = vector.shape_cast %get3A_1188 : vector<1x16xf32> to vector<16xf32>
        %add3A_1190 = arith.addf %get3A_1189, %get3A_1184 : vector<16xf32>
        %swap3A_1191 = arith.constant 31 : i32
        %swap3A_1192 = arith.index_cast %swap3A_1191 : i32 to index
        %swap3A_1193 = arith.index_cast %mul3A_1062 : i32 to index
        %swap3A_1194 = tpu.vector_load %arg12[%swap3A_1192, %swap3A_1193] {strides = array<i32>} : memref<32x1024xf32, #tpu.memory_space<vmem>>, vector<1x16xf32>,
        %swap3A_1195 = vector.shape_cast %swap3A_1194 : vector<1x16xf32> to vector<16xf32>
        %swap3A_1196 = vector.shape_cast %add3A_1190 : vector<16xf32> to vector<1x16xf32>
        tpu.vector_store %arg12[%swap3A_1192, %swap3A_1193], %swap3A_1196 {strides = array<i32>} : memref<32x1024xf32, #tpu.memory_space<vmem>>, vector<1x16xf32>,
      }
      %scan3A_1044 = arith.constant 64 : i32
      %add3A_1045 = arith.constant 12288 : i32
      %add3A_1046 = arith.addi %add3A_1045, %add3A_901 : i32
      %dma_start3A_1047 = arith.constant 2 : i32
      %dma_start3A_1048 = arith.constant 24 : i32
      %dma_start3A_1049 = arith.constant 0 : i32
      %dma_start3A_1050 = tpu.memref_slice %arg12[%dma_start3A_1048, %dma_start3A_1049] : memref<32x1024xf32, #tpu.memory_space<vmem>> -> memref<8x1024xf32, #tpu.memory_space<vmem>>
      %dma_start3A_1051 = arith.constant 0 : i32
      %dma_start3A_1052 = tpu.memref_slice %arg5[%add3A_1046, %dma_start3A_1051] : memref<16384x1024xf32, #tpu.memory_space<hbm>> -> memref<8x1024xf32, #tpu.memory_space<hbm>>
      %dma_start3A_1053 = tpu.memref_slice %arg16[%dma_start3A_1047] : memref<3x!tpu.dma_semaphore, #tpu.memory_space<semaphore_mem>> -> memref<1x!tpu.dma_semaphore, #tpu.memory_space<semaphore_mem>>
      %dma_start3A_1054 = tpu.memref_squeeze %dma_start3A_1053 : memref<1x!tpu.dma_semaphore, #tpu.memory_space<semaphore_mem>> -> memref<!tpu.dma_semaphore, #tpu.memory_space<semaphore_mem>>
      %dma_start3A_1055 = arith.constant 0 : i32
      %dma_start3A_1056 = tpu.memref_slice %arg5[%add3A_1046, %dma_start3A_1055] : memref<16384x1024xf32, #tpu.memory_space<hbm>> -> memref<8x1024xf32, #tpu.memory_space<hbm>>
      %dma_start3A_1057 = arith.constant 24 : i32
      %dma_start3A_1058 = arith.constant 0 : i32
      %dma_start3A_1059 = tpu.memref_slice %arg12[%dma_start3A_1057, %dma_start3A_1058] : memref<32x1024xf32, #tpu.memory_space<vmem>> -> memref<8x1024xf32, #tpu.memory_space<vmem>>
      tpu.enqueue_dma source(%dma_start3A_1059 : memref<8x1024xf32, #tpu.memory_space<vmem>>) target(%dma_start3A_1056 : memref<8x1024xf32, #tpu.memory_space<hbm>>) target_semaphore(%dma_start3A_1054 : memref<!tpu.dma_semaphore, #tpu.memory_space<semaphore_mem>>)
    }
    %scan3A_231 = arith.constant 5 : i32
    %add3A_232 = arith.constant 120 : i32
    %add3A_233 = arith.addi %mul3A_2, %add3A_232 : i32
    %dma_wait3A_234 = arith.constant 0 : i32
    %dma_wait3A_235 = arith.constant 0 : i32
    %dma_wait3A_236 = tpu.memref_slice %arg4[%add3A_233, %dma_wait3A_235] : memref<8192x1024xf32, #tpu.memory_space<hbm>> -> memref<8x1024xf32, #tpu.memory_space<hbm>>
    %dma_wait3A_237 = tpu.memref_slice %arg14[%dma_wait3A_234] : memref<3x!tpu.dma_semaphore, #tpu.memory_space<semaphore_mem>> -> memref<1x!tpu.dma_semaphore, #tpu.memory_space<semaphore_mem>>
    %dma_wait3A_238 = tpu.memref_squeeze %dma_wait3A_237 : memref<1x!tpu.dma_semaphore, #tpu.memory_space<semaphore_mem>> -> memref<!tpu.dma_semaphore, #tpu.memory_space<semaphore_mem>>
    %dma_wait3A_239 = arith.constant 0 : i32
    %dma_wait3A_240 = tpu.memref_slice %arg4[%add3A_233, %dma_wait3A_239] : memref<8192x1024xf32, #tpu.memory_space<hbm>> -> memref<8x1024xf32, #tpu.memory_space<hbm>>
    tpu.wait_dma2 semaphore(%dma_wait3A_238 : memref<!tpu.dma_semaphore, #tpu.memory_space<semaphore_mem>>) src(%dma_wait3A_240 : memref<8x1024xf32, #tpu.memory_space<hbm>>) dst(%arg7 : memref<8x1024xf32, #tpu.memory_space<vmem>>)
    %dma_wait3A_241 = arith.constant 0 : i32
    %dma_wait3A_242 = arith.constant 0 : i32
    %dma_wait3A_243 = arith.constant 0 : i32
    %dma_wait3A_244 = arith.constant 0 : i32
    %dma_wait3A_245 = arith.constant 0 : i32
    %dma_wait3A_246 = tpu.memref_slice %arg10[%dma_wait3A_244, %dma_wait3A_245] : memref<32x1024xf32, #tpu.memory_space<vmem>> -> memref<8x1024xf32, #tpu.memory_space<vmem>>
    %dma_wait3A_247 = arith.constant 120 : i32
    %dma_wait3A_248 = tpu.memref_slice %arg6[%dma_wait3A_241, %dma_wait3A_247] : memref<4x128xi32, #tpu.memory_space<vmem>> -> memref<1x8xi32, #tpu.memory_space<vmem>>
    %dma_wait3A_249 = tpu.memref_squeeze %dma_wait3A_248 : memref<1x8xi32, #tpu.memory_space<vmem>> -> memref<8xi32, #tpu.memory_space<vmem>>
    %dma_wait3A_250 = arith.constant 0 : i32
    %dma_wait3A_251 = arith.constant 0 : i32
    %dma_wait3A_252 = tpu.memref_slice %arg3[%dma_wait3A_250, %dma_wait3A_251] : memref<100000x1024xf32, #tpu.memory_space<hbm>> -> memref<100000x1024xf32, #tpu.memory_space<hbm>>
    %dma_wait3A_253 = tpu.memref_slice %arg15[%dma_wait3A_242, %dma_wait3A_243] : memref<3x4x!tpu.dma_semaphore, #tpu.memory_space<semaphore_mem>> -> memref<1x1x!tpu.dma_semaphore, #tpu.memory_space<semaphore_mem>>
    %dma_wait3A_254 = tpu.memref_squeeze %dma_wait3A_253 : memref<1x1x!tpu.dma_semaphore, #tpu.memory_space<semaphore_mem>> -> memref<!tpu.dma_semaphore, #tpu.memory_space<semaphore_mem>>
    tpu.wait_indirect_dma semaphore(%dma_wait3A_254 : memref<!tpu.dma_semaphore, #tpu.memory_space<semaphore_mem>>) src(%dma_wait3A_252 : memref<100000x1024xf32, #tpu.memory_space<hbm>>) dst(%dma_wait3A_246 : memref<8x1024xf32, #tpu.memory_space<vmem>>)
    %scan3A_255 = arith.constant 0 : i32
    %scan3A_256 = arith.constant 0 : i32
    %scan3A_257 = arith.constant 64 : i32
    %scan3A_258 = arith.addi %scan3A_256, %scan3A_257 : i32
    %scan3A_259 = arith.constant 1 : i32
    scf.for %scan3A_567 = %scan3A_256 to %scan3A_258 step %scan3A_259  : i32 {
      %mul3A_568 = arith.constant 16 : i32
      %mul3A_569 = arith.muli %scan3A_567, %mul3A_568 : i32
      %get3A = arith.constant 0 : i32
      %get3A_570 = arith.index_cast %get3A : i32 to index
      %get3A_571 = arith.index_cast %mul3A_569 : i32 to index
      %get3A_572 = tpu.vector_load %arg7[%get3A_570, %get3A_571] {strides = array<i32>} : memref<8x1024xf32, #tpu.memory_space<vmem>>, vector<1x16xf32>,
      %get3A_573 = vector.shape_cast %get3A_572 : vector<1x16xf32> to vector<16xf32>
      %get3A_574 = arith.constant 0 : i32
      %get3A_575 = arith.index_cast %get3A_574 : i32 to index
      %get3A_576 = arith.index_cast %mul3A_569 : i32 to index
      %get3A_577 = tpu.vector_load %arg10[%get3A_575, %get3A_576] {strides = array<i32>} : memref<32x1024xf32, #tpu.memory_space<vmem>>, vector<1x16xf32>,
      %get3A_578 = vector.shape_cast %get3A_577 : vector<1x16xf32> to vector<16xf32>
      %add3A_579 = arith.addf %get3A_578, %get3A_573 : vector<16xf32>
      %swap3A = arith.constant 0 : i32
      %swap3A_580 = arith.index_cast %swap3A : i32 to index
      %swap3A_581 = arith.index_cast %mul3A_569 : i32 to index
      %swap3A_582 = tpu.vector_load %arg10[%swap3A_580, %swap3A_581] {strides = array<i32>} : memref<32x1024xf32, #tpu.memory_space<vmem>>, vector<1x16xf32>,
      %swap3A_583 = vector.shape_cast %swap3A_582 : vector<1x16xf32> to vector<16xf32>
      %swap3A_584 = vector.shape_cast %add3A_579 : vector<16xf32> to vector<1x16xf32>
      tpu.vector_store %arg10[%swap3A_580, %swap3A_581], %swap3A_584 {strides = array<i32>} : memref<32x1024xf32, #tpu.memory_space<vmem>>, vector<1x16xf32>,
      %get3A_585 = arith.constant 1 : i32
      %get3A_586 = arith.index_cast %get3A_585 : i32 to index
      %get3A_587 = arith.index_cast %mul3A_569 : i32 to index
      %get3A_588 = tpu.vector_load %arg7[%get3A_586, %get3A_587] {strides = array<i32>} : memref<8x1024xf32, #tpu.memory_space<vmem>>, vector<1x16xf32>,
      %get3A_589 = vector.shape_cast %get3A_588 : vector<1x16xf32> to vector<16xf32>
      %get3A_590 = arith.constant 1 : i32
      %get3A_591 = arith.index_cast %get3A_590 : i32 to index
      %get3A_592 = arith.index_cast %mul3A_569 : i32 to index
      %get3A_593 = tpu.vector_load %arg10[%get3A_591, %get3A_592] {strides = array<i32>} : memref<32x1024xf32, #tpu.memory_space<vmem>>, vector<1x16xf32>,
      %get3A_594 = vector.shape_cast %get3A_593 : vector<1x16xf32> to vector<16xf32>
      %add3A_595 = arith.addf %get3A_594, %get3A_589 : vector<16xf32>
      %swap3A_596 = arith.constant 1 : i32
      %swap3A_597 = arith.index_cast %swap3A_596 : i32 to index
      %swap3A_598 = arith.index_cast %mul3A_569 : i32 to index
      %swap3A_599 = tpu.vector_load %arg10[%swap3A_597, %swap3A_598] {strides = array<i32>} : memref<32x1024xf32, #tpu.memory_space<vmem>>, vector<1x16xf32>,
      %swap3A_600 = vector.shape_cast %swap3A_599 : vector<1x16xf32> to vector<16xf32>
      %swap3A_601 = vector.shape_cast %add3A_595 : vector<16xf32> to vector<1x16xf32>
      tpu.vector_store %arg10[%swap3A_597, %swap3A_598], %swap3A_601 {strides = array<i32>} : memref<32x1024xf32, #tpu.memory_space<vmem>>, vector<1x16xf32>,
      %get3A_602 = arith.constant 2 : i32
      %get3A_603 = arith.index_cast %get3A_602 : i32 to index
      %get3A_604 = arith.index_cast %mul3A_569 : i32 to index
      %get3A_605 = tpu.vector_load %arg7[%get3A_603, %get3A_604] {strides = array<i32>} : memref<8x1024xf32, #tpu.memory_space<vmem>>, vector<1x16xf32>,
      %get3A_606 = vector.shape_cast %get3A_605 : vector<1x16xf32> to vector<16xf32>
      %get3A_607 = arith.constant 2 : i32
      %get3A_608 = arith.index_cast %get3A_607 : i32 to index
      %get3A_609 = arith.index_cast %mul3A_569 : i32 to index
      %get3A_610 = tpu.vector_load %arg10[%get3A_608, %get3A_609] {strides = array<i32>} : memref<32x1024xf32, #tpu.memory_space<vmem>>, vector<1x16xf32>,
      %get3A_611 = vector.shape_cast %get3A_610 : vector<1x16xf32> to vector<16xf32>
      %add3A_612 = arith.addf %get3A_611, %get3A_606 : vector<16xf32>
      %swap3A_613 = arith.constant 2 : i32
      %swap3A_614 = arith.index_cast %swap3A_613 : i32 to index
      %swap3A_615 = arith.index_cast %mul3A_569 : i32 to index
      %swap3A_616 = tpu.vector_load %arg10[%swap3A_614, %swap3A_615] {strides = array<i32>} : memref<32x1024xf32, #tpu.memory_space<vmem>>, vector<1x16xf32>,
      %swap3A_617 = vector.shape_cast %swap3A_616 : vector<1x16xf32> to vector<16xf32>
      %swap3A_618 = vector.shape_cast %add3A_612 : vector<16xf32> to vector<1x16xf32>
      tpu.vector_store %arg10[%swap3A_614, %swap3A_615], %swap3A_618 {strides = array<i32>} : memref<32x1024xf32, #tpu.memory_space<vmem>>, vector<1x16xf32>,
      %get3A_619 = arith.constant 3 : i32
      %get3A_620 = arith.index_cast %get3A_619 : i32 to index
      %get3A_621 = arith.index_cast %mul3A_569 : i32 to index
      %get3A_622 = tpu.vector_load %arg7[%get3A_620, %get3A_621] {strides = array<i32>} : memref<8x1024xf32, #tpu.memory_space<vmem>>, vector<1x16xf32>,
      %get3A_623 = vector.shape_cast %get3A_622 : vector<1x16xf32> to vector<16xf32>
      %get3A_624 = arith.constant 3 : i32
      %get3A_625 = arith.index_cast %get3A_624 : i32 to index
      %get3A_626 = arith.index_cast %mul3A_569 : i32 to index
      %get3A_627 = tpu.vector_load %arg10[%get3A_625, %get3A_626] {strides = array<i32>} : memref<32x1024xf32, #tpu.memory_space<vmem>>, vector<1x16xf32>,
      %get3A_628 = vector.shape_cast %get3A_627 : vector<1x16xf32> to vector<16xf32>
      %add3A_629 = arith.addf %get3A_628, %get3A_623 : vector<16xf32>
      %swap3A_630 = arith.constant 3 : i32
      %swap3A_631 = arith.index_cast %swap3A_630 : i32 to index
      %swap3A_632 = arith.index_cast %mul3A_569 : i32 to index
      %swap3A_633 = tpu.vector_load %arg10[%swap3A_631, %swap3A_632] {strides = array<i32>} : memref<32x1024xf32, #tpu.memory_space<vmem>>, vector<1x16xf32>,
      %swap3A_634 = vector.shape_cast %swap3A_633 : vector<1x16xf32> to vector<16xf32>
      %swap3A_635 = vector.shape_cast %add3A_629 : vector<16xf32> to vector<1x16xf32>
      tpu.vector_store %arg10[%swap3A_631, %swap3A_632], %swap3A_635 {strides = array<i32>} : memref<32x1024xf32, #tpu.memory_space<vmem>>, vector<1x16xf32>,
      %get3A_636 = arith.constant 4 : i32
      %get3A_637 = arith.index_cast %get3A_636 : i32 to index
      %get3A_638 = arith.index_cast %mul3A_569 : i32 to index
      %get3A_639 = tpu.vector_load %arg7[%get3A_637, %get3A_638] {strides = array<i32>} : memref<8x1024xf32, #tpu.memory_space<vmem>>, vector<1x16xf32>,
      %get3A_640 = vector.shape_cast %get3A_639 : vector<1x16xf32> to vector<16xf32>
      %get3A_641 = arith.constant 4 : i32
      %get3A_642 = arith.index_cast %get3A_641 : i32 to index
      %get3A_643 = arith.index_cast %mul3A_569 : i32 to index
      %get3A_644 = tpu.vector_load %arg10[%get3A_642, %get3A_643] {strides = array<i32>} : memref<32x1024xf32, #tpu.memory_space<vmem>>, vector<1x16xf32>,
      %get3A_645 = vector.shape_cast %get3A_644 : vector<1x16xf32> to vector<16xf32>
      %add3A_646 = arith.addf %get3A_645, %get3A_640 : vector<16xf32>
      %swap3A_647 = arith.constant 4 : i32
      %swap3A_648 = arith.index_cast %swap3A_647 : i32 to index
      %swap3A_649 = arith.index_cast %mul3A_569 : i32 to index
      %swap3A_650 = tpu.vector_load %arg10[%swap3A_648, %swap3A_649] {strides = array<i32>} : memref<32x1024xf32, #tpu.memory_space<vmem>>, vector<1x16xf32>,
      %swap3A_651 = vector.shape_cast %swap3A_650 : vector<1x16xf32> to vector<16xf32>
      %swap3A_652 = vector.shape_cast %add3A_646 : vector<16xf32> to vector<1x16xf32>
      tpu.vector_store %arg10[%swap3A_648, %swap3A_649], %swap3A_652 {strides = array<i32>} : memref<32x1024xf32, #tpu.memory_space<vmem>>, vector<1x16xf32>,
      %get3A_653 = arith.constant 5 : i32
      %get3A_654 = arith.index_cast %get3A_653 : i32 to index
      %get3A_655 = arith.index_cast %mul3A_569 : i32 to index
      %get3A_656 = tpu.vector_load %arg7[%get3A_654, %get3A_655] {strides = array<i32>} : memref<8x1024xf32, #tpu.memory_space<vmem>>, vector<1x16xf32>,
      %get3A_657 = vector.shape_cast %get3A_656 : vector<1x16xf32> to vector<16xf32>
      %get3A_658 = arith.constant 5 : i32
      %get3A_659 = arith.index_cast %get3A_658 : i32 to index
      %get3A_660 = arith.index_cast %mul3A_569 : i32 to index
      %get3A_661 = tpu.vector_load %arg10[%get3A_659, %get3A_660] {strides = array<i32>} : memref<32x1024xf32, #tpu.memory_space<vmem>>, vector<1x16xf32>,
      %get3A_662 = vector.shape_cast %get3A_661 : vector<1x16xf32> to vector<16xf32>
      %add3A_663 = arith.addf %get3A_662, %get3A_657 : vector<16xf32>
      %swap3A_664 = arith.constant 5 : i32
      %swap3A_665 = arith.index_cast %swap3A_664 : i32 to index
      %swap3A_666 = arith.index_cast %mul3A_569 : i32 to index
      %swap3A_667 = tpu.vector_load %arg10[%swap3A_665, %swap3A_666] {strides = array<i32>} : memref<32x1024xf32, #tpu.memory_space<vmem>>, vector<1x16xf32>,
      %swap3A_668 = vector.shape_cast %swap3A_667 : vector<1x16xf32> to vector<16xf32>
      %swap3A_669 = vector.shape_cast %add3A_663 : vector<16xf32> to vector<1x16xf32>
      tpu.vector_store %arg10[%swap3A_665, %swap3A_666], %swap3A_669 {strides = array<i32>} : memref<32x1024xf32, #tpu.memory_space<vmem>>, vector<1x16xf32>,
      %get3A_670 = arith.constant 6 : i32
      %get3A_671 = arith.index_cast %get3A_670 : i32 to index
      %get3A_672 = arith.index_cast %mul3A_569 : i32 to index
      %get3A_673 = tpu.vector_load %arg7[%get3A_671, %get3A_672] {strides = array<i32>} : memref<8x1024xf32, #tpu.memory_space<vmem>>, vector<1x16xf32>,
      %get3A_674 = vector.shape_cast %get3A_673 : vector<1x16xf32> to vector<16xf32>
      %get3A_675 = arith.constant 6 : i32
      %get3A_676 = arith.index_cast %get3A_675 : i32 to index
      %get3A_677 = arith.index_cast %mul3A_569 : i32 to index
      %get3A_678 = tpu.vector_load %arg10[%get3A_676, %get3A_677] {strides = array<i32>} : memref<32x1024xf32, #tpu.memory_space<vmem>>, vector<1x16xf32>,
      %get3A_679 = vector.shape_cast %get3A_678 : vector<1x16xf32> to vector<16xf32>
      %add3A_680 = arith.addf %get3A_679, %get3A_674 : vector<16xf32>
      %swap3A_681 = arith.constant 6 : i32
      %swap3A_682 = arith.index_cast %swap3A_681 : i32 to index
      %swap3A_683 = arith.index_cast %mul3A_569 : i32 to index
      %swap3A_684 = tpu.vector_load %arg10[%swap3A_682, %swap3A_683] {strides = array<i32>} : memref<32x1024xf32, #tpu.memory_space<vmem>>, vector<1x16xf32>,
      %swap3A_685 = vector.shape_cast %swap3A_684 : vector<1x16xf32> to vector<16xf32>
      %swap3A_686 = vector.shape_cast %add3A_680 : vector<16xf32> to vector<1x16xf32>
      tpu.vector_store %arg10[%swap3A_682, %swap3A_683], %swap3A_686 {strides = array<i32>} : memref<32x1024xf32, #tpu.memory_space<vmem>>, vector<1x16xf32>,
      %get3A_687 = arith.constant 7 : i32
      %get3A_688 = arith.index_cast %get3A_687 : i32 to index
      %get3A_689 = arith.index_cast %mul3A_569 : i32 to index
      %get3A_690 = tpu.vector_load %arg7[%get3A_688, %get3A_689] {strides = array<i32>} : memref<8x1024xf32, #tpu.memory_space<vmem>>, vector<1x16xf32>,
      %get3A_691 = vector.shape_cast %get3A_690 : vector<1x16xf32> to vector<16xf32>
      %get3A_692 = arith.constant 7 : i32
      %get3A_693 = arith.index_cast %get3A_692 : i32 to index
      %get3A_694 = arith.index_cast %mul3A_569 : i32 to index
      %get3A_695 = tpu.vector_load %arg10[%get3A_693, %get3A_694] {strides = array<i32>} : memref<32x1024xf32, #tpu.memory_space<vmem>>, vector<1x16xf32>,
      %get3A_696 = vector.shape_cast %get3A_695 : vector<1x16xf32> to vector<16xf32>
      %add3A_697 = arith.addf %get3A_696, %get3A_691 : vector<16xf32>
      %swap3A_698 = arith.constant 7 : i32
      %swap3A_699 = arith.index_cast %swap3A_698 : i32 to index
      %swap3A_700 = arith.index_cast %mul3A_569 : i32 to index
      %swap3A_701 = tpu.vector_load %arg10[%swap3A_699, %swap3A_700] {strides = array<i32>} : memref<32x1024xf32, #tpu.memory_space<vmem>>, vector<1x16xf32>,
      %swap3A_702 = vector.shape_cast %swap3A_701 : vector<1x16xf32> to vector<16xf32>
      %swap3A_703 = vector.shape_cast %add3A_697 : vector<16xf32> to vector<1x16xf32>
      tpu.vector_store %arg10[%swap3A_699, %swap3A_700], %swap3A_703 {strides = array<i32>} : memref<32x1024xf32, #tpu.memory_space<vmem>>, vector<1x16xf32>,
    }
    %scan3A_260 = arith.constant 64 : i32
    %add3A_261 = arith.constant 0 : i32
    %add3A_262 = arith.addi %add3A_261, %add3A_233 : i32
    %dma_start3A_263 = arith.constant 0 : i32
    %dma_start3A_264 = arith.constant 0 : i32
    %dma_start3A_265 = arith.constant 0 : i32
    %dma_start3A_266 = tpu.memref_slice %arg10[%dma_start3A_264, %dma_start3A_265] : memref<32x1024xf32, #tpu.memory_space<vmem>> -> memref<8x1024xf32, #tpu.memory_space<vmem>>
    %dma_start3A_267 = arith.constant 0 : i32
    %dma_start3A_268 = tpu.memref_slice %arg5[%add3A_262, %dma_start3A_267] : memref<16384x1024xf32, #tpu.memory_space<hbm>> -> memref<8x1024xf32, #tpu.memory_space<hbm>>
    %dma_start3A_269 = tpu.memref_slice %arg16[%dma_start3A_263] : memref<3x!tpu.dma_semaphore, #tpu.memory_space<semaphore_mem>> -> memref<1x!tpu.dma_semaphore, #tpu.memory_space<semaphore_mem>>
    %dma_start3A_270 = tpu.memref_squeeze %dma_start3A_269 : memref<1x!tpu.dma_semaphore, #tpu.memory_space<semaphore_mem>> -> memref<!tpu.dma_semaphore, #tpu.memory_space<semaphore_mem>>
    %dma_start3A_271 = arith.constant 0 : i32
    %dma_start3A_272 = tpu.memref_slice %arg5[%add3A_262, %dma_start3A_271] : memref<16384x1024xf32, #tpu.memory_space<hbm>> -> memref<8x1024xf32, #tpu.memory_space<hbm>>
    %dma_start3A_273 = arith.constant 0 : i32
    %dma_start3A_274 = arith.constant 0 : i32
    %dma_start3A_275 = tpu.memref_slice %arg10[%dma_start3A_273, %dma_start3A_274] : memref<32x1024xf32, #tpu.memory_space<vmem>> -> memref<8x1024xf32, #tpu.memory_space<vmem>>
    tpu.enqueue_dma source(%dma_start3A_275 : memref<8x1024xf32, #tpu.memory_space<vmem>>) target(%dma_start3A_272 : memref<8x1024xf32, #tpu.memory_space<hbm>>) target_semaphore(%dma_start3A_270 : memref<!tpu.dma_semaphore, #tpu.memory_space<semaphore_mem>>)
    %dma_wait3A_276 = arith.constant 1 : i32
    %dma_wait3A_277 = arith.constant 0 : i32
    %dma_wait3A_278 = arith.constant 1 : i32
    %dma_wait3A_279 = arith.constant 8 : i32
    %dma_wait3A_280 = arith.constant 0 : i32
    %dma_wait3A_281 = tpu.memref_slice %arg10[%dma_wait3A_279, %dma_wait3A_280] : memref<32x1024xf32, #tpu.memory_space<vmem>> -> memref<8x1024xf32, #tpu.memory_space<vmem>>
    %dma_wait3A_282 = arith.constant 120 : i32
    %dma_wait3A_283 = tpu.memref_slice %arg6[%dma_wait3A_276, %dma_wait3A_282] : memref<4x128xi32, #tpu.memory_space<vmem>> -> memref<1x8xi32, #tpu.memory_space<vmem>>
    %dma_wait3A_284 = tpu.memref_squeeze %dma_wait3A_283 : memref<1x8xi32, #tpu.memory_space<vmem>> -> memref<8xi32, #tpu.memory_space<vmem>>
    %dma_wait3A_285 = arith.constant 0 : i32
    %dma_wait3A_286 = arith.constant 0 : i32
    %dma_wait3A_287 = tpu.memref_slice %arg3[%dma_wait3A_285, %dma_wait3A_286] : memref<100000x1024xf32, #tpu.memory_space<hbm>> -> memref<100000x1024xf32, #tpu.memory_space<hbm>>
    %dma_wait3A_288 = tpu.memref_slice %arg15[%dma_wait3A_277, %dma_wait3A_278] : memref<3x4x!tpu.dma_semaphore, #tpu.memory_space<semaphore_mem>> -> memref<1x1x!tpu.dma_semaphore, #tpu.memory_space<semaphore_mem>>
    %dma_wait3A_289 = tpu.memref_squeeze %dma_wait3A_288 : memref<1x1x!tpu.dma_semaphore, #tpu.memory_space<semaphore_mem>> -> memref<!tpu.dma_semaphore, #tpu.memory_space<semaphore_mem>>
    tpu.wait_indirect_dma semaphore(%dma_wait3A_289 : memref<!tpu.dma_semaphore, #tpu.memory_space<semaphore_mem>>) src(%dma_wait3A_287 : memref<100000x1024xf32, #tpu.memory_space<hbm>>) dst(%dma_wait3A_281 : memref<8x1024xf32, #tpu.memory_space<vmem>>)
    %scan3A_290 = arith.constant 0 : i32
    %scan3A_291 = arith.constant 0 : i32
    %scan3A_292 = arith.constant 64 : i32
    %scan3A_293 = arith.addi %scan3A_291, %scan3A_292 : i32
    %scan3A_294 = arith.constant 1 : i32
    scf.for %scan3A_567 = %scan3A_291 to %scan3A_293 step %scan3A_294  : i32 {
      %mul3A_568 = arith.constant 16 : i32
      %mul3A_569 = arith.muli %scan3A_567, %mul3A_568 : i32
      %get3A = arith.constant 0 : i32
      %get3A_570 = arith.index_cast %get3A : i32 to index
      %get3A_571 = arith.index_cast %mul3A_569 : i32 to index
      %get3A_572 = tpu.vector_load %arg7[%get3A_570, %get3A_571] {strides = array<i32>} : memref<8x1024xf32, #tpu.memory_space<vmem>>, vector<1x16xf32>,
      %get3A_573 = vector.shape_cast %get3A_572 : vector<1x16xf32> to vector<16xf32>
      %get3A_574 = arith.constant 8 : i32
      %get3A_575 = arith.index_cast %get3A_574 : i32 to index
      %get3A_576 = arith.index_cast %mul3A_569 : i32 to index
      %get3A_577 = tpu.vector_load %arg10[%get3A_575, %get3A_576] {strides = array<i32>} : memref<32x1024xf32, #tpu.memory_space<vmem>>, vector<1x16xf32>,
      %get3A_578 = vector.shape_cast %get3A_577 : vector<1x16xf32> to vector<16xf32>
      %add3A_579 = arith.addf %get3A_578, %get3A_573 : vector<16xf32>
      %swap3A = arith.constant 8 : i32
      %swap3A_580 = arith.index_cast %swap3A : i32 to index
      %swap3A_581 = arith.index_cast %mul3A_569 : i32 to index
      %swap3A_582 = tpu.vector_load %arg10[%swap3A_580, %swap3A_581] {strides = array<i32>} : memref<32x1024xf32, #tpu.memory_space<vmem>>, vector<1x16xf32>,
      %swap3A_583 = vector.shape_cast %swap3A_582 : vector<1x16xf32> to vector<16xf32>
      %swap3A_584 = vector.shape_cast %add3A_579 : vector<16xf32> to vector<1x16xf32>
      tpu.vector_store %arg10[%swap3A_580, %swap3A_581], %swap3A_584 {strides = array<i32>} : memref<32x1024xf32, #tpu.memory_space<vmem>>, vector<1x16xf32>,
      %get3A_585 = arith.constant 1 : i32
      %get3A_586 = arith.index_cast %get3A_585 : i32 to index
      %get3A_587 = arith.index_cast %mul3A_569 : i32 to index
      %get3A_588 = tpu.vector_load %arg7[%get3A_586, %get3A_587] {strides = array<i32>} : memref<8x1024xf32, #tpu.memory_space<vmem>>, vector<1x16xf32>,
      %get3A_589 = vector.shape_cast %get3A_588 : vector<1x16xf32> to vector<16xf32>
      %get3A_590 = arith.constant 9 : i32
      %get3A_591 = arith.index_cast %get3A_590 : i32 to index
      %get3A_592 = arith.index_cast %mul3A_569 : i32 to index
      %get3A_593 = tpu.vector_load %arg10[%get3A_591, %get3A_592] {strides = array<i32>} : memref<32x1024xf32, #tpu.memory_space<vmem>>, vector<1x16xf32>,
      %get3A_594 = vector.shape_cast %get3A_593 : vector<1x16xf32> to vector<16xf32>
      %add3A_595 = arith.addf %get3A_594, %get3A_589 : vector<16xf32>
      %swap3A_596 = arith.constant 9 : i32
      %swap3A_597 = arith.index_cast %swap3A_596 : i32 to index
      %swap3A_598 = arith.index_cast %mul3A_569 : i32 to index
      %swap3A_599 = tpu.vector_load %arg10[%swap3A_597, %swap3A_598] {strides = array<i32>} : memref<32x1024xf32, #tpu.memory_space<vmem>>, vector<1x16xf32>,
      %swap3A_600 = vector.shape_cast %swap3A_599 : vector<1x16xf32> to vector<16xf32>
      %swap3A_601 = vector.shape_cast %add3A_595 : vector<16xf32> to vector<1x16xf32>
      tpu.vector_store %arg10[%swap3A_597, %swap3A_598], %swap3A_601 {strides = array<i32>} : memref<32x1024xf32, #tpu.memory_space<vmem>>, vector<1x16xf32>,
      %get3A_602 = arith.constant 2 : i32
      %get3A_603 = arith.index_cast %get3A_602 : i32 to index
      %get3A_604 = arith.index_cast %mul3A_569 : i32 to index
      %get3A_605 = tpu.vector_load %arg7[%get3A_603, %get3A_604] {strides = array<i32>} : memref<8x1024xf32, #tpu.memory_space<vmem>>, vector<1x16xf32>,
      %get3A_606 = vector.shape_cast %get3A_605 : vector<1x16xf32> to vector<16xf32>
      %get3A_607 = arith.constant 10 : i32
      %get3A_608 = arith.index_cast %get3A_607 : i32 to index
      %get3A_609 = arith.index_cast %mul3A_569 : i32 to index
      %get3A_610 = tpu.vector_load %arg10[%get3A_608, %get3A_609] {strides = array<i32>} : memref<32x1024xf32, #tpu.memory_space<vmem>>, vector<1x16xf32>,
      %get3A_611 = vector.shape_cast %get3A_610 : vector<1x16xf32> to vector<16xf32>
      %add3A_612 = arith.addf %get3A_611, %get3A_606 : vector<16xf32>
      %swap3A_613 = arith.constant 10 : i32
      %swap3A_614 = arith.index_cast %swap3A_613 : i32 to index
      %swap3A_615 = arith.index_cast %mul3A_569 : i32 to index
      %swap3A_616 = tpu.vector_load %arg10[%swap3A_614, %swap3A_615] {strides = array<i32>} : memref<32x1024xf32, #tpu.memory_space<vmem>>, vector<1x16xf32>,
      %swap3A_617 = vector.shape_cast %swap3A_616 : vector<1x16xf32> to vector<16xf32>
      %swap3A_618 = vector.shape_cast %add3A_612 : vector<16xf32> to vector<1x16xf32>
      tpu.vector_store %arg10[%swap3A_614, %swap3A_615], %swap3A_618 {strides = array<i32>} : memref<32x1024xf32, #tpu.memory_space<vmem>>, vector<1x16xf32>,
      %get3A_619 = arith.constant 3 : i32
      %get3A_620 = arith.index_cast %get3A_619 : i32 to index
      %get3A_621 = arith.index_cast %mul3A_569 : i32 to index
      %get3A_622 = tpu.vector_load %arg7[%get3A_620, %get3A_621] {strides = array<i32>} : memref<8x1024xf32, #tpu.memory_space<vmem>>, vector<1x16xf32>,
      %get3A_623 = vector.shape_cast %get3A_622 : vector<1x16xf32> to vector<16xf32>
      %get3A_624 = arith.constant 11 : i32
      %get3A_625 = arith.index_cast %get3A_624 : i32 to index
      %get3A_626 = arith.index_cast %mul3A_569 : i32 to index
      %get3A_627 = tpu.vector_load %arg10[%get3A_625, %get3A_626] {strides = array<i32>} : memref<32x1024xf32, #tpu.memory_space<vmem>>, vector<1x16xf32>,
      %get3A_628 = vector.shape_cast %get3A_627 : vector<1x16xf32> to vector<16xf32>
      %add3A_629 = arith.addf %get3A_628, %get3A_623 : vector<16xf32>
      %swap3A_630 = arith.constant 11 : i32
      %swap3A_631 = arith.index_cast %swap3A_630 : i32 to index
      %swap3A_632 = arith.index_cast %mul3A_569 : i32 to index
      %swap3A_633 = tpu.vector_load %arg10[%swap3A_631, %swap3A_632] {strides = array<i32>} : memref<32x1024xf32, #tpu.memory_space<vmem>>, vector<1x16xf32>,
      %swap3A_634 = vector.shape_cast %swap3A_633 : vector<1x16xf32> to vector<16xf32>
      %swap3A_635 = vector.shape_cast %add3A_629 : vector<16xf32> to vector<1x16xf32>
      tpu.vector_store %arg10[%swap3A_631, %swap3A_632], %swap3A_635 {strides = array<i32>} : memref<32x1024xf32, #tpu.memory_space<vmem>>, vector<1x16xf32>,
      %get3A_636 = arith.constant 4 : i32
      %get3A_637 = arith.index_cast %get3A_636 : i32 to index
      %get3A_638 = arith.index_cast %mul3A_569 : i32 to index
      %get3A_639 = tpu.vector_load %arg7[%get3A_637, %get3A_638] {strides = array<i32>} : memref<8x1024xf32, #tpu.memory_space<vmem>>, vector<1x16xf32>,
      %get3A_640 = vector.shape_cast %get3A_639 : vector<1x16xf32> to vector<16xf32>
      %get3A_641 = arith.constant 12 : i32
      %get3A_642 = arith.index_cast %get3A_641 : i32 to index
      %get3A_643 = arith.index_cast %mul3A_569 : i32 to index
      %get3A_644 = tpu.vector_load %arg10[%get3A_642, %get3A_643] {strides = array<i32>} : memref<32x1024xf32, #tpu.memory_space<vmem>>, vector<1x16xf32>,
      %get3A_645 = vector.shape_cast %get3A_644 : vector<1x16xf32> to vector<16xf32>
      %add3A_646 = arith.addf %get3A_645, %get3A_640 : vector<16xf32>
      %swap3A_647 = arith.constant 12 : i32
      %swap3A_648 = arith.index_cast %swap3A_647 : i32 to index
      %swap3A_649 = arith.index_cast %mul3A_569 : i32 to index
      %swap3A_650 = tpu.vector_load %arg10[%swap3A_648, %swap3A_649] {strides = array<i32>} : memref<32x1024xf32, #tpu.memory_space<vmem>>, vector<1x16xf32>,
      %swap3A_651 = vector.shape_cast %swap3A_650 : vector<1x16xf32> to vector<16xf32>
      %swap3A_652 = vector.shape_cast %add3A_646 : vector<16xf32> to vector<1x16xf32>
      tpu.vector_store %arg10[%swap3A_648, %swap3A_649], %swap3A_652 {strides = array<i32>} : memref<32x1024xf32, #tpu.memory_space<vmem>>, vector<1x16xf32>,
      %get3A_653 = arith.constant 5 : i32
      %get3A_654 = arith.index_cast %get3A_653 : i32 to index
      %get3A_655 = arith.index_cast %mul3A_569 : i32 to index
      %get3A_656 = tpu.vector_load %arg7[%get3A_654, %get3A_655] {strides = array<i32>} : memref<8x1024xf32, #tpu.memory_space<vmem>>, vector<1x16xf32>,
      %get3A_657 = vector.shape_cast %get3A_656 : vector<1x16xf32> to vector<16xf32>
      %get3A_658 = arith.constant 13 : i32
      %get3A_659 = arith.index_cast %get3A_658 : i32 to index
      %get3A_660 = arith.index_cast %mul3A_569 : i32 to index
      %get3A_661 = tpu.vector_load %arg10[%get3A_659, %get3A_660] {strides = array<i32>} : memref<32x1024xf32, #tpu.memory_space<vmem>>, vector<1x16xf32>,
      %get3A_662 = vector.shape_cast %get3A_661 : vector<1x16xf32> to vector<16xf32>
      %add3A_663 = arith.addf %get3A_662, %get3A_657 : vector<16xf32>
      %swap3A_664 = arith.constant 13 : i32
      %swap3A_665 = arith.index_cast %swap3A_664 : i32 to index
      %swap3A_666 = arith.index_cast %mul3A_569 : i32 to index
      %swap3A_667 = tpu.vector_load %arg10[%swap3A_665, %swap3A_666] {strides = array<i32>} : memref<32x1024xf32, #tpu.memory_space<vmem>>, vector<1x16xf32>,
      %swap3A_668 = vector.shape_cast %swap3A_667 : vector<1x16xf32> to vector<16xf32>
      %swap3A_669 = vector.shape_cast %add3A_663 : vector<16xf32> to vector<1x16xf32>
      tpu.vector_store %arg10[%swap3A_665, %swap3A_666], %swap3A_669 {strides = array<i32>} : memref<32x1024xf32, #tpu.memory_space<vmem>>, vector<1x16xf32>,
      %get3A_670 = arith.constant 6 : i32
      %get3A_671 = arith.index_cast %get3A_670 : i32 to index
      %get3A_672 = arith.index_cast %mul3A_569 : i32 to index
      %get3A_673 = tpu.vector_load %arg7[%get3A_671, %get3A_672] {strides = array<i32>} : memref<8x1024xf32, #tpu.memory_space<vmem>>, vector<1x16xf32>,
      %get3A_674 = vector.shape_cast %get3A_673 : vector<1x16xf32> to vector<16xf32>
      %get3A_675 = arith.constant 14 : i32
      %get3A_676 = arith.index_cast %get3A_675 : i32 to index
      %get3A_677 = arith.index_cast %mul3A_569 : i32 to index
      %get3A_678 = tpu.vector_load %arg10[%get3A_676, %get3A_677] {strides = array<i32>} : memref<32x1024xf32, #tpu.memory_space<vmem>>, vector<1x16xf32>,
      %get3A_679 = vector.shape_cast %get3A_678 : vector<1x16xf32> to vector<16xf32>
      %add3A_680 = arith.addf %get3A_679, %get3A_674 : vector<16xf32>
      %swap3A_681 = arith.constant 14 : i32
      %swap3A_682 = arith.index_cast %swap3A_681 : i32 to index
      %swap3A_683 = arith.index_cast %mul3A_569 : i32 to index
      %swap3A_684 = tpu.vector_load %arg10[%swap3A_682, %swap3A_683] {strides = array<i32>} : memref<32x1024xf32, #tpu.memory_space<vmem>>, vector<1x16xf32>,
      %swap3A_685 = vector.shape_cast %swap3A_684 : vector<1x16xf32> to vector<16xf32>
      %swap3A_686 = vector.shape_cast %add3A_680 : vector<16xf32> to vector<1x16xf32>
      tpu.vector_store %arg10[%swap3A_682, %swap3A_683], %swap3A_686 {strides = array<i32>} : memref<32x1024xf32, #tpu.memory_space<vmem>>, vector<1x16xf32>,
      %get3A_687 = arith.constant 7 : i32
      %get3A_688 = arith.index_cast %get3A_687 : i32 to index
      %get3A_689 = arith.index_cast %mul3A_569 : i32 to index
      %get3A_690 = tpu.vector_load %arg7[%get3A_688, %get3A_689] {strides = array<i32>} : memref<8x1024xf32, #tpu.memory_space<vmem>>, vector<1x16xf32>,
      %get3A_691 = vector.shape_cast %get3A_690 : vector<1x16xf32> to vector<16xf32>
      %get3A_692 = arith.constant 15 : i32
      %get3A_693 = arith.index_cast %get3A_692 : i32 to index
      %get3A_694 = arith.index_cast %mul3A_569 : i32 to index
      %get3A_695 = tpu.vector_load %arg10[%get3A_693, %get3A_694] {strides = array<i32>} : memref<32x1024xf32, #tpu.memory_space<vmem>>, vector<1x16xf32>,
      %get3A_696 = vector.shape_cast %get3A_695 : vector<1x16xf32> to vector<16xf32>
      %add3A_697 = arith.addf %get3A_696, %get3A_691 : vector<16xf32>
      %swap3A_698 = arith.constant 15 : i32
      %swap3A_699 = arith.index_cast %swap3A_698 : i32 to index
      %swap3A_700 = arith.index_cast %mul3A_569 : i32 to index
      %swap3A_701 = tpu.vector_load %arg10[%swap3A_699, %swap3A_700] {strides = array<i32>} : memref<32x1024xf32, #tpu.memory_space<vmem>>, vector<1x16xf32>,
      %swap3A_702 = vector.shape_cast %swap3A_701 : vector<1x16xf32> to vector<16xf32>
      %swap3A_703 = vector.shape_cast %add3A_697 : vector<16xf32> to vector<1x16xf32>
      tpu.vector_store %arg10[%swap3A_699, %swap3A_700], %swap3A_703 {strides = array<i32>} : memref<32x1024xf32, #tpu.memory_space<vmem>>, vector<1x16xf32>,
    }
    %scan3A_295 = arith.constant 64 : i32
    %add3A_296 = arith.constant 4096 : i32
    %add3A_297 = arith.addi %add3A_296, %add3A_233 : i32
    %dma_start3A_298 = arith.constant 0 : i32
    %dma_start3A_299 = arith.constant 8 : i32
    %dma_start3A_300 = arith.constant 0 : i32
    %dma_start3A_301 = tpu.memref_slice %arg10[%dma_start3A_299, %dma_start3A_300] : memref<32x1024xf32, #tpu.memory_space<vmem>> -> memref<8x1024xf32, #tpu.memory_space<vmem>>
    %dma_start3A_302 = arith.constant 0 : i32
    %dma_start3A_303 = tpu.memref_slice %arg5[%add3A_297, %dma_start3A_302] : memref<16384x1024xf32, #tpu.memory_space<hbm>> -> memref<8x1024xf32, #tpu.memory_space<hbm>>
    %dma_start3A_304 = tpu.memref_slice %arg16[%dma_start3A_298] : memref<3x!tpu.dma_semaphore, #tpu.memory_space<semaphore_mem>> -> memref<1x!tpu.dma_semaphore, #tpu.memory_space<semaphore_mem>>
    %dma_start3A_305 = tpu.memref_squeeze %dma_start3A_304 : memref<1x!tpu.dma_semaphore, #tpu.memory_space<semaphore_mem>> -> memref<!tpu.dma_semaphore, #tpu.memory_space<semaphore_mem>>
    %dma_start3A_306 = arith.constant 0 : i32
    %dma_start3A_307 = tpu.memref_slice %arg5[%add3A_297, %dma_start3A_306] : memref<16384x1024xf32, #tpu.memory_space<hbm>> -> memref<8x1024xf32, #tpu.memory_space<hbm>>
    %dma_start3A_308 = arith.constant 8 : i32
    %dma_start3A_309 = arith.constant 0 : i32
    %dma_start3A_310 = tpu.memref_slice %arg10[%dma_start3A_308, %dma_start3A_309] : memref<32x1024xf32, #tpu.memory_space<vmem>> -> memref<8x1024xf32, #tpu.memory_space<vmem>>
    tpu.enqueue_dma source(%dma_start3A_310 : memref<8x1024xf32, #tpu.memory_space<vmem>>) target(%dma_start3A_307 : memref<8x1024xf32, #tpu.memory_space<hbm>>) target_semaphore(%dma_start3A_305 : memref<!tpu.dma_semaphore, #tpu.memory_space<semaphore_mem>>)
    %dma_wait3A_311 = arith.constant 2 : i32
    %dma_wait3A_312 = arith.constant 0 : i32
    %dma_wait3A_313 = arith.constant 2 : i32
    %dma_wait3A_314 = arith.constant 16 : i32
    %dma_wait3A_315 = arith.constant 0 : i32
    %dma_wait3A_316 = tpu.memref_slice %arg10[%dma_wait3A_314, %dma_wait3A_315] : memref<32x1024xf32, #tpu.memory_space<vmem>> -> memref<8x1024xf32, #tpu.memory_space<vmem>>
    %dma_wait3A_317 = arith.constant 120 : i32
    %dma_wait3A_318 = tpu.memref_slice %arg6[%dma_wait3A_311, %dma_wait3A_317] : memref<4x128xi32, #tpu.memory_space<vmem>> -> memref<1x8xi32, #tpu.memory_space<vmem>>
    %dma_wait3A_319 = tpu.memref_squeeze %dma_wait3A_318 : memref<1x8xi32, #tpu.memory_space<vmem>> -> memref<8xi32, #tpu.memory_space<vmem>>
    %dma_wait3A_320 = arith.constant 0 : i32
    %dma_wait3A_321 = arith.constant 0 : i32
    %dma_wait3A_322 = tpu.memref_slice %arg3[%dma_wait3A_320, %dma_wait3A_321] : memref<100000x1024xf32, #tpu.memory_space<hbm>> -> memref<100000x1024xf32, #tpu.memory_space<hbm>>
    %dma_wait3A_323 = tpu.memref_slice %arg15[%dma_wait3A_312, %dma_wait3A_313] : memref<3x4x!tpu.dma_semaphore, #tpu.memory_space<semaphore_mem>> -> memref<1x1x!tpu.dma_semaphore, #tpu.memory_space<semaphore_mem>>
    %dma_wait3A_324 = tpu.memref_squeeze %dma_wait3A_323 : memref<1x1x!tpu.dma_semaphore, #tpu.memory_space<semaphore_mem>> -> memref<!tpu.dma_semaphore, #tpu.memory_space<semaphore_mem>>
    tpu.wait_indirect_dma semaphore(%dma_wait3A_324 : memref<!tpu.dma_semaphore, #tpu.memory_space<semaphore_mem>>) src(%dma_wait3A_322 : memref<100000x1024xf32, #tpu.memory_space<hbm>>) dst(%dma_wait3A_316 : memref<8x1024xf32, #tpu.memory_space<vmem>>)
    %scan3A_325 = arith.constant 0 : i32
    %scan3A_326 = arith.constant 0 : i32
    %scan3A_327 = arith.constant 64 : i32
    %scan3A_328 = arith.addi %scan3A_326, %scan3A_327 : i32
    %scan3A_329 = arith.constant 1 : i32
    scf.for %scan3A_567 = %scan3A_326 to %scan3A_328 step %scan3A_329  : i32 {
      %mul3A_568 = arith.constant 16 : i32
      %mul3A_569 = arith.muli %scan3A_567, %mul3A_568 : i32
      %get3A = arith.constant 0 : i32
      %get3A_570 = arith.index_cast %get3A : i32 to index
      %get3A_571 = arith.index_cast %mul3A_569 : i32 to index
      %get3A_572 = tpu.vector_load %arg7[%get3A_570, %get3A_571] {strides = array<i32>} : memref<8x1024xf32, #tpu.memory_space<vmem>>, vector<1x16xf32>,
      %get3A_573 = vector.shape_cast %get3A_572 : vector<1x16xf32> to vector<16xf32>
      %get3A_574 = arith.constant 16 : i32
      %get3A_575 = arith.index_cast %get3A_574 : i32 to index
      %get3A_576 = arith.index_cast %mul3A_569 : i32 to index
      %get3A_577 = tpu.vector_load %arg10[%get3A_575, %get3A_576] {strides = array<i32>} : memref<32x1024xf32, #tpu.memory_space<vmem>>, vector<1x16xf32>,
      %get3A_578 = vector.shape_cast %get3A_577 : vector<1x16xf32> to vector<16xf32>
      %add3A_579 = arith.addf %get3A_578, %get3A_573 : vector<16xf32>
      %swap3A = arith.constant 16 : i32
      %swap3A_580 = arith.index_cast %swap3A : i32 to index
      %swap3A_581 = arith.index_cast %mul3A_569 : i32 to index
      %swap3A_582 = tpu.vector_load %arg10[%swap3A_580, %swap3A_581] {strides = array<i32>} : memref<32x1024xf32, #tpu.memory_space<vmem>>, vector<1x16xf32>,
      %swap3A_583 = vector.shape_cast %swap3A_582 : vector<1x16xf32> to vector<16xf32>
      %swap3A_584 = vector.shape_cast %add3A_579 : vector<16xf32> to vector<1x16xf32>
      tpu.vector_store %arg10[%swap3A_580, %swap3A_581], %swap3A_584 {strides = array<i32>} : memref<32x1024xf32, #tpu.memory_space<vmem>>, vector<1x16xf32>,
      %get3A_585 = arith.constant 1 : i32
      %get3A_586 = arith.index_cast %get3A_585 : i32 to index
      %get3A_587 = arith.index_cast %mul3A_569 : i32 to index
      %get3A_588 = tpu.vector_load %arg7[%get3A_586, %get3A_587] {strides = array<i32>} : memref<8x1024xf32, #tpu.memory_space<vmem>>, vector<1x16xf32>,
      %get3A_589 = vector.shape_cast %get3A_588 : vector<1x16xf32> to vector<16xf32>
      %get3A_590 = arith.constant 17 : i32
      %get3A_591 = arith.index_cast %get3A_590 : i32 to index
      %get3A_592 = arith.index_cast %mul3A_569 : i32 to index
      %get3A_593 = tpu.vector_load %arg10[%get3A_591, %get3A_592] {strides = array<i32>} : memref<32x1024xf32, #tpu.memory_space<vmem>>, vector<1x16xf32>,
      %get3A_594 = vector.shape_cast %get3A_593 : vector<1x16xf32> to vector<16xf32>
      %add3A_595 = arith.addf %get3A_594, %get3A_589 : vector<16xf32>
      %swap3A_596 = arith.constant 17 : i32
      %swap3A_597 = arith.index_cast %swap3A_596 : i32 to index
      %swap3A_598 = arith.index_cast %mul3A_569 : i32 to index
      %swap3A_599 = tpu.vector_load %arg10[%swap3A_597, %swap3A_598] {strides = array<i32>} : memref<32x1024xf32, #tpu.memory_space<vmem>>, vector<1x16xf32>,
      %swap3A_600 = vector.shape_cast %swap3A_599 : vector<1x16xf32> to vector<16xf32>
      %swap3A_601 = vector.shape_cast %add3A_595 : vector<16xf32> to vector<1x16xf32>
      tpu.vector_store %arg10[%swap3A_597, %swap3A_598], %swap3A_601 {strides = array<i32>} : memref<32x1024xf32, #tpu.memory_space<vmem>>, vector<1x16xf32>,
      %get3A_602 = arith.constant 2 : i32
      %get3A_603 = arith.index_cast %get3A_602 : i32 to index
      %get3A_604 = arith.index_cast %mul3A_569 : i32 to index
      %get3A_605 = tpu.vector_load %arg7[%get3A_603, %get3A_604] {strides = array<i32>} : memref<8x1024xf32, #tpu.memory_space<vmem>>, vector<1x16xf32>,
      %get3A_606 = vector.shape_cast %get3A_605 : vector<1x16xf32> to vector<16xf32>
      %get3A_607 = arith.constant 18 : i32
      %get3A_608 = arith.index_cast %get3A_607 : i32 to index
      %get3A_609 = arith.index_cast %mul3A_569 : i32 to index
      %get3A_610 = tpu.vector_load %arg10[%get3A_608, %get3A_609] {strides = array<i32>} : memref<32x1024xf32, #tpu.memory_space<vmem>>, vector<1x16xf32>,
      %get3A_611 = vector.shape_cast %get3A_610 : vector<1x16xf32> to vector<16xf32>
      %add3A_612 = arith.addf %get3A_611, %get3A_606 : vector<16xf32>
      %swap3A_613 = arith.constant 18 : i32
      %swap3A_614 = arith.index_cast %swap3A_613 : i32 to index
      %swap3A_615 = arith.index_cast %mul3A_569 : i32 to index
      %swap3A_616 = tpu.vector_load %arg10[%swap3A_614, %swap3A_615] {strides = array<i32>} : memref<32x1024xf32, #tpu.memory_space<vmem>>, vector<1x16xf32>,
      %swap3A_617 = vector.shape_cast %swap3A_616 : vector<1x16xf32> to vector<16xf32>
      %swap3A_618 = vector.shape_cast %add3A_612 : vector<16xf32> to vector<1x16xf32>
      tpu.vector_store %arg10[%swap3A_614, %swap3A_615], %swap3A_618 {strides = array<i32>} : memref<32x1024xf32, #tpu.memory_space<vmem>>, vector<1x16xf32>,
      %get3A_619 = arith.constant 3 : i32
      %get3A_620 = arith.index_cast %get3A_619 : i32 to index
      %get3A_621 = arith.index_cast %mul3A_569 : i32 to index
      %get3A_622 = tpu.vector_load %arg7[%get3A_620, %get3A_621] {strides = array<i32>} : memref<8x1024xf32, #tpu.memory_space<vmem>>, vector<1x16xf32>,
      %get3A_623 = vector.shape_cast %get3A_622 : vector<1x16xf32> to vector<16xf32>
      %get3A_624 = arith.constant 19 : i32
      %get3A_625 = arith.index_cast %get3A_624 : i32 to index
      %get3A_626 = arith.index_cast %mul3A_569 : i32 to index
      %get3A_627 = tpu.vector_load %arg10[%get3A_625, %get3A_626] {strides = array<i32>} : memref<32x1024xf32, #tpu.memory_space<vmem>>, vector<1x16xf32>,
      %get3A_628 = vector.shape_cast %get3A_627 : vector<1x16xf32> to vector<16xf32>
      %add3A_629 = arith.addf %get3A_628, %get3A_623 : vector<16xf32>
      %swap3A_630 = arith.constant 19 : i32
      %swap3A_631 = arith.index_cast %swap3A_630 : i32 to index
      %swap3A_632 = arith.index_cast %mul3A_569 : i32 to index
      %swap3A_633 = tpu.vector_load %arg10[%swap3A_631, %swap3A_632] {strides = array<i32>} : memref<32x1024xf32, #tpu.memory_space<vmem>>, vector<1x16xf32>,
      %swap3A_634 = vector.shape_cast %swap3A_633 : vector<1x16xf32> to vector<16xf32>
      %swap3A_635 = vector.shape_cast %add3A_629 : vector<16xf32> to vector<1x16xf32>
      tpu.vector_store %arg10[%swap3A_631, %swap3A_632], %swap3A_635 {strides = array<i32>} : memref<32x1024xf32, #tpu.memory_space<vmem>>, vector<1x16xf32>,
      %get3A_636 = arith.constant 4 : i32
      %get3A_637 = arith.index_cast %get3A_636 : i32 to index
      %get3A_638 = arith.index_cast %mul3A_569 : i32 to index
      %get3A_639 = tpu.vector_load %arg7[%get3A_637, %get3A_638] {strides = array<i32>} : memref<8x1024xf32, #tpu.memory_space<vmem>>, vector<1x16xf32>,
      %get3A_640 = vector.shape_cast %get3A_639 : vector<1x16xf32> to vector<16xf32>
      %get3A_641 = arith.constant 20 : i32
      %get3A_642 = arith.index_cast %get3A_641 : i32 to index
      %get3A_643 = arith.index_cast %mul3A_569 : i32 to index
      %get3A_644 = tpu.vector_load %arg10[%get3A_642, %get3A_643] {strides = array<i32>} : memref<32x1024xf32, #tpu.memory_space<vmem>>, vector<1x16xf32>,
      %get3A_645 = vector.shape_cast %get3A_644 : vector<1x16xf32> to vector<16xf32>
      %add3A_646 = arith.addf %get3A_645, %get3A_640 : vector<16xf32>
      %swap3A_647 = arith.constant 20 : i32
      %swap3A_648 = arith.index_cast %swap3A_647 : i32 to index
      %swap3A_649 = arith.index_cast %mul3A_569 : i32 to index
      %swap3A_650 = tpu.vector_load %arg10[%swap3A_648, %swap3A_649] {strides = array<i32>} : memref<32x1024xf32, #tpu.memory_space<vmem>>, vector<1x16xf32>,
      %swap3A_651 = vector.shape_cast %swap3A_650 : vector<1x16xf32> to vector<16xf32>
      %swap3A_652 = vector.shape_cast %add3A_646 : vector<16xf32> to vector<1x16xf32>
      tpu.vector_store %arg10[%swap3A_648, %swap3A_649], %swap3A_652 {strides = array<i32>} : memref<32x1024xf32, #tpu.memory_space<vmem>>, vector<1x16xf32>,
      %get3A_653 = arith.constant 5 : i32
      %get3A_654 = arith.index_cast %get3A_653 : i32 to index
      %get3A_655 = arith.index_cast %mul3A_569 : i32 to index
      %get3A_656 = tpu.vector_load %arg7[%get3A_654, %get3A_655] {strides = array<i32>} : memref<8x1024xf32, #tpu.memory_space<vmem>>, vector<1x16xf32>,
      %get3A_657 = vector.shape_cast %get3A_656 : vector<1x16xf32> to vector<16xf32>
      %get3A_658 = arith.constant 21 : i32
      %get3A_659 = arith.index_cast %get3A_658 : i32 to index
      %get3A_660 = arith.index_cast %mul3A_569 : i32 to index
      %get3A_661 = tpu.vector_load %arg10[%get3A_659, %get3A_660] {strides = array<i32>} : memref<32x1024xf32, #tpu.memory_space<vmem>>, vector<1x16xf32>,
      %get3A_662 = vector.shape_cast %get3A_661 : vector<1x16xf32> to vector<16xf32>
      %add3A_663 = arith.addf %get3A_662, %get3A_657 : vector<16xf32>
      %swap3A_664 = arith.constant 21 : i32
      %swap3A_665 = arith.index_cast %swap3A_664 : i32 to index
      %swap3A_666 = arith.index_cast %mul3A_569 : i32 to index
      %swap3A_667 = tpu.vector_load %arg10[%swap3A_665, %swap3A_666] {strides = array<i32>} : memref<32x1024xf32, #tpu.memory_space<vmem>>, vector<1x16xf32>,
      %swap3A_668 = vector.shape_cast %swap3A_667 : vector<1x16xf32> to vector<16xf32>
      %swap3A_669 = vector.shape_cast %add3A_663 : vector<16xf32> to vector<1x16xf32>
      tpu.vector_store %arg10[%swap3A_665, %swap3A_666], %swap3A_669 {strides = array<i32>} : memref<32x1024xf32, #tpu.memory_space<vmem>>, vector<1x16xf32>,
      %get3A_670 = arith.constant 6 : i32
      %get3A_671 = arith.index_cast %get3A_670 : i32 to index
      %get3A_672 = arith.index_cast %mul3A_569 : i32 to index
      %get3A_673 = tpu.vector_load %arg7[%get3A_671, %get3A_672] {strides = array<i32>} : memref<8x1024xf32, #tpu.memory_space<vmem>>, vector<1x16xf32>,
      %get3A_674 = vector.shape_cast %get3A_673 : vector<1x16xf32> to vector<16xf32>
      %get3A_675 = arith.constant 22 : i32
      %get3A_676 = arith.index_cast %get3A_675 : i32 to index
      %get3A_677 = arith.index_cast %mul3A_569 : i32 to index
      %get3A_678 = tpu.vector_load %arg10[%get3A_676, %get3A_677] {strides = array<i32>} : memref<32x1024xf32, #tpu.memory_space<vmem>>, vector<1x16xf32>,
      %get3A_679 = vector.shape_cast %get3A_678 : vector<1x16xf32> to vector<16xf32>
      %add3A_680 = arith.addf %get3A_679, %get3A_674 : vector<16xf32>
      %swap3A_681 = arith.constant 22 : i32
      %swap3A_682 = arith.index_cast %swap3A_681 : i32 to index
      %swap3A_683 = arith.index_cast %mul3A_569 : i32 to index
      %swap3A_684 = tpu.vector_load %arg10[%swap3A_682, %swap3A_683] {strides = array<i32>} : memref<32x1024xf32, #tpu.memory_space<vmem>>, vector<1x16xf32>,
      %swap3A_685 = vector.shape_cast %swap3A_684 : vector<1x16xf32> to vector<16xf32>
      %swap3A_686 = vector.shape_cast %add3A_680 : vector<16xf32> to vector<1x16xf32>
      tpu.vector_store %arg10[%swap3A_682, %swap3A_683], %swap3A_686 {strides = array<i32>} : memref<32x1024xf32, #tpu.memory_space<vmem>>, vector<1x16xf32>,
      %get3A_687 = arith.constant 7 : i32
      %get3A_688 = arith.index_cast %get3A_687 : i32 to index
      %get3A_689 = arith.index_cast %mul3A_569 : i32 to index
      %get3A_690 = tpu.vector_load %arg7[%get3A_688, %get3A_689] {strides = array<i32>} : memref<8x1024xf32, #tpu.memory_space<vmem>>, vector<1x16xf32>,
      %get3A_691 = vector.shape_cast %get3A_690 : vector<1x16xf32> to vector<16xf32>
      %get3A_692 = arith.constant 23 : i32
      %get3A_693 = arith.index_cast %get3A_692 : i32 to index
      %get3A_694 = arith.index_cast %mul3A_569 : i32 to index
      %get3A_695 = tpu.vector_load %arg10[%get3A_693, %get3A_694] {strides = array<i32>} : memref<32x1024xf32, #tpu.memory_space<vmem>>, vector<1x16xf32>,
      %get3A_696 = vector.shape_cast %get3A_695 : vector<1x16xf32> to vector<16xf32>
      %add3A_697 = arith.addf %get3A_696, %get3A_691 : vector<16xf32>
      %swap3A_698 = arith.constant 23 : i32
      %swap3A_699 = arith.index_cast %swap3A_698 : i32 to index
      %swap3A_700 = arith.index_cast %mul3A_569 : i32 to index
      %swap3A_701 = tpu.vector_load %arg10[%swap3A_699, %swap3A_700] {strides = array<i32>} : memref<32x1024xf32, #tpu.memory_space<vmem>>, vector<1x16xf32>,
      %swap3A_702 = vector.shape_cast %swap3A_701 : vector<1x16xf32> to vector<16xf32>
      %swap3A_703 = vector.shape_cast %add3A_697 : vector<16xf32> to vector<1x16xf32>
      tpu.vector_store %arg10[%swap3A_699, %swap3A_700], %swap3A_703 {strides = array<i32>} : memref<32x1024xf32, #tpu.memory_space<vmem>>, vector<1x16xf32>,
    }
    %scan3A_330 = arith.constant 64 : i32
    %add3A_331 = arith.constant 8192 : i32
    %add3A_332 = arith.addi %add3A_331, %add3A_233 : i32
    %dma_start3A_333 = arith.constant 0 : i32
    %dma_start3A_334 = arith.constant 16 : i32
    %dma_start3A_335 = arith.constant 0 : i32
    %dma_start3A_336 = tpu.memref_slice %arg10[%dma_start3A_334, %dma_start3A_335] : memref<32x1024xf32, #tpu.memory_space<vmem>> -> memref<8x1024xf32, #tpu.memory_space<vmem>>
    %dma_start3A_337 = arith.constant 0 : i32
    %dma_start3A_338 = tpu.memref_slice %arg5[%add3A_332, %dma_start3A_337] : memref<16384x1024xf32, #tpu.memory_space<hbm>> -> memref<8x1024xf32, #tpu.memory_space<hbm>>
    %dma_start3A_339 = tpu.memref_slice %arg16[%dma_start3A_333] : memref<3x!tpu.dma_semaphore, #tpu.memory_space<semaphore_mem>> -> memref<1x!tpu.dma_semaphore, #tpu.memory_space<semaphore_mem>>
    %dma_start3A_340 = tpu.memref_squeeze %dma_start3A_339 : memref<1x!tpu.dma_semaphore, #tpu.memory_space<semaphore_mem>> -> memref<!tpu.dma_semaphore, #tpu.memory_space<semaphore_mem>>
    %dma_start3A_341 = arith.constant 0 : i32
    %dma_start3A_342 = tpu.memref_slice %arg5[%add3A_332, %dma_start3A_341] : memref<16384x1024xf32, #tpu.memory_space<hbm>> -> memref<8x1024xf32, #tpu.memory_space<hbm>>
    %dma_start3A_343 = arith.constant 16 : i32
    %dma_start3A_344 = arith.constant 0 : i32
    %dma_start3A_345 = tpu.memref_slice %arg10[%dma_start3A_343, %dma_start3A_344] : memref<32x1024xf32, #tpu.memory_space<vmem>> -> memref<8x1024xf32, #tpu.memory_space<vmem>>
    tpu.enqueue_dma source(%dma_start3A_345 : memref<8x1024xf32, #tpu.memory_space<vmem>>) target(%dma_start3A_342 : memref<8x1024xf32, #tpu.memory_space<hbm>>) target_semaphore(%dma_start3A_340 : memref<!tpu.dma_semaphore, #tpu.memory_space<semaphore_mem>>)
    %dma_wait3A_346 = arith.constant 3 : i32
    %dma_wait3A_347 = arith.constant 0 : i32
    %dma_wait3A_348 = arith.constant 3 : i32
    %dma_wait3A_349 = arith.constant 24 : i32
    %dma_wait3A_350 = arith.constant 0 : i32
    %dma_wait3A_351 = tpu.memref_slice %arg10[%dma_wait3A_349, %dma_wait3A_350] : memref<32x1024xf32, #tpu.memory_space<vmem>> -> memref<8x1024xf32, #tpu.memory_space<vmem>>
    %dma_wait3A_352 = arith.constant 120 : i32
    %dma_wait3A_353 = tpu.memref_slice %arg6[%dma_wait3A_346, %dma_wait3A_352] : memref<4x128xi32, #tpu.memory_space<vmem>> -> memref<1x8xi32, #tpu.memory_space<vmem>>
    %dma_wait3A_354 = tpu.memref_squeeze %dma_wait3A_353 : memref<1x8xi32, #tpu.memory_space<vmem>> -> memref<8xi32, #tpu.memory_space<vmem>>
    %dma_wait3A_355 = arith.constant 0 : i32
    %dma_wait3A_356 = arith.constant 0 : i32
    %dma_wait3A_357 = tpu.memref_slice %arg3[%dma_wait3A_355, %dma_wait3A_356] : memref<100000x1024xf32, #tpu.memory_space<hbm>> -> memref<100000x1024xf32, #tpu.memory_space<hbm>>
    %dma_wait3A_358 = tpu.memref_slice %arg15[%dma_wait3A_347, %dma_wait3A_348] : memref<3x4x!tpu.dma_semaphore, #tpu.memory_space<semaphore_mem>> -> memref<1x1x!tpu.dma_semaphore, #tpu.memory_space<semaphore_mem>>
    %dma_wait3A_359 = tpu.memref_squeeze %dma_wait3A_358 : memref<1x1x!tpu.dma_semaphore, #tpu.memory_space<semaphore_mem>> -> memref<!tpu.dma_semaphore, #tpu.memory_space<semaphore_mem>>
    tpu.wait_indirect_dma semaphore(%dma_wait3A_359 : memref<!tpu.dma_semaphore, #tpu.memory_space<semaphore_mem>>) src(%dma_wait3A_357 : memref<100000x1024xf32, #tpu.memory_space<hbm>>) dst(%dma_wait3A_351 : memref<8x1024xf32, #tpu.memory_space<vmem>>)
    %scan3A_360 = arith.constant 0 : i32
    %scan3A_361 = arith.constant 0 : i32
    %scan3A_362 = arith.constant 64 : i32
    %scan3A_363 = arith.addi %scan3A_361, %scan3A_362 : i32
    %scan3A_364 = arith.constant 1 : i32
    scf.for %scan3A_567 = %scan3A_361 to %scan3A_363 step %scan3A_364  : i32 {
      %mul3A_568 = arith.constant 16 : i32
      %mul3A_569 = arith.muli %scan3A_567, %mul3A_568 : i32
      %get3A = arith.constant 0 : i32
      %get3A_570 = arith.index_cast %get3A : i32 to index
      %get3A_571 = arith.index_cast %mul3A_569 : i32 to index
      %get3A_572 = tpu.vector_load %arg7[%get3A_570, %get3A_571] {strides = array<i32>} : memref<8x1024xf32, #tpu.memory_space<vmem>>, vector<1x16xf32>,
      %get3A_573 = vector.shape_cast %get3A_572 : vector<1x16xf32> to vector<16xf32>
      %get3A_574 = arith.constant 24 : i32
      %get3A_575 = arith.index_cast %get3A_574 : i32 to index
      %get3A_576 = arith.index_cast %mul3A_569 : i32 to index
      %get3A_577 = tpu.vector_load %arg10[%get3A_575, %get3A_576] {strides = array<i32>} : memref<32x1024xf32, #tpu.memory_space<vmem>>, vector<1x16xf32>,
      %get3A_578 = vector.shape_cast %get3A_577 : vector<1x16xf32> to vector<16xf32>
      %add3A_579 = arith.addf %get3A_578, %get3A_573 : vector<16xf32>
      %swap3A = arith.constant 24 : i32
      %swap3A_580 = arith.index_cast %swap3A : i32 to index
      %swap3A_581 = arith.index_cast %mul3A_569 : i32 to index
      %swap3A_582 = tpu.vector_load %arg10[%swap3A_580, %swap3A_581] {strides = array<i32>} : memref<32x1024xf32, #tpu.memory_space<vmem>>, vector<1x16xf32>,
      %swap3A_583 = vector.shape_cast %swap3A_582 : vector<1x16xf32> to vector<16xf32>
      %swap3A_584 = vector.shape_cast %add3A_579 : vector<16xf32> to vector<1x16xf32>
      tpu.vector_store %arg10[%swap3A_580, %swap3A_581], %swap3A_584 {strides = array<i32>} : memref<32x1024xf32, #tpu.memory_space<vmem>>, vector<1x16xf32>,
      %get3A_585 = arith.constant 1 : i32
      %get3A_586 = arith.index_cast %get3A_585 : i32 to index
      %get3A_587 = arith.index_cast %mul3A_569 : i32 to index
      %get3A_588 = tpu.vector_load %arg7[%get3A_586, %get3A_587] {strides = array<i32>} : memref<8x1024xf32, #tpu.memory_space<vmem>>, vector<1x16xf32>,
      %get3A_589 = vector.shape_cast %get3A_588 : vector<1x16xf32> to vector<16xf32>
      %get3A_590 = arith.constant 25 : i32
      %get3A_591 = arith.index_cast %get3A_590 : i32 to index
      %get3A_592 = arith.index_cast %mul3A_569 : i32 to index
      %get3A_593 = tpu.vector_load %arg10[%get3A_591, %get3A_592] {strides = array<i32>} : memref<32x1024xf32, #tpu.memory_space<vmem>>, vector<1x16xf32>,
      %get3A_594 = vector.shape_cast %get3A_593 : vector<1x16xf32> to vector<16xf32>
      %add3A_595 = arith.addf %get3A_594, %get3A_589 : vector<16xf32>
      %swap3A_596 = arith.constant 25 : i32
      %swap3A_597 = arith.index_cast %swap3A_596 : i32 to index
      %swap3A_598 = arith.index_cast %mul3A_569 : i32 to index
      %swap3A_599 = tpu.vector_load %arg10[%swap3A_597, %swap3A_598] {strides = array<i32>} : memref<32x1024xf32, #tpu.memory_space<vmem>>, vector<1x16xf32>,
      %swap3A_600 = vector.shape_cast %swap3A_599 : vector<1x16xf32> to vector<16xf32>
      %swap3A_601 = vector.shape_cast %add3A_595 : vector<16xf32> to vector<1x16xf32>
      tpu.vector_store %arg10[%swap3A_597, %swap3A_598], %swap3A_601 {strides = array<i32>} : memref<32x1024xf32, #tpu.memory_space<vmem>>, vector<1x16xf32>,
      %get3A_602 = arith.constant 2 : i32
      %get3A_603 = arith.index_cast %get3A_602 : i32 to index
      %get3A_604 = arith.index_cast %mul3A_569 : i32 to index
      %get3A_605 = tpu.vector_load %arg7[%get3A_603, %get3A_604] {strides = array<i32>} : memref<8x1024xf32, #tpu.memory_space<vmem>>, vector<1x16xf32>,
      %get3A_606 = vector.shape_cast %get3A_605 : vector<1x16xf32> to vector<16xf32>
      %get3A_607 = arith.constant 26 : i32
      %get3A_608 = arith.index_cast %get3A_607 : i32 to index
      %get3A_609 = arith.index_cast %mul3A_569 : i32 to index
      %get3A_610 = tpu.vector_load %arg10[%get3A_608, %get3A_609] {strides = array<i32>} : memref<32x1024xf32, #tpu.memory_space<vmem>>, vector<1x16xf32>,
      %get3A_611 = vector.shape_cast %get3A_610 : vector<1x16xf32> to vector<16xf32>
      %add3A_612 = arith.addf %get3A_611, %get3A_606 : vector<16xf32>
      %swap3A_613 = arith.constant 26 : i32
      %swap3A_614 = arith.index_cast %swap3A_613 : i32 to index
      %swap3A_615 = arith.index_cast %mul3A_569 : i32 to index
      %swap3A_616 = tpu.vector_load %arg10[%swap3A_614, %swap3A_615] {strides = array<i32>} : memref<32x1024xf32, #tpu.memory_space<vmem>>, vector<1x16xf32>,
      %swap3A_617 = vector.shape_cast %swap3A_616 : vector<1x16xf32> to vector<16xf32>
      %swap3A_618 = vector.shape_cast %add3A_612 : vector<16xf32> to vector<1x16xf32>
      tpu.vector_store %arg10[%swap3A_614, %swap3A_615], %swap3A_618 {strides = array<i32>} : memref<32x1024xf32, #tpu.memory_space<vmem>>, vector<1x16xf32>,
      %get3A_619 = arith.constant 3 : i32
      %get3A_620 = arith.index_cast %get3A_619 : i32 to index
      %get3A_621 = arith.index_cast %mul3A_569 : i32 to index
      %get3A_622 = tpu.vector_load %arg7[%get3A_620, %get3A_621] {strides = array<i32>} : memref<8x1024xf32, #tpu.memory_space<vmem>>, vector<1x16xf32>,
      %get3A_623 = vector.shape_cast %get3A_622 : vector<1x16xf32> to vector<16xf32>
      %get3A_624 = arith.constant 27 : i32
      %get3A_625 = arith.index_cast %get3A_624 : i32 to index
      %get3A_626 = arith.index_cast %mul3A_569 : i32 to index
      %get3A_627 = tpu.vector_load %arg10[%get3A_625, %get3A_626] {strides = array<i32>} : memref<32x1024xf32, #tpu.memory_space<vmem>>, vector<1x16xf32>,
      %get3A_628 = vector.shape_cast %get3A_627 : vector<1x16xf32> to vector<16xf32>
      %add3A_629 = arith.addf %get3A_628, %get3A_623 : vector<16xf32>
      %swap3A_630 = arith.constant 27 : i32
      %swap3A_631 = arith.index_cast %swap3A_630 : i32 to index
      %swap3A_632 = arith.index_cast %mul3A_569 : i32 to index
      %swap3A_633 = tpu.vector_load %arg10[%swap3A_631, %swap3A_632] {strides = array<i32>} : memref<32x1024xf32, #tpu.memory_space<vmem>>, vector<1x16xf32>,
      %swap3A_634 = vector.shape_cast %swap3A_633 : vector<1x16xf32> to vector<16xf32>
      %swap3A_635 = vector.shape_cast %add3A_629 : vector<16xf32> to vector<1x16xf32>
      tpu.vector_store %arg10[%swap3A_631, %swap3A_632], %swap3A_635 {strides = array<i32>} : memref<32x1024xf32, #tpu.memory_space<vmem>>, vector<1x16xf32>,
      %get3A_636 = arith.constant 4 : i32
      %get3A_637 = arith.index_cast %get3A_636 : i32 to index
      %get3A_638 = arith.index_cast %mul3A_569 : i32 to index
      %get3A_639 = tpu.vector_load %arg7[%get3A_637, %get3A_638] {strides = array<i32>} : memref<8x1024xf32, #tpu.memory_space<vmem>>, vector<1x16xf32>,
      %get3A_640 = vector.shape_cast %get3A_639 : vector<1x16xf32> to vector<16xf32>
      %get3A_641 = arith.constant 28 : i32
      %get3A_642 = arith.index_cast %get3A_641 : i32 to index
      %get3A_643 = arith.index_cast %mul3A_569 : i32 to index
      %get3A_644 = tpu.vector_load %arg10[%get3A_642, %get3A_643] {strides = array<i32>} : memref<32x1024xf32, #tpu.memory_space<vmem>>, vector<1x16xf32>,
      %get3A_645 = vector.shape_cast %get3A_644 : vector<1x16xf32> to vector<16xf32>
      %add3A_646 = arith.addf %get3A_645, %get3A_640 : vector<16xf32>
      %swap3A_647 = arith.constant 28 : i32
      %swap3A_648 = arith.index_cast %swap3A_647 : i32 to index
      %swap3A_649 = arith.index_cast %mul3A_569 : i32 to index
      %swap3A_650 = tpu.vector_load %arg10[%swap3A_648, %swap3A_649] {strides = array<i32>} : memref<32x1024xf32, #tpu.memory_space<vmem>>, vector<1x16xf32>,
      %swap3A_651 = vector.shape_cast %swap3A_650 : vector<1x16xf32> to vector<16xf32>
      %swap3A_652 = vector.shape_cast %add3A_646 : vector<16xf32> to vector<1x16xf32>
      tpu.vector_store %arg10[%swap3A_648, %swap3A_649], %swap3A_652 {strides = array<i32>} : memref<32x1024xf32, #tpu.memory_space<vmem>>, vector<1x16xf32>,
      %get3A_653 = arith.constant 5 : i32
      %get3A_654 = arith.index_cast %get3A_653 : i32 to index
      %get3A_655 = arith.index_cast %mul3A_569 : i32 to index
      %get3A_656 = tpu.vector_load %arg7[%get3A_654, %get3A_655] {strides = array<i32>} : memref<8x1024xf32, #tpu.memory_space<vmem>>, vector<1x16xf32>,
      %get3A_657 = vector.shape_cast %get3A_656 : vector<1x16xf32> to vector<16xf32>
      %get3A_658 = arith.constant 29 : i32
      %get3A_659 = arith.index_cast %get3A_658 : i32 to index
      %get3A_660 = arith.index_cast %mul3A_569 : i32 to index
      %get3A_661 = tpu.vector_load %arg10[%get3A_659, %get3A_660] {strides = array<i32>} : memref<32x1024xf32, #tpu.memory_space<vmem>>, vector<1x16xf32>,
      %get3A_662 = vector.shape_cast %get3A_661 : vector<1x16xf32> to vector<16xf32>
      %add3A_663 = arith.addf %get3A_662, %get3A_657 : vector<16xf32>
      %swap3A_664 = arith.constant 29 : i32
      %swap3A_665 = arith.index_cast %swap3A_664 : i32 to index
      %swap3A_666 = arith.index_cast %mul3A_569 : i32 to index
      %swap3A_667 = tpu.vector_load %arg10[%swap3A_665, %swap3A_666] {strides = array<i32>} : memref<32x1024xf32, #tpu.memory_space<vmem>>, vector<1x16xf32>,
      %swap3A_668 = vector.shape_cast %swap3A_667 : vector<1x16xf32> to vector<16xf32>
      %swap3A_669 = vector.shape_cast %add3A_663 : vector<16xf32> to vector<1x16xf32>
      tpu.vector_store %arg10[%swap3A_665, %swap3A_666], %swap3A_669 {strides = array<i32>} : memref<32x1024xf32, #tpu.memory_space<vmem>>, vector<1x16xf32>,
      %get3A_670 = arith.constant 6 : i32
      %get3A_671 = arith.index_cast %get3A_670 : i32 to index
      %get3A_672 = arith.index_cast %mul3A_569 : i32 to index
      %get3A_673 = tpu.vector_load %arg7[%get3A_671, %get3A_672] {strides = array<i32>} : memref<8x1024xf32, #tpu.memory_space<vmem>>, vector<1x16xf32>,
      %get3A_674 = vector.shape_cast %get3A_673 : vector<1x16xf32> to vector<16xf32>
      %get3A_675 = arith.constant 30 : i32
      %get3A_676 = arith.index_cast %get3A_675 : i32 to index
      %get3A_677 = arith.index_cast %mul3A_569 : i32 to index
      %get3A_678 = tpu.vector_load %arg10[%get3A_676, %get3A_677] {strides = array<i32>} : memref<32x1024xf32, #tpu.memory_space<vmem>>, vector<1x16xf32>,
      %get3A_679 = vector.shape_cast %get3A_678 : vector<1x16xf32> to vector<16xf32>
      %add3A_680 = arith.addf %get3A_679, %get3A_674 : vector<16xf32>
      %swap3A_681 = arith.constant 30 : i32
      %swap3A_682 = arith.index_cast %swap3A_681 : i32 to index
      %swap3A_683 = arith.index_cast %mul3A_569 : i32 to index
      %swap3A_684 = tpu.vector_load %arg10[%swap3A_682, %swap3A_683] {strides = array<i32>} : memref<32x1024xf32, #tpu.memory_space<vmem>>, vector<1x16xf32>,
      %swap3A_685 = vector.shape_cast %swap3A_684 : vector<1x16xf32> to vector<16xf32>
      %swap3A_686 = vector.shape_cast %add3A_680 : vector<16xf32> to vector<1x16xf32>
      tpu.vector_store %arg10[%swap3A_682, %swap3A_683], %swap3A_686 {strides = array<i32>} : memref<32x1024xf32, #tpu.memory_space<vmem>>, vector<1x16xf32>,
      %get3A_687 = arith.constant 7 : i32
      %get3A_688 = arith.index_cast %get3A_687 : i32 to index
      %get3A_689 = arith.index_cast %mul3A_569 : i32 to index
      %get3A_690 = tpu.vector_load %arg7[%get3A_688, %get3A_689] {strides = array<i32>} : memref<8x1024xf32, #tpu.memory_space<vmem>>, vector<1x16xf32>,
      %get3A_691 = vector.shape_cast %get3A_690 : vector<1x16xf32> to vector<16xf32>
      %get3A_692 = arith.constant 31 : i32
      %get3A_693 = arith.index_cast %get3A_692 : i32 to index
      %get3A_694 = arith.index_cast %mul3A_569 : i32 to index
      %get3A_695 = tpu.vector_load %arg10[%get3A_693, %get3A_694] {strides = array<i32>} : memref<32x1024xf32, #tpu.memory_space<vmem>>, vector<1x16xf32>,
      %get3A_696 = vector.shape_cast %get3A_695 : vector<1x16xf32> to vector<16xf32>
      %add3A_697 = arith.addf %get3A_696, %get3A_691 : vector<16xf32>
      %swap3A_698 = arith.constant 31 : i32
      %swap3A_699 = arith.index_cast %swap3A_698 : i32 to index
      %swap3A_700 = arith.index_cast %mul3A_569 : i32 to index
      %swap3A_701 = tpu.vector_load %arg10[%swap3A_699, %swap3A_700] {strides = array<i32>} : memref<32x1024xf32, #tpu.memory_space<vmem>>, vector<1x16xf32>,
      %swap3A_702 = vector.shape_cast %swap3A_701 : vector<1x16xf32> to vector<16xf32>
      %swap3A_703 = vector.shape_cast %add3A_697 : vector<16xf32> to vector<1x16xf32>
      tpu.vector_store %arg10[%swap3A_699, %swap3A_700], %swap3A_703 {strides = array<i32>} : memref<32x1024xf32, #tpu.memory_space<vmem>>, vector<1x16xf32>,
    }
    %scan3A_365 = arith.constant 64 : i32
    %add3A_366 = arith.constant 12288 : i32
    %add3A_367 = arith.addi %add3A_366, %add3A_233 : i32
    %dma_start3A_368 = arith.constant 0 : i32
    %dma_start3A_369 = arith.constant 24 : i32
    %dma_start3A_370 = arith.constant 0 : i32
    %dma_start3A_371 = tpu.memref_slice %arg10[%dma_start3A_369, %dma_start3A_370] : memref<32x1024xf32, #tpu.memory_space<vmem>> -> memref<8x1024xf32, #tpu.memory_space<vmem>>
    %dma_start3A_372 = arith.constant 0 : i32
    %dma_start3A_373 = tpu.memref_slice %arg5[%add3A_367, %dma_start3A_372] : memref<16384x1024xf32, #tpu.memory_space<hbm>> -> memref<8x1024xf32, #tpu.memory_space<hbm>>
    %dma_start3A_374 = tpu.memref_slice %arg16[%dma_start3A_368] : memref<3x!tpu.dma_semaphore, #tpu.memory_space<semaphore_mem>> -> memref<1x!tpu.dma_semaphore, #tpu.memory_space<semaphore_mem>>
    %dma_start3A_375 = tpu.memref_squeeze %dma_start3A_374 : memref<1x!tpu.dma_semaphore, #tpu.memory_space<semaphore_mem>> -> memref<!tpu.dma_semaphore, #tpu.memory_space<semaphore_mem>>
    %dma_start3A_376 = arith.constant 0 : i32
    %dma_start3A_377 = tpu.memref_slice %arg5[%add3A_367, %dma_start3A_376] : memref<16384x1024xf32, #tpu.memory_space<hbm>> -> memref<8x1024xf32, #tpu.memory_space<hbm>>
    %dma_start3A_378 = arith.constant 24 : i32
    %dma_start3A_379 = arith.constant 0 : i32
    %dma_start3A_380 = tpu.memref_slice %arg10[%dma_start3A_378, %dma_start3A_379] : memref<32x1024xf32, #tpu.memory_space<vmem>> -> memref<8x1024xf32, #tpu.memory_space<vmem>>
    tpu.enqueue_dma source(%dma_start3A_380 : memref<8x1024xf32, #tpu.memory_space<vmem>>) target(%dma_start3A_377 : memref<8x1024xf32, #tpu.memory_space<hbm>>) target_semaphore(%dma_start3A_375 : memref<!tpu.dma_semaphore, #tpu.memory_space<semaphore_mem>>)
    %add3A_381 = arith.constant 104 : i32
    %add3A_382 = arith.addi %mul3A_2, %add3A_381 : i32
    %add3A_383 = arith.constant 0 : i32
    %add3A_384 = arith.addi %add3A_383, %add3A_382 : i32
    %dma_wait3A_385 = arith.constant 1 : i32
    %dma_wait3A_386 = arith.constant 0 : i32
    %dma_wait3A_387 = arith.constant 0 : i32
    %dma_wait3A_388 = tpu.memref_slice %arg11[%dma_wait3A_386, %dma_wait3A_387] : memref<32x1024xf32, #tpu.memory_space<vmem>> -> memref<8x1024xf32, #tpu.memory_space<vmem>>
    %dma_wait3A_389 = arith.constant 0 : i32
    %dma_wait3A_390 = tpu.memref_slice %arg5[%add3A_384, %dma_wait3A_389] : memref<16384x1024xf32, #tpu.memory_space<hbm>> -> memref<8x1024xf32, #tpu.memory_space<hbm>>
    %dma_wait3A_391 = tpu.memref_slice %arg16[%dma_wait3A_385] : memref<3x!tpu.dma_semaphore, #tpu.memory_space<semaphore_mem>> -> memref<1x!tpu.dma_semaphore, #tpu.memory_space<semaphore_mem>>
    %dma_wait3A_392 = tpu.memref_squeeze %dma_wait3A_391 : memref<1x!tpu.dma_semaphore, #tpu.memory_space<semaphore_mem>> -> memref<!tpu.dma_semaphore, #tpu.memory_space<semaphore_mem>>
    %dma_wait3A_393 = arith.constant 0 : i32
    %dma_wait3A_394 = tpu.memref_slice %arg5[%add3A_384, %dma_wait3A_393] : memref<16384x1024xf32, #tpu.memory_space<hbm>> -> memref<8x1024xf32, #tpu.memory_space<hbm>>
    %dma_wait3A_395 = arith.constant 0 : i32
    %dma_wait3A_396 = arith.constant 0 : i32
    %dma_wait3A_397 = tpu.memref_slice %arg11[%dma_wait3A_395, %dma_wait3A_396] : memref<32x1024xf32, #tpu.memory_space<vmem>> -> memref<8x1024xf32, #tpu.memory_space<vmem>>
    tpu.wait_dma2 semaphore(%dma_wait3A_392 : memref<!tpu.dma_semaphore, #tpu.memory_space<semaphore_mem>>) src(%dma_wait3A_397 : memref<8x1024xf32, #tpu.memory_space<vmem>>) dst(%dma_wait3A_394 : memref<8x1024xf32, #tpu.memory_space<hbm>>)
    %add3A_398 = arith.constant 4096 : i32
    %add3A_399 = arith.addi %add3A_398, %add3A_382 : i32
    %dma_wait3A_400 = arith.constant 1 : i32
    %dma_wait3A_401 = arith.constant 8 : i32
    %dma_wait3A_402 = arith.constant 0 : i32
    %dma_wait3A_403 = tpu.memref_slice %arg11[%dma_wait3A_401, %dma_wait3A_402] : memref<32x1024xf32, #tpu.memory_space<vmem>> -> memref<8x1024xf32, #tpu.memory_space<vmem>>
    %dma_wait3A_404 = arith.constant 0 : i32
    %dma_wait3A_405 = tpu.memref_slice %arg5[%add3A_399, %dma_wait3A_404] : memref<16384x1024xf32, #tpu.memory_space<hbm>> -> memref<8x1024xf32, #tpu.memory_space<hbm>>
    %dma_wait3A_406 = tpu.memref_slice %arg16[%dma_wait3A_400] : memref<3x!tpu.dma_semaphore, #tpu.memory_space<semaphore_mem>> -> memref<1x!tpu.dma_semaphore, #tpu.memory_space<semaphore_mem>>
    %dma_wait3A_407 = tpu.memref_squeeze %dma_wait3A_406 : memref<1x!tpu.dma_semaphore, #tpu.memory_space<semaphore_mem>> -> memref<!tpu.dma_semaphore, #tpu.memory_space<semaphore_mem>>
    %dma_wait3A_408 = arith.constant 0 : i32
    %dma_wait3A_409 = tpu.memref_slice %arg5[%add3A_399, %dma_wait3A_408] : memref<16384x1024xf32, #tpu.memory_space<hbm>> -> memref<8x1024xf32, #tpu.memory_space<hbm>>
    %dma_wait3A_410 = arith.constant 8 : i32
    %dma_wait3A_411 = arith.constant 0 : i32
    %dma_wait3A_412 = tpu.memref_slice %arg11[%dma_wait3A_410, %dma_wait3A_411] : memref<32x1024xf32, #tpu.memory_space<vmem>> -> memref<8x1024xf32, #tpu.memory_space<vmem>>
    tpu.wait_dma2 semaphore(%dma_wait3A_407 : memref<!tpu.dma_semaphore, #tpu.memory_space<semaphore_mem>>) src(%dma_wait3A_412 : memref<8x1024xf32, #tpu.memory_space<vmem>>) dst(%dma_wait3A_409 : memref<8x1024xf32, #tpu.memory_space<hbm>>)
    %add3A_413 = arith.constant 8192 : i32
    %add3A_414 = arith.addi %add3A_413, %add3A_382 : i32
    %dma_wait3A_415 = arith.constant 1 : i32
    %dma_wait3A_416 = arith.constant 16 : i32
    %dma_wait3A_417 = arith.constant 0 : i32
    %dma_wait3A_418 = tpu.memref_slice %arg11[%dma_wait3A_416, %dma_wait3A_417] : memref<32x1024xf32, #tpu.memory_space<vmem>> -> memref<8x1024xf32, #tpu.memory_space<vmem>>
    %dma_wait3A_419 = arith.constant 0 : i32
    %dma_wait3A_420 = tpu.memref_slice %arg5[%add3A_414, %dma_wait3A_419] : memref<16384x1024xf32, #tpu.memory_space<hbm>> -> memref<8x1024xf32, #tpu.memory_space<hbm>>
    %dma_wait3A_421 = tpu.memref_slice %arg16[%dma_wait3A_415] : memref<3x!tpu.dma_semaphore, #tpu.memory_space<semaphore_mem>> -> memref<1x!tpu.dma_semaphore, #tpu.memory_space<semaphore_mem>>
    %dma_wait3A_422 = tpu.memref_squeeze %dma_wait3A_421 : memref<1x!tpu.dma_semaphore, #tpu.memory_space<semaphore_mem>> -> memref<!tpu.dma_semaphore, #tpu.memory_space<semaphore_mem>>
    %dma_wait3A_423 = arith.constant 0 : i32
    %dma_wait3A_424 = tpu.memref_slice %arg5[%add3A_414, %dma_wait3A_423] : memref<16384x1024xf32, #tpu.memory_space<hbm>> -> memref<8x1024xf32, #tpu.memory_space<hbm>>
    %dma_wait3A_425 = arith.constant 16 : i32
    %dma_wait3A_426 = arith.constant 0 : i32
    %dma_wait3A_427 = tpu.memref_slice %arg11[%dma_wait3A_425, %dma_wait3A_426] : memref<32x1024xf32, #tpu.memory_space<vmem>> -> memref<8x1024xf32, #tpu.memory_space<vmem>>
    tpu.wait_dma2 semaphore(%dma_wait3A_422 : memref<!tpu.dma_semaphore, #tpu.memory_space<semaphore_mem>>) src(%dma_wait3A_427 : memref<8x1024xf32, #tpu.memory_space<vmem>>) dst(%dma_wait3A_424 : memref<8x1024xf32, #tpu.memory_space<hbm>>)
    %add3A_428 = arith.constant 12288 : i32
    %add3A_429 = arith.addi %add3A_428, %add3A_382 : i32
    %dma_wait3A_430 = arith.constant 1 : i32
    %dma_wait3A_431 = arith.constant 24 : i32
    %dma_wait3A_432 = arith.constant 0 : i32
    %dma_wait3A_433 = tpu.memref_slice %arg11[%dma_wait3A_431, %dma_wait3A_432] : memref<32x1024xf32, #tpu.memory_space<vmem>> -> memref<8x1024xf32, #tpu.memory_space<vmem>>
    %dma_wait3A_434 = arith.constant 0 : i32
    %dma_wait3A_435 = tpu.memref_slice %arg5[%add3A_429, %dma_wait3A_434] : memref<16384x1024xf32, #tpu.memory_space<hbm>> -> memref<8x1024xf32, #tpu.memory_space<hbm>>
    %dma_wait3A_436 = tpu.memref_slice %arg16[%dma_wait3A_430] : memref<3x!tpu.dma_semaphore, #tpu.memory_space<semaphore_mem>> -> memref<1x!tpu.dma_semaphore, #tpu.memory_space<semaphore_mem>>
    %dma_wait3A_437 = tpu.memref_squeeze %dma_wait3A_436 : memref<1x!tpu.dma_semaphore, #tpu.memory_space<semaphore_mem>> -> memref<!tpu.dma_semaphore, #tpu.memory_space<semaphore_mem>>
    %dma_wait3A_438 = arith.constant 0 : i32
    %dma_wait3A_439 = tpu.memref_slice %arg5[%add3A_429, %dma_wait3A_438] : memref<16384x1024xf32, #tpu.memory_space<hbm>> -> memref<8x1024xf32, #tpu.memory_space<hbm>>
    %dma_wait3A_440 = arith.constant 24 : i32
    %dma_wait3A_441 = arith.constant 0 : i32
    %dma_wait3A_442 = tpu.memref_slice %arg11[%dma_wait3A_440, %dma_wait3A_441] : memref<32x1024xf32, #tpu.memory_space<vmem>> -> memref<8x1024xf32, #tpu.memory_space<vmem>>
    tpu.wait_dma2 semaphore(%dma_wait3A_437 : memref<!tpu.dma_semaphore, #tpu.memory_space<semaphore_mem>>) src(%dma_wait3A_442 : memref<8x1024xf32, #tpu.memory_space<vmem>>) dst(%dma_wait3A_439 : memref<8x1024xf32, #tpu.memory_space<hbm>>)
    %add3A_443 = arith.constant 112 : i32
    %add3A_444 = arith.addi %mul3A_2, %add3A_443 : i32
    %add3A_445 = arith.constant 0 : i32
    %add3A_446 = arith.addi %add3A_445, %add3A_444 : i32
    %dma_wait3A_447 = arith.constant 2 : i32
    %dma_wait3A_448 = arith.constant 0 : i32
    %dma_wait3A_449 = arith.constant 0 : i32
    %dma_wait3A_450 = tpu.memref_slice %arg12[%dma_wait3A_448, %dma_wait3A_449] : memref<32x1024xf32, #tpu.memory_space<vmem>> -> memref<8x1024xf32, #tpu.memory_space<vmem>>
    %dma_wait3A_451 = arith.constant 0 : i32
    %dma_wait3A_452 = tpu.memref_slice %arg5[%add3A_446, %dma_wait3A_451] : memref<16384x1024xf32, #tpu.memory_space<hbm>> -> memref<8x1024xf32, #tpu.memory_space<hbm>>
    %dma_wait3A_453 = tpu.memref_slice %arg16[%dma_wait3A_447] : memref<3x!tpu.dma_semaphore, #tpu.memory_space<semaphore_mem>> -> memref<1x!tpu.dma_semaphore, #tpu.memory_space<semaphore_mem>>
    %dma_wait3A_454 = tpu.memref_squeeze %dma_wait3A_453 : memref<1x!tpu.dma_semaphore, #tpu.memory_space<semaphore_mem>> -> memref<!tpu.dma_semaphore, #tpu.memory_space<semaphore_mem>>
    %dma_wait3A_455 = arith.constant 0 : i32
    %dma_wait3A_456 = tpu.memref_slice %arg5[%add3A_446, %dma_wait3A_455] : memref<16384x1024xf32, #tpu.memory_space<hbm>> -> memref<8x1024xf32, #tpu.memory_space<hbm>>
    %dma_wait3A_457 = arith.constant 0 : i32
    %dma_wait3A_458 = arith.constant 0 : i32
    %dma_wait3A_459 = tpu.memref_slice %arg12[%dma_wait3A_457, %dma_wait3A_458] : memref<32x1024xf32, #tpu.memory_space<vmem>> -> memref<8x1024xf32, #tpu.memory_space<vmem>>
    tpu.wait_dma2 semaphore(%dma_wait3A_454 : memref<!tpu.dma_semaphore, #tpu.memory_space<semaphore_mem>>) src(%dma_wait3A_459 : memref<8x1024xf32, #tpu.memory_space<vmem>>) dst(%dma_wait3A_456 : memref<8x1024xf32, #tpu.memory_space<hbm>>)
    %add3A_460 = arith.constant 4096 : i32
    %add3A_461 = arith.addi %add3A_460, %add3A_444 : i32
    %dma_wait3A_462 = arith.constant 2 : i32
    %dma_wait3A_463 = arith.constant 8 : i32
    %dma_wait3A_464 = arith.constant 0 : i32
    %dma_wait3A_465 = tpu.memref_slice %arg12[%dma_wait3A_463, %dma_wait3A_464] : memref<32x1024xf32, #tpu.memory_space<vmem>> -> memref<8x1024xf32, #tpu.memory_space<vmem>>
    %dma_wait3A_466 = arith.constant 0 : i32
    %dma_wait3A_467 = tpu.memref_slice %arg5[%add3A_461, %dma_wait3A_466] : memref<16384x1024xf32, #tpu.memory_space<hbm>> -> memref<8x1024xf32, #tpu.memory_space<hbm>>
    %dma_wait3A_468 = tpu.memref_slice %arg16[%dma_wait3A_462] : memref<3x!tpu.dma_semaphore, #tpu.memory_space<semaphore_mem>> -> memref<1x!tpu.dma_semaphore, #tpu.memory_space<semaphore_mem>>
    %dma_wait3A_469 = tpu.memref_squeeze %dma_wait3A_468 : memref<1x!tpu.dma_semaphore, #tpu.memory_space<semaphore_mem>> -> memref<!tpu.dma_semaphore, #tpu.memory_space<semaphore_mem>>
    %dma_wait3A_470 = arith.constant 0 : i32
    %dma_wait3A_471 = tpu.memref_slice %arg5[%add3A_461, %dma_wait3A_470] : memref<16384x1024xf32, #tpu.memory_space<hbm>> -> memref<8x1024xf32, #tpu.memory_space<hbm>>
    %dma_wait3A_472 = arith.constant 8 : i32
    %dma_wait3A_473 = arith.constant 0 : i32
    %dma_wait3A_474 = tpu.memref_slice %arg12[%dma_wait3A_472, %dma_wait3A_473] : memref<32x1024xf32, #tpu.memory_space<vmem>> -> memref<8x1024xf32, #tpu.memory_space<vmem>>
    tpu.wait_dma2 semaphore(%dma_wait3A_469 : memref<!tpu.dma_semaphore, #tpu.memory_space<semaphore_mem>>) src(%dma_wait3A_474 : memref<8x1024xf32, #tpu.memory_space<vmem>>) dst(%dma_wait3A_471 : memref<8x1024xf32, #tpu.memory_space<hbm>>)
    %add3A_475 = arith.constant 8192 : i32
    %add3A_476 = arith.addi %add3A_475, %add3A_444 : i32
    %dma_wait3A_477 = arith.constant 2 : i32
    %dma_wait3A_478 = arith.constant 16 : i32
    %dma_wait3A_479 = arith.constant 0 : i32
    %dma_wait3A_480 = tpu.memref_slice %arg12[%dma_wait3A_478, %dma_wait3A_479] : memref<32x1024xf32, #tpu.memory_space<vmem>> -> memref<8x1024xf32, #tpu.memory_space<vmem>>
    %dma_wait3A_481 = arith.constant 0 : i32
    %dma_wait3A_482 = tpu.memref_slice %arg5[%add3A_476, %dma_wait3A_481] : memref<16384x1024xf32, #tpu.memory_space<hbm>> -> memref<8x1024xf32, #tpu.memory_space<hbm>>
    %dma_wait3A_483 = tpu.memref_slice %arg16[%dma_wait3A_477] : memref<3x!tpu.dma_semaphore, #tpu.memory_space<semaphore_mem>> -> memref<1x!tpu.dma_semaphore, #tpu.memory_space<semaphore_mem>>
    %dma_wait3A_484 = tpu.memref_squeeze %dma_wait3A_483 : memref<1x!tpu.dma_semaphore, #tpu.memory_space<semaphore_mem>> -> memref<!tpu.dma_semaphore, #tpu.memory_space<semaphore_mem>>
    %dma_wait3A_485 = arith.constant 0 : i32
    %dma_wait3A_486 = tpu.memref_slice %arg5[%add3A_476, %dma_wait3A_485] : memref<16384x1024xf32, #tpu.memory_space<hbm>> -> memref<8x1024xf32, #tpu.memory_space<hbm>>
    %dma_wait3A_487 = arith.constant 16 : i32
    %dma_wait3A_488 = arith.constant 0 : i32
    %dma_wait3A_489 = tpu.memref_slice %arg12[%dma_wait3A_487, %dma_wait3A_488] : memref<32x1024xf32, #tpu.memory_space<vmem>> -> memref<8x1024xf32, #tpu.memory_space<vmem>>
    tpu.wait_dma2 semaphore(%dma_wait3A_484 : memref<!tpu.dma_semaphore, #tpu.memory_space<semaphore_mem>>) src(%dma_wait3A_489 : memref<8x1024xf32, #tpu.memory_space<vmem>>) dst(%dma_wait3A_486 : memref<8x1024xf32, #tpu.memory_space<hbm>>)
    %add3A_490 = arith.constant 12288 : i32
    %add3A_491 = arith.addi %add3A_490, %add3A_444 : i32
    %dma_wait3A_492 = arith.constant 2 : i32
    %dma_wait3A_493 = arith.constant 24 : i32
    %dma_wait3A_494 = arith.constant 0 : i32
    %dma_wait3A_495 = tpu.memref_slice %arg12[%dma_wait3A_493, %dma_wait3A_494] : memref<32x1024xf32, #tpu.memory_space<vmem>> -> memref<8x1024xf32, #tpu.memory_space<vmem>>
    %dma_wait3A_496 = arith.constant 0 : i32
    %dma_wait3A_497 = tpu.memref_slice %arg5[%add3A_491, %dma_wait3A_496] : memref<16384x1024xf32, #tpu.memory_space<hbm>> -> memref<8x1024xf32, #tpu.memory_space<hbm>>
    %dma_wait3A_498 = tpu.memref_slice %arg16[%dma_wait3A_492] : memref<3x!tpu.dma_semaphore, #tpu.memory_space<semaphore_mem>> -> memref<1x!tpu.dma_semaphore, #tpu.memory_space<semaphore_mem>>
    %dma_wait3A_499 = tpu.memref_squeeze %dma_wait3A_498 : memref<1x!tpu.dma_semaphore, #tpu.memory_space<semaphore_mem>> -> memref<!tpu.dma_semaphore, #tpu.memory_space<semaphore_mem>>
    %dma_wait3A_500 = arith.constant 0 : i32
    %dma_wait3A_501 = tpu.memref_slice %arg5[%add3A_491, %dma_wait3A_500] : memref<16384x1024xf32, #tpu.memory_space<hbm>> -> memref<8x1024xf32, #tpu.memory_space<hbm>>
    %dma_wait3A_502 = arith.constant 24 : i32
    %dma_wait3A_503 = arith.constant 0 : i32
    %dma_wait3A_504 = tpu.memref_slice %arg12[%dma_wait3A_502, %dma_wait3A_503] : memref<32x1024xf32, #tpu.memory_space<vmem>> -> memref<8x1024xf32, #tpu.memory_space<vmem>>
    tpu.wait_dma2 semaphore(%dma_wait3A_499 : memref<!tpu.dma_semaphore, #tpu.memory_space<semaphore_mem>>) src(%dma_wait3A_504 : memref<8x1024xf32, #tpu.memory_space<vmem>>) dst(%dma_wait3A_501 : memref<8x1024xf32, #tpu.memory_space<hbm>>)
    %add3A_505 = arith.constant 120 : i32
    %add3A_506 = arith.addi %mul3A_2, %add3A_505 : i32
    %add3A_507 = arith.constant 0 : i32
    %add3A_508 = arith.addi %add3A_507, %add3A_506 : i32
    %dma_wait3A_509 = arith.constant 0 : i32
    %dma_wait3A_510 = arith.constant 0 : i32
    %dma_wait3A_511 = arith.constant 0 : i32
    %dma_wait3A_512 = tpu.memref_slice %arg10[%dma_wait3A_510, %dma_wait3A_511] : memref<32x1024xf32, #tpu.memory_space<vmem>> -> memref<8x1024xf32, #tpu.memory_space<vmem>>
    %dma_wait3A_513 = arith.constant 0 : i32
    %dma_wait3A_514 = tpu.memref_slice %arg5[%add3A_508, %dma_wait3A_513] : memref<16384x1024xf32, #tpu.memory_space<hbm>> -> memref<8x1024xf32, #tpu.memory_space<hbm>>
    %dma_wait3A_515 = tpu.memref_slice %arg16[%dma_wait3A_509] : memref<3x!tpu.dma_semaphore, #tpu.memory_space<semaphore_mem>> -> memref<1x!tpu.dma_semaphore, #tpu.memory_space<semaphore_mem>>
    %dma_wait3A_516 = tpu.memref_squeeze %dma_wait3A_515 : memref<1x!tpu.dma_semaphore, #tpu.memory_space<semaphore_mem>> -> memref<!tpu.dma_semaphore, #tpu.memory_space<semaphore_mem>>
    %dma_wait3A_517 = arith.constant 0 : i32
    %dma_wait3A_518 = tpu.memref_slice %arg5[%add3A_508, %dma_wait3A_517] : memref<16384x1024xf32, #tpu.memory_space<hbm>> -> memref<8x1024xf32, #tpu.memory_space<hbm>>
    %dma_wait3A_519 = arith.constant 0 : i32
    %dma_wait3A_520 = arith.constant 0 : i32
    %dma_wait3A_521 = tpu.memref_slice %arg10[%dma_wait3A_519, %dma_wait3A_520] : memref<32x1024xf32, #tpu.memory_space<vmem>> -> memref<8x1024xf32, #tpu.memory_space<vmem>>
    tpu.wait_dma2 semaphore(%dma_wait3A_516 : memref<!tpu.dma_semaphore, #tpu.memory_space<semaphore_mem>>) src(%dma_wait3A_521 : memref<8x1024xf32, #tpu.memory_space<vmem>>) dst(%dma_wait3A_518 : memref<8x1024xf32, #tpu.memory_space<hbm>>)
    %add3A_522 = arith.constant 4096 : i32
    %add3A_523 = arith.addi %add3A_522, %add3A_506 : i32
    %dma_wait3A_524 = arith.constant 0 : i32
    %dma_wait3A_525 = arith.constant 8 : i32
    %dma_wait3A_526 = arith.constant 0 : i32
    %dma_wait3A_527 = tpu.memref_slice %arg10[%dma_wait3A_525, %dma_wait3A_526] : memref<32x1024xf32, #tpu.memory_space<vmem>> -> memref<8x1024xf32, #tpu.memory_space<vmem>>
    %dma_wait3A_528 = arith.constant 0 : i32
    %dma_wait3A_529 = tpu.memref_slice %arg5[%add3A_523, %dma_wait3A_528] : memref<16384x1024xf32, #tpu.memory_space<hbm>> -> memref<8x1024xf32, #tpu.memory_space<hbm>>
    %dma_wait3A_530 = tpu.memref_slice %arg16[%dma_wait3A_524] : memref<3x!tpu.dma_semaphore, #tpu.memory_space<semaphore_mem>> -> memref<1x!tpu.dma_semaphore, #tpu.memory_space<semaphore_mem>>
    %dma_wait3A_531 = tpu.memref_squeeze %dma_wait3A_530 : memref<1x!tpu.dma_semaphore, #tpu.memory_space<semaphore_mem>> -> memref<!tpu.dma_semaphore, #tpu.memory_space<semaphore_mem>>
    %dma_wait3A_532 = arith.constant 0 : i32
    %dma_wait3A_533 = tpu.memref_slice %arg5[%add3A_523, %dma_wait3A_532] : memref<16384x1024xf32, #tpu.memory_space<hbm>> -> memref<8x1024xf32, #tpu.memory_space<hbm>>
    %dma_wait3A_534 = arith.constant 8 : i32
    %dma_wait3A_535 = arith.constant 0 : i32
    %dma_wait3A_536 = tpu.memref_slice %arg10[%dma_wait3A_534, %dma_wait3A_535] : memref<32x1024xf32, #tpu.memory_space<vmem>> -> memref<8x1024xf32, #tpu.memory_space<vmem>>
    tpu.wait_dma2 semaphore(%dma_wait3A_531 : memref<!tpu.dma_semaphore, #tpu.memory_space<semaphore_mem>>) src(%dma_wait3A_536 : memref<8x1024xf32, #tpu.memory_space<vmem>>) dst(%dma_wait3A_533 : memref<8x1024xf32, #tpu.memory_space<hbm>>)
    %add3A_537 = arith.constant 8192 : i32
    %add3A_538 = arith.addi %add3A_537, %add3A_506 : i32
    %dma_wait3A_539 = arith.constant 0 : i32
    %dma_wait3A_540 = arith.constant 16 : i32
    %dma_wait3A_541 = arith.constant 0 : i32
    %dma_wait3A_542 = tpu.memref_slice %arg10[%dma_wait3A_540, %dma_wait3A_541] : memref<32x1024xf32, #tpu.memory_space<vmem>> -> memref<8x1024xf32, #tpu.memory_space<vmem>>
    %dma_wait3A_543 = arith.constant 0 : i32
    %dma_wait3A_544 = tpu.memref_slice %arg5[%add3A_538, %dma_wait3A_543] : memref<16384x1024xf32, #tpu.memory_space<hbm>> -> memref<8x1024xf32, #tpu.memory_space<hbm>>
    %dma_wait3A_545 = tpu.memref_slice %arg16[%dma_wait3A_539] : memref<3x!tpu.dma_semaphore, #tpu.memory_space<semaphore_mem>> -> memref<1x!tpu.dma_semaphore, #tpu.memory_space<semaphore_mem>>
    %dma_wait3A_546 = tpu.memref_squeeze %dma_wait3A_545 : memref<1x!tpu.dma_semaphore, #tpu.memory_space<semaphore_mem>> -> memref<!tpu.dma_semaphore, #tpu.memory_space<semaphore_mem>>
    %dma_wait3A_547 = arith.constant 0 : i32
    %dma_wait3A_548 = tpu.memref_slice %arg5[%add3A_538, %dma_wait3A_547] : memref<16384x1024xf32, #tpu.memory_space<hbm>> -> memref<8x1024xf32, #tpu.memory_space<hbm>>
    %dma_wait3A_549 = arith.constant 16 : i32
    %dma_wait3A_550 = arith.constant 0 : i32
    %dma_wait3A_551 = tpu.memref_slice %arg10[%dma_wait3A_549, %dma_wait3A_550] : memref<32x1024xf32, #tpu.memory_space<vmem>> -> memref<8x1024xf32, #tpu.memory_space<vmem>>
    tpu.wait_dma2 semaphore(%dma_wait3A_546 : memref<!tpu.dma_semaphore, #tpu.memory_space<semaphore_mem>>) src(%dma_wait3A_551 : memref<8x1024xf32, #tpu.memory_space<vmem>>) dst(%dma_wait3A_548 : memref<8x1024xf32, #tpu.memory_space<hbm>>)
    %add3A_552 = arith.constant 12288 : i32
    %add3A_553 = arith.addi %add3A_552, %add3A_506 : i32
    %dma_wait3A_554 = arith.constant 0 : i32
    %dma_wait3A_555 = arith.constant 24 : i32
    %dma_wait3A_556 = arith.constant 0 : i32
    %dma_wait3A_557 = tpu.memref_slice %arg10[%dma_wait3A_555, %dma_wait3A_556] : memref<32x1024xf32, #tpu.memory_space<vmem>> -> memref<8x1024xf32, #tpu.memory_space<vmem>>
    %dma_wait3A_558 = arith.constant 0 : i32
    %dma_wait3A_559 = tpu.memref_slice %arg5[%add3A_553, %dma_wait3A_558] : memref<16384x1024xf32, #tpu.memory_space<hbm>> -> memref<8x1024xf32, #tpu.memory_space<hbm>>
    %dma_wait3A_560 = tpu.memref_slice %arg16[%dma_wait3A_554] : memref<3x!tpu.dma_semaphore, #tpu.memory_space<semaphore_mem>> -> memref<1x!tpu.dma_semaphore, #tpu.memory_space<semaphore_mem>>
    %dma_wait3A_561 = tpu.memref_squeeze %dma_wait3A_560 : memref<1x!tpu.dma_semaphore, #tpu.memory_space<semaphore_mem>> -> memref<!tpu.dma_semaphore, #tpu.memory_space<semaphore_mem>>
    %dma_wait3A_562 = arith.constant 0 : i32
    %dma_wait3A_563 = tpu.memref_slice %arg5[%add3A_553, %dma_wait3A_562] : memref<16384x1024xf32, #tpu.memory_space<hbm>> -> memref<8x1024xf32, #tpu.memory_space<hbm>>
    %dma_wait3A_564 = arith.constant 24 : i32
    %dma_wait3A_565 = arith.constant 0 : i32
    %dma_wait3A_566 = tpu.memref_slice %arg10[%dma_wait3A_564, %dma_wait3A_565] : memref<32x1024xf32, #tpu.memory_space<vmem>> -> memref<8x1024xf32, #tpu.memory_space<vmem>>
    tpu.wait_dma2 semaphore(%dma_wait3A_561 : memref<!tpu.dma_semaphore, #tpu.memory_space<semaphore_mem>>) src(%dma_wait3A_566 : memref<8x1024xf32, #tpu.memory_space<vmem>>) dst(%dma_wait3A_563 : memref<8x1024xf32, #tpu.memory_space<hbm>>)
    return
  }
}

</mosaic_0001>

<sc_bundles>
// kernel: _run.3.cloned.1.call-start
scs
__scs_entry_jumppad:
0x0: {  	(pc) =	sbr.rel $0x88, $3  }
0x1: {  	(tag) =	ssettag $0x0;
	lr =	simm.s32 $0x1  }
0x2: {  	[smem:$0x3F9E] =	sst lr;
	_ =	strace $0xD0000000  }
0x3: {  	_ = 	snop  }
0x4: {  	_ = 	snop  }
0x5: {  	_ = 	snop  }
0x6: {  	_ = 	snop  }
0x7: {  	_ = 	snop  }
__scs_overlays_trampoline_lowered:
0x8: {  	[smem:$0x3FAD] =	sst s0  }
0x9: {  	[smem:$0x3FAE] =	sst s1  }
0xa: {  	[smem:$0x3FAF] =	sst s2  }
0xb: {  	[smem:$0x3FB0] =	sst s3  }
0xc: {  	[smem:$0x3FB1] =	sst s4  }
0xd: {  	[smem:$0x3FB2] =	sst s5  }
0xe: {  	[smem:$0x3FB3] =	sst s6  }
0xf: {  	[smem:$0x3FB4] =	sst s7  }
0x10: {  	[smem:$0x3FB5] =	sst s8  }
0x11: {  	[smem:$0x3FB6] =	sst s9;
	s0 =	simm.s32 @!p0 $0x0  }
0x12: {  	s1 =	sld [smem:$0x3F9C];
	s0 =	simm.s32 @p0 $0x1  }
0x13: {  	[smem:$0x3FB7] =	sst s0;
	s0 =	simm.s32 @!p1 $0x0  }
0x14: {  	s2 =	sld [smem:$0x3F9B];
	s0 =	simm.s32 @p1 $0x1  }
0x15: {  	[smem:$0x3FB8] =	sst s0;
	s0 =	simm.s32 @!p2 $0x0  }
0x16: {  	s3 =	sld [smem:$0x3FDB];
	s0 =	simm.s32 @p2 $0x1  }
0x17: {  	s4 =	simm.s32 $0x1BF5;
	[smem:$0x3FBA] =	sst s0  }
0x18: {  	s0 =	sld [smem:$0x3F9D];
	_ =	swait.ge [sflag:s4], $0x0  }
0x19: {  	s7 =	sld [smem:$0x3F9E]  }
0x1a: {  	s8 =	sadd.s32 $0xFFFFE003, lr  }
0x1b: {  	s9 =	sadd.s32 $0xFFFFFEF7, lr;
	s5 =	simm.s32 $0xFFFFFFFF;
	p2 =	slt.u32 s8, $0xFFFFF086  }
0x1c: {  	p1 =	slt.u32 s9, $0xF7A;
	s5 =	simm.s32 @!p2 $0x0  }
0x1d: {  	s5 =	simm.s32 @p1 $0x1;
	p0 =	seq.s32 s7, s2  }
0x1e: {  	s7 =	smul.u32 @!p0 $0xF7A, s2;
	p2 =	seq.s32 @!p0 s5, $0x0  }
0x1f: {  	s9 =	smul.u32 $0xF7A, s1;
	s8 =	simm.s32 @!p0 $0x1BF5;
	p2 =	por !p2, p0  }
0x20: {  	[sflag:s8] =	ssyncset.s32 @!p0 $0xFFFFF086;
	s6 =	sadd.s32 @!p0 s3, s7;
	s7 =	simm.s32 @!p0 $0x108  }
0x21: {  	s3 =	sadd.s32 s3, s9;
	s6 =	sadd.s32 @!p0 $0x88, s6;
	s7 =	simm.s32 @p2 $0x1082  }
0x22: {  	[simem:s7], [sflag:s8] =	dma.local @!p0 [hbm:s6], $0xF7A  }
0x23: {  	s9 =	sor.u32 $0xD0000000, s2;
	s6 =	simm.s32 $0x108;
	_ =	swait.ge @!p0 [sflag:s8], $0x0  }
0x24: {  	s3 =	sadd.s32 $0x88, s3;
	s6 =	simm.s32 @!p1 $0x1082;
	[sflag:s4] =	ssyncset.s32 $0xFFFFF086  }
0x25: {  	[simem:s6], [sflag:s4] =	dma.local [hbm:s3], $0xF7A  }
0x26: {  	[smem:$0x3F9E] =	sst s1;
	(tag) =	ssettag s2;
	_ =	strace s9  }
0x27: {  	s1 =	sld [smem:$0x3FAE]  }
0x28: {  	s2 =	sld [smem:$0x3FAF]  }
0x29: {  	s4 =	sld [smem:$0x3FB1]  }
0x2a: {  	p0 =	seq.s32 s5, $0x0;
	s5 =	sld [smem:$0x3FB2]  }
0x2b: {  	s6 =	sld [smem:$0x3FB3]  }
0x2c: {  	s7 =	sld [smem:$0x3FB4]  }
0x2d: {  	s3 =	simm.s32 $0x108;
	s8 =	sld [smem:$0x3FB5]  }
0x2e: {  	s3 =	simm.s32 @!p0 $0x1082;
	s9 =	sld [smem:$0x3FB6]  }
0x2f: {  	lr =	sadd.s32 s0, s3;
	s0 =	sld [smem:$0x3FAD]  }
0x30: {  	s3 =	sld [smem:$0x3FB0]  }
0x31: {  	[smem:$0x3FB9] =	sst s10  }
0x32: {  	s10 =	sld [smem:$0x3FB7];
	_ =	sdelay $0x3  }
0x33: {  	p0 =	seq.s32 s10, $0x1;
	s10 =	sld [smem:$0x3FB9];
	_ =	sdelay $0x3  }
0x34: {  	[smem:$0x3FB9] =	sst s10  }
0x35: {  	s10 =	sld [smem:$0x3FB8];
	_ =	sdelay $0x3  }
0x36: {  	p1 =	seq.s32 s10, $0x1;
	s10 =	sld [smem:$0x3FB9];
	_ =	sdelay $0x3  }
0x37: {  	[smem:$0x3FB9] =	sst s10  }
0x38: {  	s10 =	sld [smem:$0x3FBA]  }
0x39: {  	_ = 	snop;
	(pc) =	sbr.ind lr, $3  }
0x3a: {  	_ = 	snop  }
0x3b: {  	_ = 	snop  }
0x3c: {  	p2 =	seq.s32 s10, $0x1;
	s10 =	sld [smem:$0x3FB9]  }
0x3d: {  	_ =	shalt  }
0x3e: {  	_ =	shalt  }
0x3f: {  	_ =	shalt  }
0x40: {  	_ =	shalt  }
0x41: {  	_ =	shalt  }
0x42: {  	_ =	shalt  }
0x43: {  	_ =	shalt  }
0x44: {  	_ =	shalt  }
0x45: {  	_ =	shalt  }
0x46: {  	_ =	shalt  }
0x47: {  	_ =	shalt  }
0x48: {  	_ =	shalt  }
0x49: {  	_ =	shalt  }
0x4a: {  	_ =	shalt  }
0x4b: {  	_ =	shalt  }
0x4c: {  	_ =	shalt  }
0x4d: {  	_ =	shalt  }
0x4e: {  	_ =	shalt  }
0x4f: {  	_ =	shalt  }
0x50: {  	_ =	shalt  }
0x51: {  	_ =	shalt  }
0x52: {  	_ =	shalt  }
0x53: {  	_ =	shalt  }
0x54: {  	_ =	shalt  }
0x55: {  	_ =	shalt  }
0x56: {  	_ =	shalt  }
0x57: {  	_ =	shalt  }
0x58: {  	_ =	shalt  }
0x59: {  	_ =	shalt  }
0x5a: {  	_ =	shalt  }
0x5b: {  	_ =	shalt  }
0x5c: {  	_ =	shalt  }
0x5d: {  	_ =	shalt  }
0x5e: {  	_ =	shalt  }
0x5f: {  	_ =	shalt  }
0x60: {  	_ =	shalt  }
0x61: {  	_ =	shalt  }
0x62: {  	_ =	shalt  }
0x63: {  	_ =	shalt  }
0x64: {  	_ =	shalt  }
0x65: {  	_ =	shalt  }
0x66: {  	_ =	shalt  }
0x67: {  	_ =	shalt  }
0x68: {  	_ =	shalt  }
0x69: {  	_ =	shalt  }
0x6a: {  	_ =	shalt  }
0x6b: {  	_ =	shalt  }
0x6c: {  	_ =	shalt  }
0x6d: {  	_ =	shalt  }
0x6e: {  	_ =	shalt  }
0x6f: {  	_ =	shalt  }
0x70: {  	_ =	shalt  }
0x71: {  	_ =	shalt  }
0x72: {  	_ =	shalt  }
0x73: {  	_ =	shalt  }
0x74: {  	_ =	shalt  }
0x75: {  	_ =	shalt  }
0x76: {  	_ =	shalt  }
0x77: {  	_ =	shalt  }
0x78: {  	_ =	shalt  }
0x79: {  	_ =	shalt  }
0x7a: {  	_ =	shalt  }
0x7b: {  	_ =	shalt  }
0x7c: {  	_ =	shalt  }
0x7d: {  	_ =	shalt  }
0x7e: {  	_ =	shalt  }
0x7f: {  	_ =	shalt  }
0x80: {  	_ =	shalt  }
0x81: {  	_ =	shalt  }
0x82: {  	_ =	shalt  }
0x83: {  	_ =	shalt  }
0x84: {  	_ =	shalt  }
0x85: {  	_ =	shalt  }
0x86: {  	_ =	shalt  }
0x87: {  	_ =	shalt  }
.Lfunc_end0:
.L_simem_size_0:
called_computation_lowered:
.L_overlay_start_0:
0x88: {  	s2 =	sld [smem:$0x3FD9]  }
0x89: {  	s3 =	sld [smem:$0x3FFE];
	_ =	sdelay $0x1  }
0x8a: {  	s1 =	srdreg.scid  }
0x8b: {  	s0 =	sand.u32 $0x1, s1  }
0x8c: {  	s18 =	sshll.u32 s0, $0xA;
	s2 =	sadd.s32 s3, s2  }
0x8d: {  	s2 =	sadd.s32 s2, s18  }
0x8e: {  	[smem:$0x3FC5] =	sst s2  }
0x8f: {  	_ = 	snop  }
0x90: {  	s2 =	sld [smem:$0x3FC9]  }
0x91: {  	s19 =	sld [smem:$0x3FC8]  }
0x92: {  	s4 =	sld [smem:$0x3FC7]  }
0x93: {  	s5 =	sld [smem:$0x3FD0];
	(tm) =	ssettm $0x1  }
0x94: {  	s6 =	sld [smem:$0x3FFB];
	_ =	sdelay $0x3  }
0x95: {  	_ =	strace s6  }
0x96: {  	s6 =	sld [smem:$0x3FFC];
	_ =	sdelay $0x3  }
0x97: {  	_ =	strace s6  }
0x98: {  	s6 =	sld [smem:$0x3FFD];
	_ =	sdelay $0x3  }
0x99: {  	_ =	strace s6  }
0x9a: {  	_ =	strace $0x8FFFFFFF  }
0x9b: {  	s20 =	sld [smem:$0x3FDB];
	_ =	sdelay $0x1  }
0x9c: {  	s7 =	simm.s32 $_scs_section_size  }
0x9d: {  	s8 =	simm.s32 $_size__tile_overlayer_lowered;
	s9 =	simm.s32 $_tile_overlayer_lowered  }
0x9e: {  	s23 =	simm.s32 $0x1BFF;
	s22 =	sshll.u32 s9, $0x1;
	s6 =	sadd.s32 s7, s20  }
0x9f: {  	s10 =	simm.s32 $0x0;
	s21 =	sshll.u32 s8, $0x1;
	s8 =	sadd.s32 s22, s6  }
0xa0: {  	[timem:s10], [sflag:s23] =	dma.local [hbm:s8], s21  }
0xa1: {  	_ =	swait.ge [sflag:s23], s21  }
0xa2: {  	s7 =	ssub.s32 $0x0, s21;
	[sflag:s23] =	ssyncset.done $0x0  }
0xa3: {  	[sflag:s23] =	ssyncadd.s32 s7;
	_ =	sdelay $0x1  }
0xa4: {  	s24 =	simm.s32 $0x1B8B  }
0xa5: {  	_ =	swait.ge [sflag:s24], $0x1  }
0xa6: {  	[sflag:s24] =	ssyncset.done $0x0  }
0xa7: {  	s25 =	simm.s32 $0x1B8E;
	[sflag:s24] =	ssyncadd.s32 $0xFFFFFFFF  }
0xa8: {  	s26 =	simm.s32 $execute0_lowered;
	[smem:$0x3FD2] =	sst s25  }
0xa9: {  	s7 =	sshll.u32 s26, $0x1;
	_ =	strace $0x80000046;
	[dreg:$0x1] =	wrdreg $0xFFFFFFFF  }
0xaa: {  	s28 =	simm.s32 $_size_execute0_lowered;
	s6 =	sadd.s32 s6, s7;
	[dreg:$0x0] =	wrdreg $0x0  }
0xab: {  	s7 =	sshll.u32 s28, $0x1;
	[dreg:$0x2] =	wrdreg s6  }
0xac: {  	[dreg:$0x3] =	wrdreg s7  }
0xad: {  	[dreg:$0x4] =	wrdreg $0xC0  }
0xae: {  	_ =	task [dreg:s10], $0x5FFFF  }
0xaf: {  	[dreg:$0x1] =	wrdreg $0xFFFFFFFF  }
0xb0: {  	[dreg:$0x0] =	wrdreg $0x60  }
0xb1: {  	[dreg:$0x2] =	wrdreg s2  }
0xb2: {  	[dreg:$0x3] =	wrdreg s19  }
0xb3: {  	[dreg:$0x4] =	wrdreg s4  }
0xb4: {  	[dreg:$0x5] =	wrdreg s5  }
0xb5: {  	[dreg:$0x6] =	wrdreg $0x9  }
0xb6: {  	_ =	task.clear_ibuf [dreg:s10], $0x7FFFF;
	_ =	strace $0x90000046  }
0xb7: {  	s29 =	simm.s32 $0x9;
	_ =	strace $0x80000048  }
0xb8: {  	_ =	swait.ge [sflag:s29], $0x1  }
0xb9: {  	[sflag:s29] =	ssyncadd.s32 $0xFFFFFFFF  }
0xba: {  	_ =	strace $0x90000048  }
0xbb: {  	_ =	sfence  }
0xbc: {  	s30 =	sld [smem:$0x0];
	_ =	sdelay $0x2  }
0xbd: {  	s31 =	sshll.u32 s1, $0xD;
	s1 =	sshrl.u32 s1, $0x2  }
0xbe: {  	s3 =	sand.u32 $0x4000, s31;
	s1 =	sadd.s32 s1, s30  }
0xbf: {  	s0 =	sor.u32 s3, s0;
	s1 =	sshll.u32 s1, $0x11  }
0xc0: {  	s0 =	sor.u32 s1, s0  }
0xc1: {  	s0 =	sadd.s32 $0x8F2B, s0  }
0xc2: {  	[sflag:s0] =	ssyncadd.remote.s32 $0x1  }
0xc3: {  	_ =	sfence.sel $0xFFFF  }
0xc4: {  	[dreg:$0x0] =	wrdreg $0xFFFFFFFF;
	(pc) =	sbr.abs _section_cstart, $3  }
0xc5: {  	[dreg:$0x1] =	wrdreg $0xFFFFFFFF  }
0xc6: {  	_ =	task.clear_ibuf [dreg:s10], $0x2FFFF;
	_ =	strace $0x9FFFFFFF  }
0xc7: {  	(tm) =	ssettm $0x7FFFFFFF  }
tec
execute0_lowered:
.L_overlay_start_1:
0x0: {  	(tag) =	ssettag $0x1  }
0x1: {  	s0 =	rddreg [dreg:$0x0]  }
0x2: {  	s2 =	rddreg [dreg:$0x1]  }
0x3: {  	s7 =	rddreg [dreg:$0x2];
	s1 =	srdreg.scid  }
0x4: {  	s8 =	rddreg [dreg:$0x3];
	s3 =	stileid.u32;
	s5 =	simm.s32 $0x0  }
0x5: {  	s28 =	simm.s32 $0x6;
	s9 =	simm.s32 $0xE;
	s15 =	simm.s32 $0xF  }
0x6: {  	s31 =	simm.s32 $0x12;
	s1 =	sand.u32 $0x1, s1;
	s3 =	sshll.u32 s3, $0x8  }
0x7: {  	[smem:$0x7FF] =	sst s5;
	s12 =	sadd.s32 $0x100, s2;
	s13 =	sadd.s32 $0x200, s2  }
0x8: {  	s14 =	sadd.s32 $0x300, s2;
	s16 =	sadd.s32 $0x80000, s8;
	s4 =	sshll.u32 s1, $0x7  }
0x9: {  	s1 =	ssub.s32 $0x2, s1;
	_ =	strace $0x80000047;
	s6 =	sor.u32 s4, s3  }
0xa: {  	s19 =	sshrl.u32 s1, $0x1;
	s4 =	sshrl.u32 s6, $0x1;
	s24 =	sor.u32 $0x8, s6  }
0xb: {  	s22 =	sshll.u32 s6, $0x7;
	s20 =	sadd.s32 s0, s4;
	[dreg:$0xb] =	wrdreg s24  }
0xc: {  	s1 =	ssub.s32 s1, s19;
	s23 =	sadd.s32 s7, s22;
	[dreg:$0x5] =	wrdreg s20  }
0xd: {  	s17 =	sadd.s32 $0x100000, s8;
	s30 =	smax.u32 s1, $0x1;
	[dreg:$0x9] =	wrdreg s23  }
0xe: {  	s18 =	sadd.s32 $0x180000, s8;
	s0 =	sadd.s32 $0x10, s20;
	[dreg:$0x10] =	wrdreg s30  }
0xf: {  	s4 =	simm.s32 $0xC200;
	s21 =	sadd.s32 $0x20, s20;
	[dreg:$0x6] =	wrdreg s0  }
0x10: {  	s1 =	simm.s32 $0x2;
	s3 =	sadd.s32 $0x30, s20;
	[dreg:$0x7] =	wrdreg s21  }
0x11: {  	[dreg:$0x8] =	wrdreg s3;
	s3 =	sadd.s32 $0x400, s23;
	s0 =	sadd.s32 s22, s8  }
0x12: {  	s7 =	simm.s32 $0x11;
	[dreg:$0xa] =	wrdreg s3;
	s25 =	sadd.s32 $0x83C00, s0  }
0x13: {  	s20 =	simm.s32 $0x10;
	s26 =	sadd.s32 $0x3C00, s0;
	[dreg:$0xc] =	wrdreg s25  }
0x14: {  	v0 =	vlaneseq.u32;
	s21 =	simm.s32 $0x7;
	s29 =	sadd.s32 $0x103C00, s0;
	[dreg:$0xd] =	wrdreg s26  }
0x15: {  	v1 =	vshrl.u32 v0, $0x3;
	s23 =	simm.s32 $0x8;
	s0 =	sadd.s32 $0x183C00, s0;
	[dreg:$0xe] =	wrdreg s29  }
0x16: {  	vm0 =	vmmov $0xffff;
	v0 =	vand.u32 $0x7, v0;
	v1 =	vmul.u32 $0x8, v1;
	s3 =	simm.s32 $0x0;
	[dreg:$0xf] =	wrdreg s0;
	s25 =	simm.s32 $0x5  }
.LBB2_1:
0x17: {  	[dreg:$0x11] =	wrdreg s3  }
0x18: {  	s0 =	rddreg [dreg:$0x5]  }
0x19: {  	[tilespmem:s5], [sflag:$0x1] =	stream.linear.gather [hbm4b:s0+s5], $0x80, $0x38;
	[tilespmem:$0x1E200] =	vst v63  }
0x1a: {  	s3 =	rddreg [dreg:$0x6];
	s8 =	simm.s32 $0x80  }
0x1b: {  	[tilespmem:s8], [sflag:$0x1] =	stream.linear.gather [hbm4b:s3+s5], $0x80, $0x38;
	[tilespmem:$0x1E200] =	vst v63  }
0x1c: {  	s10 =	rddreg [dreg:$0x7];
	s11 =	simm.s32 $0x100  }
0x1d: {  	[tilespmem:s11], [sflag:$0x1] =	stream.linear.gather [hbm4b:s10+s5], $0x80, $0x38;
	[tilespmem:$0x1E200] =	vst v63  }
0x1e: {  	s19 =	rddreg [dreg:$0x8];
	s22 =	simm.s32 $0x180;
	s24 =	simm.s32 $0x1  }
0x1f: {  	[tilespmem:s22], [sflag:$0x1] =	stream.linear.gather [hbm4b:s19+s5], $0x80, $0x38;
	[tilespmem:$0x1E200] =	vst v63  }
0x20: {  	_ =	swait.ge [sflag:s24], $0x80  }
0x21: {  	[sflag:s24] =	ssyncset.done $0x0  }
0x22: {  	[sflag:s24] =	ssyncadd.s32 $0xFFFFFF80  }
0x23: {  	_ =	swait.ge [sflag:s24], $0x80  }
0x24: {  	[sflag:s24] =	ssyncset.done $0x0  }
0x25: {  	[sflag:s24] =	ssyncadd.s32 $0xFFFFFF80  }
0x26: {  	_ =	swait.ge [sflag:s24], $0x80  }
0x27: {  	[sflag:s24] =	ssyncset.done $0x0  }
0x28: {  	[sflag:s24] =	ssyncadd.s32 $0xFFFFFF80  }
0x29: {  	_ =	swait.ge [sflag:s24], $0x80  }
0x2a: {  	[sflag:s24] =	ssyncset.done $0x0  }
0x2b: {  	s29 =	simm.s32 $0x200;
	s26 =	rddreg [dreg:$0x9];
	[sflag:s24] =	ssyncadd.s32 $0xFFFFFF80  }
0x2c: {  	[tilespmem:s29], [sflag:$0x2] =	stream.linear.gather [hbm4b:s26+s5], $0x2000, $0x38;
	[tilespmem:$0x1E200] =	vst v63  }
0x2d: {  	v2 =	vld.msk [tilespmem:$0x0], $0xff;
	_ =	sdelay $0x4  }
0x2e: {  	v3 =	vshll.u32 v2, $0x3  }
0x2f: {  	v2 =	vand.u32 $0x7, v2;
	v3 =	vand.u32 $0xFFFFFFC0, v3  }
0x30: {  	v2 =	vor.u32 v2, v3  }
0x31: {  	v2 =	vperm.xlane v2, v0;
	_ =	sdelay $0x1  }
0x32: {  	v2 =	vadd.s32 v1, v2;
	_ =	sdelay $0x3  }
0x33: {  	s30 =	simm.s32 $0x6200  }
0x34: {  	[tilespmem:s30], [sflag:$0x5] =	stream.indirect_vreg.gather [hbm4b:s2+s5], $0x80, v2, vm0, $0xb8;
	[tilespmem:$0x1E200] =	vst v63  }
0x35: {  	s3 =	simm.s32 $0x6A00  }
0x36: {  	[tilespmem:s3], [sflag:$0x5] =	stream.indirect_vreg.gather [hbm4b:s12+s5], $0x80, v2, vm0, $0xb8;
	[tilespmem:$0x1E200] =	vst v63  }
0x37: {  	s8 =	simm.s32 $0x7200  }
0x38: {  	[tilespmem:s8], [sflag:$0x5] =	stream.indirect_vreg.gather [hbm4b:s13+s5], $0x80, v2, vm0, $0xb8;
	[tilespmem:$0x1E200] =	vst v63  }
0x39: {  	s10 =	simm.s32 $0x7A00  }
0x3a: {  	[tilespmem:s10], [sflag:$0x5] =	stream.indirect_vreg.gather [hbm4b:s14+s5], $0x80, v2, vm0, $0xb8;
	[tilespmem:$0x1E200] =	vst v63  }
0x3b: {  	v2 =	vld.msk [tilespmem:$0x80], $0xff;
	_ =	sdelay $0x4  }
0x3c: {  	v3 =	vshll.u32 v2, $0x3  }
0x3d: {  	v2 =	vand.u32 $0x7, v2;
	v3 =	vand.u32 $0xFFFFFFC0, v3  }
0x3e: {  	v2 =	vor.u32 v2, v3  }
0x3f: {  	v2 =	vperm.xlane v2, v0;
	_ =	sdelay $0x1  }
0x40: {  	v2 =	vadd.s32 v1, v2;
	_ =	sdelay $0x3  }
0x41: {  	s11 =	simm.s32 $0x8200  }
0x42: {  	[tilespmem:s11], [sflag:$0x6] =	stream.indirect_vreg.gather [hbm4b:s2+s5], $0x80, v2, vm0, $0xb8;
	[tilespmem:$0x1E200] =	vst v63  }
0x43: {  	s19 =	simm.s32 $0x8A00  }
0x44: {  	[tilespmem:s19], [sflag:$0x6] =	stream.indirect_vreg.gather [hbm4b:s12+s5], $0x80, v2, vm0, $0xb8;
	[tilespmem:$0x1E200] =	vst v63  }
0x45: {  	s22 =	simm.s32 $0x9200  }
0x46: {  	[tilespmem:s22], [sflag:$0x6] =	stream.indirect_vreg.gather [hbm4b:s13+s5], $0x80, v2, vm0, $0xb8;
	[tilespmem:$0x1E200] =	vst v63  }
0x47: {  	s24 =	simm.s32 $0x9A00  }
0x48: {  	[tilespmem:s24], [sflag:$0x6] =	stream.indirect_vreg.gather [hbm4b:s14+s5], $0x80, v2, vm0, $0xb8;
	[tilespmem:$0x1E200] =	vst v63  }
0x49: {  	v2 =	vld.msk [tilespmem:$0x100], $0xff;
	_ =	sdelay $0x4  }
0x4a: {  	v3 =	vshll.u32 v2, $0x3  }
0x4b: {  	v2 =	vand.u32 $0x7, v2;
	v3 =	vand.u32 $0xFFFFFFC0, v3  }
0x4c: {  	v2 =	vor.u32 v2, v3  }
0x4d: {  	v2 =	vperm.xlane v2, v0;
	_ =	sdelay $0x1  }
0x4e: {  	v2 =	vadd.s32 v1, v2;
	_ =	sdelay $0x3  }
0x4f: {  	s26 =	simm.s32 $0xA200  }
0x50: {  	[tilespmem:s26], [sflag:$0x7] =	stream.indirect_vreg.gather [hbm4b:s2+s5], $0x80, v2, vm0, $0xb8;
	[tilespmem:$0x1E200] =	vst v63  }
0x51: {  	s29 =	simm.s32 $0xAA00  }
0x52: {  	[tilespmem:s29], [sflag:$0x7] =	stream.indirect_vreg.gather [hbm4b:s12+s5], $0x80, v2, vm0, $0xb8;
	[tilespmem:$0x1E200] =	vst v63  }
0x53: {  	s30 =	simm.s32 $0xB200  }
0x54: {  	[tilespmem:s30], [sflag:$0x7] =	stream.indirect_vreg.gather [hbm4b:s13+s5], $0x80, v2, vm0, $0xb8;
	[tilespmem:$0x1E200] =	vst v63  }
0x55: {  	s3 =	simm.s32 $0xBA00  }
0x56: {  	[tilespmem:s3], [sflag:$0x7] =	stream.indirect_vreg.gather [hbm4b:s14+s5], $0x80, v2, vm0, $0xb8;
	[tilespmem:$0x1E200] =	vst v63  }
0x57: {  	v2 =	vld.msk [tilespmem:$0x180], $0xff;
	_ =	sdelay $0x4  }
0x58: {  	v3 =	vshll.u32 v2, $0x3  }
0x59: {  	v2 =	vand.u32 $0x7, v2;
	v3 =	vand.u32 $0xFFFFFFC0, v3  }
0x5a: {  	v2 =	vor.u32 v2, v3  }
0x5b: {  	v2 =	vperm.xlane v2, v0;
	_ =	sdelay $0x1  }
0x5c: {  	v2 =	vadd.s32 v1, v2;
	_ =	sdelay $0x4  }
0x5d: {  	[tilespmem:s4], [sflag:$0x8] =	stream.indirect_vreg.gather [hbm4b:s2+s5], $0x80, v2, vm0, $0xb8;
	[tilespmem:$0x1E200] =	vst v63  }
0x5e: {  	s4 =	simm.s32 $0xCA00  }
0x5f: {  	[tilespmem:s4], [sflag:$0x8] =	stream.indirect_vreg.gather [hbm4b:s12+s5], $0x80, v2, vm0, $0xb8;
	[tilespmem:$0x1E200] =	vst v63  }
0x60: {  	s8 =	simm.s32 $0xD200  }
0x61: {  	[tilespmem:s8], [sflag:$0x8] =	stream.indirect_vreg.gather [hbm4b:s13+s5], $0x80, v2, vm0, $0xb8;
	[tilespmem:$0x1E200] =	vst v63  }
0x62: {  	s10 =	simm.s32 $0xDA00  }
0x63: {  	[tilespmem:s10], [sflag:$0x8] =	stream.indirect_vreg.gather [hbm4b:s14+s5], $0x80, v2, vm0, $0xb8;
	[tilespmem:$0x1E200] =	vst v63  }
0x64: {  	s11 =	rddreg [dreg:$0xa];
	s19 =	simm.s32 $0x2200  }
0x65: {  	[tilespmem:s19], [sflag:$0x3] =	stream.linear.gather [hbm4b:s11+s5], $0x2000, $0x38;
	[tilespmem:$0x1E200] =	vst v63  }
0x66: {  	v2 =	vld.msk [tilespmem:$0x8], $0xff;
	_ =	sdelay $0x4  }
0x67: {  	v3 =	vshll.u32 v2, $0x3  }
0x68: {  	v2 =	vand.u32 $0x7, v2;
	v3 =	vand.u32 $0xFFFFFFC0, v3  }
0x69: {  	v2 =	vor.u32 v2, v3  }
0x6a: {  	v2 =	vperm.xlane v2, v0;
	_ =	sdelay $0x1  }
0x6b: {  	v2 =	vadd.s32 v1, v2;
	_ =	sdelay $0x3  }
0x6c: {  	s22 =	simm.s32 $0xE200  }
0x6d: {  	[tilespmem:s22], [sflag:$0x9] =	stream.indirect_vreg.gather [hbm4b:s2+s5], $0x80, v2, vm0, $0xb8;
	[tilespmem:$0x1E200] =	vst v63  }
0x6e: {  	s24 =	simm.s32 $0xEA00  }
0x6f: {  	[tilespmem:s24], [sflag:$0x9] =	stream.indirect_vreg.gather [hbm4b:s12+s5], $0x80, v2, vm0, $0xb8;
	[tilespmem:$0x1E200] =	vst v63  }
0x70: {  	s26 =	simm.s32 $0xF200  }
0x71: {  	[tilespmem:s26], [sflag:$0x9] =	stream.indirect_vreg.gather [hbm4b:s13+s5], $0x80, v2, vm0, $0xb8;
	[tilespmem:$0x1E200] =	vst v63  }
0x72: {  	s29 =	simm.s32 $0xFA00  }
0x73: {  	[tilespmem:s29], [sflag:$0x9] =	stream.indirect_vreg.gather [hbm4b:s14+s5], $0x80, v2, vm0, $0xb8;
	[tilespmem:$0x1E200] =	vst v63  }
0x74: {  	v2 =	vld.msk [tilespmem:$0x88], $0xff;
	_ =	sdelay $0x4  }
0x75: {  	v3 =	vshll.u32 v2, $0x3  }
0x76: {  	v2 =	vand.u32 $0x7, v2;
	v3 =	vand.u32 $0xFFFFFFC0, v3  }
0x77: {  	v2 =	vor.u32 v2, v3  }
0x78: {  	v2 =	vperm.xlane v2, v0;
	_ =	sdelay $0x1  }
0x79: {  	v2 =	vadd.s32 v1, v2;
	_ =	sdelay $0x3  }
0x7a: {  	s30 =	simm.s32 $0x10200  }
0x7b: {  	[tilespmem:s30], [sflag:$0xA] =	stream.indirect_vreg.gather [hbm4b:s2+s5], $0x80, v2, vm0, $0xb8;
	[tilespmem:$0x1E200] =	vst v63  }
0x7c: {  	s3 =	simm.s32 $0x10A00  }
0x7d: {  	[tilespmem:s3], [sflag:$0xA] =	stream.indirect_vreg.gather [hbm4b:s12+s5], $0x80, v2, vm0, $0xb8;
	[tilespmem:$0x1E200] =	vst v63  }
0x7e: {  	s4 =	simm.s32 $0x11200  }
0x7f: {  	[tilespmem:s4], [sflag:$0xA] =	stream.indirect_vreg.gather [hbm4b:s13+s5], $0x80, v2, vm0, $0xb8;
	[tilespmem:$0x1E200] =	vst v63  }
0x80: {  	s8 =	simm.s32 $0x11A00  }
0x81: {  	[tilespmem:s8], [sflag:$0xA] =	stream.indirect_vreg.gather [hbm4b:s14+s5], $0x80, v2, vm0, $0xb8;
	[tilespmem:$0x1E200] =	vst v63  }
0x82: {  	v2 =	vld.msk [tilespmem:$0x108], $0xff;
	_ =	sdelay $0x4  }
0x83: {  	v3 =	vshll.u32 v2, $0x3  }
0x84: {  	v2 =	vand.u32 $0x7, v2;
	v3 =	vand.u32 $0xFFFFFFC0, v3  }
0x85: {  	v2 =	vor.u32 v2, v3  }
0x86: {  	v2 =	vperm.xlane v2, v0;
	_ =	sdelay $0x1  }
0x87: {  	v2 =	vadd.s32 v1, v2;
	_ =	sdelay $0x3  }
0x88: {  	s10 =	simm.s32 $0x12200  }
0x89: {  	[tilespmem:s10], [sflag:$0xB] =	stream.indirect_vreg.gather [hbm4b:s2+s5], $0x80, v2, vm0, $0xb8;
	[tilespmem:$0x1E200] =	vst v63  }
0x8a: {  	s11 =	simm.s32 $0x12A00  }
0x8b: {  	[tilespmem:s11], [sflag:$0xB] =	stream.indirect_vreg.gather [hbm4b:s12+s5], $0x80, v2, vm0, $0xb8;
	[tilespmem:$0x1E200] =	vst v63  }
0x8c: {  	s19 =	simm.s32 $0x13200  }
0x8d: {  	[tilespmem:s19], [sflag:$0xB] =	stream.indirect_vreg.gather [hbm4b:s13+s5], $0x80, v2, vm0, $0xb8;
	[tilespmem:$0x1E200] =	vst v63  }
0x8e: {  	s22 =	simm.s32 $0x13A00  }
0x8f: {  	[tilespmem:s22], [sflag:$0xB] =	stream.indirect_vreg.gather [hbm4b:s14+s5], $0x80, v2, vm0, $0xb8;
	[tilespmem:$0x1E200] =	vst v63  }
0x90: {  	v2 =	vld.msk [tilespmem:$0x188], $0xff;
	_ =	sdelay $0x4  }
0x91: {  	v3 =	vshll.u32 v2, $0x3  }
0x92: {  	v2 =	vand.u32 $0x7, v2;
	v3 =	vand.u32 $0xFFFFFFC0, v3  }
0x93: {  	v2 =	vor.u32 v2, v3  }
0x94: {  	v2 =	vperm.xlane v2, v0;
	_ =	sdelay $0x1  }
0x95: {  	v2 =	vadd.s32 v1, v2;
	_ =	sdelay $0x3  }
0x96: {  	s24 =	simm.s32 $0x14200  }
0x97: {  	[tilespmem:s24], [sflag:$0xC] =	stream.indirect_vreg.gather [hbm4b:s2+s5], $0x80, v2, vm0, $0xb8;
	[tilespmem:$0x1E200] =	vst v63  }
0x98: {  	s26 =	simm.s32 $0x14A00  }
0x99: {  	[tilespmem:s26], [sflag:$0xC] =	stream.indirect_vreg.gather [hbm4b:s12+s5], $0x80, v2, vm0, $0xb8;
	[tilespmem:$0x1E200] =	vst v63  }
0x9a: {  	s29 =	simm.s32 $0x15200  }
0x9b: {  	[tilespmem:s29], [sflag:$0xC] =	stream.indirect_vreg.gather [hbm4b:s13+s5], $0x80, v2, vm0, $0xb8;
	[tilespmem:$0x1E200] =	vst v63  }
0x9c: {  	s30 =	simm.s32 $0x15A00;
	s26 =	simm.s32 $0x0  }
0x9d: {  	[tilespmem:s30], [sflag:$0xC] =	stream.indirect_vreg.gather [hbm4b:s14+s5], $0x80, v2, vm0, $0xb8;
	[tilespmem:$0x1E200] =	vst v63  }
.LBB2_2:
0x9e: {  	_ =	swait.ge [sflag:s1], $0x2000  }
0x9f: {  	[sflag:s1] =	ssyncset.done $0x0  }
0xa0: {  	[sflag:s1] =	ssyncadd.s32 $0xFFFFE000  }
0xa1: {  	s10 =	simm.s32 $0x0;
	_ =	swait.ge [sflag:s25], $0x2000  }
0xa2: {  	s0 =	sand.u32 $0x70, s10;
	s3 =	sand.u32 $0x1C00, s10;
	[sflag:s25] =	ssyncset.done $0x0  }
0xa3: {  	s3 =	sor.u32 s0, s3;
	[sflag:s25] =	ssyncadd.s32 $0xFFFFE000  }
0xa4: {  	v4 =	vld [tilespmem:s3+$0x6500]  }
0xa5: {  	v2 =	vld [tilespmem:s3+$0x6400]  }
0xa6: {  	v3 =	vld [tilespmem:s3+$0x380]  }
0xa7: {  	v5 =	vld [tilespmem:s3+$0x300]  }
0xa8: {  	v6 =	vld [tilespmem:s3+$0x6300]  }
0xa9: {  	v8 =	vld [tilespmem:s3+$0x6280]  }
0xaa: {  	s11 =	simm.s32 $0x10;
	s4 =	sor.u32 s10, s10;
	v7 =	vld [tilespmem:s3+$0x6200]  }
.LBB2_3:
0xab: {  	p0 =	sne.s32 s11, $0x3F0  }
0xac: {  	v9 =	vld [tilespmem:s3+$0x280];
	s10 =	sadd.s32 $0x80, s10;
	s0 =	smov.u32 s11;
	s11 =	sadd.s32 $0x10, s11  }
0xad: {  	s22 =	sor.u32 s10, s0;
	v10 =	vld [tilespmem:s3+$0x200]  }
0xae: {  	v11 =	vld [tilespmem:s3+$0x500]  }
0xaf: {  	v12 =	vld [tilespmem:s3+$0x400]  }
0xb0: {  	v13 =	vld [tilespmem:s3+$0x6380]  }
0xb1: {  	v8 =	vadd.f32 v8, v9;
	v9 =	vld [tilespmem:s3+$0x6480]  }
0xb2: {  	v5 =	vadd.f32 v6, v5;
	v7 =	vadd.f32 v7, v10;
	v6 =	vld [tilespmem:s3+$0x480]  }
0xb3: {  	[tilespmem:s3+$0x6280] =	vst v8;
	v4 =	vadd.f32 v4, v11  }
0xb4: {  	[tilespmem:s3+$0x6300] =	vst v5;
	v2 =	vadd.f32 v2, v12  }
0xb5: {  	[tilespmem:s3+$0x6200] =	vst v7;
	v3 =	vadd.f32 v13, v3  }
0xb6: {  	[tilespmem:s3+$0x6500] =	vst v4  }
0xb7: {  	[tilespmem:s3+$0x6380] =	vst v3;
	v3 =	vadd.f32 v9, v6  }
0xb8: {  	[tilespmem:s3+$0x6400] =	vst v2  }
0xb9: {  	s29 =	sor.u32 $0x380, s4;
	s0 =	sand.u32 $0x70, s0;
	s24 =	sand.u32 $0x1C00, s10;
	[tilespmem:s3+$0x6480] =	vst v3  }
0xba: {  	s4 =	smov.u32 s22;
	s3 =	sor.u32 s0, s24;
	v2 =	vld [tilespmem:s29+$0x200]  }
0xbb: {  	v3 =	vld [tilespmem:s29+$0x6200];
	_ =	sdelay $0x4  }
0xbc: {  	v2 =	vadd.f32 v3, v2;
	_ =	sdelay $0x1  }
0xbd: {  	[tilespmem:s29+$0x6200] =	vst v2  }
0xbe: {  	v4 =	vld [tilespmem:s3+$0x6500]  }
0xbf: {  	v2 =	vld [tilespmem:s3+$0x6400]  }
.Ltmp0:
0xc0: {  	v3 =	vld [tilespmem:s3+$0x380];
	(pc) =	sbr.rel @p0 .LBB2_3-.Ltmp0, $4  }
0xc1: {  	v5 =	vld [tilespmem:s3+$0x300]  }
0xc2: {  	v6 =	vld [tilespmem:s3+$0x6300]  }
0xc3: {  	v8 =	vld [tilespmem:s3+$0x6280]  }
0xc4: {  	v7 =	vld [tilespmem:s3+$0x6200]  }
0xc5: {  	v9 =	vld [tilespmem:s3+$0x280]  }
0xc6: {  	v10 =	vld [tilespmem:s3+$0x200]  }
0xc7: {  	v11 =	vld [tilespmem:s3+$0x500]  }
0xc8: {  	v12 =	vld [tilespmem:s3+$0x400]  }
0xc9: {  	v13 =	vld [tilespmem:s3+$0x6380]  }
0xca: {  	v5 =	vadd.f32 v6, v5;
	v6 =	vld [tilespmem:s3+$0x480]  }
0xcb: {  	v8 =	vadd.f32 v8, v9;
	v9 =	vld [tilespmem:s3+$0x6480]  }
0xcc: {  	[tilespmem:s3+$0x6300] =	vst v5;
	v7 =	vadd.f32 v7, v10  }
0xcd: {  	v4 =	vadd.f32 v4, v11;
	[tilespmem:s3+$0x6280] =	vst v8  }
0xce: {  	v3 =	vadd.f32 v13, v3;
	[tilespmem:s3+$0x6200] =	vst v7  }
0xcf: {  	v2 =	vadd.f32 v2, v12;
	[tilespmem:s3+$0x6500] =	vst v4  }
0xd0: {  	[tilespmem:s3+$0x6380] =	vst v3;
	v3 =	vadd.f32 v9, v6  }
0xd1: {  	[tilespmem:s3+$0x6400] =	vst v2  }
0xd2: {  	s0 =	sor.u32 $0x380, s4;
	[tilespmem:s3+$0x6480] =	vst v3  }
0xd3: {  	v2 =	vld [tilespmem:s0+$0x200]  }
0xd4: {  	v3 =	vld [tilespmem:s0+$0x6200];
	_ =	sdelay $0x2  }
0xd5: {  	s22 =	smul.u32 $0x18, s26;
	_ =	sdelay $0x1  }
0xd6: {  	s8 =	sadd.s32 s6, s22;
	v2 =	vadd.f32 v3, v2  }
0xd7: {  	s10 =	rddreg [dreg:$0x3];
	s3 =	sshll.u32 s8, $0x7  }
0xd8: {  	s29 =	simm.s32 $0x0;
	s11 =	simm.s32 $0x6200;
	[tilespmem:s0+$0x6200] =	vst v2;
	s0 =	sadd.s32 s10, s3  }
0xd9: {  	[hbm4b:s0+s29] =	stream.linear.scatter [tilespmem:s11], [sflag:$0x11], $0x2000, $0x38;
	[tilespmem:$0x1E200] =	vst v63  }
0xda: {  	_ =	swait.ge [sflag:s28], $0x2000  }
0xdb: {  	s19 =	sand.u32 $0x70, s29;
	s24 =	sand.u32 $0x1C00, s29;
	[sflag:s28] =	ssyncset.done $0x0  }
0xdc: {  	s11 =	sor.u32 s19, s24;
	[sflag:s28] =	ssyncadd.s32 $0xFFFFE000  }
0xdd: {  	v7 =	vld [tilespmem:s11+$0x200]  }
0xde: {  	v2 =	vld [tilespmem:s11+$0x280]  }
0xdf: {  	v3 =	vld [tilespmem:s11+$0x300]  }
0xe0: {  	v4 =	vld [tilespmem:s11+$0x380]  }
0xe1: {  	v5 =	vld [tilespmem:s11+$0x400]  }
0xe2: {  	v8 =	vld [tilespmem:s11+$0x480]  }
0xe3: {  	v9 =	vld [tilespmem:s11+$0x500]  }
0xe4: {  	v6 =	vld [tilespmem:s11+$0x8280]  }
0xe5: {  	v10 =	vld [tilespmem:s11+$0x8300]  }
0xe6: {  	v11 =	vld [tilespmem:s11+$0x8380]  }
0xe7: {  	v12 =	vld [tilespmem:s11+$0x8400]  }
0xe8: {  	s4 =	simm.s32 $0x80;
	s24 =	simm.s32 $0x10;
	v13 =	vld [tilespmem:s11+$0x8480]  }
0xe9: {  	s10 =	sand.u32 $0x1C00, s4;
	s8 =	sand.u32 $0x70, s24;
	v14 =	vld [tilespmem:s11+$0x8500];
	v6 =	vadd.f32 v6, v2  }
0xea: {  	s10 =	sor.u32 s8, s10;
	v15 =	vld [tilespmem:s11+$0x8200];
	v3 =	vadd.f32 v10, v3  }
0xeb: {  	v2 =	vld [tilespmem:s10+$0x200];
	v10 =	vadd.f32 v11, v4;
	[tilespmem:s11+$0x8280] =	vst v6  }
0xec: {  	v5 =	vadd.f32 v12, v5;
	v6 =	vld [tilespmem:s10+$0x280];
	[tilespmem:s11+$0x8300] =	vst v3  }
0xed: {  	v8 =	vadd.f32 v13, v8;
	v4 =	vld [tilespmem:s10+$0x300];
	[tilespmem:s11+$0x8380] =	vst v10  }
0xee: {  	v9 =	vadd.f32 v14, v9;
	v3 =	vld [tilespmem:s10+$0x380];
	[tilespmem:s11+$0x8400] =	vst v5  }
0xef: {  	v5 =	vld [tilespmem:s10+$0x400];
	[tilespmem:s11+$0x8480] =	vst v8;
	v8 =	vadd.f32 v15, v7  }
0xf0: {  	s19 =	sor.u32 s29, s29;
	v7 =	vld [tilespmem:s10+$0x480];
	[tilespmem:s11+$0x8500] =	vst v9  }
0xf1: {  	s0 =	sor.u32 $0x380, s19;
	v9 =	vld [tilespmem:s11+$0x8580];
	[tilespmem:s11+$0x8200] =	vst v8  }
0xf2: {  	v14 =	vld [tilespmem:s0+$0x200]  }
0xf3: {  	v8 =	vld [tilespmem:s10+$0x500]  }
0xf4: {  	v13 =	vld [tilespmem:s10+$0x8280]  }
0xf5: {  	v12 =	vld [tilespmem:s10+$0x8300]  }
0xf6: {  	v11 =	vld [tilespmem:s10+$0x8380]  }
0xf7: {  	v10 =	vld [tilespmem:s10+$0x8400];
	v14 =	vadd.f32 v9, v14  }
0xf8: {  	s30 =	simm.s32 $0x20;
	s29 =	simm.s32 $0x100;
	v9 =	vld [tilespmem:s10+$0x8480]  }
.LBB2_5:
0xf9: {  	s0 =	sand.u32 $0x70, s30;
	s19 =	sand.u32 $0x1C00, s29;
	p0 =	sne.s32 s30, $0x3F0;
	v6 =	vadd.f32 v13, v6;
	v13 =	vld [tilespmem:s10+$0x8500];
	[tilespmem:s11+$0x8580] =	vst v14  }
0xfa: {  	s11 =	smov.u32 s10;
	v14 =	vld [tilespmem:s10+$0x8200];
	v4 =	vadd.f32 v12, v4;
	s10 =	sor.u32 s0, s19  }
0xfb: {  	v12 =	vld [tilespmem:s10+$0x200];
	[tilespmem:s11+$0x8280] =	vst v6;
	v3 =	vadd.f32 v11, v3  }
0xfc: {  	v6 =	vld [tilespmem:s10+$0x280];
	[tilespmem:s11+$0x8300] =	vst v4;
	v5 =	vadd.f32 v10, v5  }
0xfd: {  	v4 =	vld [tilespmem:s10+$0x300];
	[tilespmem:s11+$0x8380] =	vst v3;
	v7 =	vadd.f32 v9, v7  }
0xfe: {  	v3 =	vld [tilespmem:s10+$0x380];
	[tilespmem:s11+$0x8400] =	vst v5;
	v8 =	vadd.f32 v13, v8  }
0xff: {  	v5 =	vld [tilespmem:s10+$0x400];
	v9 =	vadd.f32 v14, v2;
	[tilespmem:s11+$0x8480] =	vst v7  }
0x100: {  	s0 =	sor.u32 s4, s24;
	s4 =	smov.u32 s29;
	s24 =	smov.u32 s30;
	v7 =	vld [tilespmem:s10+$0x480];
	[tilespmem:s11+$0x8500] =	vst v8;
	v2 =	vmov v12  }
0x101: {  	s0 =	sor.u32 $0x380, s0;
	[tilespmem:s11+$0x8200] =	vst v9;
	v9 =	vld [tilespmem:s11+$0x8580]  }
0x102: {  	v14 =	vld [tilespmem:s0+$0x200]  }
0x103: {  	v8 =	vld [tilespmem:s10+$0x500]  }
.Ltmp1:
0x104: {  	v13 =	vld [tilespmem:s10+$0x8280];
	(pc) =	sbr.rel @p0 .LBB2_5-.Ltmp1, $4  }
0x105: {  	v12 =	vld [tilespmem:s10+$0x8300]  }
0x106: {  	v11 =	vld [tilespmem:s10+$0x8380]  }
0x107: {  	v10 =	vld [tilespmem:s10+$0x8400];
	v14 =	vadd.f32 v9, v14  }
0x108: {  	s29 =	sadd.s32 $0x80, s29;
	s30 =	sadd.s32 $0x10, s30;
	v9 =	vld [tilespmem:s10+$0x8480]  }
0x109: {  	v15 =	vld [tilespmem:s10+$0x8500];
	v6 =	vadd.f32 v13, v6;
	[tilespmem:s11+$0x8580] =	vst v14  }
0x10a: {  	v13 =	vld [tilespmem:s10+$0x8200];
	v4 =	vadd.f32 v12, v4  }
0x10b: {  	[tilespmem:s10+$0x8280] =	vst v6;
	v3 =	vadd.f32 v11, v3  }
0x10c: {  	[tilespmem:s10+$0x8300] =	vst v4;
	v4 =	vadd.f32 v10, v5  }
0x10d: {  	[tilespmem:s10+$0x8380] =	vst v3;
	v3 =	vadd.f32 v9, v7  }
0x10e: {  	[tilespmem:s10+$0x8400] =	vst v4;
	v4 =	vadd.f32 v15, v8  }
0x10f: {  	v2 =	vadd.f32 v13, v2;
	[tilespmem:s10+$0x8480] =	vst v3  }
0x110: {  	s0 =	sor.u32 s4, s24;
	[tilespmem:s10+$0x8500] =	vst v4  }
0x111: {  	s0 =	sor.u32 $0x380, s0;
	[tilespmem:s10+$0x8200] =	vst v2;
	v2 =	vld [tilespmem:s10+$0x8580]  }
0x112: {  	v3 =	vld [tilespmem:s0+$0x200];
	_ =	sdelay $0x4  }
0x113: {  	v2 =	vadd.f32 v2, v3  }
0x114: {  	p0 =	seq.s32 s26, $0x0  }
0x115: {  	s8 =	sadd.s32 s3, s16;
	s0 =	simm.s32 @!p0 $0x13;
	[tilespmem:s10+$0x8580] =	vst v2;
	s10 =	simm.s32 $0x8200  }
0x116: {  	[hbm4b:s8+s5] =	stream.linear.scatter [tilespmem:s10], [sflag:$0x11], $0x2000, $0x38;
	[tilespmem:$0x1E200] =	vst v63  }
0x117: {  	_ =	swait.ge @!p0 [sflag:s0], $0x2000  }
0x118: {  	[sflag:s0] =	ssyncset.done @!p0 $0x0  }
0x119: {  	[sflag:s0] =	ssyncadd.s32 @!p0 $0xFFFFE000  }
0x11a: {  	_ =	swait.ge @!p0 [sflag:s0], $0x2000  }
0x11b: {  	[sflag:s0] =	ssyncset.done @!p0 $0x0  }
0x11c: {  	[sflag:s0] =	ssyncadd.s32 @!p0 $0xFFFFE000  }
0x11d: {  	_ =	swait.ge @!p0 [sflag:s0], $0x2000  }
0x11e: {  	[sflag:s0] =	ssyncset.done @!p0 $0x0  }
0x11f: {  	[sflag:s0] =	ssyncadd.s32 @!p0 $0xFFFFE000  }
0x120: {  	_ =	swait.ge @!p0 [sflag:s0], $0x2000  }
0x121: {  	s4 =	sadd.s32 $0x10, s22;
	[sflag:s0] =	ssyncset.done @!p0 $0x0  }
0x122: {  	s11 =	sadd.s32 s6, s4;
	[sflag:s0] =	ssyncadd.s32 @!p0 $0xFFFFE000  }
0x123: {  	s10 =	sshll.u32 s11, $0x7;
	s0 =	rddreg [dreg:$0x2]  }
0x124: {  	s30 =	simm.s32 $0x0;
	s8 =	simm.s32 $0x4200;
	s0 =	sadd.s32 s0, s10  }
0x125: {  	[tilespmem:s8], [sflag:$0x4] =	stream.linear.gather [hbm4b:s0+s30], $0x2000, $0x38;
	[tilespmem:$0x1E200] =	vst v63  }
0x126: {  	v2 =	vld.msk [tilespmem:s22+$0x10], $0xff;
	_ =	sdelay $0x4  }
0x127: {  	v3 =	vshll.u32 v2, $0x3  }
0x128: {  	v2 =	vand.u32 $0x7, v2;
	v3 =	vand.u32 $0xFFFFFFC0, v3  }
0x129: {  	v2 =	vor.u32 v2, v3  }
0x12a: {  	v2 =	vperm.xlane v2, v0;
	_ =	sdelay $0x1  }
0x12b: {  	v2 =	vadd.s32 v1, v2;
	_ =	sdelay $0x3  }
0x12c: {  	s19 =	simm.s32 $0x16200  }
0x12d: {  	[tilespmem:s19], [sflag:$0xD] =	stream.indirect_vreg.gather [hbm4b:s2+s30], $0x80, v2, vm0, $0xb8;
	[tilespmem:$0x1E200] =	vst v63  }
0x12e: {  	s24 =	simm.s32 $0x16A00  }
0x12f: {  	[tilespmem:s24], [sflag:$0xD] =	stream.indirect_vreg.gather [hbm4b:s12+s30], $0x80, v2, vm0, $0xb8;
	[tilespmem:$0x1E200] =	vst v63  }
0x130: {  	s11 =	sand.u32 $0x180, s4;
	s8 =	simm.s32 $0x17200  }
0x131: {  	[tilespmem:s8], [sflag:$0xD] =	stream.indirect_vreg.gather [hbm4b:s13+s30], $0x80, v2, vm0, $0xb8;
	[tilespmem:$0x1E200] =	vst v63  }
0x132: {  	s0 =	sadd.s32 s4, s11;
	s19 =	simm.s32 $0x17A00  }
0x133: {  	[tilespmem:s19], [sflag:$0xD] =	stream.indirect_vreg.gather [hbm4b:s14+s30], $0x80, v2, vm0, $0xb8;
	[tilespmem:$0x1E200] =	vst v63  }
0x134: {  	v2 =	vld.msk [tilespmem:s0+$0x80], $0xff;
	_ =	sdelay $0x4  }
0x135: {  	v3 =	vshll.u32 v2, $0x3  }
0x136: {  	v2 =	vand.u32 $0x7, v2;
	v3 =	vand.u32 $0xFFFFFFC0, v3  }
0x137: {  	v2 =	vor.u32 v2, v3  }
0x138: {  	v2 =	vperm.xlane v2, v0;
	_ =	sdelay $0x1  }
0x139: {  	v2 =	vadd.s32 v1, v2;
	_ =	sdelay $0x3  }
0x13a: {  	s24 =	simm.s32 $0x18200  }
0x13b: {  	[tilespmem:s24], [sflag:$0xE] =	stream.indirect_vreg.gather [hbm4b:s2+s30], $0x80, v2, vm0, $0xb8;
	[tilespmem:$0x1E200] =	vst v63  }
0x13c: {  	s8 =	simm.s32 $0x18A00  }
0x13d: {  	[tilespmem:s8], [sflag:$0xE] =	stream.indirect_vreg.gather [hbm4b:s12+s30], $0x80, v2, vm0, $0xb8;
	[tilespmem:$0x1E200] =	vst v63  }
0x13e: {  	s11 =	simm.s32 $0x19200  }
0x13f: {  	[tilespmem:s11], [sflag:$0xE] =	stream.indirect_vreg.gather [hbm4b:s13+s30], $0x80, v2, vm0, $0xb8;
	[tilespmem:$0x1E200] =	vst v63  }
0x140: {  	s19 =	simm.s32 $0x19A00  }
0x141: {  	[tilespmem:s19], [sflag:$0xE] =	stream.indirect_vreg.gather [hbm4b:s14+s30], $0x80, v2, vm0, $0xb8;
	[tilespmem:$0x1E200] =	vst v63  }
0x142: {  	v2 =	vld.msk [tilespmem:s0+$0x100], $0xff;
	_ =	sdelay $0x4  }
0x143: {  	v3 =	vshll.u32 v2, $0x3  }
0x144: {  	v2 =	vand.u32 $0x7, v2;
	v3 =	vand.u32 $0xFFFFFFC0, v3  }
0x145: {  	v2 =	vor.u32 v2, v3  }
0x146: {  	v2 =	vperm.xlane v2, v0;
	_ =	sdelay $0x1  }
0x147: {  	v2 =	vadd.s32 v1, v2;
	_ =	sdelay $0x3  }
0x148: {  	s24 =	simm.s32 $0x1A200  }
0x149: {  	[tilespmem:s24], [sflag:$0xF] =	stream.indirect_vreg.gather [hbm4b:s2+s30], $0x80, v2, vm0, $0xb8;
	[tilespmem:$0x1E200] =	vst v63  }
0x14a: {  	s8 =	simm.s32 $0x1AA00  }
0x14b: {  	[tilespmem:s8], [sflag:$0xF] =	stream.indirect_vreg.gather [hbm4b:s12+s30], $0x80, v2, vm0, $0xb8;
	[tilespmem:$0x1E200] =	vst v63  }
0x14c: {  	s11 =	simm.s32 $0x1B200  }
0x14d: {  	[tilespmem:s11], [sflag:$0xF] =	stream.indirect_vreg.gather [hbm4b:s13+s30], $0x80, v2, vm0, $0xb8;
	[tilespmem:$0x1E200] =	vst v63  }
0x14e: {  	s19 =	simm.s32 $0x1BA00  }
0x14f: {  	[tilespmem:s19], [sflag:$0xF] =	stream.indirect_vreg.gather [hbm4b:s14+s30], $0x80, v2, vm0, $0xb8;
	[tilespmem:$0x1E200] =	vst v63  }
0x150: {  	v2 =	vld.msk [tilespmem:s0+$0x180], $0xff;
	_ =	sdelay $0x4  }
0x151: {  	v3 =	vshll.u32 v2, $0x3  }
0x152: {  	v2 =	vand.u32 $0x7, v2;
	v3 =	vand.u32 $0xFFFFFFC0, v3  }
0x153: {  	v2 =	vor.u32 v2, v3  }
0x154: {  	v2 =	vperm.xlane v2, v0;
	_ =	sdelay $0x1  }
0x155: {  	v2 =	vadd.s32 v1, v2;
	_ =	sdelay $0x3  }
0x156: {  	s24 =	simm.s32 $0x1C200  }
0x157: {  	[tilespmem:s24], [sflag:$0x10] =	stream.indirect_vreg.gather [hbm4b:s2+s30], $0x80, v2, vm0, $0xb8;
	[tilespmem:$0x1E200] =	vst v63  }
0x158: {  	s4 =	simm.s32 $0x1CA00  }
0x159: {  	[tilespmem:s4], [sflag:$0x10] =	stream.indirect_vreg.gather [hbm4b:s12+s30], $0x80, v2, vm0, $0xb8;
	[tilespmem:$0x1E200] =	vst v63  }
0x15a: {  	s8 =	simm.s32 $0x1D200  }
0x15b: {  	[tilespmem:s8], [sflag:$0x10] =	stream.indirect_vreg.gather [hbm4b:s13+s30], $0x80, v2, vm0, $0xb8;
	[tilespmem:$0x1E200] =	vst v63  }
0x15c: {  	s11 =	simm.s32 $0x1DA00  }
0x15d: {  	[tilespmem:s11], [sflag:$0x10] =	stream.indirect_vreg.gather [hbm4b:s14+s30], $0x80, v2, vm0, $0xb8;
	[tilespmem:$0x1E200] =	vst v63  }
0x15e: {  	_ =	swait.ge [sflag:s21], $0x2000  }
0x15f: {  	s19 =	sand.u32 $0x70, s30;
	s24 =	sand.u32 $0x1C00, s30;
	[sflag:s21] =	ssyncset.done $0x0  }
0x160: {  	s29 =	sor.u32 s19, s24;
	[sflag:s21] =	ssyncadd.s32 $0xFFFFE000  }
0x161: {  	v7 =	vld [tilespmem:s29+$0x200]  }
0x162: {  	v2 =	vld [tilespmem:s29+$0x280]  }
0x163: {  	v3 =	vld [tilespmem:s29+$0x300]  }
0x164: {  	v4 =	vld [tilespmem:s29+$0x380]  }
0x165: {  	v5 =	vld [tilespmem:s29+$0x400]  }
0x166: {  	v8 =	vld [tilespmem:s29+$0x480]  }
0x167: {  	v9 =	vld [tilespmem:s29+$0x500]  }
0x168: {  	v6 =	vld [tilespmem:s29+$0xA280]  }
0x169: {  	v10 =	vld [tilespmem:s29+$0xA300]  }
0x16a: {  	v11 =	vld [tilespmem:s29+$0xA380]  }
0x16b: {  	v12 =	vld [tilespmem:s29+$0xA400]  }
0x16c: {  	s24 =	simm.s32 $0x80;
	s11 =	simm.s32 $0x10;
	v13 =	vld [tilespmem:s29+$0xA480]  }
0x16d: {  	s8 =	sand.u32 $0x1C00, s24;
	s4 =	sand.u32 $0x70, s11;
	v14 =	vld [tilespmem:s29+$0xA500];
	v6 =	vadd.f32 v6, v2  }
0x16e: {  	s4 =	sor.u32 s4, s8;
	v15 =	vld [tilespmem:s29+$0xA200];
	v3 =	vadd.f32 v10, v3  }
0x16f: {  	v2 =	vld [tilespmem:s4+$0x200];
	v10 =	vadd.f32 v11, v4;
	[tilespmem:s29+$0xA280] =	vst v6  }
0x170: {  	v5 =	vadd.f32 v12, v5;
	v6 =	vld [tilespmem:s4+$0x280];
	[tilespmem:s29+$0xA300] =	vst v3  }
0x171: {  	v8 =	vadd.f32 v13, v8;
	v4 =	vld [tilespmem:s4+$0x300];
	[tilespmem:s29+$0xA380] =	vst v10  }
0x172: {  	v9 =	vadd.f32 v14, v9;
	v3 =	vld [tilespmem:s4+$0x380];
	[tilespmem:s29+$0xA400] =	vst v5  }
0x173: {  	v5 =	vld [tilespmem:s4+$0x400];
	[tilespmem:s29+$0xA480] =	vst v8;
	v8 =	vadd.f32 v15, v7  }
0x174: {  	s19 =	sor.u32 s30, s30;
	v7 =	vld [tilespmem:s4+$0x480];
	[tilespmem:s29+$0xA500] =	vst v9  }
0x175: {  	s0 =	sor.u32 $0x380, s19;
	v9 =	vld [tilespmem:s29+$0xA580];
	[tilespmem:s29+$0xA200] =	vst v8  }
0x176: {  	v14 =	vld [tilespmem:s0+$0x200]  }
0x177: {  	v8 =	vld [tilespmem:s4+$0x500]  }
0x178: {  	v13 =	vld [tilespmem:s4+$0xA280]  }
0x179: {  	v12 =	vld [tilespmem:s4+$0xA300]  }
0x17a: {  	v11 =	vld [tilespmem:s4+$0xA380]  }
0x17b: {  	v10 =	vld [tilespmem:s4+$0xA400];
	v14 =	vadd.f32 v9, v14  }
0x17c: {  	s30 =	simm.s32 $0x100;
	s0 =	simm.s32 $0x20;
	v9 =	vld [tilespmem:s4+$0xA480]  }
.LBB2_7:
0x17d: {  	s19 =	sand.u32 $0x70, s0;
	s8 =	sand.u32 $0x1C00, s30;
	p0 =	sne.s32 s0, $0x3F0;
	v6 =	vadd.f32 v13, v6;
	v13 =	vld [tilespmem:s4+$0xA500];
	[tilespmem:s29+$0xA580] =	vst v14  }
0x17e: {  	s29 =	smov.u32 s4;
	v14 =	vld [tilespmem:s4+$0xA200];
	v4 =	vadd.f32 v12, v4;
	s4 =	sor.u32 s19, s8  }
0x17f: {  	v12 =	vld [tilespmem:s4+$0x200];
	[tilespmem:s29+$0xA280] =	vst v6;
	v3 =	vadd.f32 v11, v3  }
0x180: {  	v6 =	vld [tilespmem:s4+$0x280];
	[tilespmem:s29+$0xA300] =	vst v4;
	v5 =	vadd.f32 v10, v5  }
0x181: {  	v4 =	vld [tilespmem:s4+$0x300];
	[tilespmem:s29+$0xA380] =	vst v3;
	v7 =	vadd.f32 v9, v7  }
0x182: {  	v3 =	vld [tilespmem:s4+$0x380];
	[tilespmem:s29+$0xA400] =	vst v5;
	v8 =	vadd.f32 v13, v8  }
0x183: {  	v5 =	vld [tilespmem:s4+$0x400];
	v9 =	vadd.f32 v14, v2;
	[tilespmem:s29+$0xA480] =	vst v7  }
0x184: {  	s8 =	sor.u32 s24, s11;
	s24 =	smov.u32 s30;
	s11 =	smov.u32 s0;
	v7 =	vld [tilespmem:s4+$0x480];
	[tilespmem:s29+$0xA500] =	vst v8;
	v2 =	vmov v12  }
0x185: {  	s8 =	sor.u32 $0x380, s8;
	[tilespmem:s29+$0xA200] =	vst v9;
	v9 =	vld [tilespmem:s29+$0xA580]  }
0x186: {  	v14 =	vld [tilespmem:s8+$0x200]  }
0x187: {  	v8 =	vld [tilespmem:s4+$0x500]  }
.Ltmp2:
0x188: {  	v13 =	vld [tilespmem:s4+$0xA280];
	(pc) =	sbr.rel @p0 .LBB2_7-.Ltmp2, $4  }
0x189: {  	v12 =	vld [tilespmem:s4+$0xA300]  }
0x18a: {  	v11 =	vld [tilespmem:s4+$0xA380]  }
0x18b: {  	v10 =	vld [tilespmem:s4+$0xA400];
	v14 =	vadd.f32 v9, v14  }
0x18c: {  	s30 =	sadd.s32 $0x80, s30;
	s0 =	sadd.s32 $0x10, s0;
	v9 =	vld [tilespmem:s4+$0xA480]  }
0x18d: {  	v15 =	vld [tilespmem:s4+$0xA500];
	v6 =	vadd.f32 v13, v6;
	[tilespmem:s29+$0xA580] =	vst v14  }
0x18e: {  	v13 =	vld [tilespmem:s4+$0xA200];
	v4 =	vadd.f32 v12, v4  }
0x18f: {  	[tilespmem:s4+$0xA280] =	vst v6;
	v3 =	vadd.f32 v11, v3  }
0x190: {  	[tilespmem:s4+$0xA300] =	vst v4;
	v4 =	vadd.f32 v10, v5  }
0x191: {  	[tilespmem:s4+$0xA380] =	vst v3;
	v3 =	vadd.f32 v9, v7  }
0x192: {  	[tilespmem:s4+$0xA400] =	vst v4;
	v4 =	vadd.f32 v15, v8  }
0x193: {  	v2 =	vadd.f32 v13, v2;
	[tilespmem:s4+$0xA480] =	vst v3  }
0x194: {  	s0 =	sor.u32 s24, s11;
	[tilespmem:s4+$0xA500] =	vst v4  }
0x195: {  	s0 =	sor.u32 $0x380, s0;
	[tilespmem:s4+$0xA200] =	vst v2;
	v2 =	vld [tilespmem:s4+$0xA580]  }
0x196: {  	v3 =	vld [tilespmem:s0+$0x200];
	_ =	sdelay $0x4  }
0x197: {  	v2 =	vadd.f32 v2, v3;
	_ =	sdelay $0x1  }
0x198: {  	s8 =	simm.s32 $0x0;
	s11 =	simm.s32 $0xA200;
	[tilespmem:s4+$0xA580] =	vst v2;
	s4 =	sadd.s32 s3, s17  }
0x199: {  	[hbm4b:s4+s8] =	stream.linear.scatter [tilespmem:s11], [sflag:$0x11], $0x2000, $0x38;
	[tilespmem:$0x1E200] =	vst v63  }
0x19a: {  	_ =	swait.ge [sflag:s23], $0x2000  }
0x19b: {  	s19 =	sand.u32 $0x70, s8;
	s24 =	sand.u32 $0x1C00, s8;
	[sflag:s23] =	ssyncset.done $0x0  }
0x19c: {  	s29 =	sor.u32 s19, s24;
	[sflag:s23] =	ssyncadd.s32 $0xFFFFE000  }
0x19d: {  	v7 =	vld [tilespmem:s29+$0x200]  }
0x19e: {  	v2 =	vld [tilespmem:s29+$0x280]  }
0x19f: {  	v3 =	vld [tilespmem:s29+$0x300]  }
0x1a0: {  	v4 =	vld [tilespmem:s29+$0x380]  }
0x1a1: {  	v5 =	vld [tilespmem:s29+$0x400]  }
0x1a2: {  	v8 =	vld [tilespmem:s29+$0x480]  }
0x1a3: {  	v9 =	vld [tilespmem:s29+$0x500]  }
0x1a4: {  	v6 =	vld [tilespmem:s29+$0xC280]  }
0x1a5: {  	v10 =	vld [tilespmem:s29+$0xC300]  }
0x1a6: {  	v11 =	vld [tilespmem:s29+$0xC380]  }
0x1a7: {  	v12 =	vld [tilespmem:s29+$0xC400]  }
0x1a8: {  	s24 =	simm.s32 $0x80;
	s11 =	simm.s32 $0x10;
	v13 =	vld [tilespmem:s29+$0xC480]  }
0x1a9: {  	s19 =	sand.u32 $0x1C00, s24;
	s4 =	sand.u32 $0x70, s11;
	v14 =	vld [tilespmem:s29+$0xC500];
	v6 =	vadd.f32 v6, v2  }
0x1aa: {  	s4 =	sor.u32 s4, s19;
	v15 =	vld [tilespmem:s29+$0xC200];
	v3 =	vadd.f32 v10, v3  }
0x1ab: {  	v2 =	vld [tilespmem:s4+$0x200];
	v10 =	vadd.f32 v11, v4;
	[tilespmem:s29+$0xC280] =	vst v6  }
0x1ac: {  	v5 =	vadd.f32 v12, v5;
	v6 =	vld [tilespmem:s4+$0x280];
	[tilespmem:s29+$0xC300] =	vst v3  }
0x1ad: {  	v8 =	vadd.f32 v13, v8;
	v4 =	vld [tilespmem:s4+$0x300];
	[tilespmem:s29+$0xC380] =	vst v10  }
0x1ae: {  	v9 =	vadd.f32 v14, v9;
	v3 =	vld [tilespmem:s4+$0x380];
	[tilespmem:s29+$0xC400] =	vst v5  }
0x1af: {  	v5 =	vld [tilespmem:s4+$0x400];
	[tilespmem:s29+$0xC480] =	vst v8;
	v8 =	vadd.f32 v15, v7  }
0x1b0: {  	s19 =	sor.u32 s8, s8;
	v7 =	vld [tilespmem:s4+$0x480];
	[tilespmem:s29+$0xC500] =	vst v9  }
0x1b1: {  	s0 =	sor.u32 $0x380, s19;
	v9 =	vld [tilespmem:s29+$0xC580];
	[tilespmem:s29+$0xC200] =	vst v8  }
0x1b2: {  	v14 =	vld [tilespmem:s0+$0x200]  }
0x1b3: {  	v8 =	vld [tilespmem:s4+$0x500]  }
0x1b4: {  	v13 =	vld [tilespmem:s4+$0xC280]  }
0x1b5: {  	v12 =	vld [tilespmem:s4+$0xC300]  }
0x1b6: {  	v11 =	vld [tilespmem:s4+$0xC380]  }
0x1b7: {  	v10 =	vld [tilespmem:s4+$0xC400];
	v14 =	vadd.f32 v9, v14  }
0x1b8: {  	s30 =	simm.s32 $0x100;
	s0 =	simm.s32 $0x20;
	v9 =	vld [tilespmem:s4+$0xC480]  }
.LBB2_9:
0x1b9: {  	s8 =	sand.u32 $0x70, s0;
	s19 =	sand.u32 $0x1C00, s30;
	p0 =	sne.s32 s0, $0x3F0;
	v6 =	vadd.f32 v13, v6;
	v13 =	vld [tilespmem:s4+$0xC500];
	[tilespmem:s29+$0xC580] =	vst v14  }
0x1ba: {  	s29 =	smov.u32 s4;
	v14 =	vld [tilespmem:s4+$0xC200];
	v4 =	vadd.f32 v12, v4;
	s4 =	sor.u32 s8, s19  }
0x1bb: {  	v12 =	vld [tilespmem:s4+$0x200];
	[tilespmem:s29+$0xC280] =	vst v6;
	v3 =	vadd.f32 v11, v3  }
0x1bc: {  	v6 =	vld [tilespmem:s4+$0x280];
	[tilespmem:s29+$0xC300] =	vst v4;
	v5 =	vadd.f32 v10, v5  }
0x1bd: {  	v4 =	vld [tilespmem:s4+$0x300];
	[tilespmem:s29+$0xC380] =	vst v3;
	v7 =	vadd.f32 v9, v7  }
0x1be: {  	v3 =	vld [tilespmem:s4+$0x380];
	[tilespmem:s29+$0xC400] =	vst v5;
	v8 =	vadd.f32 v13, v8  }
0x1bf: {  	v5 =	vld [tilespmem:s4+$0x400];
	v9 =	vadd.f32 v14, v2;
	[tilespmem:s29+$0xC480] =	vst v7  }
0x1c0: {  	s8 =	sor.u32 s24, s11;
	s24 =	smov.u32 s30;
	s11 =	smov.u32 s0;
	v7 =	vld [tilespmem:s4+$0x480];
	[tilespmem:s29+$0xC500] =	vst v8;
	v2 =	vmov v12  }
0x1c1: {  	s8 =	sor.u32 $0x380, s8;
	[tilespmem:s29+$0xC200] =	vst v9;
	v9 =	vld [tilespmem:s29+$0xC580]  }
0x1c2: {  	v14 =	vld [tilespmem:s8+$0x200]  }
0x1c3: {  	v8 =	vld [tilespmem:s4+$0x500]  }
.Ltmp3:
0x1c4: {  	v13 =	vld [tilespmem:s4+$0xC280];
	(pc) =	sbr.rel @p0 .LBB2_9-.Ltmp3, $4  }
0x1c5: {  	v12 =	vld [tilespmem:s4+$0xC300]  }
0x1c6: {  	v11 =	vld [tilespmem:s4+$0xC380]  }
0x1c7: {  	v10 =	vld [tilespmem:s4+$0xC400];
	v14 =	vadd.f32 v9, v14  }
0x1c8: {  	s30 =	sadd.s32 $0x80, s30;
	s0 =	sadd.s32 $0x10, s0;
	v9 =	vld [tilespmem:s4+$0xC480]  }
0x1c9: {  	v15 =	vld [tilespmem:s4+$0xC500];
	v6 =	vadd.f32 v13, v6;
	[tilespmem:s29+$0xC580] =	vst v14  }
0x1ca: {  	v63 =	vld [tilespmem:s4+$0xC200];
	v4 =	vadd.f32 v12, v4  }
0x1cb: {  	[tilespmem:s4+$0xC280] =	vst v6;
	v3 =	vadd.f32 v11, v3  }
0x1cc: {  	[tilespmem:s4+$0xC300] =	vst v4;
	v4 =	vadd.f32 v10, v5  }
0x1cd: {  	[tilespmem:s4+$0xC380] =	vst v3;
	v3 =	vadd.f32 v9, v7  }
0x1ce: {  	[tilespmem:s4+$0xC400] =	vst v4;
	v4 =	vadd.f32 v15, v8  }
0x1cf: {  	v2 =	vadd.f32 v63, v2;
	[tilespmem:s4+$0xC480] =	vst v3  }
0x1d0: {  	s0 =	sor.u32 s24, s11;
	[tilespmem:s4+$0xC500] =	vst v4  }
0x1d1: {  	s0 =	sor.u32 $0x380, s0;
	[tilespmem:s4+$0xC200] =	vst v2;
	v2 =	vld [tilespmem:s4+$0xC580]  }
0x1d2: {  	v3 =	vld [tilespmem:s0+$0x200];
	_ =	sdelay $0x4  }
0x1d3: {  	v2 =	vadd.f32 v2, v3  }
0x1d4: {  	s11 =	simm.s32 $0x0  }
0x1d5: {  	s8 =	simm.s32 $0xC200;
	s19 =	simm.s32 $0x3;
	[tilespmem:s4+$0xC580] =	vst v2;
	s4 =	sadd.s32 s3, s18  }
0x1d6: {  	[hbm4b:s4+s11] =	stream.linear.scatter [tilespmem:s8], [sflag:$0x11], $0x2000, $0x38;
	[tilespmem:$0x1E200] =	vst v63  }
0x1d7: {  	_ =	swait.ge [sflag:s19], $0x2000  }
0x1d8: {  	[sflag:s19] =	ssyncset.done $0x0  }
0x1d9: {  	s24 =	simm.s32 $0x9;
	[sflag:s19] =	ssyncadd.s32 $0xFFFFE000  }
0x1da: {  	_ =	swait.ge [sflag:s24], $0x2000  }
0x1db: {  	s29 =	sand.u32 $0x70, s11;
	s30 =	sand.u32 $0x1C00, s11;
	[sflag:s24] =	ssyncset.done $0x0  }
0x1dc: {  	s3 =	sor.u32 s29, s30;
	[sflag:s24] =	ssyncadd.s32 $0xFFFFE000  }
0x1dd: {  	v4 =	vld [tilespmem:s3+$0xE500]  }
0x1de: {  	v2 =	vld [tilespmem:s3+$0xE400]  }
0x1df: {  	v3 =	vld [tilespmem:s3+$0x2380]  }
0x1e0: {  	v5 =	vld [tilespmem:s3+$0x2300]  }
0x1e1: {  	v6 =	vld [tilespmem:s3+$0xE300]  }
0x1e2: {  	v8 =	vld [tilespmem:s3+$0xE280]  }
0x1e3: {  	s4 =	sor.u32 s11, s11;
	s24 =	simm.s32 $0x10;
	v7 =	vld [tilespmem:s3+$0xE200]  }
.LBB2_11:
0x1e4: {  	p0 =	sne.s32 s24, $0x3F0  }
0x1e5: {  	v9 =	vld [tilespmem:s3+$0x2280];
	s11 =	sadd.s32 $0x80, s11;
	s0 =	smov.u32 s24;
	s24 =	sadd.s32 $0x10, s24  }
0x1e6: {  	s8 =	sor.u32 s11, s0;
	v10 =	vld [tilespmem:s3+$0x2200]  }
0x1e7: {  	v11 =	vld [tilespmem:s3+$0x2500]  }
0x1e8: {  	v12 =	vld [tilespmem:s3+$0x2400]  }
0x1e9: {  	v13 =	vld [tilespmem:s3+$0xE380]  }
0x1ea: {  	v8 =	vadd.f32 v8, v9;
	v9 =	vld [tilespmem:s3+$0xE480]  }
0x1eb: {  	v5 =	vadd.f32 v6, v5;
	v7 =	vadd.f32 v7, v10;
	v6 =	vld [tilespmem:s3+$0x2480]  }
0x1ec: {  	[tilespmem:s3+$0xE280] =	vst v8;
	v4 =	vadd.f32 v4, v11  }
0x1ed: {  	[tilespmem:s3+$0xE300] =	vst v5;
	v2 =	vadd.f32 v2, v12  }
0x1ee: {  	[tilespmem:s3+$0xE200] =	vst v7;
	v3 =	vadd.f32 v13, v3  }
0x1ef: {  	[tilespmem:s3+$0xE500] =	vst v4  }
0x1f0: {  	[tilespmem:s3+$0xE380] =	vst v3;
	v3 =	vadd.f32 v9, v6  }
0x1f1: {  	[tilespmem:s3+$0xE400] =	vst v2  }
0x1f2: {  	s29 =	sor.u32 $0x380, s4;
	s0 =	sand.u32 $0x70, s0;
	s19 =	sand.u32 $0x1C00, s11;
	[tilespmem:s3+$0xE480] =	vst v3  }
0x1f3: {  	s4 =	smov.u32 s8;
	s3 =	sor.u32 s0, s19;
	v2 =	vld [tilespmem:s29+$0x2200]  }
0x1f4: {  	v3 =	vld [tilespmem:s29+$0xE200];
	_ =	sdelay $0x4  }
0x1f5: {  	v2 =	vadd.f32 v3, v2;
	_ =	sdelay $0x1  }
0x1f6: {  	[tilespmem:s29+$0xE200] =	vst v2  }
0x1f7: {  	v4 =	vld [tilespmem:s3+$0xE500]  }
0x1f8: {  	v2 =	vld [tilespmem:s3+$0xE400]  }
.Ltmp4:
0x1f9: {  	v3 =	vld [tilespmem:s3+$0x2380];
	(pc) =	sbr.rel @p0 .LBB2_11-.Ltmp4, $4  }
0x1fa: {  	v5 =	vld [tilespmem:s3+$0x2300]  }
0x1fb: {  	v6 =	vld [tilespmem:s3+$0xE300]  }
0x1fc: {  	v8 =	vld [tilespmem:s3+$0xE280]  }
0x1fd: {  	v7 =	vld [tilespmem:s3+$0xE200]  }
0x1fe: {  	v9 =	vld [tilespmem:s3+$0x2280]  }
0x1ff: {  	v10 =	vld [tilespmem:s3+$0x2200]  }
0x200: {  	v11 =	vld [tilespmem:s3+$0x2500]  }
0x201: {  	v12 =	vld [tilespmem:s3+$0x2400]  }
0x202: {  	v13 =	vld [tilespmem:s3+$0xE380]  }
0x203: {  	v5 =	vadd.f32 v6, v5;
	v6 =	vld [tilespmem:s3+$0x2480]  }
0x204: {  	v8 =	vadd.f32 v8, v9;
	v9 =	vld [tilespmem:s3+$0xE480]  }
0x205: {  	[tilespmem:s3+$0xE300] =	vst v5;
	v7 =	vadd.f32 v7, v10  }
0x206: {  	v4 =	vadd.f32 v4, v11;
	[tilespmem:s3+$0xE280] =	vst v8  }
0x207: {  	v3 =	vadd.f32 v13, v3;
	[tilespmem:s3+$0xE200] =	vst v7  }
0x208: {  	v2 =	vadd.f32 v2, v12;
	[tilespmem:s3+$0xE500] =	vst v4  }
0x209: {  	[tilespmem:s3+$0xE380] =	vst v3;
	v3 =	vadd.f32 v9, v6  }
0x20a: {  	[tilespmem:s3+$0xE400] =	vst v2  }
0x20b: {  	s0 =	sor.u32 $0x380, s4;
	[tilespmem:s3+$0xE480] =	vst v3  }
0x20c: {  	v2 =	vld [tilespmem:s0+$0x2200]  }
0x20d: {  	v3 =	vld [tilespmem:s0+$0xE200];
	_ =	sdelay $0x3  }
0x20e: {  	s4 =	rddreg [dreg:$0xb]  }
0x20f: {  	s3 =	sadd.s32 s22, s4;
	v2 =	vadd.f32 v3, v2  }
0x210: {  	s8 =	rddreg [dreg:$0x3];
	s3 =	sshll.u32 s3, $0x7  }
0x211: {  	s11 =	simm.s32 $0xE200;
	[tilespmem:s0+$0xE200] =	vst v2;
	s0 =	sadd.s32 s8, s3;
	s8 =	simm.s32 $0x0  }
0x212: {  	[hbm4b:s0+s8] =	stream.linear.scatter [tilespmem:s11], [sflag:$0x12], $0x2000, $0x38;
	[tilespmem:$0x1E200] =	vst v63  }
0x213: {  	s11 =	simm.s32 $0xA  }
0x214: {  	_ =	swait.ge [sflag:s11], $0x2000  }
0x215: {  	s19 =	sand.u32 $0x70, s8;
	s24 =	sand.u32 $0x1C00, s8;
	[sflag:s11] =	ssyncset.done $0x0  }
0x216: {  	s29 =	sor.u32 s19, s24;
	[sflag:s11] =	ssyncadd.s32 $0xFFFFE000  }
0x217: {  	v7 =	vld [tilespmem:s29+$0x2200]  }
0x218: {  	v2 =	vld [tilespmem:s29+$0x2280]  }
0x219: {  	v3 =	vld [tilespmem:s29+$0x2300]  }
0x21a: {  	v4 =	vld [tilespmem:s29+$0x2380]  }
0x21b: {  	v5 =	vld [tilespmem:s29+$0x2400]  }
0x21c: {  	v8 =	vld [tilespmem:s29+$0x2480]  }
0x21d: {  	v9 =	vld [tilespmem:s29+$0x2500]  }
0x21e: {  	v6 =	vld [tilespmem:s29+$0x10280]  }
0x21f: {  	v10 =	vld [tilespmem:s29+$0x10300]  }
0x220: {  	v11 =	vld [tilespmem:s29+$0x10380]  }
0x221: {  	v12 =	vld [tilespmem:s29+$0x10400]  }
0x222: {  	s24 =	simm.s32 $0x80;
	s11 =	simm.s32 $0x10;
	v13 =	vld [tilespmem:s29+$0x10480]  }
0x223: {  	s19 =	sand.u32 $0x1C00, s24;
	s4 =	sand.u32 $0x70, s11;
	v14 =	vld [tilespmem:s29+$0x10500];
	v6 =	vadd.f32 v6, v2  }
0x224: {  	v15 =	vld [tilespmem:s29+$0x10200];
	s4 =	sor.u32 s4, s19;
	v3 =	vadd.f32 v10, v3  }
0x225: {  	v2 =	vld [tilespmem:s4+$0x2200];
	v10 =	vadd.f32 v11, v4;
	[tilespmem:s29+$0x10280] =	vst v6  }
0x226: {  	v5 =	vadd.f32 v12, v5;
	v6 =	vld [tilespmem:s4+$0x2280];
	[tilespmem:s29+$0x10300] =	vst v3  }
0x227: {  	v8 =	vadd.f32 v13, v8;
	v4 =	vld [tilespmem:s4+$0x2300];
	[tilespmem:s29+$0x10380] =	vst v10  }
0x228: {  	v9 =	vadd.f32 v14, v9;
	v3 =	vld [tilespmem:s4+$0x2380];
	[tilespmem:s29+$0x10400] =	vst v5  }
0x229: {  	v5 =	vld [tilespmem:s4+$0x2400];
	[tilespmem:s29+$0x10480] =	vst v8;
	v8 =	vadd.f32 v15, v7  }
0x22a: {  	s19 =	sor.u32 s8, s8;
	v7 =	vld [tilespmem:s4+$0x2480];
	[tilespmem:s29+$0x10500] =	vst v9  }
0x22b: {  	s0 =	sor.u32 $0x380, s19;
	v9 =	vld [tilespmem:s29+$0x10580];
	[tilespmem:s29+$0x10200] =	vst v8  }
0x22c: {  	v14 =	vld [tilespmem:s0+$0x2200]  }
0x22d: {  	v8 =	vld [tilespmem:s4+$0x2500]  }
0x22e: {  	v13 =	vld [tilespmem:s4+$0x10280]  }
0x22f: {  	v12 =	vld [tilespmem:s4+$0x10300]  }
0x230: {  	v11 =	vld [tilespmem:s4+$0x10380]  }
0x231: {  	v10 =	vld [tilespmem:s4+$0x10400];
	v14 =	vadd.f32 v9, v14  }
0x232: {  	s30 =	simm.s32 $0x100;
	s0 =	simm.s32 $0x20;
	v9 =	vld [tilespmem:s4+$0x10480]  }
.LBB2_13:
0x233: {  	s8 =	sand.u32 $0x70, s0;
	s19 =	sand.u32 $0x1C00, s30;
	p0 =	sne.s32 s0, $0x3F0;
	v6 =	vadd.f32 v13, v6;
	v13 =	vld [tilespmem:s4+$0x10500];
	[tilespmem:s29+$0x10580] =	vst v14  }
0x234: {  	s29 =	smov.u32 s4;
	v14 =	vld [tilespmem:s4+$0x10200];
	v4 =	vadd.f32 v12, v4;
	s4 =	sor.u32 s8, s19  }
0x235: {  	v12 =	vld [tilespmem:s4+$0x2200];
	[tilespmem:s29+$0x10280] =	vst v6;
	v3 =	vadd.f32 v11, v3  }
0x236: {  	v6 =	vld [tilespmem:s4+$0x2280];
	[tilespmem:s29+$0x10300] =	vst v4;
	v5 =	vadd.f32 v10, v5  }
0x237: {  	v4 =	vld [tilespmem:s4+$0x2300];
	[tilespmem:s29+$0x10380] =	vst v3;
	v7 =	vadd.f32 v9, v7  }
0x238: {  	v3 =	vld [tilespmem:s4+$0x2380];
	[tilespmem:s29+$0x10400] =	vst v5;
	v8 =	vadd.f32 v13, v8  }
0x239: {  	v5 =	vld [tilespmem:s4+$0x2400];
	v9 =	vadd.f32 v14, v2;
	[tilespmem:s29+$0x10480] =	vst v7  }
0x23a: {  	s8 =	sor.u32 s24, s11;
	s24 =	smov.u32 s30;
	s11 =	smov.u32 s0;
	v7 =	vld [tilespmem:s4+$0x2480];
	[tilespmem:s29+$0x10500] =	vst v8;
	v2 =	vmov v12  }
0x23b: {  	s8 =	sor.u32 $0x380, s8;
	[tilespmem:s29+$0x10200] =	vst v9;
	v9 =	vld [tilespmem:s29+$0x10580]  }
0x23c: {  	v14 =	vld [tilespmem:s8+$0x2200]  }
0x23d: {  	v8 =	vld [tilespmem:s4+$0x2500]  }
.Ltmp5:
0x23e: {  	v13 =	vld [tilespmem:s4+$0x10280];
	(pc) =	sbr.rel @p0 .LBB2_13-.Ltmp5, $4  }
0x23f: {  	v12 =	vld [tilespmem:s4+$0x10300]  }
0x240: {  	v11 =	vld [tilespmem:s4+$0x10380]  }
0x241: {  	v10 =	vld [tilespmem:s4+$0x10400];
	v14 =	vadd.f32 v9, v14  }
0x242: {  	s30 =	sadd.s32 $0x80, s30;
	s0 =	sadd.s32 $0x10, s0;
	v9 =	vld [tilespmem:s4+$0x10480]  }
0x243: {  	v15 =	vld [tilespmem:s4+$0x10500];
	v6 =	vadd.f32 v13, v6;
	[tilespmem:s29+$0x10580] =	vst v14  }
0x244: {  	v13 =	vld [tilespmem:s4+$0x10200];
	v4 =	vadd.f32 v12, v4  }
0x245: {  	[tilespmem:s4+$0x10280] =	vst v6;
	v3 =	vadd.f32 v11, v3  }
0x246: {  	[tilespmem:s4+$0x10300] =	vst v4;
	v4 =	vadd.f32 v10, v5  }
0x247: {  	[tilespmem:s4+$0x10380] =	vst v3;
	v3 =	vadd.f32 v9, v7  }
0x248: {  	[tilespmem:s4+$0x10400] =	vst v4;
	v4 =	vadd.f32 v15, v8  }
0x249: {  	v2 =	vadd.f32 v13, v2;
	[tilespmem:s4+$0x10480] =	vst v3  }
0x24a: {  	s0 =	sor.u32 s24, s11;
	[tilespmem:s4+$0x10500] =	vst v4  }
0x24b: {  	s0 =	sor.u32 $0x380, s0;
	[tilespmem:s4+$0x10200] =	vst v2;
	v2 =	vld [tilespmem:s4+$0x10580]  }
0x24c: {  	v3 =	vld [tilespmem:s0+$0x2200];
	_ =	sdelay $0x4  }
0x24d: {  	v2 =	vadd.f32 v2, v3;
	_ =	sdelay $0x1  }
0x24e: {  	s8 =	sadd.s32 s3, s16;
	s30 =	simm.s32 $0x0;
	s11 =	simm.s32 $0x10200;
	[tilespmem:s4+$0x10580] =	vst v2  }
0x24f: {  	[hbm4b:s8+s30] =	stream.linear.scatter [tilespmem:s11], [sflag:$0x12], $0x2000, $0x38;
	[tilespmem:$0x1E200] =	vst v63  }
0x250: {  	_ =	swait.ge [sflag:s7], $0x2000  }
0x251: {  	[sflag:s7] =	ssyncset.done $0x0  }
0x252: {  	[sflag:s7] =	ssyncadd.s32 $0xFFFFE000  }
0x253: {  	_ =	swait.ge [sflag:s7], $0x2000  }
0x254: {  	[sflag:s7] =	ssyncset.done $0x0  }
0x255: {  	[sflag:s7] =	ssyncadd.s32 $0xFFFFE000  }
0x256: {  	_ =	swait.ge [sflag:s7], $0x2000  }
0x257: {  	[sflag:s7] =	ssyncset.done $0x0  }
0x258: {  	[sflag:s7] =	ssyncadd.s32 $0xFFFFE000  }
0x259: {  	_ =	swait.ge [sflag:s7], $0x2000  }
0x25a: {  	s0 =	sadd.s32 $0x18, s22;
	[sflag:s7] =	ssyncset.done $0x0  }
0x25b: {  	s19 =	sadd.s32 s6, s0;
	[sflag:s7] =	ssyncadd.s32 $0xFFFFE000  }
0x25c: {  	s4 =	sshll.u32 s19, $0x7;
	s8 =	rddreg [dreg:$0x2]  }
0x25d: {  	s24 =	simm.s32 $0x200;
	s4 =	sadd.s32 s8, s4  }
0x25e: {  	[tilespmem:s24], [sflag:$0x2] =	stream.linear.gather [hbm4b:s4+s30], $0x2000, $0x38;
	[tilespmem:$0x1E200] =	vst v63  }
0x25f: {  	v2 =	vld.msk [tilespmem:s22+$0x18], $0xff;
	_ =	sdelay $0x4  }
0x260: {  	v3 =	vshll.u32 v2, $0x3  }
0x261: {  	v2 =	vand.u32 $0x7, v2;
	v3 =	vand.u32 $0xFFFFFFC0, v3  }
0x262: {  	v2 =	vor.u32 v2, v3  }
0x263: {  	v2 =	vperm.xlane v2, v0;
	_ =	sdelay $0x1  }
0x264: {  	v2 =	vadd.s32 v1, v2;
	_ =	sdelay $0x3  }
0x265: {  	s8 =	simm.s32 $0x6200  }
0x266: {  	[tilespmem:s8], [sflag:$0x5] =	stream.indirect_vreg.gather [hbm4b:s2+s30], $0x80, v2, vm0, $0xb8;
	[tilespmem:$0x1E200] =	vst v63  }
0x267: {  	s11 =	simm.s32 $0x6A00  }
0x268: {  	[tilespmem:s11], [sflag:$0x5] =	stream.indirect_vreg.gather [hbm4b:s12+s30], $0x80, v2, vm0, $0xb8;
	[tilespmem:$0x1E200] =	vst v63  }
0x269: {  	s19 =	simm.s32 $0x7200;
	s24 =	sand.u32 $0x180, s0  }
0x26a: {  	[tilespmem:s19], [sflag:$0x5] =	stream.indirect_vreg.gather [hbm4b:s13+s30], $0x80, v2, vm0, $0xb8;
	[tilespmem:$0x1E200] =	vst v63  }
0x26b: {  	s0 =	sadd.s32 s0, s24;
	s11 =	simm.s32 $0x7A00  }
0x26c: {  	[tilespmem:s11], [sflag:$0x5] =	stream.indirect_vreg.gather [hbm4b:s14+s30], $0x80, v2, vm0, $0xb8;
	[tilespmem:$0x1E200] =	vst v63  }
0x26d: {  	v2 =	vld.msk [tilespmem:s0+$0x80], $0xff;
	_ =	sdelay $0x4  }
0x26e: {  	v3 =	vshll.u32 v2, $0x3  }
0x26f: {  	v2 =	vand.u32 $0x7, v2;
	v3 =	vand.u32 $0xFFFFFFC0, v3  }
0x270: {  	v2 =	vor.u32 v2, v3  }
0x271: {  	v2 =	vperm.xlane v2, v0;
	_ =	sdelay $0x1  }
0x272: {  	v2 =	vadd.s32 v1, v2;
	_ =	sdelay $0x3  }
0x273: {  	s19 =	simm.s32 $0x8200  }
0x274: {  	[tilespmem:s19], [sflag:$0x6] =	stream.indirect_vreg.gather [hbm4b:s2+s30], $0x80, v2, vm0, $0xb8;
	[tilespmem:$0x1E200] =	vst v63  }
0x275: {  	s24 =	simm.s32 $0x8A00  }
0x276: {  	[tilespmem:s24], [sflag:$0x6] =	stream.indirect_vreg.gather [hbm4b:s12+s30], $0x80, v2, vm0, $0xb8;
	[tilespmem:$0x1E200] =	vst v63  }
0x277: {  	s8 =	simm.s32 $0x9200  }
0x278: {  	[tilespmem:s8], [sflag:$0x6] =	stream.indirect_vreg.gather [hbm4b:s13+s30], $0x80, v2, vm0, $0xb8;
	[tilespmem:$0x1E200] =	vst v63  }
0x279: {  	s11 =	simm.s32 $0x9A00  }
0x27a: {  	[tilespmem:s11], [sflag:$0x6] =	stream.indirect_vreg.gather [hbm4b:s14+s30], $0x80, v2, vm0, $0xb8;
	[tilespmem:$0x1E200] =	vst v63  }
0x27b: {  	v2 =	vld.msk [tilespmem:s0+$0x100], $0xff;
	_ =	sdelay $0x4  }
0x27c: {  	v3 =	vshll.u32 v2, $0x3  }
0x27d: {  	v2 =	vand.u32 $0x7, v2;
	v3 =	vand.u32 $0xFFFFFFC0, v3  }
0x27e: {  	v2 =	vor.u32 v2, v3  }
0x27f: {  	v2 =	vperm.xlane v2, v0;
	_ =	sdelay $0x1  }
0x280: {  	v2 =	vadd.s32 v1, v2;
	_ =	sdelay $0x3  }
0x281: {  	s19 =	simm.s32 $0xA200  }
0x282: {  	[tilespmem:s19], [sflag:$0x7] =	stream.indirect_vreg.gather [hbm4b:s2+s30], $0x80, v2, vm0, $0xb8;
	[tilespmem:$0x1E200] =	vst v63  }
0x283: {  	s24 =	simm.s32 $0xAA00  }
0x284: {  	[tilespmem:s24], [sflag:$0x7] =	stream.indirect_vreg.gather [hbm4b:s12+s30], $0x80, v2, vm0, $0xb8;
	[tilespmem:$0x1E200] =	vst v63  }
0x285: {  	s8 =	simm.s32 $0xB200  }
0x286: {  	[tilespmem:s8], [sflag:$0x7] =	stream.indirect_vreg.gather [hbm4b:s13+s30], $0x80, v2, vm0, $0xb8;
	[tilespmem:$0x1E200] =	vst v63  }
0x287: {  	s11 =	simm.s32 $0xBA00  }
0x288: {  	[tilespmem:s11], [sflag:$0x7] =	stream.indirect_vreg.gather [hbm4b:s14+s30], $0x80, v2, vm0, $0xb8;
	[tilespmem:$0x1E200] =	vst v63  }
0x289: {  	v2 =	vld.msk [tilespmem:s0+$0x180], $0xff;
	_ =	sdelay $0x4  }
0x28a: {  	v3 =	vshll.u32 v2, $0x3  }
0x28b: {  	v2 =	vand.u32 $0x7, v2;
	v3 =	vand.u32 $0xFFFFFFC0, v3  }
0x28c: {  	v2 =	vor.u32 v2, v3  }
0x28d: {  	v2 =	vperm.xlane v2, v0;
	_ =	sdelay $0x1  }
0x28e: {  	v2 =	vadd.s32 v1, v2;
	_ =	sdelay $0x3  }
0x28f: {  	s19 =	simm.s32 $0xC200  }
0x290: {  	[tilespmem:s19], [sflag:$0x8] =	stream.indirect_vreg.gather [hbm4b:s2+s30], $0x80, v2, vm0, $0xb8;
	[tilespmem:$0x1E200] =	vst v63  }
0x291: {  	s24 =	simm.s32 $0xCA00  }
0x292: {  	[tilespmem:s24], [sflag:$0x8] =	stream.indirect_vreg.gather [hbm4b:s12+s30], $0x80, v2, vm0, $0xb8;
	[tilespmem:$0x1E200] =	vst v63  }
0x293: {  	s4 =	simm.s32 $0xD200  }
0x294: {  	[tilespmem:s4], [sflag:$0x8] =	stream.indirect_vreg.gather [hbm4b:s13+s30], $0x80, v2, vm0, $0xb8;
	[tilespmem:$0x1E200] =	vst v63  }
0x295: {  	s8 =	simm.s32 $0xDA00;
	s11 =	simm.s32 $0xB  }
0x296: {  	[tilespmem:s8], [sflag:$0x8] =	stream.indirect_vreg.gather [hbm4b:s14+s30], $0x80, v2, vm0, $0xb8;
	[tilespmem:$0x1E200] =	vst v63  }
0x297: {  	_ =	swait.ge [sflag:s11], $0x2000  }
0x298: {  	s19 =	sand.u32 $0x70, s30;
	s24 =	sand.u32 $0x1C00, s30;
	[sflag:s11] =	ssyncset.done $0x0  }
0x299: {  	s29 =	sor.u32 s19, s24;
	[sflag:s11] =	ssyncadd.s32 $0xFFFFE000  }
0x29a: {  	v7 =	vld [tilespmem:s29+$0x2200]  }
0x29b: {  	v2 =	vld [tilespmem:s29+$0x2280]  }
0x29c: {  	v3 =	vld [tilespmem:s29+$0x2300]  }
0x29d: {  	v4 =	vld [tilespmem:s29+$0x2380]  }
0x29e: {  	v5 =	vld [tilespmem:s29+$0x2400]  }
0x29f: {  	v8 =	vld [tilespmem:s29+$0x2480]  }
0x2a0: {  	v9 =	vld [tilespmem:s29+$0x2500]  }
0x2a1: {  	v6 =	vld [tilespmem:s29+$0x12280]  }
0x2a2: {  	v10 =	vld [tilespmem:s29+$0x12300]  }
0x2a3: {  	v11 =	vld [tilespmem:s29+$0x12380]  }
0x2a4: {  	v12 =	vld [tilespmem:s29+$0x12400]  }
0x2a5: {  	s24 =	simm.s32 $0x80;
	s11 =	simm.s32 $0x10;
	v13 =	vld [tilespmem:s29+$0x12480]  }
0x2a6: {  	s8 =	sand.u32 $0x1C00, s24;
	s4 =	sand.u32 $0x70, s11;
	v14 =	vld [tilespmem:s29+$0x12500];
	v6 =	vadd.f32 v6, v2  }
0x2a7: {  	v15 =	vld [tilespmem:s29+$0x12200];
	s4 =	sor.u32 s4, s8;
	v3 =	vadd.f32 v10, v3  }
0x2a8: {  	v2 =	vld [tilespmem:s4+$0x2200];
	v10 =	vadd.f32 v11, v4;
	[tilespmem:s29+$0x12280] =	vst v6  }
0x2a9: {  	v5 =	vadd.f32 v12, v5;
	v6 =	vld [tilespmem:s4+$0x2280];
	[tilespmem:s29+$0x12300] =	vst v3  }
0x2aa: {  	v8 =	vadd.f32 v13, v8;
	v4 =	vld [tilespmem:s4+$0x2300];
	[tilespmem:s29+$0x12380] =	vst v10  }
0x2ab: {  	v9 =	vadd.f32 v14, v9;
	v3 =	vld [tilespmem:s4+$0x2380];
	[tilespmem:s29+$0x12400] =	vst v5  }
0x2ac: {  	v5 =	vld [tilespmem:s4+$0x2400];
	[tilespmem:s29+$0x12480] =	vst v8;
	v8 =	vadd.f32 v15, v7  }
0x2ad: {  	s19 =	sor.u32 s30, s30;
	v7 =	vld [tilespmem:s4+$0x2480];
	[tilespmem:s29+$0x12500] =	vst v9  }
0x2ae: {  	s0 =	sor.u32 $0x380, s19;
	v9 =	vld [tilespmem:s29+$0x12580];
	[tilespmem:s29+$0x12200] =	vst v8  }
0x2af: {  	v14 =	vld [tilespmem:s0+$0x2200]  }
0x2b0: {  	v8 =	vld [tilespmem:s4+$0x2500]  }
0x2b1: {  	v13 =	vld [tilespmem:s4+$0x12280]  }
0x2b2: {  	v12 =	vld [tilespmem:s4+$0x12300]  }
0x2b3: {  	v11 =	vld [tilespmem:s4+$0x12380]  }
0x2b4: {  	v10 =	vld [tilespmem:s4+$0x12400];
	v14 =	vadd.f32 v9, v14  }
0x2b5: {  	s30 =	simm.s32 $0x100;
	s0 =	simm.s32 $0x20;
	v9 =	vld [tilespmem:s4+$0x12480]  }
.LBB2_15:
0x2b6: {  	s8 =	sand.u32 $0x70, s0;
	s19 =	sand.u32 $0x1C00, s30;
	p0 =	sne.s32 s0, $0x3F0;
	v6 =	vadd.f32 v13, v6;
	v13 =	vld [tilespmem:s4+$0x12500];
	[tilespmem:s29+$0x12580] =	vst v14  }
0x2b7: {  	s29 =	smov.u32 s4;
	v14 =	vld [tilespmem:s4+$0x12200];
	v4 =	vadd.f32 v12, v4;
	s4 =	sor.u32 s8, s19  }
0x2b8: {  	v12 =	vld [tilespmem:s4+$0x2200];
	[tilespmem:s29+$0x12280] =	vst v6;
	v3 =	vadd.f32 v11, v3  }
0x2b9: {  	v6 =	vld [tilespmem:s4+$0x2280];
	[tilespmem:s29+$0x12300] =	vst v4;
	v5 =	vadd.f32 v10, v5  }
0x2ba: {  	v4 =	vld [tilespmem:s4+$0x2300];
	[tilespmem:s29+$0x12380] =	vst v3;
	v7 =	vadd.f32 v9, v7  }
0x2bb: {  	v3 =	vld [tilespmem:s4+$0x2380];
	[tilespmem:s29+$0x12400] =	vst v5;
	v8 =	vadd.f32 v13, v8  }
0x2bc: {  	v5 =	vld [tilespmem:s4+$0x2400];
	v9 =	vadd.f32 v14, v2;
	[tilespmem:s29+$0x12480] =	vst v7  }
0x2bd: {  	s8 =	sor.u32 s24, s11;
	s24 =	smov.u32 s30;
	s11 =	smov.u32 s0;
	v7 =	vld [tilespmem:s4+$0x2480];
	[tilespmem:s29+$0x12500] =	vst v8;
	v2 =	vmov v12  }
0x2be: {  	s8 =	sor.u32 $0x380, s8;
	[tilespmem:s29+$0x12200] =	vst v9;
	v9 =	vld [tilespmem:s29+$0x12580]  }
0x2bf: {  	v14 =	vld [tilespmem:s8+$0x2200]  }
0x2c0: {  	v8 =	vld [tilespmem:s4+$0x2500]  }
.Ltmp6:
0x2c1: {  	v13 =	vld [tilespmem:s4+$0x12280];
	(pc) =	sbr.rel @p0 .LBB2_15-.Ltmp6, $4  }
0x2c2: {  	v12 =	vld [tilespmem:s4+$0x12300]  }
0x2c3: {  	v11 =	vld [tilespmem:s4+$0x12380]  }
0x2c4: {  	v10 =	vld [tilespmem:s4+$0x12400];
	v14 =	vadd.f32 v9, v14  }
0x2c5: {  	s30 =	sadd.s32 $0x80, s30;
	s0 =	sadd.s32 $0x10, s0;
	v9 =	vld [tilespmem:s4+$0x12480]  }
0x2c6: {  	v15 =	vld [tilespmem:s4+$0x12500];
	v6 =	vadd.f32 v13, v6;
	[tilespmem:s29+$0x12580] =	vst v14  }
0x2c7: {  	v13 =	vld [tilespmem:s4+$0x12200];
	v4 =	vadd.f32 v12, v4  }
0x2c8: {  	[tilespmem:s4+$0x12280] =	vst v6;
	v3 =	vadd.f32 v11, v3  }
0x2c9: {  	[tilespmem:s4+$0x12300] =	vst v4;
	v4 =	vadd.f32 v10, v5  }
0x2ca: {  	[tilespmem:s4+$0x12380] =	vst v3;
	v3 =	vadd.f32 v9, v7  }
0x2cb: {  	[tilespmem:s4+$0x12400] =	vst v4;
	v4 =	vadd.f32 v15, v8  }
0x2cc: {  	v2 =	vadd.f32 v13, v2;
	[tilespmem:s4+$0x12480] =	vst v3  }
0x2cd: {  	s0 =	sor.u32 s24, s11;
	[tilespmem:s4+$0x12500] =	vst v4  }
0x2ce: {  	s0 =	sor.u32 $0x380, s0;
	[tilespmem:s4+$0x12200] =	vst v2;
	v2 =	vld [tilespmem:s4+$0x12580]  }
0x2cf: {  	v3 =	vld [tilespmem:s0+$0x2200];
	_ =	sdelay $0x4  }
0x2d0: {  	v2 =	vadd.f32 v2, v3  }
0x2d1: {  	s19 =	sadd.s32 s3, s17  }
0x2d2: {  	s8 =	simm.s32 $0x0;
	s24 =	simm.s32 $0x12200;
	[tilespmem:s4+$0x12580] =	vst v2;
	s4 =	simm.s32 $0xC  }
0x2d3: {  	[hbm4b:s19+s8] =	stream.linear.scatter [tilespmem:s24], [sflag:$0x12], $0x2000, $0x38;
	[tilespmem:$0x1E200] =	vst v63  }
0x2d4: {  	_ =	swait.ge [sflag:s4], $0x2000  }
0x2d5: {  	s19 =	sand.u32 $0x70, s8;
	s24 =	sand.u32 $0x1C00, s8;
	[sflag:s4] =	ssyncset.done $0x0  }
0x2d6: {  	s29 =	sor.u32 s19, s24;
	[sflag:s4] =	ssyncadd.s32 $0xFFFFE000  }
0x2d7: {  	v7 =	vld [tilespmem:s29+$0x2200]  }
0x2d8: {  	v2 =	vld [tilespmem:s29+$0x2280]  }
0x2d9: {  	v3 =	vld [tilespmem:s29+$0x2300]  }
0x2da: {  	v4 =	vld [tilespmem:s29+$0x2380]  }
0x2db: {  	v5 =	vld [tilespmem:s29+$0x2400]  }
0x2dc: {  	v8 =	vld [tilespmem:s29+$0x2480]  }
0x2dd: {  	v9 =	vld [tilespmem:s29+$0x2500]  }
0x2de: {  	v6 =	vld [tilespmem:s29+$0x14280]  }
0x2df: {  	v10 =	vld [tilespmem:s29+$0x14300]  }
0x2e0: {  	v11 =	vld [tilespmem:s29+$0x14380]  }
0x2e1: {  	v12 =	vld [tilespmem:s29+$0x14400]  }
0x2e2: {  	s11 =	simm.s32 $0x10;
	s24 =	simm.s32 $0x80;
	v13 =	vld [tilespmem:s29+$0x14480]  }
0x2e3: {  	s19 =	sand.u32 $0x1C00, s24;
	s4 =	sand.u32 $0x70, s11;
	v14 =	vld [tilespmem:s29+$0x14500];
	v6 =	vadd.f32 v6, v2  }
0x2e4: {  	s4 =	sor.u32 s4, s19;
	v15 =	vld [tilespmem:s29+$0x14200];
	v3 =	vadd.f32 v10, v3  }
0x2e5: {  	v2 =	vld [tilespmem:s4+$0x2200];
	v10 =	vadd.f32 v11, v4;
	[tilespmem:s29+$0x14280] =	vst v6  }
0x2e6: {  	v5 =	vadd.f32 v12, v5;
	v6 =	vld [tilespmem:s4+$0x2280];
	[tilespmem:s29+$0x14300] =	vst v3  }
0x2e7: {  	v8 =	vadd.f32 v13, v8;
	v4 =	vld [tilespmem:s4+$0x2300];
	[tilespmem:s29+$0x14380] =	vst v10  }
0x2e8: {  	v9 =	vadd.f32 v14, v9;
	v3 =	vld [tilespmem:s4+$0x2380];
	[tilespmem:s29+$0x14400] =	vst v5  }
0x2e9: {  	v5 =	vld [tilespmem:s4+$0x2400];
	[tilespmem:s29+$0x14480] =	vst v8;
	v8 =	vadd.f32 v15, v7  }
0x2ea: {  	s19 =	sor.u32 s8, s8;
	v7 =	vld [tilespmem:s4+$0x2480];
	[tilespmem:s29+$0x14500] =	vst v9  }
0x2eb: {  	s0 =	sor.u32 $0x380, s19;
	v9 =	vld [tilespmem:s29+$0x14580];
	[tilespmem:s29+$0x14200] =	vst v8  }
0x2ec: {  	v14 =	vld [tilespmem:s0+$0x2200]  }
0x2ed: {  	v8 =	vld [tilespmem:s4+$0x2500]  }
0x2ee: {  	v13 =	vld [tilespmem:s4+$0x14280]  }
0x2ef: {  	v12 =	vld [tilespmem:s4+$0x14300]  }
0x2f0: {  	v11 =	vld [tilespmem:s4+$0x14380]  }
0x2f1: {  	v10 =	vld [tilespmem:s4+$0x14400];
	v14 =	vadd.f32 v9, v14  }
0x2f2: {  	s30 =	simm.s32 $0x100;
	s0 =	simm.s32 $0x20;
	v9 =	vld [tilespmem:s4+$0x14480]  }
.LBB2_17:
0x2f3: {  	s8 =	sand.u32 $0x70, s0;
	s19 =	sand.u32 $0x1C00, s30;
	p0 =	sne.s32 s0, $0x3F0;
	v6 =	vadd.f32 v13, v6;
	v13 =	vld [tilespmem:s4+$0x14500];
	[tilespmem:s29+$0x14580] =	vst v14  }
0x2f4: {  	s29 =	smov.u32 s4;
	v14 =	vld [tilespmem:s4+$0x14200];
	v4 =	vadd.f32 v12, v4;
	s4 =	sor.u32 s8, s19  }
0x2f5: {  	v12 =	vld [tilespmem:s4+$0x2200];
	[tilespmem:s29+$0x14280] =	vst v6;
	v3 =	vadd.f32 v11, v3  }
0x2f6: {  	v6 =	vld [tilespmem:s4+$0x2280];
	[tilespmem:s29+$0x14300] =	vst v4;
	v5 =	vadd.f32 v10, v5  }
0x2f7: {  	v4 =	vld [tilespmem:s4+$0x2300];
	[tilespmem:s29+$0x14380] =	vst v3;
	v7 =	vadd.f32 v9, v7  }
0x2f8: {  	v3 =	vld [tilespmem:s4+$0x2380];
	[tilespmem:s29+$0x14400] =	vst v5;
	v8 =	vadd.f32 v13, v8  }
0x2f9: {  	v5 =	vld [tilespmem:s4+$0x2400];
	v9 =	vadd.f32 v14, v2;
	[tilespmem:s29+$0x14480] =	vst v7  }
0x2fa: {  	s8 =	sor.u32 s24, s11;
	s24 =	smov.u32 s30;
	s11 =	smov.u32 s0;
	v7 =	vld [tilespmem:s4+$0x2480];
	[tilespmem:s29+$0x14500] =	vst v8;
	v2 =	vmov v12  }
0x2fb: {  	s8 =	sor.u32 $0x380, s8;
	[tilespmem:s29+$0x14200] =	vst v9;
	v9 =	vld [tilespmem:s29+$0x14580]  }
0x2fc: {  	v14 =	vld [tilespmem:s8+$0x2200]  }
0x2fd: {  	v8 =	vld [tilespmem:s4+$0x2500]  }
.Ltmp7:
0x2fe: {  	v13 =	vld [tilespmem:s4+$0x14280];
	(pc) =	sbr.rel @p0 .LBB2_17-.Ltmp7, $4  }
0x2ff: {  	v12 =	vld [tilespmem:s4+$0x14300]  }
0x300: {  	v11 =	vld [tilespmem:s4+$0x14380]  }
0x301: {  	v10 =	vld [tilespmem:s4+$0x14400];
	v14 =	vadd.f32 v9, v14  }
0x302: {  	s30 =	sadd.s32 $0x80, s30;
	s0 =	sadd.s32 $0x10, s0;
	v9 =	vld [tilespmem:s4+$0x14480]  }
0x303: {  	v15 =	vld [tilespmem:s4+$0x14500];
	v6 =	vadd.f32 v13, v6;
	[tilespmem:s29+$0x14580] =	vst v14  }
0x304: {  	v63 =	vld [tilespmem:s4+$0x14200];
	v4 =	vadd.f32 v12, v4  }
0x305: {  	[tilespmem:s4+$0x14280] =	vst v6;
	v3 =	vadd.f32 v11, v3  }
0x306: {  	[tilespmem:s4+$0x14300] =	vst v4;
	v4 =	vadd.f32 v10, v5  }
0x307: {  	[tilespmem:s4+$0x14380] =	vst v3;
	v3 =	vadd.f32 v9, v7  }
0x308: {  	[tilespmem:s4+$0x14400] =	vst v4;
	v4 =	vadd.f32 v15, v8  }
0x309: {  	v2 =	vadd.f32 v63, v2;
	[tilespmem:s4+$0x14480] =	vst v3  }
0x30a: {  	s0 =	sor.u32 s24, s11;
	[tilespmem:s4+$0x14500] =	vst v4  }
0x30b: {  	s0 =	sor.u32 $0x380, s0;
	[tilespmem:s4+$0x14200] =	vst v2;
	v2 =	vld [tilespmem:s4+$0x14580]  }
0x30c: {  	v3 =	vld [tilespmem:s0+$0x2200];
	_ =	sdelay $0x4  }
0x30d: {  	v2 =	vadd.f32 v2, v3  }
0x30e: {  	s11 =	simm.s32 $0x0  }
0x30f: {  	s8 =	simm.s32 $0x14200;
	s19 =	simm.s32 $0x4;
	[tilespmem:s4+$0x14580] =	vst v2;
	s4 =	sadd.s32 s3, s18  }
0x310: {  	[hbm4b:s4+s11] =	stream.linear.scatter [tilespmem:s8], [sflag:$0x12], $0x2000, $0x38;
	[tilespmem:$0x1E200] =	vst v63  }
0x311: {  	_ =	swait.ge [sflag:s19], $0x2000  }
0x312: {  	[sflag:s19] =	ssyncset.done $0x0  }
0x313: {  	s24 =	simm.s32 $0xD;
	[sflag:s19] =	ssyncadd.s32 $0xFFFFE000  }
0x314: {  	_ =	swait.ge [sflag:s24], $0x2000  }
0x315: {  	s29 =	sand.u32 $0x70, s11;
	s30 =	sand.u32 $0x1C00, s11;
	[sflag:s24] =	ssyncset.done $0x0  }
0x316: {  	s3 =	sor.u32 s29, s30;
	[sflag:s24] =	ssyncadd.s32 $0xFFFFE000  }
0x317: {  	v4 =	vld [tilespmem:s3+$0x16500]  }
0x318: {  	v2 =	vld [tilespmem:s3+$0x16400]  }
0x319: {  	v3 =	vld [tilespmem:s3+$0x4380]  }
0x31a: {  	v5 =	vld [tilespmem:s3+$0x4300]  }
0x31b: {  	v6 =	vld [tilespmem:s3+$0x16300]  }
0x31c: {  	v8 =	vld [tilespmem:s3+$0x16280]  }
0x31d: {  	s4 =	sor.u32 s11, s11;
	s24 =	simm.s32 $0x10;
	v7 =	vld [tilespmem:s3+$0x16200]  }
.LBB2_19:
0x31e: {  	p0 =	sne.s32 s24, $0x3F0  }
0x31f: {  	v9 =	vld [tilespmem:s3+$0x4280];
	s11 =	sadd.s32 $0x80, s11;
	s0 =	smov.u32 s24;
	s24 =	sadd.s32 $0x10, s24  }
0x320: {  	s8 =	sor.u32 s11, s0;
	v10 =	vld [tilespmem:s3+$0x4200]  }
0x321: {  	v11 =	vld [tilespmem:s3+$0x4500]  }
0x322: {  	v12 =	vld [tilespmem:s3+$0x4400]  }
0x323: {  	v13 =	vld [tilespmem:s3+$0x16380]  }
0x324: {  	v8 =	vadd.f32 v8, v9;
	v9 =	vld [tilespmem:s3+$0x16480]  }
0x325: {  	v5 =	vadd.f32 v6, v5;
	v7 =	vadd.f32 v7, v10;
	v6 =	vld [tilespmem:s3+$0x4480]  }
0x326: {  	[tilespmem:s3+$0x16280] =	vst v8;
	v4 =	vadd.f32 v4, v11  }
0x327: {  	[tilespmem:s3+$0x16300] =	vst v5;
	v2 =	vadd.f32 v2, v12  }
0x328: {  	[tilespmem:s3+$0x16200] =	vst v7;
	v3 =	vadd.f32 v13, v3  }
0x329: {  	[tilespmem:s3+$0x16500] =	vst v4  }
0x32a: {  	[tilespmem:s3+$0x16380] =	vst v3;
	v3 =	vadd.f32 v9, v6  }
0x32b: {  	[tilespmem:s3+$0x16400] =	vst v2  }
0x32c: {  	s29 =	sor.u32 $0x380, s4;
	s0 =	sand.u32 $0x70, s0;
	s19 =	sand.u32 $0x1C00, s11;
	[tilespmem:s3+$0x16480] =	vst v3  }
0x32d: {  	s4 =	smov.u32 s8;
	s3 =	sor.u32 s0, s19;
	v2 =	vld [tilespmem:s29+$0x4200]  }
0x32e: {  	v3 =	vld [tilespmem:s29+$0x16200];
	_ =	sdelay $0x4  }
0x32f: {  	v2 =	vadd.f32 v3, v2;
	_ =	sdelay $0x1  }
0x330: {  	[tilespmem:s29+$0x16200] =	vst v2  }
0x331: {  	v4 =	vld [tilespmem:s3+$0x16500]  }
0x332: {  	v2 =	vld [tilespmem:s3+$0x16400]  }
.Ltmp8:
0x333: {  	v3 =	vld [tilespmem:s3+$0x4380];
	(pc) =	sbr.rel @p0 .LBB2_19-.Ltmp8, $4  }
0x334: {  	v5 =	vld [tilespmem:s3+$0x4300]  }
0x335: {  	v6 =	vld [tilespmem:s3+$0x16300]  }
0x336: {  	v8 =	vld [tilespmem:s3+$0x16280]  }
0x337: {  	v7 =	vld [tilespmem:s3+$0x16200]  }
0x338: {  	v9 =	vld [tilespmem:s3+$0x4280]  }
0x339: {  	v10 =	vld [tilespmem:s3+$0x4200]  }
0x33a: {  	v11 =	vld [tilespmem:s3+$0x4500]  }
0x33b: {  	v12 =	vld [tilespmem:s3+$0x4400]  }
0x33c: {  	v13 =	vld [tilespmem:s3+$0x16380]  }
0x33d: {  	v5 =	vadd.f32 v6, v5;
	v6 =	vld [tilespmem:s3+$0x4480]  }
0x33e: {  	v8 =	vadd.f32 v8, v9;
	v9 =	vld [tilespmem:s3+$0x16480]  }
0x33f: {  	[tilespmem:s3+$0x16300] =	vst v5;
	v7 =	vadd.f32 v7, v10  }
0x340: {  	v4 =	vadd.f32 v4, v11;
	[tilespmem:s3+$0x16280] =	vst v8  }
0x341: {  	v3 =	vadd.f32 v13, v3;
	[tilespmem:s3+$0x16200] =	vst v7  }
0x342: {  	v2 =	vadd.f32 v2, v12;
	[tilespmem:s3+$0x16500] =	vst v4  }
0x343: {  	[tilespmem:s3+$0x16380] =	vst v3;
	v3 =	vadd.f32 v9, v6  }
0x344: {  	[tilespmem:s3+$0x16400] =	vst v2  }
0x345: {  	s0 =	sor.u32 $0x380, s4;
	[tilespmem:s3+$0x16480] =	vst v3  }
0x346: {  	v2 =	vld [tilespmem:s0+$0x4200]  }
0x347: {  	v3 =	vld [tilespmem:s0+$0x16200];
	_ =	sdelay $0x4  }
0x348: {  	v2 =	vadd.f32 v3, v2  }
0x349: {  	s11 =	rddreg [dreg:$0x3]  }
0x34a: {  	s8 =	simm.s32 $0x0;
	s19 =	simm.s32 $0x16200;
	[tilespmem:s0+$0x16200] =	vst v2;
	s0 =	sadd.s32 s11, s10  }
0x34b: {  	[hbm4b:s0+s8] =	stream.linear.scatter [tilespmem:s19], [sflag:$0x13], $0x2000, $0x38;
	[tilespmem:$0x1E200] =	vst v63  }
0x34c: {  	_ =	swait.ge [sflag:s9], $0x2000  }
0x34d: {  	s24 =	sand.u32 $0x70, s8;
	s30 =	sand.u32 $0x1C00, s8;
	[sflag:s9] =	ssyncset.done $0x0  }
0x34e: {  	s24 =	sor.u32 s24, s30;
	[sflag:s9] =	ssyncadd.s32 $0xFFFFE000  }
0x34f: {  	v7 =	vld [tilespmem:s24+$0x4200]  }
0x350: {  	v2 =	vld [tilespmem:s24+$0x4280]  }
0x351: {  	v3 =	vld [tilespmem:s24+$0x4300]  }
0x352: {  	v4 =	vld [tilespmem:s24+$0x4380]  }
0x353: {  	v5 =	vld [tilespmem:s24+$0x4400]  }
0x354: {  	v8 =	vld [tilespmem:s24+$0x4480]  }
0x355: {  	v9 =	vld [tilespmem:s24+$0x4500]  }
0x356: {  	v6 =	vld [tilespmem:s24+$0x18280]  }
0x357: {  	v10 =	vld [tilespmem:s24+$0x18300]  }
0x358: {  	v11 =	vld [tilespmem:s24+$0x18380]  }
0x359: {  	v12 =	vld [tilespmem:s24+$0x18400]  }
0x35a: {  	s4 =	simm.s32 $0x80;
	s11 =	simm.s32 $0x10;
	v13 =	vld [tilespmem:s24+$0x18480]  }
0x35b: {  	s3 =	sand.u32 $0x70, s11;
	s19 =	sand.u32 $0x1C00, s4;
	v14 =	vld [tilespmem:s24+$0x18500];
	v6 =	vadd.f32 v6, v2  }
0x35c: {  	s3 =	sor.u32 s3, s19;
	v15 =	vld [tilespmem:s24+$0x18200];
	v3 =	vadd.f32 v10, v3  }
0x35d: {  	v2 =	vld [tilespmem:s3+$0x4200];
	v10 =	vadd.f32 v11, v4;
	[tilespmem:s24+$0x18280] =	vst v6  }
0x35e: {  	v5 =	vadd.f32 v12, v5;
	v6 =	vld [tilespmem:s3+$0x4280];
	[tilespmem:s24+$0x18300] =	vst v3  }
0x35f: {  	v8 =	vadd.f32 v13, v8;
	v4 =	vld [tilespmem:s3+$0x4300];
	[tilespmem:s24+$0x18380] =	vst v10  }
0x360: {  	v9 =	vadd.f32 v14, v9;
	v3 =	vld [tilespmem:s3+$0x4380];
	[tilespmem:s24+$0x18400] =	vst v5  }
0x361: {  	v5 =	vld [tilespmem:s3+$0x4400];
	[tilespmem:s24+$0x18480] =	vst v8;
	v8 =	vadd.f32 v15, v7  }
0x362: {  	s30 =	sor.u32 s8, s8;
	v7 =	vld [tilespmem:s3+$0x4480];
	[tilespmem:s24+$0x18500] =	vst v9  }
0x363: {  	s0 =	sor.u32 $0x380, s30;
	v9 =	vld [tilespmem:s24+$0x18580];
	[tilespmem:s24+$0x18200] =	vst v8  }
0x364: {  	v14 =	vld [tilespmem:s0+$0x4200]  }
0x365: {  	v8 =	vld [tilespmem:s3+$0x4500]  }
0x366: {  	v13 =	vld [tilespmem:s3+$0x18280]  }
0x367: {  	v12 =	vld [tilespmem:s3+$0x18300]  }
0x368: {  	v11 =	vld [tilespmem:s3+$0x18380]  }
0x369: {  	v10 =	vld [tilespmem:s3+$0x18400];
	v14 =	vadd.f32 v9, v14  }
0x36a: {  	s29 =	simm.s32 $0x100;
	s0 =	simm.s32 $0x20;
	v9 =	vld [tilespmem:s3+$0x18480]  }
.LBB2_21:
0x36b: {  	s8 =	sand.u32 $0x70, s0;
	s19 =	sand.u32 $0x1C00, s29;
	p0 =	sne.s32 s0, $0x3F0;
	v6 =	vadd.f32 v13, v6;
	v13 =	vld [tilespmem:s3+$0x18500];
	[tilespmem:s24+$0x18580] =	vst v14  }
0x36c: {  	s24 =	smov.u32 s3;
	v14 =	vld [tilespmem:s3+$0x18200];
	v4 =	vadd.f32 v12, v4;
	s3 =	sor.u32 s8, s19  }
0x36d: {  	v12 =	vld [tilespmem:s3+$0x4200];
	[tilespmem:s24+$0x18280] =	vst v6;
	v3 =	vadd.f32 v11, v3  }
0x36e: {  	v6 =	vld [tilespmem:s3+$0x4280];
	[tilespmem:s24+$0x18300] =	vst v4;
	v5 =	vadd.f32 v10, v5  }
0x36f: {  	v4 =	vld [tilespmem:s3+$0x4300];
	[tilespmem:s24+$0x18380] =	vst v3;
	v7 =	vadd.f32 v9, v7  }
0x370: {  	v3 =	vld [tilespmem:s3+$0x4380];
	[tilespmem:s24+$0x18400] =	vst v5;
	v8 =	vadd.f32 v13, v8  }
0x371: {  	v5 =	vld [tilespmem:s3+$0x4400];
	v9 =	vadd.f32 v14, v2;
	[tilespmem:s24+$0x18480] =	vst v7  }
0x372: {  	s8 =	sor.u32 s4, s11;
	s4 =	smov.u32 s29;
	s11 =	smov.u32 s0;
	v7 =	vld [tilespmem:s3+$0x4480];
	[tilespmem:s24+$0x18500] =	vst v8;
	v2 =	vmov v12  }
0x373: {  	s8 =	sor.u32 $0x380, s8;
	[tilespmem:s24+$0x18200] =	vst v9;
	v9 =	vld [tilespmem:s24+$0x18580]  }
0x374: {  	v14 =	vld [tilespmem:s8+$0x4200]  }
0x375: {  	v8 =	vld [tilespmem:s3+$0x4500]  }
.Ltmp9:
0x376: {  	v13 =	vld [tilespmem:s3+$0x18280];
	(pc) =	sbr.rel @p0 .LBB2_21-.Ltmp9, $4  }
0x377: {  	v12 =	vld [tilespmem:s3+$0x18300]  }
0x378: {  	v11 =	vld [tilespmem:s3+$0x18380]  }
0x379: {  	v10 =	vld [tilespmem:s3+$0x18400];
	v14 =	vadd.f32 v9, v14  }
0x37a: {  	s29 =	sadd.s32 $0x80, s29;
	s0 =	sadd.s32 $0x10, s0;
	v9 =	vld [tilespmem:s3+$0x18480]  }
0x37b: {  	v15 =	vld [tilespmem:s3+$0x18500];
	v6 =	vadd.f32 v13, v6;
	[tilespmem:s24+$0x18580] =	vst v14  }
0x37c: {  	v61 =	vld [tilespmem:s3+$0x18200];
	v4 =	vadd.f32 v12, v4  }
0x37d: {  	[tilespmem:s3+$0x18280] =	vst v6;
	v3 =	vadd.f32 v11, v3  }
0x37e: {  	[tilespmem:s3+$0x18300] =	vst v4;
	v62 =	vadd.f32 v10, v5  }
0x37f: {  	[tilespmem:s3+$0x18380] =	vst v3;
	v3 =	vadd.f32 v9, v7  }
0x380: {  	[tilespmem:s3+$0x18400] =	vst v62;
	v63 =	vadd.f32 v15, v8  }
0x381: {  	v2 =	vadd.f32 v61, v2;
	[tilespmem:s3+$0x18480] =	vst v3  }
0x382: {  	s0 =	sor.u32 s4, s11;
	[tilespmem:s3+$0x18500] =	vst v63  }
0x383: {  	s0 =	sor.u32 $0x380, s0;
	[tilespmem:s3+$0x18200] =	vst v2;
	v2 =	vld [tilespmem:s3+$0x18580]  }
0x384: {  	v3 =	vld [tilespmem:s0+$0x4200];
	_ =	sdelay $0x2  }
0x385: {  	p0 =	seq.s32 s26, $0x4  }
.Ltmp10:
0x386: {  	_ = 	snop;
	(pc) =	sbr.rel @p0 .LBB2_24-.Ltmp10, $3  }
0x387: {  	v2 =	vadd.f32 v2, v3;
	_ =	sdelay $0x1  }
0x388: {  	s29 =	sadd.s32 s10, s16;
	s30 =	simm.s32 $0x18200;
	[tilespmem:s3+$0x18580] =	vst v2  }
0x389: {  	[hbm4b:s29+s5] =	stream.linear.scatter [tilespmem:s30], [sflag:$0x13], $0x2000, $0x38;
	[tilespmem:$0x1E200] =	vst v63  }
0x38a: {  	_ =	swait.ge [sflag:s31], $0x2000  }
0x38b: {  	[sflag:s31] =	ssyncset.done $0x0  }
0x38c: {  	[sflag:s31] =	ssyncadd.s32 $0xFFFFE000  }
0x38d: {  	_ =	swait.ge [sflag:s31], $0x2000  }
0x38e: {  	[sflag:s31] =	ssyncset.done $0x0  }
0x38f: {  	[sflag:s31] =	ssyncadd.s32 $0xFFFFE000  }
0x390: {  	_ =	swait.ge [sflag:s31], $0x2000  }
0x391: {  	[sflag:s31] =	ssyncset.done $0x0  }
0x392: {  	[sflag:s31] =	ssyncadd.s32 $0xFFFFE000  }
0x393: {  	_ =	swait.ge [sflag:s31], $0x2000  }
0x394: {  	s0 =	sadd.s32 $0x20, s22;
	[sflag:s31] =	ssyncset.done $0x0  }
0x395: {  	s3 =	sadd.s32 s6, s0;
	[sflag:s31] =	ssyncadd.s32 $0xFFFFE000  }
0x396: {  	s3 =	sshll.u32 s3, $0x7;
	s4 =	rddreg [dreg:$0x2]  }
0x397: {  	s30 =	simm.s32 $0x2200;
	s3 =	sadd.s32 s4, s3  }
0x398: {  	[tilespmem:s30], [sflag:$0x3] =	stream.linear.gather [hbm4b:s3+s5], $0x2000, $0x38;
	[tilespmem:$0x1E200] =	vst v63  }
0x399: {  	v2 =	vld.msk [tilespmem:s22+$0x20], $0xff;
	_ =	sdelay $0x4  }
0x39a: {  	v3 =	vshll.u32 v2, $0x3  }
0x39b: {  	v2 =	vand.u32 $0x7, v2;
	v3 =	vand.u32 $0xFFFFFFC0, v3  }
0x39c: {  	v2 =	vor.u32 v2, v3  }
0x39d: {  	v2 =	vperm.xlane v2, v0;
	_ =	sdelay $0x1  }
0x39e: {  	v2 =	vadd.s32 v1, v2;
	_ =	sdelay $0x3  }
0x39f: {  	s4 =	simm.s32 $0xE200  }
0x3a0: {  	[tilespmem:s4], [sflag:$0x9] =	stream.indirect_vreg.gather [hbm4b:s2+s5], $0x80, v2, vm0, $0xb8;
	[tilespmem:$0x1E200] =	vst v63  }
0x3a1: {  	s8 =	simm.s32 $0xEA00  }
0x3a2: {  	[tilespmem:s8], [sflag:$0x9] =	stream.indirect_vreg.gather [hbm4b:s12+s5], $0x80, v2, vm0, $0xb8;
	[tilespmem:$0x1E200] =	vst v63  }
0x3a3: {  	s11 =	simm.s32 $0xF200  }
0x3a4: {  	[tilespmem:s11], [sflag:$0x9] =	stream.indirect_vreg.gather [hbm4b:s13+s5], $0x80, v2, vm0, $0xb8;
	[tilespmem:$0x1E200] =	vst v63  }
0x3a5: {  	s19 =	simm.s32 $0xFA00;
	s0 =	sand.u32 $0x1F8, s0  }
0x3a6: {  	[tilespmem:s19], [sflag:$0x9] =	stream.indirect_vreg.gather [hbm4b:s14+s5], $0x80, v2, vm0, $0xb8;
	[tilespmem:$0x1E200] =	vst v63  }
0x3a7: {  	v2 =	vld.msk [tilespmem:s0+$0x80], $0xff;
	_ =	sdelay $0x4  }
0x3a8: {  	v3 =	vshll.u32 v2, $0x3  }
0x3a9: {  	v2 =	vand.u32 $0x7, v2;
	v3 =	vand.u32 $0xFFFFFFC0, v3  }
0x3aa: {  	v2 =	vor.u32 v2, v3  }
0x3ab: {  	v2 =	vperm.xlane v2, v0;
	_ =	sdelay $0x1  }
0x3ac: {  	v2 =	vadd.s32 v1, v2;
	_ =	sdelay $0x3  }
0x3ad: {  	s22 =	simm.s32 $0x10200  }
0x3ae: {  	[tilespmem:s22], [sflag:$0xA] =	stream.indirect_vreg.gather [hbm4b:s2+s5], $0x80, v2, vm0, $0xb8;
	[tilespmem:$0x1E200] =	vst v63  }
0x3af: {  	s24 =	simm.s32 $0x10A00  }
0x3b0: {  	[tilespmem:s24], [sflag:$0xA] =	stream.indirect_vreg.gather [hbm4b:s12+s5], $0x80, v2, vm0, $0xb8;
	[tilespmem:$0x1E200] =	vst v63  }
0x3b1: {  	s29 =	simm.s32 $0x11200  }
0x3b2: {  	[tilespmem:s29], [sflag:$0xA] =	stream.indirect_vreg.gather [hbm4b:s13+s5], $0x80, v2, vm0, $0xb8;
	[tilespmem:$0x1E200] =	vst v63  }
0x3b3: {  	s30 =	simm.s32 $0x11A00  }
0x3b4: {  	[tilespmem:s30], [sflag:$0xA] =	stream.indirect_vreg.gather [hbm4b:s14+s5], $0x80, v2, vm0, $0xb8;
	[tilespmem:$0x1E200] =	vst v63  }
0x3b5: {  	v2 =	vld.msk [tilespmem:s0+$0x100], $0xff;
	_ =	sdelay $0x4  }
0x3b6: {  	v3 =	vshll.u32 v2, $0x3  }
0x3b7: {  	v2 =	vand.u32 $0x7, v2;
	v3 =	vand.u32 $0xFFFFFFC0, v3  }
0x3b8: {  	v2 =	vor.u32 v2, v3  }
0x3b9: {  	v2 =	vperm.xlane v2, v0;
	_ =	sdelay $0x1  }
0x3ba: {  	v2 =	vadd.s32 v1, v2;
	_ =	sdelay $0x3  }
0x3bb: {  	s4 =	simm.s32 $0x12200  }
0x3bc: {  	[tilespmem:s4], [sflag:$0xB] =	stream.indirect_vreg.gather [hbm4b:s2+s5], $0x80, v2, vm0, $0xb8;
	[tilespmem:$0x1E200] =	vst v63  }
0x3bd: {  	s8 =	simm.s32 $0x12A00  }
0x3be: {  	[tilespmem:s8], [sflag:$0xB] =	stream.indirect_vreg.gather [hbm4b:s12+s5], $0x80, v2, vm0, $0xb8;
	[tilespmem:$0x1E200] =	vst v63  }
0x3bf: {  	s11 =	simm.s32 $0x13200  }
0x3c0: {  	[tilespmem:s11], [sflag:$0xB] =	stream.indirect_vreg.gather [hbm4b:s13+s5], $0x80, v2, vm0, $0xb8;
	[tilespmem:$0x1E200] =	vst v63  }
0x3c1: {  	s19 =	simm.s32 $0x13A00  }
0x3c2: {  	[tilespmem:s19], [sflag:$0xB] =	stream.indirect_vreg.gather [hbm4b:s14+s5], $0x80, v2, vm0, $0xb8;
	[tilespmem:$0x1E200] =	vst v63  }
0x3c3: {  	v2 =	vld.msk [tilespmem:s0+$0x180], $0xff;
	_ =	sdelay $0x4  }
0x3c4: {  	v3 =	vshll.u32 v2, $0x3  }
0x3c5: {  	v2 =	vand.u32 $0x7, v2;
	v3 =	vand.u32 $0xFFFFFFC0, v3  }
0x3c6: {  	v2 =	vor.u32 v2, v3  }
0x3c7: {  	v2 =	vperm.xlane v2, v0;
	_ =	sdelay $0x1  }
0x3c8: {  	v2 =	vadd.s32 v1, v2;
	_ =	sdelay $0x3  }
0x3c9: {  	s22 =	simm.s32 $0x14200  }
0x3ca: {  	[tilespmem:s22], [sflag:$0xC] =	stream.indirect_vreg.gather [hbm4b:s2+s5], $0x80, v2, vm0, $0xb8;
	[tilespmem:$0x1E200] =	vst v63  }
0x3cb: {  	s24 =	simm.s32 $0x14A00  }
0x3cc: {  	[tilespmem:s24], [sflag:$0xC] =	stream.indirect_vreg.gather [hbm4b:s12+s5], $0x80, v2, vm0, $0xb8;
	[tilespmem:$0x1E200] =	vst v63  }
0x3cd: {  	s29 =	simm.s32 $0x15200  }
0x3ce: {  	[tilespmem:s29], [sflag:$0xC] =	stream.indirect_vreg.gather [hbm4b:s13+s5], $0x80, v2, vm0, $0xb8;
	[tilespmem:$0x1E200] =	vst v63  }
0x3cf: {  	s30 =	simm.s32 $0x15A00  }
0x3d0: {  	[tilespmem:s30], [sflag:$0xC] =	stream.indirect_vreg.gather [hbm4b:s14+s5], $0x80, v2, vm0, $0xb8;
	[tilespmem:$0x1E200] =	vst v63  }
.LBB2_24:
0x3d1: {  	_ =	swait.ge [sflag:s15], $0x2000;
	s0 =	simm.s32 $0x0  }
0x3d2: {  	[sflag:s15] =	ssyncset.done $0x0;
	s3 =	sand.u32 $0x70, s0;
	s4 =	sand.u32 $0x1C00, s0  }
0x3d3: {  	[sflag:s15] =	ssyncadd.s32 $0xFFFFE000;
	s22 =	sor.u32 s3, s4  }
0x3d4: {  	v7 =	vld [tilespmem:s22+$0x4200]  }
0x3d5: {  	v2 =	vld [tilespmem:s22+$0x4280]  }
0x3d6: {  	v3 =	vld [tilespmem:s22+$0x4300]  }
0x3d7: {  	v4 =	vld [tilespmem:s22+$0x4380]  }
0x3d8: {  	v5 =	vld [tilespmem:s22+$0x4400]  }
0x3d9: {  	v8 =	vld [tilespmem:s22+$0x4480]  }
0x3da: {  	v9 =	vld [tilespmem:s22+$0x4500]  }
0x3db: {  	v6 =	vld [tilespmem:s22+$0x1A280]  }
0x3dc: {  	v10 =	vld [tilespmem:s22+$0x1A300]  }
0x3dd: {  	v11 =	vld [tilespmem:s22+$0x1A380]  }
0x3de: {  	v12 =	vld [tilespmem:s22+$0x1A400]  }
0x3df: {  	s11 =	simm.s32 $0x10;
	s4 =	simm.s32 $0x80;
	v13 =	vld [tilespmem:s22+$0x1A480]  }
0x3e0: {  	s30 =	sand.u32 $0x70, s11;
	s8 =	sand.u32 $0x1C00, s4;
	v14 =	vld [tilespmem:s22+$0x1A500];
	v6 =	vadd.f32 v6, v2  }
0x3e1: {  	v15 =	vld [tilespmem:s22+$0x1A200];
	s3 =	sor.u32 s30, s8;
	v3 =	vadd.f32 v10, v3  }
0x3e2: {  	v2 =	vld [tilespmem:s3+$0x4200];
	v10 =	vadd.f32 v11, v4;
	[tilespmem:s22+$0x1A280] =	vst v6  }
0x3e3: {  	v5 =	vadd.f32 v12, v5;
	v6 =	vld [tilespmem:s3+$0x4280];
	[tilespmem:s22+$0x1A300] =	vst v3  }
0x3e4: {  	v8 =	vadd.f32 v13, v8;
	v4 =	vld [tilespmem:s3+$0x4300];
	[tilespmem:s22+$0x1A380] =	vst v10  }
0x3e5: {  	v9 =	vadd.f32 v14, v9;
	v3 =	vld [tilespmem:s3+$0x4380];
	[tilespmem:s22+$0x1A400] =	vst v5  }
0x3e6: {  	v5 =	vld [tilespmem:s3+$0x4400];
	[tilespmem:s22+$0x1A480] =	vst v8;
	v8 =	vadd.f32 v15, v7  }
0x3e7: {  	s0 =	sor.u32 s0, s0;
	v7 =	vld [tilespmem:s3+$0x4480];
	[tilespmem:s22+$0x1A500] =	vst v9  }
0x3e8: {  	s0 =	sor.u32 $0x380, s0;
	v9 =	vld [tilespmem:s22+$0x1A580];
	[tilespmem:s22+$0x1A200] =	vst v8  }
0x3e9: {  	v14 =	vld [tilespmem:s0+$0x4200]  }
0x3ea: {  	v8 =	vld [tilespmem:s3+$0x4500]  }
0x3eb: {  	v13 =	vld [tilespmem:s3+$0x1A280]  }
0x3ec: {  	v12 =	vld [tilespmem:s3+$0x1A300]  }
0x3ed: {  	v11 =	vld [tilespmem:s3+$0x1A380]  }
0x3ee: {  	v10 =	vld [tilespmem:s3+$0x1A400];
	v14 =	vadd.f32 v9, v14  }
0x3ef: {  	s24 =	simm.s32 $0x100;
	s0 =	simm.s32 $0x20;
	v9 =	vld [tilespmem:s3+$0x1A480]  }
.LBB2_25:
0x3f0: {  	s8 =	sand.u32 $0x70, s0;
	s19 =	sand.u32 $0x1C00, s24;
	p0 =	sne.s32 s0, $0x3F0;
	v6 =	vadd.f32 v13, v6;
	v13 =	vld [tilespmem:s3+$0x1A500];
	[tilespmem:s22+$0x1A580] =	vst v14  }
0x3f1: {  	s22 =	smov.u32 s3;
	v14 =	vld [tilespmem:s3+$0x1A200];
	v4 =	vadd.f32 v12, v4;
	s3 =	sor.u32 s8, s19  }
0x3f2: {  	v12 =	vld [tilespmem:s3+$0x4200];
	[tilespmem:s22+$0x1A280] =	vst v6;
	v3 =	vadd.f32 v11, v3  }
0x3f3: {  	v6 =	vld [tilespmem:s3+$0x4280];
	[tilespmem:s22+$0x1A300] =	vst v4;
	v5 =	vadd.f32 v10, v5  }
0x3f4: {  	v4 =	vld [tilespmem:s3+$0x4300];
	[tilespmem:s22+$0x1A380] =	vst v3;
	v7 =	vadd.f32 v9, v7  }
0x3f5: {  	v3 =	vld [tilespmem:s3+$0x4380];
	[tilespmem:s22+$0x1A400] =	vst v5;
	v8 =	vadd.f32 v13, v8  }
0x3f6: {  	v5 =	vld [tilespmem:s3+$0x4400];
	v9 =	vadd.f32 v14, v2;
	[tilespmem:s22+$0x1A480] =	vst v7  }
0x3f7: {  	s8 =	sor.u32 s4, s11;
	s4 =	smov.u32 s24;
	s11 =	smov.u32 s0;
	v7 =	vld [tilespmem:s3+$0x4480];
	[tilespmem:s22+$0x1A500] =	vst v8;
	v2 =	vmov v12  }
0x3f8: {  	s8 =	sor.u32 $0x380, s8;
	[tilespmem:s22+$0x1A200] =	vst v9;
	v9 =	vld [tilespmem:s22+$0x1A580]  }
0x3f9: {  	v14 =	vld [tilespmem:s8+$0x4200]  }
0x3fa: {  	v8 =	vld [tilespmem:s3+$0x4500]  }
.Ltmp11:
0x3fb: {  	v13 =	vld [tilespmem:s3+$0x1A280];
	(pc) =	sbr.rel @p0 .LBB2_25-.Ltmp11, $4  }
0x3fc: {  	v12 =	vld [tilespmem:s3+$0x1A300]  }
0x3fd: {  	v11 =	vld [tilespmem:s3+$0x1A380]  }
0x3fe: {  	v10 =	vld [tilespmem:s3+$0x1A400];
	v14 =	vadd.f32 v9, v14  }
0x3ff: {  	s24 =	sadd.s32 $0x80, s24;
	s0 =	sadd.s32 $0x10, s0;
	v9 =	vld [tilespmem:s3+$0x1A480]  }
0x400: {  	v15 =	vld [tilespmem:s3+$0x1A500];
	v6 =	vadd.f32 v13, v6;
	[tilespmem:s22+$0x1A580] =	vst v14  }
0x401: {  	v13 =	vld [tilespmem:s3+$0x1A200];
	v4 =	vadd.f32 v12, v4  }
0x402: {  	[tilespmem:s3+$0x1A280] =	vst v6;
	v3 =	vadd.f32 v11, v3  }
0x403: {  	[tilespmem:s3+$0x1A300] =	vst v4;
	v4 =	vadd.f32 v10, v5  }
0x404: {  	[tilespmem:s3+$0x1A380] =	vst v3;
	v3 =	vadd.f32 v9, v7  }
0x405: {  	[tilespmem:s3+$0x1A400] =	vst v4;
	v4 =	vadd.f32 v15, v8  }
0x406: {  	v2 =	vadd.f32 v13, v2;
	[tilespmem:s3+$0x1A480] =	vst v3  }
0x407: {  	s0 =	sor.u32 s4, s11;
	[tilespmem:s3+$0x1A500] =	vst v4  }
0x408: {  	s0 =	sor.u32 $0x380, s0;
	[tilespmem:s3+$0x1A200] =	vst v2;
	v2 =	vld [tilespmem:s3+$0x1A580]  }
0x409: {  	v3 =	vld [tilespmem:s0+$0x4200];
	_ =	sdelay $0x4  }
0x40a: {  	v2 =	vadd.f32 v2, v3;
	_ =	sdelay $0x1  }
0x40b: {  	s4 =	sadd.s32 s10, s17;
	s8 =	simm.s32 $0x0;
	s11 =	simm.s32 $0x1A200;
	[tilespmem:s3+$0x1A580] =	vst v2  }
0x40c: {  	[hbm4b:s4+s8] =	stream.linear.scatter [tilespmem:s11], [sflag:$0x13], $0x2000, $0x38;
	[tilespmem:$0x1E200] =	vst v63  }
0x40d: {  	_ =	swait.ge [sflag:s20], $0x2000  }
0x40e: {  	s19 =	sand.u32 $0x70, s8;
	s22 =	sand.u32 $0x1C00, s8;
	[sflag:s20] =	ssyncset.done $0x0  }
0x40f: {  	s22 =	sor.u32 s19, s22;
	[sflag:s20] =	ssyncadd.s32 $0xFFFFE000  }
0x410: {  	v7 =	vld [tilespmem:s22+$0x4200]  }
0x411: {  	v2 =	vld [tilespmem:s22+$0x4280]  }
0x412: {  	v3 =	vld [tilespmem:s22+$0x4300]  }
0x413: {  	v4 =	vld [tilespmem:s22+$0x4380]  }
0x414: {  	v5 =	vld [tilespmem:s22+$0x4400]  }
0x415: {  	v8 =	vld [tilespmem:s22+$0x4480]  }
0x416: {  	v9 =	vld [tilespmem:s22+$0x4500]  }
0x417: {  	v6 =	vld [tilespmem:s22+$0x1C280]  }
0x418: {  	v10 =	vld [tilespmem:s22+$0x1C300]  }
0x419: {  	v11 =	vld [tilespmem:s22+$0x1C380]  }
0x41a: {  	v12 =	vld [tilespmem:s22+$0x1C400]  }
0x41b: {  	s4 =	simm.s32 $0x80;
	s11 =	simm.s32 $0x10;
	v13 =	vld [tilespmem:s22+$0x1C480]  }
0x41c: {  	s24 =	sand.u32 $0x70, s11;
	s29 =	sand.u32 $0x1C00, s4;
	v14 =	vld [tilespmem:s22+$0x1C500];
	v6 =	vadd.f32 v6, v2  }
0x41d: {  	s3 =	sor.u32 s24, s29;
	v15 =	vld [tilespmem:s22+$0x1C200];
	v3 =	vadd.f32 v10, v3  }
0x41e: {  	v2 =	vld [tilespmem:s3+$0x4200];
	v10 =	vadd.f32 v11, v4;
	[tilespmem:s22+$0x1C280] =	vst v6  }
0x41f: {  	v5 =	vadd.f32 v12, v5;
	v6 =	vld [tilespmem:s3+$0x4280];
	[tilespmem:s22+$0x1C300] =	vst v3  }
0x420: {  	v8 =	vadd.f32 v13, v8;
	v4 =	vld [tilespmem:s3+$0x4300];
	[tilespmem:s22+$0x1C380] =	vst v10  }
0x421: {  	v9 =	vadd.f32 v14, v9;
	v3 =	vld [tilespmem:s3+$0x4380];
	[tilespmem:s22+$0x1C400] =	vst v5  }
0x422: {  	v5 =	vld [tilespmem:s3+$0x4400];
	[tilespmem:s22+$0x1C480] =	vst v8;
	v8 =	vadd.f32 v15, v7  }
0x423: {  	s30 =	sor.u32 s8, s8;
	v7 =	vld [tilespmem:s3+$0x4480];
	[tilespmem:s22+$0x1C500] =	vst v9  }
0x424: {  	s0 =	sor.u32 $0x380, s30;
	v9 =	vld [tilespmem:s22+$0x1C580];
	[tilespmem:s22+$0x1C200] =	vst v8  }
0x425: {  	v14 =	vld [tilespmem:s0+$0x4200]  }
0x426: {  	v8 =	vld [tilespmem:s3+$0x4500]  }
0x427: {  	v13 =	vld [tilespmem:s3+$0x1C280]  }
0x428: {  	v12 =	vld [tilespmem:s3+$0x1C300]  }
0x429: {  	v11 =	vld [tilespmem:s3+$0x1C380]  }
0x42a: {  	v10 =	vld [tilespmem:s3+$0x1C400];
	v14 =	vadd.f32 v9, v14  }
0x42b: {  	s24 =	simm.s32 $0x100;
	s0 =	simm.s32 $0x20;
	v9 =	vld [tilespmem:s3+$0x1C480]  }
.LBB2_27:
0x42c: {  	s8 =	sand.u32 $0x70, s0;
	s19 =	sand.u32 $0x1C00, s24;
	p0 =	sne.s32 s0, $0x3F0;
	v6 =	vadd.f32 v13, v6;
	v13 =	vld [tilespmem:s3+$0x1C500];
	[tilespmem:s22+$0x1C580] =	vst v14  }
0x42d: {  	s22 =	smov.u32 s3;
	v14 =	vld [tilespmem:s3+$0x1C200];
	v4 =	vadd.f32 v12, v4;
	s3 =	sor.u32 s8, s19  }
0x42e: {  	v12 =	vld [tilespmem:s3+$0x4200];
	[tilespmem:s22+$0x1C280] =	vst v6;
	v3 =	vadd.f32 v11, v3  }
0x42f: {  	v6 =	vld [tilespmem:s3+$0x4280];
	[tilespmem:s22+$0x1C300] =	vst v4;
	v5 =	vadd.f32 v10, v5  }
0x430: {  	v4 =	vld [tilespmem:s3+$0x4300];
	[tilespmem:s22+$0x1C380] =	vst v3;
	v7 =	vadd.f32 v9, v7  }
0x431: {  	v3 =	vld [tilespmem:s3+$0x4380];
	[tilespmem:s22+$0x1C400] =	vst v5;
	v8 =	vadd.f32 v13, v8  }
0x432: {  	v5 =	vld [tilespmem:s3+$0x4400];
	v9 =	vadd.f32 v14, v2;
	[tilespmem:s22+$0x1C480] =	vst v7  }
0x433: {  	s8 =	sor.u32 s4, s11;
	s4 =	smov.u32 s24;
	s11 =	smov.u32 s0;
	v7 =	vld [tilespmem:s3+$0x4480];
	[tilespmem:s22+$0x1C500] =	vst v8;
	v2 =	vmov v12  }
0x434: {  	s8 =	sor.u32 $0x380, s8;
	[tilespmem:s22+$0x1C200] =	vst v9;
	v9 =	vld [tilespmem:s22+$0x1C580]  }
0x435: {  	v14 =	vld [tilespmem:s8+$0x4200]  }
0x436: {  	v8 =	vld [tilespmem:s3+$0x4500]  }
.Ltmp12:
0x437: {  	v13 =	vld [tilespmem:s3+$0x1C280];
	(pc) =	sbr.rel @p0 .LBB2_27-.Ltmp12, $4  }
0x438: {  	v12 =	vld [tilespmem:s3+$0x1C300]  }
0x439: {  	v11 =	vld [tilespmem:s3+$0x1C380]  }
0x43a: {  	v10 =	vld [tilespmem:s3+$0x1C400];
	v14 =	vadd.f32 v9, v14  }
0x43b: {  	s24 =	sadd.s32 $0x80, s24;
	s0 =	sadd.s32 $0x10, s0;
	v9 =	vld [tilespmem:s3+$0x1C480]  }
0x43c: {  	v15 =	vld [tilespmem:s3+$0x1C500];
	v6 =	vadd.f32 v13, v6;
	[tilespmem:s22+$0x1C580] =	vst v14  }
0x43d: {  	v61 =	vld [tilespmem:s3+$0x1C200];
	v4 =	vadd.f32 v12, v4  }
0x43e: {  	[tilespmem:s3+$0x1C280] =	vst v6;
	v3 =	vadd.f32 v11, v3  }
0x43f: {  	[tilespmem:s3+$0x1C300] =	vst v4;
	v62 =	vadd.f32 v10, v5  }
0x440: {  	[tilespmem:s3+$0x1C380] =	vst v3;
	v3 =	vadd.f32 v9, v7  }
0x441: {  	[tilespmem:s3+$0x1C400] =	vst v62;
	v63 =	vadd.f32 v15, v8  }
0x442: {  	v2 =	vadd.f32 v61, v2;
	[tilespmem:s3+$0x1C480] =	vst v3  }
0x443: {  	s0 =	sor.u32 s4, s11;
	[tilespmem:s3+$0x1C500] =	vst v63  }
0x444: {  	s0 =	sor.u32 $0x380, s0;
	[tilespmem:s3+$0x1C200] =	vst v2;
	v2 =	vld [tilespmem:s3+$0x1C580]  }
0x445: {  	v3 =	vld [tilespmem:s0+$0x4200];
	_ =	sdelay $0x1  }
0x446: {  	s26 =	sadd.s32 $0x1, s26  }
0x447: {  	p0 =	sne.s32 s26, $0x5  }
.Ltmp13:
0x448: {  	_ = 	snop;
	(pc) =	sbr.rel @p0 .LBB2_2-.Ltmp13, $3  }
0x449: {  	v2 =	vadd.f32 v2, v3;
	_ =	sdelay $0x1  }
0x44a: {  	s29 =	sadd.s32 s10, s18;
	s30 =	simm.s32 $0x1C200;
	[tilespmem:s3+$0x1C580] =	vst v2  }
0x44b: {  	[hbm4b:s29+s5] =	stream.linear.scatter [tilespmem:s30], [sflag:$0x13], $0x2000, $0x38;
	[tilespmem:$0x1E200] =	vst v63  }
0x44c: {  	_ =	swait.ge [sflag:s1], $0x2000  }
0x44d: {  	[sflag:s1] =	ssyncset.done $0x0  }
0x44e: {  	[sflag:s1] =	ssyncadd.s32 $0xFFFFE000  }
0x44f: {  	s10 =	simm.s32 $0x0;
	_ =	swait.ge [sflag:s25], $0x2000  }
0x450: {  	s0 =	sand.u32 $0x70, s10;
	s3 =	sand.u32 $0x1C00, s10;
	[sflag:s25] =	ssyncset.done $0x0  }
0x451: {  	s3 =	sor.u32 s0, s3;
	[sflag:s25] =	ssyncadd.s32 $0xFFFFE000  }
0x452: {  	v4 =	vld [tilespmem:s3+$0x6500]  }
0x453: {  	v2 =	vld [tilespmem:s3+$0x6400]  }
0x454: {  	v3 =	vld [tilespmem:s3+$0x380]  }
0x455: {  	v5 =	vld [tilespmem:s3+$0x300]  }
0x456: {  	v6 =	vld [tilespmem:s3+$0x6300]  }
0x457: {  	v8 =	vld [tilespmem:s3+$0x6280]  }
0x458: {  	s11 =	simm.s32 $0x10;
	s4 =	sor.u32 s10, s10;
	v7 =	vld [tilespmem:s3+$0x6200]  }
.LBB2_30:
0x459: {  	p0 =	sne.s32 s11, $0x3F0  }
0x45a: {  	v9 =	vld [tilespmem:s3+$0x280];
	s10 =	sadd.s32 $0x80, s10;
	s0 =	smov.u32 s11;
	s11 =	sadd.s32 $0x10, s11  }
0x45b: {  	s8 =	sor.u32 s10, s0;
	v10 =	vld [tilespmem:s3+$0x200]  }
0x45c: {  	v11 =	vld [tilespmem:s3+$0x500]  }
0x45d: {  	v12 =	vld [tilespmem:s3+$0x400]  }
0x45e: {  	v13 =	vld [tilespmem:s3+$0x6380]  }
0x45f: {  	v8 =	vadd.f32 v8, v9;
	v9 =	vld [tilespmem:s3+$0x6480]  }
0x460: {  	v5 =	vadd.f32 v6, v5;
	v7 =	vadd.f32 v7, v10;
	v6 =	vld [tilespmem:s3+$0x480]  }
0x461: {  	[tilespmem:s3+$0x6280] =	vst v8;
	v4 =	vadd.f32 v4, v11  }
0x462: {  	[tilespmem:s3+$0x6300] =	vst v5;
	v2 =	vadd.f32 v2, v12  }
0x463: {  	[tilespmem:s3+$0x6200] =	vst v7;
	v3 =	vadd.f32 v13, v3  }
0x464: {  	[tilespmem:s3+$0x6500] =	vst v4  }
0x465: {  	[tilespmem:s3+$0x6380] =	vst v3;
	v3 =	vadd.f32 v9, v6  }
0x466: {  	[tilespmem:s3+$0x6400] =	vst v2  }
0x467: {  	s22 =	sor.u32 $0x380, s4;
	s0 =	sand.u32 $0x70, s0;
	s19 =	sand.u32 $0x1C00, s10;
	[tilespmem:s3+$0x6480] =	vst v3  }
0x468: {  	s4 =	smov.u32 s8;
	s3 =	sor.u32 s0, s19;
	v2 =	vld [tilespmem:s22+$0x200]  }
0x469: {  	v3 =	vld [tilespmem:s22+$0x6200];
	_ =	sdelay $0x4  }
0x46a: {  	v2 =	vadd.f32 v3, v2;
	_ =	sdelay $0x1  }
0x46b: {  	[tilespmem:s22+$0x6200] =	vst v2  }
0x46c: {  	v4 =	vld [tilespmem:s3+$0x6500]  }
0x46d: {  	v2 =	vld [tilespmem:s3+$0x6400]  }
.Ltmp14:
0x46e: {  	v3 =	vld [tilespmem:s3+$0x380];
	(pc) =	sbr.rel @p0 .LBB2_30-.Ltmp14, $4  }
0x46f: {  	v5 =	vld [tilespmem:s3+$0x300]  }
0x470: {  	v6 =	vld [tilespmem:s3+$0x6300]  }
0x471: {  	v8 =	vld [tilespmem:s3+$0x6280]  }
0x472: {  	v7 =	vld [tilespmem:s3+$0x6200]  }
0x473: {  	v9 =	vld [tilespmem:s3+$0x280]  }
0x474: {  	v10 =	vld [tilespmem:s3+$0x200]  }
0x475: {  	v11 =	vld [tilespmem:s3+$0x500]  }
0x476: {  	v12 =	vld [tilespmem:s3+$0x400]  }
0x477: {  	v13 =	vld [tilespmem:s3+$0x6380]  }
0x478: {  	v5 =	vadd.f32 v6, v5;
	v6 =	vld [tilespmem:s3+$0x480]  }
0x479: {  	v8 =	vadd.f32 v8, v9;
	v9 =	vld [tilespmem:s3+$0x6480]  }
0x47a: {  	[tilespmem:s3+$0x6300] =	vst v5;
	v7 =	vadd.f32 v7, v10  }
0x47b: {  	v4 =	vadd.f32 v4, v11;
	[tilespmem:s3+$0x6280] =	vst v8  }
0x47c: {  	v3 =	vadd.f32 v13, v3;
	[tilespmem:s3+$0x6200] =	vst v7  }
0x47d: {  	v2 =	vadd.f32 v2, v12;
	[tilespmem:s3+$0x6500] =	vst v4  }
0x47e: {  	[tilespmem:s3+$0x6380] =	vst v3;
	v3 =	vadd.f32 v9, v6  }
0x47f: {  	[tilespmem:s3+$0x6400] =	vst v2  }
0x480: {  	s0 =	sor.u32 $0x380, s4;
	[tilespmem:s3+$0x6480] =	vst v3  }
0x481: {  	v2 =	vld [tilespmem:s0+$0x200]  }
0x482: {  	v3 =	vld [tilespmem:s0+$0x6200];
	_ =	sdelay $0x4  }
0x483: {  	v2 =	vadd.f32 v3, v2;
	_ =	sdelay $0x1  }
0x484: {  	s19 =	simm.s32 $0x0;
	s22 =	rddreg [dreg:$0xd];
	s24 =	simm.s32 $0x6200;
	[tilespmem:s0+$0x6200] =	vst v2  }
0x485: {  	[hbm4b:s22+s19] =	stream.linear.scatter [tilespmem:s24], [sflag:$0x11], $0x2000, $0x38;
	[tilespmem:$0x1E200] =	vst v63  }
0x486: {  	_ =	swait.ge [sflag:s28], $0x2000  }
0x487: {  	s26 =	sand.u32 $0x70, s19;
	s29 =	sand.u32 $0x1C00, s19;
	[sflag:s28] =	ssyncset.done $0x0  }
0x488: {  	s11 =	sor.u32 s26, s29;
	[sflag:s28] =	ssyncadd.s32 $0xFFFFE000  }
0x489: {  	v7 =	vld [tilespmem:s11+$0x200]  }
0x48a: {  	v2 =	vld [tilespmem:s11+$0x280]  }
0x48b: {  	v3 =	vld [tilespmem:s11+$0x300]  }
0x48c: {  	v4 =	vld [tilespmem:s11+$0x380]  }
0x48d: {  	v5 =	vld [tilespmem:s11+$0x400]  }
0x48e: {  	v8 =	vld [tilespmem:s11+$0x480]  }
0x48f: {  	v9 =	vld [tilespmem:s11+$0x500]  }
0x490: {  	v6 =	vld [tilespmem:s11+$0x8280]  }
0x491: {  	v10 =	vld [tilespmem:s11+$0x8300]  }
0x492: {  	v11 =	vld [tilespmem:s11+$0x8380]  }
0x493: {  	v12 =	vld [tilespmem:s11+$0x8400]  }
0x494: {  	s4 =	simm.s32 $0x80;
	s10 =	simm.s32 $0x10;
	v13 =	vld [tilespmem:s11+$0x8480]  }
0x495: {  	s30 =	sand.u32 $0x70, s10;
	s8 =	sand.u32 $0x1C00, s4;
	v14 =	vld [tilespmem:s11+$0x8500];
	v6 =	vadd.f32 v6, v2  }
0x496: {  	s3 =	sor.u32 s30, s8;
	v15 =	vld [tilespmem:s11+$0x8200];
	v3 =	vadd.f32 v10, v3  }
0x497: {  	v2 =	vld [tilespmem:s3+$0x200];
	v10 =	vadd.f32 v11, v4;
	[tilespmem:s11+$0x8280] =	vst v6  }
0x498: {  	v5 =	vadd.f32 v12, v5;
	v6 =	vld [tilespmem:s3+$0x280];
	[tilespmem:s11+$0x8300] =	vst v3  }
0x499: {  	v8 =	vadd.f32 v13, v8;
	v4 =	vld [tilespmem:s3+$0x300];
	[tilespmem:s11+$0x8380] =	vst v10  }
0x49a: {  	v9 =	vadd.f32 v14, v9;
	v3 =	vld [tilespmem:s3+$0x380];
	[tilespmem:s11+$0x8400] =	vst v5  }
0x49b: {  	v5 =	vld [tilespmem:s3+$0x400];
	[tilespmem:s11+$0x8480] =	vst v8;
	v8 =	vadd.f32 v15, v7  }
0x49c: {  	s0 =	sor.u32 s19, s19;
	v7 =	vld [tilespmem:s3+$0x480];
	[tilespmem:s11+$0x8500] =	vst v9  }
0x49d: {  	s0 =	sor.u32 $0x380, s0;
	v9 =	vld [tilespmem:s11+$0x8580];
	[tilespmem:s11+$0x8200] =	vst v8  }
0x49e: {  	v14 =	vld [tilespmem:s0+$0x200]  }
0x49f: {  	v8 =	vld [tilespmem:s3+$0x500]  }
0x4a0: {  	v13 =	vld [tilespmem:s3+$0x8280]  }
0x4a1: {  	v12 =	vld [tilespmem:s3+$0x8300]  }
0x4a2: {  	v11 =	vld [tilespmem:s3+$0x8380]  }
0x4a3: {  	v10 =	vld [tilespmem:s3+$0x8400];
	v14 =	vadd.f32 v9, v14  }
0x4a4: {  	s22 =	simm.s32 $0x100;
	s0 =	simm.s32 $0x20;
	v9 =	vld [tilespmem:s3+$0x8480]  }
.LBB2_32:
0x4a5: {  	s8 =	sand.u32 $0x70, s0;
	s19 =	sand.u32 $0x1C00, s22;
	p0 =	sne.s32 s0, $0x3F0;
	v6 =	vadd.f32 v13, v6;
	v13 =	vld [tilespmem:s3+$0x8500];
	[tilespmem:s11+$0x8580] =	vst v14  }
0x4a6: {  	s11 =	smov.u32 s3;
	v14 =	vld [tilespmem:s3+$0x8200];
	v4 =	vadd.f32 v12, v4;
	s3 =	sor.u32 s8, s19  }
0x4a7: {  	v12 =	vld [tilespmem:s3+$0x200];
	[tilespmem:s11+$0x8280] =	vst v6;
	v3 =	vadd.f32 v11, v3  }
0x4a8: {  	v6 =	vld [tilespmem:s3+$0x280];
	[tilespmem:s11+$0x8300] =	vst v4;
	v5 =	vadd.f32 v10, v5  }
0x4a9: {  	v4 =	vld [tilespmem:s3+$0x300];
	[tilespmem:s11+$0x8380] =	vst v3;
	v7 =	vadd.f32 v9, v7  }
0x4aa: {  	v3 =	vld [tilespmem:s3+$0x380];
	[tilespmem:s11+$0x8400] =	vst v5;
	v8 =	vadd.f32 v13, v8  }
0x4ab: {  	v5 =	vld [tilespmem:s3+$0x400];
	v9 =	vadd.f32 v14, v2;
	[tilespmem:s11+$0x8480] =	vst v7  }
0x4ac: {  	s8 =	sor.u32 s4, s10;
	s4 =	smov.u32 s22;
	s10 =	smov.u32 s0;
	v7 =	vld [tilespmem:s3+$0x480];
	[tilespmem:s11+$0x8500] =	vst v8;
	v2 =	vmov v12  }
0x4ad: {  	s8 =	sor.u32 $0x380, s8;
	[tilespmem:s11+$0x8200] =	vst v9;
	v9 =	vld [tilespmem:s11+$0x8580]  }
0x4ae: {  	v14 =	vld [tilespmem:s8+$0x200]  }
0x4af: {  	v8 =	vld [tilespmem:s3+$0x500]  }
.Ltmp15:
0x4b0: {  	v13 =	vld [tilespmem:s3+$0x8280];
	(pc) =	sbr.rel @p0 .LBB2_32-.Ltmp15, $4  }
0x4b1: {  	v12 =	vld [tilespmem:s3+$0x8300]  }
0x4b2: {  	v11 =	vld [tilespmem:s3+$0x8380]  }
0x4b3: {  	v10 =	vld [tilespmem:s3+$0x8400];
	v14 =	vadd.f32 v9, v14  }
0x4b4: {  	s22 =	sadd.s32 $0x80, s22;
	s0 =	sadd.s32 $0x10, s0;
	v9 =	vld [tilespmem:s3+$0x8480]  }
0x4b5: {  	v15 =	vld [tilespmem:s3+$0x8500];
	v6 =	vadd.f32 v13, v6;
	[tilespmem:s11+$0x8580] =	vst v14  }
0x4b6: {  	v13 =	vld [tilespmem:s3+$0x8200];
	v4 =	vadd.f32 v12, v4  }
0x4b7: {  	[tilespmem:s3+$0x8280] =	vst v6;
	v3 =	vadd.f32 v11, v3  }
0x4b8: {  	[tilespmem:s3+$0x8300] =	vst v4;
	v4 =	vadd.f32 v10, v5  }
0x4b9: {  	[tilespmem:s3+$0x8380] =	vst v3;
	v3 =	vadd.f32 v9, v7  }
0x4ba: {  	[tilespmem:s3+$0x8400] =	vst v4;
	v4 =	vadd.f32 v15, v8  }
0x4bb: {  	v2 =	vadd.f32 v13, v2;
	[tilespmem:s3+$0x8480] =	vst v3  }
0x4bc: {  	s0 =	sor.u32 s4, s10;
	[tilespmem:s3+$0x8500] =	vst v4  }
0x4bd: {  	s0 =	sor.u32 $0x380, s0;
	[tilespmem:s3+$0x8200] =	vst v2;
	v2 =	vld [tilespmem:s3+$0x8580]  }
0x4be: {  	v3 =	vld [tilespmem:s0+$0x200];
	_ =	sdelay $0x4  }
0x4bf: {  	v2 =	vadd.f32 v2, v3;
	_ =	sdelay $0x1  }
0x4c0: {  	s19 =	simm.s32 $0x0;
	s22 =	rddreg [dreg:$0xc];
	s24 =	simm.s32 $0x8200;
	[tilespmem:s3+$0x8580] =	vst v2  }
0x4c1: {  	[hbm4b:s22+s19] =	stream.linear.scatter [tilespmem:s24], [sflag:$0x11], $0x2000, $0x38;
	[tilespmem:$0x1E200] =	vst v63  }
0x4c2: {  	_ =	swait.ge [sflag:s21], $0x2000  }
0x4c3: {  	s26 =	sand.u32 $0x70, s19;
	s29 =	sand.u32 $0x1C00, s19;
	[sflag:s21] =	ssyncset.done $0x0  }
0x4c4: {  	s11 =	sor.u32 s26, s29;
	[sflag:s21] =	ssyncadd.s32 $0xFFFFE000  }
0x4c5: {  	v7 =	vld [tilespmem:s11+$0x200]  }
0x4c6: {  	v2 =	vld [tilespmem:s11+$0x280]  }
0x4c7: {  	v3 =	vld [tilespmem:s11+$0x300]  }
0x4c8: {  	v4 =	vld [tilespmem:s11+$0x380]  }
0x4c9: {  	v5 =	vld [tilespmem:s11+$0x400]  }
0x4ca: {  	v8 =	vld [tilespmem:s11+$0x480]  }
0x4cb: {  	v9 =	vld [tilespmem:s11+$0x500]  }
0x4cc: {  	v6 =	vld [tilespmem:s11+$0xA280]  }
0x4cd: {  	v10 =	vld [tilespmem:s11+$0xA300]  }
0x4ce: {  	v11 =	vld [tilespmem:s11+$0xA380]  }
0x4cf: {  	v12 =	vld [tilespmem:s11+$0xA400]  }
0x4d0: {  	s4 =	simm.s32 $0x80;
	s10 =	simm.s32 $0x10;
	v13 =	vld [tilespmem:s11+$0xA480]  }
0x4d1: {  	s30 =	sand.u32 $0x70, s10;
	s8 =	sand.u32 $0x1C00, s4;
	v14 =	vld [tilespmem:s11+$0xA500];
	v6 =	vadd.f32 v6, v2  }
0x4d2: {  	s3 =	sor.u32 s30, s8;
	v15 =	vld [tilespmem:s11+$0xA200];
	v3 =	vadd.f32 v10, v3  }
0x4d3: {  	v2 =	vld [tilespmem:s3+$0x200];
	v10 =	vadd.f32 v11, v4;
	[tilespmem:s11+$0xA280] =	vst v6  }
0x4d4: {  	v5 =	vadd.f32 v12, v5;
	v6 =	vld [tilespmem:s3+$0x280];
	[tilespmem:s11+$0xA300] =	vst v3  }
0x4d5: {  	v8 =	vadd.f32 v13, v8;
	v4 =	vld [tilespmem:s3+$0x300];
	[tilespmem:s11+$0xA380] =	vst v10  }
0x4d6: {  	v9 =	vadd.f32 v14, v9;
	v3 =	vld [tilespmem:s3+$0x380];
	[tilespmem:s11+$0xA400] =	vst v5  }
0x4d7: {  	v5 =	vld [tilespmem:s3+$0x400];
	[tilespmem:s11+$0xA480] =	vst v8;
	v8 =	vadd.f32 v15, v7  }
0x4d8: {  	s0 =	sor.u32 s19, s19;
	v7 =	vld [tilespmem:s3+$0x480];
	[tilespmem:s11+$0xA500] =	vst v9  }
0x4d9: {  	s0 =	sor.u32 $0x380, s0;
	v9 =	vld [tilespmem:s11+$0xA580];
	[tilespmem:s11+$0xA200] =	vst v8  }
0x4da: {  	v14 =	vld [tilespmem:s0+$0x200]  }
0x4db: {  	v8 =	vld [tilespmem:s3+$0x500]  }
0x4dc: {  	v13 =	vld [tilespmem:s3+$0xA280]  }
0x4dd: {  	v12 =	vld [tilespmem:s3+$0xA300]  }
0x4de: {  	v11 =	vld [tilespmem:s3+$0xA380]  }
0x4df: {  	v10 =	vld [tilespmem:s3+$0xA400];
	v14 =	vadd.f32 v9, v14  }
0x4e0: {  	s22 =	simm.s32 $0x100;
	s0 =	simm.s32 $0x20;
	v9 =	vld [tilespmem:s3+$0xA480]  }
.LBB2_34:
0x4e1: {  	s8 =	sand.u32 $0x70, s0;
	s19 =	sand.u32 $0x1C00, s22;
	p0 =	sne.s32 s0, $0x3F0;
	v6 =	vadd.f32 v13, v6;
	v13 =	vld [tilespmem:s3+$0xA500];
	[tilespmem:s11+$0xA580] =	vst v14  }
0x4e2: {  	s11 =	smov.u32 s3;
	v14 =	vld [tilespmem:s3+$0xA200];
	v4 =	vadd.f32 v12, v4;
	s3 =	sor.u32 s8, s19  }
0x4e3: {  	v12 =	vld [tilespmem:s3+$0x200];
	[tilespmem:s11+$0xA280] =	vst v6;
	v3 =	vadd.f32 v11, v3  }
0x4e4: {  	v6 =	vld [tilespmem:s3+$0x280];
	[tilespmem:s11+$0xA300] =	vst v4;
	v5 =	vadd.f32 v10, v5  }
0x4e5: {  	v4 =	vld [tilespmem:s3+$0x300];
	[tilespmem:s11+$0xA380] =	vst v3;
	v7 =	vadd.f32 v9, v7  }
0x4e6: {  	v3 =	vld [tilespmem:s3+$0x380];
	[tilespmem:s11+$0xA400] =	vst v5;
	v8 =	vadd.f32 v13, v8  }
0x4e7: {  	v5 =	vld [tilespmem:s3+$0x400];
	v9 =	vadd.f32 v14, v2;
	[tilespmem:s11+$0xA480] =	vst v7  }
0x4e8: {  	s8 =	sor.u32 s4, s10;
	s4 =	smov.u32 s22;
	s10 =	smov.u32 s0;
	v7 =	vld [tilespmem:s3+$0x480];
	[tilespmem:s11+$0xA500] =	vst v8;
	v2 =	vmov v12  }
0x4e9: {  	s8 =	sor.u32 $0x380, s8;
	[tilespmem:s11+$0xA200] =	vst v9;
	v9 =	vld [tilespmem:s11+$0xA580]  }
0x4ea: {  	v14 =	vld [tilespmem:s8+$0x200]  }
0x4eb: {  	v8 =	vld [tilespmem:s3+$0x500]  }
.Ltmp16:
0x4ec: {  	v13 =	vld [tilespmem:s3+$0xA280];
	(pc) =	sbr.rel @p0 .LBB2_34-.Ltmp16, $4  }
0x4ed: {  	v12 =	vld [tilespmem:s3+$0xA300]  }
0x4ee: {  	v11 =	vld [tilespmem:s3+$0xA380]  }
0x4ef: {  	v10 =	vld [tilespmem:s3+$0xA400];
	v14 =	vadd.f32 v9, v14  }
0x4f0: {  	s22 =	sadd.s32 $0x80, s22;
	s0 =	sadd.s32 $0x10, s0;
	v9 =	vld [tilespmem:s3+$0xA480]  }
0x4f1: {  	v15 =	vld [tilespmem:s3+$0xA500];
	v6 =	vadd.f32 v13, v6;
	[tilespmem:s11+$0xA580] =	vst v14  }
0x4f2: {  	v13 =	vld [tilespmem:s3+$0xA200];
	v4 =	vadd.f32 v12, v4  }
0x4f3: {  	[tilespmem:s3+$0xA280] =	vst v6;
	v3 =	vadd.f32 v11, v3  }
0x4f4: {  	[tilespmem:s3+$0xA300] =	vst v4;
	v4 =	vadd.f32 v10, v5  }
0x4f5: {  	[tilespmem:s3+$0xA380] =	vst v3;
	v3 =	vadd.f32 v9, v7  }
0x4f6: {  	[tilespmem:s3+$0xA400] =	vst v4;
	v4 =	vadd.f32 v15, v8  }
0x4f7: {  	v2 =	vadd.f32 v13, v2;
	[tilespmem:s3+$0xA480] =	vst v3  }
0x4f8: {  	s0 =	sor.u32 s4, s10;
	[tilespmem:s3+$0xA500] =	vst v4  }
0x4f9: {  	s0 =	sor.u32 $0x380, s0;
	[tilespmem:s3+$0xA200] =	vst v2;
	v2 =	vld [tilespmem:s3+$0xA580]  }
0x4fa: {  	v3 =	vld [tilespmem:s0+$0x200];
	_ =	sdelay $0x4  }
0x4fb: {  	v2 =	vadd.f32 v2, v3;
	_ =	sdelay $0x1  }
0x4fc: {  	s19 =	simm.s32 $0x0;
	s22 =	rddreg [dreg:$0xe];
	s24 =	simm.s32 $0xA200;
	[tilespmem:s3+$0xA580] =	vst v2  }
0x4fd: {  	[hbm4b:s22+s19] =	stream.linear.scatter [tilespmem:s24], [sflag:$0x11], $0x2000, $0x38;
	[tilespmem:$0x1E200] =	vst v63  }
0x4fe: {  	_ =	swait.ge [sflag:s23], $0x2000  }
0x4ff: {  	s26 =	sand.u32 $0x70, s19;
	s29 =	sand.u32 $0x1C00, s19;
	[sflag:s23] =	ssyncset.done $0x0  }
0x500: {  	s11 =	sor.u32 s26, s29;
	[sflag:s23] =	ssyncadd.s32 $0xFFFFE000  }
0x501: {  	v7 =	vld [tilespmem:s11+$0x200]  }
0x502: {  	v2 =	vld [tilespmem:s11+$0x280]  }
0x503: {  	v3 =	vld [tilespmem:s11+$0x300]  }
0x504: {  	v4 =	vld [tilespmem:s11+$0x380]  }
0x505: {  	v5 =	vld [tilespmem:s11+$0x400]  }
0x506: {  	v8 =	vld [tilespmem:s11+$0x480]  }
0x507: {  	v9 =	vld [tilespmem:s11+$0x500]  }
0x508: {  	v6 =	vld [tilespmem:s11+$0xC280]  }
0x509: {  	v10 =	vld [tilespmem:s11+$0xC300]  }
0x50a: {  	v11 =	vld [tilespmem:s11+$0xC380]  }
0x50b: {  	v12 =	vld [tilespmem:s11+$0xC400]  }
0x50c: {  	s4 =	simm.s32 $0x80;
	s10 =	simm.s32 $0x10;
	v13 =	vld [tilespmem:s11+$0xC480]  }
0x50d: {  	s30 =	sand.u32 $0x70, s10;
	s8 =	sand.u32 $0x1C00, s4;
	v14 =	vld [tilespmem:s11+$0xC500];
	v6 =	vadd.f32 v6, v2  }
0x50e: {  	s3 =	sor.u32 s30, s8;
	v15 =	vld [tilespmem:s11+$0xC200];
	v3 =	vadd.f32 v10, v3  }
0x50f: {  	v2 =	vld [tilespmem:s3+$0x200];
	v10 =	vadd.f32 v11, v4;
	[tilespmem:s11+$0xC280] =	vst v6  }
0x510: {  	v5 =	vadd.f32 v12, v5;
	v6 =	vld [tilespmem:s3+$0x280];
	[tilespmem:s11+$0xC300] =	vst v3  }
0x511: {  	v8 =	vadd.f32 v13, v8;
	v4 =	vld [tilespmem:s3+$0x300];
	[tilespmem:s11+$0xC380] =	vst v10  }
0x512: {  	v9 =	vadd.f32 v14, v9;
	v3 =	vld [tilespmem:s3+$0x380];
	[tilespmem:s11+$0xC400] =	vst v5  }
0x513: {  	v5 =	vld [tilespmem:s3+$0x400];
	[tilespmem:s11+$0xC480] =	vst v8;
	v8 =	vadd.f32 v15, v7  }
0x514: {  	s0 =	sor.u32 s19, s19;
	v7 =	vld [tilespmem:s3+$0x480];
	[tilespmem:s11+$0xC500] =	vst v9  }
0x515: {  	s0 =	sor.u32 $0x380, s0;
	v9 =	vld [tilespmem:s11+$0xC580];
	[tilespmem:s11+$0xC200] =	vst v8  }
0x516: {  	v14 =	vld [tilespmem:s0+$0x200]  }
0x517: {  	v8 =	vld [tilespmem:s3+$0x500]  }
0x518: {  	v13 =	vld [tilespmem:s3+$0xC280]  }
0x519: {  	v12 =	vld [tilespmem:s3+$0xC300]  }
0x51a: {  	v11 =	vld [tilespmem:s3+$0xC380]  }
0x51b: {  	v10 =	vld [tilespmem:s3+$0xC400];
	v14 =	vadd.f32 v9, v14  }
0x51c: {  	s22 =	simm.s32 $0x100;
	s0 =	simm.s32 $0x20;
	v9 =	vld [tilespmem:s3+$0xC480]  }
.LBB2_36:
0x51d: {  	s8 =	sand.u32 $0x70, s0;
	s19 =	sand.u32 $0x1C00, s22;
	p0 =	sne.s32 s0, $0x3F0;
	v6 =	vadd.f32 v13, v6;
	v13 =	vld [tilespmem:s3+$0xC500];
	[tilespmem:s11+$0xC580] =	vst v14  }
0x51e: {  	s11 =	smov.u32 s3;
	v14 =	vld [tilespmem:s3+$0xC200];
	v4 =	vadd.f32 v12, v4;
	s3 =	sor.u32 s8, s19  }
0x51f: {  	v12 =	vld [tilespmem:s3+$0x200];
	[tilespmem:s11+$0xC280] =	vst v6;
	v3 =	vadd.f32 v11, v3  }
0x520: {  	v6 =	vld [tilespmem:s3+$0x280];
	[tilespmem:s11+$0xC300] =	vst v4;
	v5 =	vadd.f32 v10, v5  }
0x521: {  	v4 =	vld [tilespmem:s3+$0x300];
	[tilespmem:s11+$0xC380] =	vst v3;
	v7 =	vadd.f32 v9, v7  }
0x522: {  	v3 =	vld [tilespmem:s3+$0x380];
	[tilespmem:s11+$0xC400] =	vst v5;
	v8 =	vadd.f32 v13, v8  }
0x523: {  	v5 =	vld [tilespmem:s3+$0x400];
	v9 =	vadd.f32 v14, v2;
	[tilespmem:s11+$0xC480] =	vst v7  }
0x524: {  	s8 =	sor.u32 s4, s10;
	s4 =	smov.u32 s22;
	s10 =	smov.u32 s0;
	v7 =	vld [tilespmem:s3+$0x480];
	[tilespmem:s11+$0xC500] =	vst v8;
	v2 =	vmov v12  }
0x525: {  	s8 =	sor.u32 $0x380, s8;
	[tilespmem:s11+$0xC200] =	vst v9;
	v9 =	vld [tilespmem:s11+$0xC580]  }
0x526: {  	v14 =	vld [tilespmem:s8+$0x200]  }
0x527: {  	v8 =	vld [tilespmem:s3+$0x500]  }
.Ltmp17:
0x528: {  	v13 =	vld [tilespmem:s3+$0xC280];
	(pc) =	sbr.rel @p0 .LBB2_36-.Ltmp17, $4  }
0x529: {  	v12 =	vld [tilespmem:s3+$0xC300]  }
0x52a: {  	v11 =	vld [tilespmem:s3+$0xC380]  }
0x52b: {  	v10 =	vld [tilespmem:s3+$0xC400];
	v14 =	vadd.f32 v9, v14  }
0x52c: {  	s22 =	sadd.s32 $0x80, s22;
	s0 =	sadd.s32 $0x10, s0;
	v9 =	vld [tilespmem:s3+$0xC480]  }
0x52d: {  	v15 =	vld [tilespmem:s3+$0xC500];
	v6 =	vadd.f32 v13, v6;
	[tilespmem:s11+$0xC580] =	vst v14  }
0x52e: {  	v61 =	vld [tilespmem:s3+$0xC200];
	v4 =	vadd.f32 v12, v4  }
0x52f: {  	[tilespmem:s3+$0xC280] =	vst v6;
	v3 =	vadd.f32 v11, v3  }
0x530: {  	[tilespmem:s3+$0xC300] =	vst v4;
	v62 =	vadd.f32 v10, v5  }
0x531: {  	[tilespmem:s3+$0xC380] =	vst v3;
	v3 =	vadd.f32 v9, v7  }
0x532: {  	[tilespmem:s3+$0xC400] =	vst v62;
	v63 =	vadd.f32 v15, v8  }
0x533: {  	v2 =	vadd.f32 v61, v2;
	[tilespmem:s3+$0xC480] =	vst v3  }
0x534: {  	s0 =	sor.u32 s4, s10;
	[tilespmem:s3+$0xC500] =	vst v63  }
0x535: {  	s0 =	sor.u32 $0x380, s0;
	[tilespmem:s3+$0xC200] =	vst v2;
	v2 =	vld [tilespmem:s3+$0xC580]  }
0x536: {  	v3 =	vld [tilespmem:s0+$0x200];
	_ =	sdelay $0x4  }
0x537: {  	v2 =	vadd.f32 v2, v3;
	_ =	sdelay $0x1  }
0x538: {  	s24 =	rddreg [dreg:$0xf];
	s4 =	simm.s32 $0xC200;
	[tilespmem:s3+$0xC580] =	vst v2  }
0x539: {  	[hbm4b:s24+s5] =	stream.linear.scatter [tilespmem:s4], [sflag:$0x11], $0x2000, $0x38;
	[tilespmem:$0x1E200] =	vst v63  }
0x53a: {  	_ =	swait.ge [sflag:s31], $0x2000  }
0x53b: {  	[sflag:s31] =	ssyncset.done $0x0  }
0x53c: {  	[sflag:s31] =	ssyncadd.s32 $0xFFFFE000  }
0x53d: {  	_ =	swait.ge [sflag:s31], $0x2000  }
0x53e: {  	[sflag:s31] =	ssyncset.done $0x0  }
0x53f: {  	[sflag:s31] =	ssyncadd.s32 $0xFFFFE000  }
0x540: {  	_ =	swait.ge [sflag:s31], $0x2000  }
0x541: {  	[sflag:s31] =	ssyncset.done $0x0  }
0x542: {  	[sflag:s31] =	ssyncadd.s32 $0xFFFFE000  }
0x543: {  	_ =	swait.ge [sflag:s31], $0x2000  }
0x544: {  	[sflag:s31] =	ssyncset.done $0x0  }
0x545: {  	s26 =	simm.s32 $0x13;
	[sflag:s31] =	ssyncadd.s32 $0xFFFFE000  }
0x546: {  	_ =	swait.ge [sflag:s26], $0x2000  }
0x547: {  	[sflag:s26] =	ssyncset.done $0x0  }
0x548: {  	[sflag:s26] =	ssyncadd.s32 $0xFFFFE000  }
0x549: {  	_ =	swait.ge [sflag:s26], $0x2000  }
0x54a: {  	[sflag:s26] =	ssyncset.done $0x0  }
0x54b: {  	[sflag:s26] =	ssyncadd.s32 $0xFFFFE000  }
0x54c: {  	_ =	swait.ge [sflag:s26], $0x2000  }
0x54d: {  	[sflag:s26] =	ssyncset.done $0x0  }
0x54e: {  	[sflag:s26] =	ssyncadd.s32 $0xFFFFE000  }
0x54f: {  	_ =	swait.ge [sflag:s26], $0x2000  }
0x550: {  	[sflag:s26] =	ssyncset.done $0x0  }
0x551: {  	[sflag:s26] =	ssyncadd.s32 $0xFFFFE000  }
0x552: {  	_ =	swait.ge [sflag:s7], $0x2000  }
0x553: {  	[sflag:s7] =	ssyncset.done $0x0  }
0x554: {  	[sflag:s7] =	ssyncadd.s32 $0xFFFFE000  }
0x555: {  	_ =	swait.ge [sflag:s7], $0x2000  }
0x556: {  	[sflag:s7] =	ssyncset.done $0x0  }
0x557: {  	[sflag:s7] =	ssyncadd.s32 $0xFFFFE000  }
0x558: {  	_ =	swait.ge [sflag:s7], $0x2000  }
0x559: {  	[sflag:s7] =	ssyncset.done $0x0  }
0x55a: {  	[sflag:s7] =	ssyncadd.s32 $0xFFFFE000  }
0x55b: {  	_ =	swait.ge [sflag:s7], $0x2000  }
0x55c: {  	s29 =	rddreg [dreg:$0x11]  }
0x55d: {  	s30 =	rddreg [dreg:$0x10];
	s3 =	sadd.s32 $0x1, s29  }
0x55e: {  	p0 =	sne.s32 s3, s30  }
.Ltmp18:
0x55f: {  	_ = 	snop;
	(pc) =	sbr.rel @p0 .LBB2_1-.Ltmp18, $3  }
0x560: {  	_ =	sdelay $0x1  }
0x561: {  	[sflag:s7] =	ssyncset.done $0x0  }
0x562: {  	[sflag:s7] =	ssyncadd.s32 $0xFFFFE000  }
0x563: {  	_ =	sfence.sel $0x180000  }
0x564: {  	[bflag:$0x0] =	sbarrier.arrive $0xFFFF  }
0x565: {  	_ =	strace $0x90000047  }
0x566: {  	s0 =	stileid.u32;
	[bflag:$0x2] =	sbarrier.arrive $0xFFFF  }
0x567: {  	p0 =	sne.s32 s0, $0x0;
	s0 =	rddreg [dreg:$0x4]  }
0x568: {  	s0 =	sadd.s32 @!p0 $0x100000, s0  }
0x569: {  	[sflag:s0] =	ssyncadd.tile.s32 @!p0 $0x1;
	_ =	shalt  }
.Lfunc_end2:
_tile_overlayer_lowered:
.L_overlay_start_2:
0x56a: {  	(tag) =	ssettag $0x2  }
0x56b: {  	s0 =	rddreg [dreg:$0x0];
	s2 =	stileid.u32  }
0x56c: {  	s1 =	rddreg [dreg:$0x1];
	p0 =	sne.s32 s2, $0x0  }
0x56d: {  	s3 =	rddreg [dreg:$0x2];
	[bflag:$0x3] =	sbarrier.arrive $0xFFFF;
	s2 =	simm.s32 @!p0 $0x1C14  }
0x56e: {  	[timem:s3], [sflag:s2] =	dma.local @!p0 [hbm:s0], s1  }
0x56f: {  	s0 =	simm.s32 @!p0 $0x14  }
0x570: {  	_ =	swait.ge @!p0 [sflag:s0], s1  }
0x571: {  	s1 =	ssub.s32 @!p0 $0x0, s1;
	[sflag:s0] =	ssyncset.done @!p0 $0x0  }
0x572: {  	[sflag:s0] =	ssyncadd.s32 @!p0 s1  }
0x573: {  	[bflag:$0x3] =	sbarrier.arrive $0xFFFF  }
0x574: {  	_ =	shalt  }

</sc_bundles>
